<compile_context>
chip_gen: v7x
topology: tpu7x:2x2x1
jax: 0.10.2.dev20260603
libtpu: 0.0.44.dev20260713+nightly
codegen_flags: <defaults>
</compile_context>

<pallas_src>
import functools

import jax
import jax.numpy as jnp
from jax import lax
from jax.experimental import pallas as pl
from jax.experimental.pallas import tpu as pltpu
from jax.experimental.pallas import tpu_sc as plsc

V = 100000
B = 1024
L = 50
D = 64
K = 10
CHUNK = 128
VT = 1024
NT = 98
VPAD = NT * VT
NCHUNK = VPAD // CHUNK
NEG = -1.0e30
NEGINIT = -3.0e38

NC, NS = 2, 16
NW = NC * NS
RW = B // NW
LP = 64

_mesh = plsc.VectorSubcoreMesh(core_axis_name="c", subcore_axis_name="s")


def _iota16():
    return lax.iota(jnp.int32, 16)


@functools.partial(
    pl.kernel,
    mesh=_mesh,
    out_type=jax.ShapeDtypeStruct((B, D), jnp.float32),
    scratch_types=[
        pltpu.VMEM((RW, LP), jnp.int32),
        pltpu.VMEM((16, 128), jnp.int32),
        pltpu.VMEM((8, 16), jnp.int32),
        pltpu.VMEM((16, D), jnp.float32),
        pltpu.VMEM((RW * LP // 2, D), jnp.float32),
        pltpu.VMEM((RW, D), jnp.float32),
        pltpu.SemaphoreType.DMA,
    ],
    compiler_params=pltpu.CompilerParams(needs_layout_passes=False, use_tc_tiling_on_sc=False),
)
def _pool_sc(ids_hbm, table_hbm, out_hbm, ids_v, gidx_v, zidx_v, t0_v,
             rows_v, out_v, sem):
    wid = lax.axis_index("s") * NC + lax.axis_index("c")
    base = wid * RW
    pltpu.sync_copy(ids_hbm.at[pl.ds(base, RW)], ids_v)

    zidx_v[0, :] = jnp.zeros((16,), jnp.int32)
    t0c = pltpu.async_copy(table_hbm.at[zidx_v.at[0]], t0_v, sem)

    def build(r, _):
        for g in range(LP // 16):
            ids = ids_v[r, pl.ds(g * 16, 16)]
            shifted = jnp.maximum(ids - 1, 0)
            p = r * LP + g * 16
            gidx_v[p // 128, pl.ds(p % 128, 16)] = shifted
        return 0

    lax.fori_loop(0, RW, build, 0)
    t0c.wait()

    for h in range(2):
        copies = [
            pltpu.async_copy(
                table_hbm.at[gidx_v.at[h * 8 + q]],
                rows_v.at[pl.ds(q * 128, 128)], sem)
            for q in range(8)
        ]
        for c in copies:
            c.wait()

        def pool_row(rr, _):
            r = h * (RW // 2) + rr

            def accum(l, acc):
                row = rr * LP + l
                return tuple(
                    acc[j] + rows_v[row, pl.ds(j * 16, 16)]
                    for j in range(D // 16))

            acc = lax.fori_loop(
                0, LP, accum,
                tuple(jnp.zeros((16,), jnp.float32) for _ in range(D // 16)))
            cnt = jnp.float32(0.0)
            for g in range(LP // 16):
                ids = ids_v[r, pl.ds(g * 16, 16)]
                cnt = cnt + jnp.sum(jnp.where(ids != 0, jnp.float32(1.0),
                                              jnp.float32(0.0)))
            cntv = jnp.full((16,), cnt)
            inv = jnp.full((16,), jnp.float32(1.0)) / jnp.maximum(
                cntv, jnp.float32(1.0))
            ninv = jnp.float32(float(LP)) - cntv
            for j in range(D // 16):
                out_v[r, pl.ds(j * 16, 16)] = (
                    acc[j] - ninv * t0_v[0, pl.ds(j * 16, 16)]) * inv
            return 0

        lax.fori_loop(0, RW // 2, pool_row, 0)

    pltpu.sync_copy(out_v, out_hbm.at[pl.ds(base, RW)])


def _sims_body(urep_ref, table_ref, sims_ref, cmt_ref):
    j = pl.program_id(0)
    u = urep_ref[...]
    t = table_ref[...]
    s = lax.dot_general(u, t, (((1,), (1,)), ((), ())),
                        preferred_element_type=jnp.float32)

    def _mask(x):
        col = j * VT + lax.broadcasted_iota(jnp.int32, (B, VT), 1)
        return jnp.where(col < V, x, jnp.float32(NEG))

    s = lax.cond(j == NT - 1, _mask, lambda x: x, s)
    sims_ref[...] = s.reshape(B, VT // CHUNK, CHUNK)
    cm = jnp.concatenate(
        [jnp.max(s[:, g * CHUNK:(g + 1) * CHUNK], axis=1, keepdims=True)
         for g in range(VT // CHUNK)], axis=1)
    cmt_ref[...] = lax.transpose(cm, (1, 0))


def _sims_tc(urep, table):
    return pl.pallas_call(
        _sims_body,
        grid=(NT,),
        in_specs=[
            pl.BlockSpec((B, D), lambda j: (0, 0)),
            pl.BlockSpec((VT, D), lambda j: (j, 0)),
        ],
        out_specs=[
            pl.BlockSpec((B, VT // CHUNK, CHUNK), lambda j: (0, j, 0)),
            pl.BlockSpec((VT // CHUNK, B), lambda j: (j, 0)),
        ],
        out_shape=[
            jax.ShapeDtypeStruct((B, NCHUNK, CHUNK), jnp.float32),
            jax.ShapeDtypeStruct((NCHUNK, B), jnp.float32),
        ],
        compiler_params=pltpu.CompilerParams(
            dimension_semantics=("arbitrary",)),
    )(urep, table)


def _topc_body(cmt_ref, topc_ref):
    cmv = cmt_ref[...]
    riota = lax.broadcasted_iota(jnp.int32, (NCHUNK, B), 0)
    topc_ref[pl.ds(K, 16 - K), :] = jnp.full((16 - K, B), NCHUNK - 1,
                                             jnp.int32)
    for k in range(K):
        m = jnp.max(cmv, axis=0, keepdims=True)
        hit = cmv == m
        idx = jnp.min(jnp.where(hit, riota, NCHUNK), axis=0,
                      keepdims=True)
        topc_ref[pl.ds(k, 1), :] = idx
        cmv = jnp.where(riota == idx, jnp.float32(NEGINIT), cmv)


def _topc_tc(cmt):
    return pl.pallas_call(
        _topc_body,
        out_shape=jax.ShapeDtypeStruct((16, B), jnp.int32),
    )(cmt)


@functools.partial(
    pl.kernel,
    mesh=_mesh,
    out_type=jax.ShapeDtypeStruct((B, D), jnp.float32),
    scratch_types=[
        pltpu.VMEM((RW, 16), jnp.int32),
        pltpu.VMEM((4, 128), jnp.int32),
        pltpu.VMEM((8, 16), jnp.int32),
        pltpu.VMEM((RW * 16, CHUNK), jnp.float32),
        pltpu.VMEM((RW * 16, D), jnp.float32),
        pltpu.VMEM((D,), jnp.float32),
        pltpu.VMEM((RW, D), jnp.float32),
        pltpu.SemaphoreType.DMA,
    ],
    compiler_params=pltpu.CompilerParams(needs_layout_passes=False, use_tc_tiling_on_sc=False),
)
def _retrieve_sc(sims2_hbm, topc_hbm, table_hbm, wa_hbm, out_hbm,
                 tc_v, gidx_v, eidx_v, cand_v, emb_v, wa_v, out_v, sem):
    wid = lax.axis_index("s") * NC + lax.axis_index("c")
    base = wid * RW
    pltpu.sync_copy(topc_hbm.at[pl.ds(base, RW)], tc_v)
    pltpu.sync_copy(wa_hbm, wa_v)

    def build(r, _):
        gidx_v[r // 8, pl.ds((r % 8) * 16, 16)] = (
            tc_v[r] + (base + r) * NCHUNK)
        return 0

    lax.fori_loop(0, RW, build, 0)

    copies = [
        pltpu.async_copy(sims2_hbm.at[gidx_v.at[q]],
                         cand_v.at[pl.ds(q * 128, 128)], sem)
        for q in range(4)
    ]
    for c in copies:
        c.wait()

    iota = _iota16()

    def select_row(r, _):
        tcrow = tc_v[r]

        def merge_chunk(c, carry):
            tv, ti = carry
            cid = jnp.sum(jnp.where(iota == c, tcrow, 0))
            colbase = cid * CHUNK
            for g in range(CHUNK // 16):
                val = cand_v[r * 16 + c, pl.ds(g * 16, 16)]
                col = colbase + g * 16 + iota
                sv, si = plsc.sort_key_val(val, col, descending=False)
                keep = tv >= sv
                mv = jnp.maximum(tv, sv)
                mi = jnp.where(keep, ti, si)
                tv, ti = plsc.sort_key_val(mv, mi, descending=True)
            return tv, ti

        tv, ti = lax.fori_loop(
            0, K, merge_chunk,
            (jnp.full((16,), NEGINIT), jnp.zeros((16,), jnp.int32)))

        eidx_v[0, :] = ti
        pltpu.async_copy(table_hbm.at[eidx_v.at[0]],
                         emb_v.at[pl.ds(r * 16, 16)], sem).wait()

        sv = jnp.full((16,), NEGINIT)
        for k in range(K):
            acc = jnp.zeros((16,), jnp.float32)
            for j in range(D // 16):
                acc = acc + (emb_v[r * 16 + k, pl.ds(j * 16, 16)]
                             * wa_v[pl.ds(j * 16, 16)])
            sk = jnp.sum(acc)
            sv = jnp.where(iota == k, sk, sv)
        m = jnp.max(sv)
        e = jnp.exp(sv - m)
        z = jnp.sum(e)
        w = e / jnp.full((16,), z)

        for j in range(D // 16):
            acc = jnp.zeros((16,), jnp.float32)
            for k in range(K):
                wk = jnp.sum(jnp.where(iota == k, w, jnp.float32(0.0)))
                acc = acc + wk * emb_v[r * 16 + k, pl.ds(j * 16, 16)]
            out_v[r, pl.ds(j * 16, 16)] = acc
        return 0

    lax.fori_loop(0, RW, select_row, 0)
    pltpu.sync_copy(out_v, out_hbm.at[pl.ds(base, RW)])


def _proj_body(urep_ref, rrep_ref, wg_ref, bg_ref, gamma_ref, beta_ref,
               wp_ref, bp_ref, out_ref, fused_ref):
    j = pl.program_id(0)

    @pl.when(j == 0)
    def _():
        u = urep_ref[...]
        r = rrep_ref[...]
        wg = wg_ref[...]
        glin = (lax.dot_general(u, wg[0:D, :],
                                (((1,), (0,)), ((), ())),
                                preferred_element_type=jnp.float32)
                + lax.dot_general(r, wg[D:2 * D, :],
                                  (((1,), (0,)), ((), ())),
                                  preferred_element_type=jnp.float32)
                + bg_ref[0:1, :])
        gate = jax.nn.sigmoid(glin)
        fused = gate * u + (jnp.float32(1.0) - gate) * r
        mu = jnp.mean(fused, axis=-1, keepdims=True)
        dlt = fused - mu
        var = jnp.mean(dlt * dlt, axis=-1, keepdims=True)
        inv = lax.rsqrt(var + jnp.float32(1e-5))
        fused_ref[...] = (dlt * inv * gamma_ref[0:1, :] + beta_ref[0:1, :])

    out_ref[...] = (
        lax.dot_general(fused_ref[...], wp_ref[...], (((1,), (0,)), ((), ())),
                        preferred_element_type=jnp.float32)
        + bp_ref[0:1, :])


def _proj_tc(urep, rrep, wg, bg, gamma, beta, wp, bp):
    return pl.pallas_call(
        _proj_body,
        grid=(NT,),
        in_specs=[
            pl.BlockSpec((B, D), lambda j: (0, 0)),
            pl.BlockSpec((B, D), lambda j: (0, 0)),
            pl.BlockSpec((2 * D, D), lambda j: (0, 0)),
            pl.BlockSpec((8, D), lambda j: (0, 0)),
            pl.BlockSpec((8, D), lambda j: (0, 0)),
            pl.BlockSpec((8, D), lambda j: (0, 0)),
            pl.BlockSpec((D, VT), lambda j: (0, j)),
            pl.BlockSpec((8, VT), lambda j: (0, j)),
        ],
        out_specs=pl.BlockSpec((B, VT), lambda j: (0, j)),
        out_shape=jax.ShapeDtypeStruct((B, V), jnp.float32),
        scratch_shapes=[pltpu.VMEM((B, D), jnp.float32)],
        compiler_params=pltpu.CompilerParams(
            dimension_semantics=("arbitrary",)),
    )(urep, rrep, wg, bg, gamma, beta, wp, bp)


def kernel(sequence_ids, item_embeddings, W_attn, b_attn, W_gate, b_gate,
           gamma, beta, W_proj, b_proj):
    ids_p = jnp.pad(sequence_ids.astype(jnp.int32), ((0, 0), (0, LP - L)))
    user_rep = _pool_sc(ids_p, item_embeddings)
    sims, cmt = _sims_tc(user_rep, item_embeddings)
    topc = _topc_tc(cmt)
    sims2 = sims.reshape(B * NCHUNK, CHUNK)
    topc_t = topc.T
    rrep = _retrieve_sc(sims2, topc_t, item_embeddings, W_attn.reshape(D))
    logits = _proj_tc(
        user_rep, rrep, W_gate,
        jnp.broadcast_to(b_gate.reshape(1, D), (8, D)),
        jnp.broadcast_to(gamma.reshape(1, D), (8, D)),
        jnp.broadcast_to(beta.reshape(1, D), (8, D)),
        W_proj,
        jnp.broadcast_to(b_proj.reshape(1, V), (8, V)))
    return logits

# --- scband reference (transcript-rebuilt; emitter-appended) ---
"""Pipeline reference for scband-ragsequential-rec-85804856639653 (READ-ONLY COPY).

The authoritative reference and input builder live on the scoring server;
editing this copy changes nothing except your own understanding.
"""

import jax, jax.numpy as jnp
import numpy as np

VOCAB = 100000
B = 1024
L = 50
D = 64
K = 10


def setup_inputs(seed: int = 0) -> dict:
    key = jax.random.key(seed)
    ks = jax.random.split(key, 8)
    sequence_ids = jax.random.randint(ks[0], (B, L), 0, VOCAB)
    item_embeddings = jax.random.normal(ks[1], (VOCAB, D), dtype=jnp.float32) * 0.02
    W_attn = jax.random.normal(ks[2], (D, 1), dtype=jnp.float32) * 0.05
    b_attn = jnp.zeros((1,), dtype=jnp.float32)
    W_gate = jax.random.normal(ks[3], (2 * D, D), dtype=jnp.float32) * 0.05
    b_gate = jnp.zeros((D,), dtype=jnp.float32)
    gamma = jnp.ones((D,), dtype=jnp.float32)
    beta = jnp.zeros((D,), dtype=jnp.float32)
    W_proj = jax.random.normal(ks[4], (D, VOCAB), dtype=jnp.float32) * 0.05
    b_proj = jnp.zeros((VOCAB,), dtype=jnp.float32)
    return {
        'sequence_ids': sequence_ids,
        'item_embeddings': item_embeddings,
        'W_attn': W_attn, 'b_attn': b_attn,
        'W_gate': W_gate, 'b_gate': b_gate,
        'gamma': gamma, 'beta': beta,
        'W_proj': W_proj, 'b_proj': b_proj,
    }


def reference(sequence_ids, item_embeddings, W_attn, b_attn, W_gate, b_gate, gamma, beta, W_proj, b_proj):
    # shift ids (0 is padding), clamp min 0
    seq_ids = jnp.clip(sequence_ids - 1, 0, None)
    padding_mask = sequence_ids == 0
    # embedding lookup (gather)
    sequence_embeddings = jnp.take(item_embeddings, seq_ids, axis=0)  # [B, L, D]
    # base_model.rec_llm: masked mean pooling -> user_rep [B, D]
    valid = (~padding_mask).astype(jnp.float32)[..., None]
    counts = jnp.clip(jnp.sum(valid, axis=1), 1.0, None)
    user_rep = jnp.sum(sequence_embeddings * valid, axis=1) / counts
    # retriever.retrieve: dot-product top-k over the item table
    sims = user_rep @ item_embeddings.T  # [B, VOCAB]
    _, retrieved_indices = jax.lax.top_k(sims, K)  # [B, K]
    retrieved_embeds = jnp.take(item_embeddings, retrieved_indices, axis=0)  # [B, K, D]
    # attention fusion over retrieved items
    scores = (retrieved_embeds @ W_attn + b_attn)[..., 0]  # [B, K]
    weights = jax.nn.softmax(scores, axis=1)
    retrieved_rep = jnp.sum(retrieved_embeds * weights[..., None], axis=1)  # [B, D]
    # gated fusion
    fusion_input = jnp.concatenate([user_rep, retrieved_rep], axis=-1)
    gate = jax.nn.sigmoid(fusion_input @ W_gate + b_gate)
    fused_rep = gate * user_rep + (1.0 - gate) * retrieved_rep
    # dropout in eval mode = identity; layer norm
    mu = jnp.mean(fused_rep, axis=-1, keepdims=True)
    var = jnp.var(fused_rep, axis=-1, keepdims=True)
    fused_rep = (fused_rep - mu) / jnp.sqrt(var + 1e-5) * gamma + beta
    # projection head -> logits over items
    logits = fused_rep @ W_proj + b_proj  # [B, VOCAB]
    return logits

if __name__ == "__main__":
    import jax
    _d = setup_inputs()
    print(jax.jit(kernel)(*tuple(_d.values())))

</pallas_src>

<mosaic_0001>
#map = affine_map<(d0, d1) -> (0, 0)>
module attributes {stable_mosaic.version = 14 : i64} {
  func.func @_pool_sc(%arg0: i32, %arg1: i32, %arg2: memref<1024x64xi32, #tpu.memory_space<hbm>>, %arg3: memref<100000x64xf32, #tpu.memory_space<hbm>>, %arg4: memref<1024x64xf32, #tpu.memory_space<hbm>>, %arg5: memref<32x64xi32, #tpu.memory_space<vmem>>, %arg6: memref<16x128xi32, #tpu.memory_space<vmem>>, %arg7: memref<8x16xi32, #tpu.memory_space<vmem>>, %arg8: memref<16x64xf32, #tpu.memory_space<vmem>>, %arg9: memref<1024x64xf32, #tpu.memory_space<vmem>>, %arg10: memref<32x64xf32, #tpu.memory_space<vmem>>, %arg11: memref<!tpu.dma_semaphore, #tpu.memory_space<semaphore_mem>>) attributes {dimension_semantics = [#tpu.dimension_semantics<core_parallel>, #tpu.dimension_semantics<subcore_parallel>], iteration_bounds = array<i64: 2, 16>, scalar_prefetch = 0 : i64, scratch_operands = 7 : i64, tpu.core_type = #tpu.core_type<sc_vector_subcore>, window_params = [{transform_indices = #map}, {transform_indices = #map}, {transform_indices = #map}]} {
    %mul3A = arith.constant 2 : i32
    %mul3A_0 = arith.muli %arg1, %mul3A : i32
    %add3A = arith.addi %mul3A_0, %arg0 : i32
    %mul3A_1 = arith.constant 32 : i32
    %mul3A_2 = arith.muli %add3A, %mul3A_1 : i32
    "tpu.region"() ({
      %run_scoped3A = tpu.sem_alloc : memref<!tpu.dma_semaphore, #tpu.memory_space<semaphore_mem>>
      %dma_start3A_359 = arith.constant 0 : i32
      %dma_start3A_360 = tpu.memref_slice %arg2[%mul3A_2, %dma_start3A_359] : memref<1024x64xi32, #tpu.memory_space<hbm>> -> memref<32x64xi32, #tpu.memory_space<hbm>>
      %dma_start3A_361 = arith.constant 0 : i32
      %dma_start3A_362 = tpu.memref_slice %arg2[%mul3A_2, %dma_start3A_361] : memref<1024x64xi32, #tpu.memory_space<hbm>> -> memref<32x64xi32, #tpu.memory_space<hbm>>
      tpu.enqueue_dma source(%dma_start3A_362 : memref<32x64xi32, #tpu.memory_space<hbm>>) target(%arg5 : memref<32x64xi32, #tpu.memory_space<vmem>>) target_semaphore(%run_scoped3A : memref<!tpu.dma_semaphore, #tpu.memory_space<semaphore_mem>>)
      %dma_wait3A_363 = arith.constant 0 : i32
      %dma_wait3A_364 = tpu.memref_slice %arg2[%mul3A_2, %dma_wait3A_363] : memref<1024x64xi32, #tpu.memory_space<hbm>> -> memref<32x64xi32, #tpu.memory_space<hbm>>
      %dma_wait3A_365 = arith.constant 0 : i32
      %dma_wait3A_366 = tpu.memref_slice %arg2[%mul3A_2, %dma_wait3A_365] : memref<1024x64xi32, #tpu.memory_space<hbm>> -> memref<32x64xi32, #tpu.memory_space<hbm>>
      tpu.wait_dma2 semaphore(%run_scoped3A : memref<!tpu.dma_semaphore, #tpu.memory_space<semaphore_mem>>) src(%dma_wait3A_366 : memref<32x64xi32, #tpu.memory_space<hbm>>) dst(%arg5 : memref<32x64xi32, #tpu.memory_space<vmem>>)
      tpu.yield
    }) : () -> ()
    %broadcast_in_dim3A = arith.constant 0 : i32
    %broadcast_in_dim3A_3 = vector.broadcast %broadcast_in_dim3A : i32 to vector<16xi32>
    %swap3A = arith.constant 0 : i32
    %swap3A_4 = arith.index_cast %swap3A : i32 to index
    %swap3A_5 = arith.constant 0 : index
    %swap3A_6 = tpu.vector_load %arg7[%swap3A_4, %swap3A_5] {strides = array<i32>} : memref<8x16xi32, #tpu.memory_space<vmem>>, vector<16xi32>,
    tpu.vector_store %arg7[%swap3A_4, %swap3A_5], %broadcast_in_dim3A_3 {strides = array<i32>} : memref<8x16xi32, #tpu.memory_space<vmem>>, vector<16xi32>,
    %dma_start3A = arith.constant 0 : i32
    %dma_start3A_7 = arith.constant 0 : i32
    %dma_start3A_8 = tpu.memref_slice %arg7[%dma_start3A, %dma_start3A_7] : memref<8x16xi32, #tpu.memory_space<vmem>> -> memref<1x16xi32, #tpu.memory_space<vmem>>
    %dma_start3A_9 = tpu.memref_squeeze %dma_start3A_8 : memref<1x16xi32, #tpu.memory_space<vmem>> -> memref<16xi32, #tpu.memory_space<vmem>>
    %dma_start3A_10 = arith.constant 0 : i32
    %dma_start3A_11 = arith.constant 0 : i32
    %dma_start3A_12 = tpu.memref_slice %arg3[%dma_start3A_10, %dma_start3A_11] : memref<100000x64xf32, #tpu.memory_space<hbm>> -> memref<100000x64xf32, #tpu.memory_space<hbm>>
    tpu.enqueue_indirect_dma source(%dma_start3A_12 : memref<100000x64xf32, #tpu.memory_space<hbm>>) target(%arg8 : memref<16x64xf32, #tpu.memory_space<vmem>>) offsets(%dma_start3A_9 : memref<16xi32, #tpu.memory_space<vmem>>) semaphore(%arg11 : memref<!tpu.dma_semaphore, #tpu.memory_space<semaphore_mem>>)
    %scan3A = arith.constant 0 : i32
    %scan3A_13 = arith.constant 0 : i32
    %scan3A_14 = arith.constant 32 : i32
    %scan3A_15 = arith.addi %scan3A_13, %scan3A_14 : i32
    %scan3A_16 = arith.constant 1 : i32
    %scan3A_17 = scf.for %scan3A_359 = %scan3A_13 to %scan3A_15 step %scan3A_16 iter_args(%scan3A_360 = %scan3A) -> (i32)  : i32 {
      %get3A = arith.index_cast %scan3A_359 : i32 to index
      %get3A_361 = arith.constant 0 : index
      %get3A_362 = tpu.vector_load %arg5[%get3A, %get3A_361] {strides = array<i32>} : memref<32x64xi32, #tpu.memory_space<vmem>>, vector<16xi32>,
      %sub3A = arith.constant 1 : i32
      %sub3A_363 = vector.broadcast %sub3A : i32 to vector<16xi32>
      %sub3A_364 = arith.subi %get3A_362, %sub3A_363 : vector<16xi32>
      %max3A = arith.constant 0 : i32
      %max3A_365 = vector.broadcast %max3A : i32 to vector<16xi32>
      %max3A_366 = arith.maxsi %sub3A_364, %max3A_365 : vector<16xi32>
      %mul3A_367 = arith.constant 64 : i32
      %mul3A_368 = arith.muli %scan3A_359, %mul3A_367 : i32
      %add3A_369 = arith.constant 0 : i32
      %add3A_370 = arith.addi %mul3A_368, %add3A_369 : i32
      %jit3A = arith.constant 128 : i32
      %div3A = arith.divsi %add3A_370, %jit3A : i32
      %sign3A = arith.constant 0 : i32
      %sign3A_371 = arith.cmpi sgt, %add3A_370, %sign3A : i32
      %sign3A_372 = arith.extui %sign3A_371 : i1 to i32
      %sign3A_373 = arith.constant 0 : i32
      %sign3A_374 = arith.cmpi slt, %add3A_370, %sign3A_373 : i32
      %sign3A_375 = arith.extui %sign3A_374 : i1 to i32
      %sign3A_376 = arith.subi %sign3A_372, %sign3A_375 : i32
      %sign3A_377 = arith.constant 0 : i32
      %sign3A_378 = arith.cmpi sgt, %jit3A, %sign3A_377 : i32
      %sign3A_379 = arith.extui %sign3A_378 : i1 to i32
      %sign3A_380 = arith.constant 0 : i32
      %sign3A_381 = arith.cmpi slt, %jit3A, %sign3A_380 : i32
      %sign3A_382 = arith.extui %sign3A_381 : i1 to i32
      %sign3A_383 = arith.subi %sign3A_379, %sign3A_382 : i32
      %ne3A = arith.cmpi ne, %sign3A_376, %sign3A_383 : i32
      %rem3A = arith.remsi %add3A_370, %jit3A : i32
      %ne3A_384 = arith.constant 0 : i32
      %ne3A_385 = arith.cmpi ne, %rem3A, %ne3A_384 : i32
      %and3A = arith.andi %ne3A, %ne3A_385 : i1
      %sub3A_386 = arith.constant 1 : i32
      %sub3A_387 = arith.subi %div3A, %sub3A_386 : i32
      %select_n3A = arith.select %and3A, %sub3A_387, %div3A : i32
      %jit3A_388 = arith.constant 128 : i32
      %eq3A = arith.constant 0 : i32
      %eq3A_389 = arith.cmpi eq, %jit3A_388, %eq3A : i32
      %jit3A_390 = arith.constant 1 : i32
      %select_n3A_391 = arith.select %eq3A_389, %jit3A_390, %jit3A_388 : i32
      %rem3A_392 = arith.remsi %add3A_370, %select_n3A_391 : i32
      %ne3A_393 = arith.constant 0 : i32
      %ne3A_394 = arith.cmpi ne, %rem3A_392, %ne3A_393 : i32
      %lt3A = arith.constant 0 : i32
      %lt3A_395 = arith.cmpi slt, %rem3A_392, %lt3A : i32
      %lt3A_396 = arith.constant 0 : i32
      %lt3A_397 = arith.cmpi slt, %select_n3A_391, %lt3A_396 : i32
      %ne3A_398 = arith.xori %lt3A_395, %lt3A_397 : i1
      %and3A_399 = arith.andi %ne3A_398, %ne3A_394 : i1
      %add3A_400 = arith.addi %rem3A_392, %select_n3A_391 : i32
      %select_n3A_401 = arith.select %and3A_399, %add3A_400, %rem3A_392 : i32
      %swap3A_402 = arith.index_cast %select_n3A : i32 to index
      %swap3A_403 = arith.index_cast %select_n3A_401 : i32 to index
      %swap3A_404 = tpu.vector_load %arg6[%swap3A_402, %swap3A_403] {strides = array<i32>} : memref<16x128xi32, #tpu.memory_space<vmem>>, vector<16xi32>,
      tpu.vector_store %arg6[%swap3A_402, %swap3A_403], %max3A_366 {strides = array<i32>} : memref<16x128xi32, #tpu.memory_space<vmem>>, vector<16xi32>,
      %get3A_405 = arith.index_cast %scan3A_359 : i32 to index
      %get3A_406 = arith.constant 16 : index
      %get3A_407 = tpu.vector_load %arg5[%get3A_405, %get3A_406] {strides = array<i32>} : memref<32x64xi32, #tpu.memory_space<vmem>>, vector<16xi32>,
      %sub3A_408 = arith.constant 1 : i32
      %sub3A_409 = vector.broadcast %sub3A_408 : i32 to vector<16xi32>
      %sub3A_410 = arith.subi %get3A_407, %sub3A_409 : vector<16xi32>
      %max3A_411 = arith.constant 0 : i32
      %max3A_412 = vector.broadcast %max3A_411 : i32 to vector<16xi32>
      %max3A_413 = arith.maxsi %sub3A_410, %max3A_412 : vector<16xi32>
      %mul3A_414 = arith.constant 64 : i32
      %mul3A_415 = arith.muli %scan3A_359, %mul3A_414 : i32
      %add3A_416 = arith.constant 16 : i32
      %add3A_417 = arith.addi %mul3A_415, %add3A_416 : i32
      %jit3A_418 = arith.constant 128 : i32
      %div3A_419 = arith.divsi %add3A_417, %jit3A_418 : i32
      %sign3A_420 = arith.constant 0 : i32
      %sign3A_421 = arith.cmpi sgt, %add3A_417, %sign3A_420 : i32
      %sign3A_422 = arith.extui %sign3A_421 : i1 to i32
      %sign3A_423 = arith.constant 0 : i32
      %sign3A_424 = arith.cmpi slt, %add3A_417, %sign3A_423 : i32
      %sign3A_425 = arith.extui %sign3A_424 : i1 to i32
      %sign3A_426 = arith.subi %sign3A_422, %sign3A_425 : i32
      %sign3A_427 = arith.constant 0 : i32
      %sign3A_428 = arith.cmpi sgt, %jit3A_418, %sign3A_427 : i32
      %sign3A_429 = arith.extui %sign3A_428 : i1 to i32
      %sign3A_430 = arith.constant 0 : i32
      %sign3A_431 = arith.cmpi slt, %jit3A_418, %sign3A_430 : i32
      %sign3A_432 = arith.extui %sign3A_431 : i1 to i32
      %sign3A_433 = arith.subi %sign3A_429, %sign3A_432 : i32
      %ne3A_434 = arith.cmpi ne, %sign3A_426, %sign3A_433 : i32
      %rem3A_435 = arith.remsi %add3A_417, %jit3A_418 : i32
      %ne3A_436 = arith.constant 0 : i32
      %ne3A_437 = arith.cmpi ne, %rem3A_435, %ne3A_436 : i32
      %and3A_438 = arith.andi %ne3A_434, %ne3A_437 : i1
      %sub3A_439 = arith.constant 1 : i32
      %sub3A_440 = arith.subi %div3A_419, %sub3A_439 : i32
      %select_n3A_441 = arith.select %and3A_438, %sub3A_440, %div3A_419 : i32
      %jit3A_442 = arith.constant 128 : i32
      %eq3A_443 = arith.constant 0 : i32
      %eq3A_444 = arith.cmpi eq, %jit3A_442, %eq3A_443 : i32
      %jit3A_445 = arith.constant 1 : i32
      %select_n3A_446 = arith.select %eq3A_444, %jit3A_445, %jit3A_442 : i32
      %rem3A_447 = arith.remsi %add3A_417, %select_n3A_446 : i32
      %ne3A_448 = arith.constant 0 : i32
      %ne3A_449 = arith.cmpi ne, %rem3A_447, %ne3A_448 : i32
      %lt3A_450 = arith.constant 0 : i32
      %lt3A_451 = arith.cmpi slt, %rem3A_447, %lt3A_450 : i32
      %lt3A_452 = arith.constant 0 : i32
      %lt3A_453 = arith.cmpi slt, %select_n3A_446, %lt3A_452 : i32
      %ne3A_454 = arith.xori %lt3A_451, %lt3A_453 : i1
      %and3A_455 = arith.andi %ne3A_454, %ne3A_449 : i1
      %add3A_456 = arith.addi %rem3A_447, %select_n3A_446 : i32
      %select_n3A_457 = arith.select %and3A_455, %add3A_456, %rem3A_447 : i32
      %swap3A_458 = arith.index_cast %select_n3A_441 : i32 to index
      %swap3A_459 = arith.index_cast %select_n3A_457 : i32 to index
      %swap3A_460 = tpu.vector_load %arg6[%swap3A_458, %swap3A_459] {strides = array<i32>} : memref<16x128xi32, #tpu.memory_space<vmem>>, vector<16xi32>,
      tpu.vector_store %arg6[%swap3A_458, %swap3A_459], %max3A_413 {strides = array<i32>} : memref<16x128xi32, #tpu.memory_space<vmem>>, vector<16xi32>,
      %get3A_461 = arith.index_cast %scan3A_359 : i32 to index
      %get3A_462 = arith.constant 32 : index
      %get3A_463 = tpu.vector_load %arg5[%get3A_461, %get3A_462] {strides = array<i32>} : memref<32x64xi32, #tpu.memory_space<vmem>>, vector<16xi32>,
      %sub3A_464 = arith.constant 1 : i32
      %sub3A_465 = vector.broadcast %sub3A_464 : i32 to vector<16xi32>
      %sub3A_466 = arith.subi %get3A_463, %sub3A_465 : vector<16xi32>
      %max3A_467 = arith.constant 0 : i32
      %max3A_468 = vector.broadcast %max3A_467 : i32 to vector<16xi32>
      %max3A_469 = arith.maxsi %sub3A_466, %max3A_468 : vector<16xi32>
      %mul3A_470 = arith.constant 64 : i32
      %mul3A_471 = arith.muli %scan3A_359, %mul3A_470 : i32
      %add3A_472 = arith.constant 32 : i32
      %add3A_473 = arith.addi %mul3A_471, %add3A_472 : i32
      %jit3A_474 = arith.constant 128 : i32
      %div3A_475 = arith.divsi %add3A_473, %jit3A_474 : i32
      %sign3A_476 = arith.constant 0 : i32
      %sign3A_477 = arith.cmpi sgt, %add3A_473, %sign3A_476 : i32
      %sign3A_478 = arith.extui %sign3A_477 : i1 to i32
      %sign3A_479 = arith.constant 0 : i32
      %sign3A_480 = arith.cmpi slt, %add3A_473, %sign3A_479 : i32
      %sign3A_481 = arith.extui %sign3A_480 : i1 to i32
      %sign3A_482 = arith.subi %sign3A_478, %sign3A_481 : i32
      %sign3A_483 = arith.constant 0 : i32
      %sign3A_484 = arith.cmpi sgt, %jit3A_474, %sign3A_483 : i32
      %sign3A_485 = arith.extui %sign3A_484 : i1 to i32
      %sign3A_486 = arith.constant 0 : i32
      %sign3A_487 = arith.cmpi slt, %jit3A_474, %sign3A_486 : i32
      %sign3A_488 = arith.extui %sign3A_487 : i1 to i32
      %sign3A_489 = arith.subi %sign3A_485, %sign3A_488 : i32
      %ne3A_490 = arith.cmpi ne, %sign3A_482, %sign3A_489 : i32
      %rem3A_491 = arith.remsi %add3A_473, %jit3A_474 : i32
      %ne3A_492 = arith.constant 0 : i32
      %ne3A_493 = arith.cmpi ne, %rem3A_491, %ne3A_492 : i32
      %and3A_494 = arith.andi %ne3A_490, %ne3A_493 : i1
      %sub3A_495 = arith.constant 1 : i32
      %sub3A_496 = arith.subi %div3A_475, %sub3A_495 : i32
      %select_n3A_497 = arith.select %and3A_494, %sub3A_496, %div3A_475 : i32
      %jit3A_498 = arith.constant 128 : i32
      %eq3A_499 = arith.constant 0 : i32
      %eq3A_500 = arith.cmpi eq, %jit3A_498, %eq3A_499 : i32
      %jit3A_501 = arith.constant 1 : i32
      %select_n3A_502 = arith.select %eq3A_500, %jit3A_501, %jit3A_498 : i32
      %rem3A_503 = arith.remsi %add3A_473, %select_n3A_502 : i32
      %ne3A_504 = arith.constant 0 : i32
      %ne3A_505 = arith.cmpi ne, %rem3A_503, %ne3A_504 : i32
      %lt3A_506 = arith.constant 0 : i32
      %lt3A_507 = arith.cmpi slt, %rem3A_503, %lt3A_506 : i32
      %lt3A_508 = arith.constant 0 : i32
      %lt3A_509 = arith.cmpi slt, %select_n3A_502, %lt3A_508 : i32
      %ne3A_510 = arith.xori %lt3A_507, %lt3A_509 : i1
      %and3A_511 = arith.andi %ne3A_510, %ne3A_505 : i1
      %add3A_512 = arith.addi %rem3A_503, %select_n3A_502 : i32
      %select_n3A_513 = arith.select %and3A_511, %add3A_512, %rem3A_503 : i32
      %swap3A_514 = arith.index_cast %select_n3A_497 : i32 to index
      %swap3A_515 = arith.index_cast %select_n3A_513 : i32 to index
      %swap3A_516 = tpu.vector_load %arg6[%swap3A_514, %swap3A_515] {strides = array<i32>} : memref<16x128xi32, #tpu.memory_space<vmem>>, vector<16xi32>,
      tpu.vector_store %arg6[%swap3A_514, %swap3A_515], %max3A_469 {strides = array<i32>} : memref<16x128xi32, #tpu.memory_space<vmem>>, vector<16xi32>,
      %get3A_517 = arith.index_cast %scan3A_359 : i32 to index
      %get3A_518 = arith.constant 48 : index
      %get3A_519 = tpu.vector_load %arg5[%get3A_517, %get3A_518] {strides = array<i32>} : memref<32x64xi32, #tpu.memory_space<vmem>>, vector<16xi32>,
      %sub3A_520 = arith.constant 1 : i32
      %sub3A_521 = vector.broadcast %sub3A_520 : i32 to vector<16xi32>
      %sub3A_522 = arith.subi %get3A_519, %sub3A_521 : vector<16xi32>
      %max3A_523 = arith.constant 0 : i32
      %max3A_524 = vector.broadcast %max3A_523 : i32 to vector<16xi32>
      %max3A_525 = arith.maxsi %sub3A_522, %max3A_524 : vector<16xi32>
      %mul3A_526 = arith.constant 64 : i32
      %mul3A_527 = arith.muli %scan3A_359, %mul3A_526 : i32
      %add3A_528 = arith.constant 48 : i32
      %add3A_529 = arith.addi %mul3A_527, %add3A_528 : i32
      %jit3A_530 = arith.constant 128 : i32
      %div3A_531 = arith.divsi %add3A_529, %jit3A_530 : i32
      %sign3A_532 = arith.constant 0 : i32
      %sign3A_533 = arith.cmpi sgt, %add3A_529, %sign3A_532 : i32
      %sign3A_534 = arith.extui %sign3A_533 : i1 to i32
      %sign3A_535 = arith.constant 0 : i32
      %sign3A_536 = arith.cmpi slt, %add3A_529, %sign3A_535 : i32
      %sign3A_537 = arith.extui %sign3A_536 : i1 to i32
      %sign3A_538 = arith.subi %sign3A_534, %sign3A_537 : i32
      %sign3A_539 = arith.constant 0 : i32
      %sign3A_540 = arith.cmpi sgt, %jit3A_530, %sign3A_539 : i32
      %sign3A_541 = arith.extui %sign3A_540 : i1 to i32
      %sign3A_542 = arith.constant 0 : i32
      %sign3A_543 = arith.cmpi slt, %jit3A_530, %sign3A_542 : i32
      %sign3A_544 = arith.extui %sign3A_543 : i1 to i32
      %sign3A_545 = arith.subi %sign3A_541, %sign3A_544 : i32
      %ne3A_546 = arith.cmpi ne, %sign3A_538, %sign3A_545 : i32
      %rem3A_547 = arith.remsi %add3A_529, %jit3A_530 : i32
      %ne3A_548 = arith.constant 0 : i32
      %ne3A_549 = arith.cmpi ne, %rem3A_547, %ne3A_548 : i32
      %and3A_550 = arith.andi %ne3A_546, %ne3A_549 : i1
      %sub3A_551 = arith.constant 1 : i32
      %sub3A_552 = arith.subi %div3A_531, %sub3A_551 : i32
      %select_n3A_553 = arith.select %and3A_550, %sub3A_552, %div3A_531 : i32
      %jit3A_554 = arith.constant 128 : i32
      %eq3A_555 = arith.constant 0 : i32
      %eq3A_556 = arith.cmpi eq, %jit3A_554, %eq3A_555 : i32
      %jit3A_557 = arith.constant 1 : i32
      %select_n3A_558 = arith.select %eq3A_556, %jit3A_557, %jit3A_554 : i32
      %rem3A_559 = arith.remsi %add3A_529, %select_n3A_558 : i32
      %ne3A_560 = arith.constant 0 : i32
      %ne3A_561 = arith.cmpi ne, %rem3A_559, %ne3A_560 : i32
      %lt3A_562 = arith.constant 0 : i32
      %lt3A_563 = arith.cmpi slt, %rem3A_559, %lt3A_562 : i32
      %lt3A_564 = arith.constant 0 : i32
      %lt3A_565 = arith.cmpi slt, %select_n3A_558, %lt3A_564 : i32
      %ne3A_566 = arith.xori %lt3A_563, %lt3A_565 : i1
      %and3A_567 = arith.andi %ne3A_566, %ne3A_561 : i1
      %add3A_568 = arith.addi %rem3A_559, %select_n3A_558 : i32
      %select_n3A_569 = arith.select %and3A_567, %add3A_568, %rem3A_559 : i32
      %swap3A_570 = arith.index_cast %select_n3A_553 : i32 to index
      %swap3A_571 = arith.index_cast %select_n3A_569 : i32 to index
      %swap3A_572 = tpu.vector_load %arg6[%swap3A_570, %swap3A_571] {strides = array<i32>} : memref<16x128xi32, #tpu.memory_space<vmem>>, vector<16xi32>,
      tpu.vector_store %arg6[%swap3A_570, %swap3A_571], %max3A_525 {strides = array<i32>} : memref<16x128xi32, #tpu.memory_space<vmem>>, vector<16xi32>,
      %scan3A_573 = arith.constant 0 : i32
      scf.yield %scan3A_573 : i32
    }
    %scan3A_18 = arith.constant 32 : i32
    %dma_wait3A = arith.constant 0 : i32
    %dma_wait3A_19 = arith.constant 0 : i32
    %dma_wait3A_20 = tpu.memref_slice %arg7[%dma_wait3A, %dma_wait3A_19] : memref<8x16xi32, #tpu.memory_space<vmem>> -> memref<1x16xi32, #tpu.memory_space<vmem>>
    %dma_wait3A_21 = tpu.memref_squeeze %dma_wait3A_20 : memref<1x16xi32, #tpu.memory_space<vmem>> -> memref<16xi32, #tpu.memory_space<vmem>>
    %dma_wait3A_22 = arith.constant 0 : i32
    %dma_wait3A_23 = arith.constant 0 : i32
    %dma_wait3A_24 = tpu.memref_slice %arg3[%dma_wait3A_22, %dma_wait3A_23] : memref<100000x64xf32, #tpu.memory_space<hbm>> -> memref<100000x64xf32, #tpu.memory_space<hbm>>
    tpu.wait_indirect_dma semaphore(%arg11 : memref<!tpu.dma_semaphore, #tpu.memory_space<semaphore_mem>>) src(%dma_wait3A_24 : memref<100000x64xf32, #tpu.memory_space<hbm>>) dst(%arg8 : memref<16x64xf32, #tpu.memory_space<vmem>>)
    %dma_start3A_25 = arith.constant 0 : i32
    %dma_start3A_26 = arith.constant 0 : i32
    %dma_start3A_27 = arith.constant 0 : i32
    %dma_start3A_28 = tpu.memref_slice %arg9[%dma_start3A_26, %dma_start3A_27] : memref<1024x64xf32, #tpu.memory_space<vmem>> -> memref<128x64xf32, #tpu.memory_space<vmem>>
    %dma_start3A_29 = arith.constant 0 : i32
    %dma_start3A_30 = tpu.memref_slice %arg6[%dma_start3A_25, %dma_start3A_29] : memref<16x128xi32, #tpu.memory_space<vmem>> -> memref<1x128xi32, #tpu.memory_space<vmem>>
    %dma_start3A_31 = tpu.memref_squeeze %dma_start3A_30 : memref<1x128xi32, #tpu.memory_space<vmem>> -> memref<128xi32, #tpu.memory_space<vmem>>
    %dma_start3A_32 = arith.constant 0 : i32
    %dma_start3A_33 = arith.constant 0 : i32
    %dma_start3A_34 = tpu.memref_slice %arg3[%dma_start3A_32, %dma_start3A_33] : memref<100000x64xf32, #tpu.memory_space<hbm>> -> memref<100000x64xf32, #tpu.memory_space<hbm>>
    tpu.enqueue_indirect_dma source(%dma_start3A_34 : memref<100000x64xf32, #tpu.memory_space<hbm>>) target(%dma_start3A_28 : memref<128x64xf32, #tpu.memory_space<vmem>>) offsets(%dma_start3A_31 : memref<128xi32, #tpu.memory_space<vmem>>) semaphore(%arg11 : memref<!tpu.dma_semaphore, #tpu.memory_space<semaphore_mem>>)
    %dma_start3A_35 = arith.constant 1 : i32
    %dma_start3A_36 = arith.constant 128 : i32
    %dma_start3A_37 = arith.constant 0 : i32
    %dma_start3A_38 = tpu.memref_slice %arg9[%dma_start3A_36, %dma_start3A_37] : memref<1024x64xf32, #tpu.memory_space<vmem>> -> memref<128x64xf32, #tpu.memory_space<vmem>>
    %dma_start3A_39 = arith.constant 0 : i32
    %dma_start3A_40 = tpu.memref_slice %arg6[%dma_start3A_35, %dma_start3A_39] : memref<16x128xi32, #tpu.memory_space<vmem>> -> memref<1x128xi32, #tpu.memory_space<vmem>>
    %dma_start3A_41 = tpu.memref_squeeze %dma_start3A_40 : memref<1x128xi32, #tpu.memory_space<vmem>> -> memref<128xi32, #tpu.memory_space<vmem>>
    %dma_start3A_42 = arith.constant 0 : i32
    %dma_start3A_43 = arith.constant 0 : i32
    %dma_start3A_44 = tpu.memref_slice %arg3[%dma_start3A_42, %dma_start3A_43] : memref<100000x64xf32, #tpu.memory_space<hbm>> -> memref<100000x64xf32, #tpu.memory_space<hbm>>
    tpu.enqueue_indirect_dma source(%dma_start3A_44 : memref<100000x64xf32, #tpu.memory_space<hbm>>) target(%dma_start3A_38 : memref<128x64xf32, #tpu.memory_space<vmem>>) offsets(%dma_start3A_41 : memref<128xi32, #tpu.memory_space<vmem>>) semaphore(%arg11 : memref<!tpu.dma_semaphore, #tpu.memory_space<semaphore_mem>>)
    %dma_start3A_45 = arith.constant 2 : i32
    %dma_start3A_46 = arith.constant 256 : i32
    %dma_start3A_47 = arith.constant 0 : i32
    %dma_start3A_48 = tpu.memref_slice %arg9[%dma_start3A_46, %dma_start3A_47] : memref<1024x64xf32, #tpu.memory_space<vmem>> -> memref<128x64xf32, #tpu.memory_space<vmem>>
    %dma_start3A_49 = arith.constant 0 : i32
    %dma_start3A_50 = tpu.memref_slice %arg6[%dma_start3A_45, %dma_start3A_49] : memref<16x128xi32, #tpu.memory_space<vmem>> -> memref<1x128xi32, #tpu.memory_space<vmem>>
    %dma_start3A_51 = tpu.memref_squeeze %dma_start3A_50 : memref<1x128xi32, #tpu.memory_space<vmem>> -> memref<128xi32, #tpu.memory_space<vmem>>
    %dma_start3A_52 = arith.constant 0 : i32
    %dma_start3A_53 = arith.constant 0 : i32
    %dma_start3A_54 = tpu.memref_slice %arg3[%dma_start3A_52, %dma_start3A_53] : memref<100000x64xf32, #tpu.memory_space<hbm>> -> memref<100000x64xf32, #tpu.memory_space<hbm>>
    tpu.enqueue_indirect_dma source(%dma_start3A_54 : memref<100000x64xf32, #tpu.memory_space<hbm>>) target(%dma_start3A_48 : memref<128x64xf32, #tpu.memory_space<vmem>>) offsets(%dma_start3A_51 : memref<128xi32, #tpu.memory_space<vmem>>) semaphore(%arg11 : memref<!tpu.dma_semaphore, #tpu.memory_space<semaphore_mem>>)
    %dma_start3A_55 = arith.constant 3 : i32
    %dma_start3A_56 = arith.constant 384 : i32
    %dma_start3A_57 = arith.constant 0 : i32
    %dma_start3A_58 = tpu.memref_slice %arg9[%dma_start3A_56, %dma_start3A_57] : memref<1024x64xf32, #tpu.memory_space<vmem>> -> memref<128x64xf32, #tpu.memory_space<vmem>>
    %dma_start3A_59 = arith.constant 0 : i32
    %dma_start3A_60 = tpu.memref_slice %arg6[%dma_start3A_55, %dma_start3A_59] : memref<16x128xi32, #tpu.memory_space<vmem>> -> memref<1x128xi32, #tpu.memory_space<vmem>>
    %dma_start3A_61 = tpu.memref_squeeze %dma_start3A_60 : memref<1x128xi32, #tpu.memory_space<vmem>> -> memref<128xi32, #tpu.memory_space<vmem>>
    %dma_start3A_62 = arith.constant 0 : i32
    %dma_start3A_63 = arith.constant 0 : i32
    %dma_start3A_64 = tpu.memref_slice %arg3[%dma_start3A_62, %dma_start3A_63] : memref<100000x64xf32, #tpu.memory_space<hbm>> -> memref<100000x64xf32, #tpu.memory_space<hbm>>
    tpu.enqueue_indirect_dma source(%dma_start3A_64 : memref<100000x64xf32, #tpu.memory_space<hbm>>) target(%dma_start3A_58 : memref<128x64xf32, #tpu.memory_space<vmem>>) offsets(%dma_start3A_61 : memref<128xi32, #tpu.memory_space<vmem>>) semaphore(%arg11 : memref<!tpu.dma_semaphore, #tpu.memory_space<semaphore_mem>>)
    %dma_start3A_65 = arith.constant 4 : i32
    %dma_start3A_66 = arith.constant 512 : i32
    %dma_start3A_67 = arith.constant 0 : i32
    %dma_start3A_68 = tpu.memref_slice %arg9[%dma_start3A_66, %dma_start3A_67] : memref<1024x64xf32, #tpu.memory_space<vmem>> -> memref<128x64xf32, #tpu.memory_space<vmem>>
    %dma_start3A_69 = arith.constant 0 : i32
    %dma_start3A_70 = tpu.memref_slice %arg6[%dma_start3A_65, %dma_start3A_69] : memref<16x128xi32, #tpu.memory_space<vmem>> -> memref<1x128xi32, #tpu.memory_space<vmem>>
    %dma_start3A_71 = tpu.memref_squeeze %dma_start3A_70 : memref<1x128xi32, #tpu.memory_space<vmem>> -> memref<128xi32, #tpu.memory_space<vmem>>
    %dma_start3A_72 = arith.constant 0 : i32
    %dma_start3A_73 = arith.constant 0 : i32
    %dma_start3A_74 = tpu.memref_slice %arg3[%dma_start3A_72, %dma_start3A_73] : memref<100000x64xf32, #tpu.memory_space<hbm>> -> memref<100000x64xf32, #tpu.memory_space<hbm>>
    tpu.enqueue_indirect_dma source(%dma_start3A_74 : memref<100000x64xf32, #tpu.memory_space<hbm>>) target(%dma_start3A_68 : memref<128x64xf32, #tpu.memory_space<vmem>>) offsets(%dma_start3A_71 : memref<128xi32, #tpu.memory_space<vmem>>) semaphore(%arg11 : memref<!tpu.dma_semaphore, #tpu.memory_space<semaphore_mem>>)
    %dma_start3A_75 = arith.constant 5 : i32
    %dma_start3A_76 = arith.constant 640 : i32
    %dma_start3A_77 = arith.constant 0 : i32
    %dma_start3A_78 = tpu.memref_slice %arg9[%dma_start3A_76, %dma_start3A_77] : memref<1024x64xf32, #tpu.memory_space<vmem>> -> memref<128x64xf32, #tpu.memory_space<vmem>>
    %dma_start3A_79 = arith.constant 0 : i32
    %dma_start3A_80 = tpu.memref_slice %arg6[%dma_start3A_75, %dma_start3A_79] : memref<16x128xi32, #tpu.memory_space<vmem>> -> memref<1x128xi32, #tpu.memory_space<vmem>>
    %dma_start3A_81 = tpu.memref_squeeze %dma_start3A_80 : memref<1x128xi32, #tpu.memory_space<vmem>> -> memref<128xi32, #tpu.memory_space<vmem>>
    %dma_start3A_82 = arith.constant 0 : i32
    %dma_start3A_83 = arith.constant 0 : i32
    %dma_start3A_84 = tpu.memref_slice %arg3[%dma_start3A_82, %dma_start3A_83] : memref<100000x64xf32, #tpu.memory_space<hbm>> -> memref<100000x64xf32, #tpu.memory_space<hbm>>
    tpu.enqueue_indirect_dma source(%dma_start3A_84 : memref<100000x64xf32, #tpu.memory_space<hbm>>) target(%dma_start3A_78 : memref<128x64xf32, #tpu.memory_space<vmem>>) offsets(%dma_start3A_81 : memref<128xi32, #tpu.memory_space<vmem>>) semaphore(%arg11 : memref<!tpu.dma_semaphore, #tpu.memory_space<semaphore_mem>>)
    %dma_start3A_85 = arith.constant 6 : i32
    %dma_start3A_86 = arith.constant 768 : i32
    %dma_start3A_87 = arith.constant 0 : i32
    %dma_start3A_88 = tpu.memref_slice %arg9[%dma_start3A_86, %dma_start3A_87] : memref<1024x64xf32, #tpu.memory_space<vmem>> -> memref<128x64xf32, #tpu.memory_space<vmem>>
    %dma_start3A_89 = arith.constant 0 : i32
    %dma_start3A_90 = tpu.memref_slice %arg6[%dma_start3A_85, %dma_start3A_89] : memref<16x128xi32, #tpu.memory_space<vmem>> -> memref<1x128xi32, #tpu.memory_space<vmem>>
    %dma_start3A_91 = tpu.memref_squeeze %dma_start3A_90 : memref<1x128xi32, #tpu.memory_space<vmem>> -> memref<128xi32, #tpu.memory_space<vmem>>
    %dma_start3A_92 = arith.constant 0 : i32
    %dma_start3A_93 = arith.constant 0 : i32
    %dma_start3A_94 = tpu.memref_slice %arg3[%dma_start3A_92, %dma_start3A_93] : memref<100000x64xf32, #tpu.memory_space<hbm>> -> memref<100000x64xf32, #tpu.memory_space<hbm>>
    tpu.enqueue_indirect_dma source(%dma_start3A_94 : memref<100000x64xf32, #tpu.memory_space<hbm>>) target(%dma_start3A_88 : memref<128x64xf32, #tpu.memory_space<vmem>>) offsets(%dma_start3A_91 : memref<128xi32, #tpu.memory_space<vmem>>) semaphore(%arg11 : memref<!tpu.dma_semaphore, #tpu.memory_space<semaphore_mem>>)
    %dma_start3A_95 = arith.constant 7 : i32
    %dma_start3A_96 = arith.constant 896 : i32
    %dma_start3A_97 = arith.constant 0 : i32
    %dma_start3A_98 = tpu.memref_slice %arg9[%dma_start3A_96, %dma_start3A_97] : memref<1024x64xf32, #tpu.memory_space<vmem>> -> memref<128x64xf32, #tpu.memory_space<vmem>>
    %dma_start3A_99 = arith.constant 0 : i32
    %dma_start3A_100 = tpu.memref_slice %arg6[%dma_start3A_95, %dma_start3A_99] : memref<16x128xi32, #tpu.memory_space<vmem>> -> memref<1x128xi32, #tpu.memory_space<vmem>>
    %dma_start3A_101 = tpu.memref_squeeze %dma_start3A_100 : memref<1x128xi32, #tpu.memory_space<vmem>> -> memref<128xi32, #tpu.memory_space<vmem>>
    %dma_start3A_102 = arith.constant 0 : i32
    %dma_start3A_103 = arith.constant 0 : i32
    %dma_start3A_104 = tpu.memref_slice %arg3[%dma_start3A_102, %dma_start3A_103] : memref<100000x64xf32, #tpu.memory_space<hbm>> -> memref<100000x64xf32, #tpu.memory_space<hbm>>
    tpu.enqueue_indirect_dma source(%dma_start3A_104 : memref<100000x64xf32, #tpu.memory_space<hbm>>) target(%dma_start3A_98 : memref<128x64xf32, #tpu.memory_space<vmem>>) offsets(%dma_start3A_101 : memref<128xi32, #tpu.memory_space<vmem>>) semaphore(%arg11 : memref<!tpu.dma_semaphore, #tpu.memory_space<semaphore_mem>>)
    %dma_wait3A_105 = arith.constant 0 : i32
    %dma_wait3A_106 = arith.constant 0 : i32
    %dma_wait3A_107 = arith.constant 0 : i32
    %dma_wait3A_108 = tpu.memref_slice %arg9[%dma_wait3A_106, %dma_wait3A_107] : memref<1024x64xf32, #tpu.memory_space<vmem>> -> memref<128x64xf32, #tpu.memory_space<vmem>>
    %dma_wait3A_109 = arith.constant 0 : i32
    %dma_wait3A_110 = tpu.memref_slice %arg6[%dma_wait3A_105, %dma_wait3A_109] : memref<16x128xi32, #tpu.memory_space<vmem>> -> memref<1x128xi32, #tpu.memory_space<vmem>>
    %dma_wait3A_111 = tpu.memref_squeeze %dma_wait3A_110 : memref<1x128xi32, #tpu.memory_space<vmem>> -> memref<128xi32, #tpu.memory_space<vmem>>
    %dma_wait3A_112 = arith.constant 0 : i32
    %dma_wait3A_113 = arith.constant 0 : i32
    %dma_wait3A_114 = tpu.memref_slice %arg3[%dma_wait3A_112, %dma_wait3A_113] : memref<100000x64xf32, #tpu.memory_space<hbm>> -> memref<100000x64xf32, #tpu.memory_space<hbm>>
    tpu.wait_indirect_dma semaphore(%arg11 : memref<!tpu.dma_semaphore, #tpu.memory_space<semaphore_mem>>) src(%dma_wait3A_114 : memref<100000x64xf32, #tpu.memory_space<hbm>>) dst(%dma_wait3A_108 : memref<128x64xf32, #tpu.memory_space<vmem>>)
    %dma_wait3A_115 = arith.constant 1 : i32
    %dma_wait3A_116 = arith.constant 128 : i32
    %dma_wait3A_117 = arith.constant 0 : i32
    %dma_wait3A_118 = tpu.memref_slice %arg9[%dma_wait3A_116, %dma_wait3A_117] : memref<1024x64xf32, #tpu.memory_space<vmem>> -> memref<128x64xf32, #tpu.memory_space<vmem>>
    %dma_wait3A_119 = arith.constant 0 : i32
    %dma_wait3A_120 = tpu.memref_slice %arg6[%dma_wait3A_115, %dma_wait3A_119] : memref<16x128xi32, #tpu.memory_space<vmem>> -> memref<1x128xi32, #tpu.memory_space<vmem>>
    %dma_wait3A_121 = tpu.memref_squeeze %dma_wait3A_120 : memref<1x128xi32, #tpu.memory_space<vmem>> -> memref<128xi32, #tpu.memory_space<vmem>>
    %dma_wait3A_122 = arith.constant 0 : i32
    %dma_wait3A_123 = arith.constant 0 : i32
    %dma_wait3A_124 = tpu.memref_slice %arg3[%dma_wait3A_122, %dma_wait3A_123] : memref<100000x64xf32, #tpu.memory_space<hbm>> -> memref<100000x64xf32, #tpu.memory_space<hbm>>
    tpu.wait_indirect_dma semaphore(%arg11 : memref<!tpu.dma_semaphore, #tpu.memory_space<semaphore_mem>>) src(%dma_wait3A_124 : memref<100000x64xf32, #tpu.memory_space<hbm>>) dst(%dma_wait3A_118 : memref<128x64xf32, #tpu.memory_space<vmem>>)
    %dma_wait3A_125 = arith.constant 2 : i32
    %dma_wait3A_126 = arith.constant 256 : i32
    %dma_wait3A_127 = arith.constant 0 : i32
    %dma_wait3A_128 = tpu.memref_slice %arg9[%dma_wait3A_126, %dma_wait3A_127] : memref<1024x64xf32, #tpu.memory_space<vmem>> -> memref<128x64xf32, #tpu.memory_space<vmem>>
    %dma_wait3A_129 = arith.constant 0 : i32
    %dma_wait3A_130 = tpu.memref_slice %arg6[%dma_wait3A_125, %dma_wait3A_129] : memref<16x128xi32, #tpu.memory_space<vmem>> -> memref<1x128xi32, #tpu.memory_space<vmem>>
    %dma_wait3A_131 = tpu.memref_squeeze %dma_wait3A_130 : memref<1x128xi32, #tpu.memory_space<vmem>> -> memref<128xi32, #tpu.memory_space<vmem>>
    %dma_wait3A_132 = arith.constant 0 : i32
    %dma_wait3A_133 = arith.constant 0 : i32
    %dma_wait3A_134 = tpu.memref_slice %arg3[%dma_wait3A_132, %dma_wait3A_133] : memref<100000x64xf32, #tpu.memory_space<hbm>> -> memref<100000x64xf32, #tpu.memory_space<hbm>>
    tpu.wait_indirect_dma semaphore(%arg11 : memref<!tpu.dma_semaphore, #tpu.memory_space<semaphore_mem>>) src(%dma_wait3A_134 : memref<100000x64xf32, #tpu.memory_space<hbm>>) dst(%dma_wait3A_128 : memref<128x64xf32, #tpu.memory_space<vmem>>)
    %dma_wait3A_135 = arith.constant 3 : i32
    %dma_wait3A_136 = arith.constant 384 : i32
    %dma_wait3A_137 = arith.constant 0 : i32
    %dma_wait3A_138 = tpu.memref_slice %arg9[%dma_wait3A_136, %dma_wait3A_137] : memref<1024x64xf32, #tpu.memory_space<vmem>> -> memref<128x64xf32, #tpu.memory_space<vmem>>
    %dma_wait3A_139 = arith.constant 0 : i32
    %dma_wait3A_140 = tpu.memref_slice %arg6[%dma_wait3A_135, %dma_wait3A_139] : memref<16x128xi32, #tpu.memory_space<vmem>> -> memref<1x128xi32, #tpu.memory_space<vmem>>
    %dma_wait3A_141 = tpu.memref_squeeze %dma_wait3A_140 : memref<1x128xi32, #tpu.memory_space<vmem>> -> memref<128xi32, #tpu.memory_space<vmem>>
    %dma_wait3A_142 = arith.constant 0 : i32
    %dma_wait3A_143 = arith.constant 0 : i32
    %dma_wait3A_144 = tpu.memref_slice %arg3[%dma_wait3A_142, %dma_wait3A_143] : memref<100000x64xf32, #tpu.memory_space<hbm>> -> memref<100000x64xf32, #tpu.memory_space<hbm>>
    tpu.wait_indirect_dma semaphore(%arg11 : memref<!tpu.dma_semaphore, #tpu.memory_space<semaphore_mem>>) src(%dma_wait3A_144 : memref<100000x64xf32, #tpu.memory_space<hbm>>) dst(%dma_wait3A_138 : memref<128x64xf32, #tpu.memory_space<vmem>>)
    %dma_wait3A_145 = arith.constant 4 : i32
    %dma_wait3A_146 = arith.constant 512 : i32
    %dma_wait3A_147 = arith.constant 0 : i32
    %dma_wait3A_148 = tpu.memref_slice %arg9[%dma_wait3A_146, %dma_wait3A_147] : memref<1024x64xf32, #tpu.memory_space<vmem>> -> memref<128x64xf32, #tpu.memory_space<vmem>>
    %dma_wait3A_149 = arith.constant 0 : i32
    %dma_wait3A_150 = tpu.memref_slice %arg6[%dma_wait3A_145, %dma_wait3A_149] : memref<16x128xi32, #tpu.memory_space<vmem>> -> memref<1x128xi32, #tpu.memory_space<vmem>>
    %dma_wait3A_151 = tpu.memref_squeeze %dma_wait3A_150 : memref<1x128xi32, #tpu.memory_space<vmem>> -> memref<128xi32, #tpu.memory_space<vmem>>
    %dma_wait3A_152 = arith.constant 0 : i32
    %dma_wait3A_153 = arith.constant 0 : i32
    %dma_wait3A_154 = tpu.memref_slice %arg3[%dma_wait3A_152, %dma_wait3A_153] : memref<100000x64xf32, #tpu.memory_space<hbm>> -> memref<100000x64xf32, #tpu.memory_space<hbm>>
    tpu.wait_indirect_dma semaphore(%arg11 : memref<!tpu.dma_semaphore, #tpu.memory_space<semaphore_mem>>) src(%dma_wait3A_154 : memref<100000x64xf32, #tpu.memory_space<hbm>>) dst(%dma_wait3A_148 : memref<128x64xf32, #tpu.memory_space<vmem>>)
    %dma_wait3A_155 = arith.constant 5 : i32
    %dma_wait3A_156 = arith.constant 640 : i32
    %dma_wait3A_157 = arith.constant 0 : i32
    %dma_wait3A_158 = tpu.memref_slice %arg9[%dma_wait3A_156, %dma_wait3A_157] : memref<1024x64xf32, #tpu.memory_space<vmem>> -> memref<128x64xf32, #tpu.memory_space<vmem>>
    %dma_wait3A_159 = arith.constant 0 : i32
    %dma_wait3A_160 = tpu.memref_slice %arg6[%dma_wait3A_155, %dma_wait3A_159] : memref<16x128xi32, #tpu.memory_space<vmem>> -> memref<1x128xi32, #tpu.memory_space<vmem>>
    %dma_wait3A_161 = tpu.memref_squeeze %dma_wait3A_160 : memref<1x128xi32, #tpu.memory_space<vmem>> -> memref<128xi32, #tpu.memory_space<vmem>>
    %dma_wait3A_162 = arith.constant 0 : i32
    %dma_wait3A_163 = arith.constant 0 : i32
    %dma_wait3A_164 = tpu.memref_slice %arg3[%dma_wait3A_162, %dma_wait3A_163] : memref<100000x64xf32, #tpu.memory_space<hbm>> -> memref<100000x64xf32, #tpu.memory_space<hbm>>
    tpu.wait_indirect_dma semaphore(%arg11 : memref<!tpu.dma_semaphore, #tpu.memory_space<semaphore_mem>>) src(%dma_wait3A_164 : memref<100000x64xf32, #tpu.memory_space<hbm>>) dst(%dma_wait3A_158 : memref<128x64xf32, #tpu.memory_space<vmem>>)
    %dma_wait3A_165 = arith.constant 6 : i32
    %dma_wait3A_166 = arith.constant 768 : i32
    %dma_wait3A_167 = arith.constant 0 : i32
    %dma_wait3A_168 = tpu.memref_slice %arg9[%dma_wait3A_166, %dma_wait3A_167] : memref<1024x64xf32, #tpu.memory_space<vmem>> -> memref<128x64xf32, #tpu.memory_space<vmem>>
    %dma_wait3A_169 = arith.constant 0 : i32
    %dma_wait3A_170 = tpu.memref_slice %arg6[%dma_wait3A_165, %dma_wait3A_169] : memref<16x128xi32, #tpu.memory_space<vmem>> -> memref<1x128xi32, #tpu.memory_space<vmem>>
    %dma_wait3A_171 = tpu.memref_squeeze %dma_wait3A_170 : memref<1x128xi32, #tpu.memory_space<vmem>> -> memref<128xi32, #tpu.memory_space<vmem>>
    %dma_wait3A_172 = arith.constant 0 : i32
    %dma_wait3A_173 = arith.constant 0 : i32
    %dma_wait3A_174 = tpu.memref_slice %arg3[%dma_wait3A_172, %dma_wait3A_173] : memref<100000x64xf32, #tpu.memory_space<hbm>> -> memref<100000x64xf32, #tpu.memory_space<hbm>>
    tpu.wait_indirect_dma semaphore(%arg11 : memref<!tpu.dma_semaphore, #tpu.memory_space<semaphore_mem>>) src(%dma_wait3A_174 : memref<100000x64xf32, #tpu.memory_space<hbm>>) dst(%dma_wait3A_168 : memref<128x64xf32, #tpu.memory_space<vmem>>)
    %dma_wait3A_175 = arith.constant 7 : i32
    %dma_wait3A_176 = arith.constant 896 : i32
    %dma_wait3A_177 = arith.constant 0 : i32
    %dma_wait3A_178 = tpu.memref_slice %arg9[%dma_wait3A_176, %dma_wait3A_177] : memref<1024x64xf32, #tpu.memory_space<vmem>> -> memref<128x64xf32, #tpu.memory_space<vmem>>
    %dma_wait3A_179 = arith.constant 0 : i32
    %dma_wait3A_180 = tpu.memref_slice %arg6[%dma_wait3A_175, %dma_wait3A_179] : memref<16x128xi32, #tpu.memory_space<vmem>> -> memref<1x128xi32, #tpu.memory_space<vmem>>
    %dma_wait3A_181 = tpu.memref_squeeze %dma_wait3A_180 : memref<1x128xi32, #tpu.memory_space<vmem>> -> memref<128xi32, #tpu.memory_space<vmem>>
    %dma_wait3A_182 = arith.constant 0 : i32
    %dma_wait3A_183 = arith.constant 0 : i32
    %dma_wait3A_184 = tpu.memref_slice %arg3[%dma_wait3A_182, %dma_wait3A_183] : memref<100000x64xf32, #tpu.memory_space<hbm>> -> memref<100000x64xf32, #tpu.memory_space<hbm>>
    tpu.wait_indirect_dma semaphore(%arg11 : memref<!tpu.dma_semaphore, #tpu.memory_space<semaphore_mem>>) src(%dma_wait3A_184 : memref<100000x64xf32, #tpu.memory_space<hbm>>) dst(%dma_wait3A_178 : memref<128x64xf32, #tpu.memory_space<vmem>>)
    %scan3A_185 = arith.constant 0 : i32
    %scan3A_186 = arith.constant 0 : i32
    %scan3A_187 = arith.constant 16 : i32
    %scan3A_188 = arith.addi %scan3A_186, %scan3A_187 : i32
    %scan3A_189 = arith.constant 1 : i32
    %scan3A_190 = scf.for %scan3A_359 = %scan3A_186 to %scan3A_188 step %scan3A_189 iter_args(%scan3A_360 = %scan3A_185) -> (i32)  : i32 {
      %add3A_361 = arith.constant 0 : i32
      %add3A_362 = arith.addi %add3A_361, %scan3A_359 : i32
      %broadcast_in_dim3A_363 = arith.constant 0.000000e+00 : f32
      %broadcast_in_dim3A_364 = vector.broadcast %broadcast_in_dim3A_363 : f32 to vector<16xf32>
      %broadcast_in_dim3A_365 = arith.constant 0.000000e+00 : f32
      %broadcast_in_dim3A_366 = vector.broadcast %broadcast_in_dim3A_365 : f32 to vector<16xf32>
      %broadcast_in_dim3A_367 = arith.constant 0.000000e+00 : f32
      %broadcast_in_dim3A_368 = vector.broadcast %broadcast_in_dim3A_367 : f32 to vector<16xf32>
      %broadcast_in_dim3A_369 = arith.constant 0.000000e+00 : f32
      %broadcast_in_dim3A_370 = vector.broadcast %broadcast_in_dim3A_369 : f32 to vector<16xf32>
      %scan3A_371 = arith.constant 0 : i32
      %scan3A_372 = arith.constant 64 : i32
      %scan3A_373 = arith.addi %scan3A_371, %scan3A_372 : i32
      %scan3A_374 = arith.constant 1 : i32
      %scan3A_375:4 = scf.for %scan3A_485 = %scan3A_371 to %scan3A_373 step %scan3A_374 iter_args(%scan3A_486 = %broadcast_in_dim3A_364, %scan3A_487 = %broadcast_in_dim3A_366, %scan3A_488 = %broadcast_in_dim3A_368, %scan3A_489 = %broadcast_in_dim3A_370) -> (vector<16xf32>, vector<16xf32>, vector<16xf32>, vector<16xf32>)  : i32 {
        %mul3A_490 = arith.constant 64 : i32
        %mul3A_491 = arith.muli %scan3A_359, %mul3A_490 : i32
        %add3A_492 = arith.addi %mul3A_491, %scan3A_485 : i32
        %get3A_493 = arith.index_cast %add3A_492 : i32 to index
        %get3A_494 = arith.constant 0 : index
        %get3A_495 = tpu.vector_load %arg9[%get3A_493, %get3A_494] {strides = array<i32>} : memref<1024x64xf32, #tpu.memory_space<vmem>>, vector<16xf32>,
        %add3A_496 = arith.addf %scan3A_486, %get3A_495 : vector<16xf32>
        %get3A_497 = arith.index_cast %add3A_492 : i32 to index
        %get3A_498 = arith.constant 16 : index
        %get3A_499 = tpu.vector_load %arg9[%get3A_497, %get3A_498] {strides = array<i32>} : memref<1024x64xf32, #tpu.memory_space<vmem>>, vector<16xf32>,
        %add3A_500 = arith.addf %scan3A_487, %get3A_499 : vector<16xf32>
        %get3A_501 = arith.index_cast %add3A_492 : i32 to index
        %get3A_502 = arith.constant 32 : index
        %get3A_503 = tpu.vector_load %arg9[%get3A_501, %get3A_502] {strides = array<i32>} : memref<1024x64xf32, #tpu.memory_space<vmem>>, vector<16xf32>,
        %add3A_504 = arith.addf %scan3A_488, %get3A_503 : vector<16xf32>
        %get3A_505 = arith.index_cast %add3A_492 : i32 to index
        %get3A_506 = arith.constant 48 : index
        %get3A_507 = tpu.vector_load %arg9[%get3A_505, %get3A_506] {strides = array<i32>} : memref<1024x64xf32, #tpu.memory_space<vmem>>, vector<16xf32>,
        %add3A_508 = arith.addf %scan3A_489, %get3A_507 : vector<16xf32>
        scf.yield %add3A_496, %add3A_500, %add3A_504, %add3A_508 : vector<16xf32>, vector<16xf32>, vector<16xf32>, vector<16xf32>
      }
      %scan3A_376 = arith.constant 64 : i32
      %get3A = arith.index_cast %add3A_362 : i32 to index
      %get3A_377 = arith.constant 0 : index
      %get3A_378 = tpu.vector_load %arg5[%get3A, %get3A_377] {strides = array<i32>} : memref<32x64xi32, #tpu.memory_space<vmem>>, vector<16xi32>,
      %ne3A = arith.constant 0 : i32
      %ne3A_379 = vector.broadcast %ne3A : i32 to vector<16xi32>
      %ne3A_380 = arith.cmpi ne, %get3A_378, %ne3A_379 : vector<16xi32>
      %jit3A = arith.constant 1.000000e+00 : f32
      %jit3A_381 = arith.constant 0.000000e+00 : f32
      %broadcast_in_dim3A_382 = vector.broadcast %jit3A : f32 to vector<16xf32>
      %broadcast_in_dim3A_383 = vector.broadcast %jit3A_381 : f32 to vector<16xf32>
      %select_n3A = arith.select %ne3A_380, %broadcast_in_dim3A_382, %broadcast_in_dim3A_383 : vector<16xi1>, vector<16xf32>
      %reduce_sum3A = arith.constant true
      %reduce_sum3A_384 = vector.broadcast %reduce_sum3A : i1 to vector<16xi1>
      %reduce_sum3A_385 = tpu.scan <sum>, %select_n3A masked %reduce_sum3A_384 : vector<16xf32>, vector<16xi1> -> vector<16xf32>
      %reduce_sum3A_386 = vector.extract %reduce_sum3A_385[15] : f32 from vector<16xf32>
      %add3A_387 = arith.constant 0.000000e+00 : f32
      %add3A_388 = arith.addf %add3A_387, %reduce_sum3A_386 : f32
      %get3A_389 = arith.index_cast %add3A_362 : i32 to index
      %get3A_390 = arith.constant 16 : index
      %get3A_391 = tpu.vector_load %arg5[%get3A_389, %get3A_390] {strides = array<i32>} : memref<32x64xi32, #tpu.memory_space<vmem>>, vector<16xi32>,
      %ne3A_392 = arith.constant 0 : i32
      %ne3A_393 = vector.broadcast %ne3A_392 : i32 to vector<16xi32>
      %ne3A_394 = arith.cmpi ne, %get3A_391, %ne3A_393 : vector<16xi32>
      %jit3A_395 = arith.constant 1.000000e+00 : f32
      %jit3A_396 = arith.constant 0.000000e+00 : f32
      %broadcast_in_dim3A_397 = vector.broadcast %jit3A_395 : f32 to vector<16xf32>
      %broadcast_in_dim3A_398 = vector.broadcast %jit3A_396 : f32 to vector<16xf32>
      %select_n3A_399 = arith.select %ne3A_394, %broadcast_in_dim3A_397, %broadcast_in_dim3A_398 : vector<16xi1>, vector<16xf32>
      %reduce_sum3A_400 = arith.constant true
      %reduce_sum3A_401 = vector.broadcast %reduce_sum3A_400 : i1 to vector<16xi1>
      %reduce_sum3A_402 = tpu.scan <sum>, %select_n3A_399 masked %reduce_sum3A_401 : vector<16xf32>, vector<16xi1> -> vector<16xf32>
      %reduce_sum3A_403 = vector.extract %reduce_sum3A_402[15] : f32 from vector<16xf32>
      %add3A_404 = arith.addf %add3A_388, %reduce_sum3A_403 : f32
      %get3A_405 = arith.index_cast %add3A_362 : i32 to index
      %get3A_406 = arith.constant 32 : index
      %get3A_407 = tpu.vector_load %arg5[%get3A_405, %get3A_406] {strides = array<i32>} : memref<32x64xi32, #tpu.memory_space<vmem>>, vector<16xi32>,
      %ne3A_408 = arith.constant 0 : i32
      %ne3A_409 = vector.broadcast %ne3A_408 : i32 to vector<16xi32>
      %ne3A_410 = arith.cmpi ne, %get3A_407, %ne3A_409 : vector<16xi32>
      %jit3A_411 = arith.constant 1.000000e+00 : f32
      %jit3A_412 = arith.constant 0.000000e+00 : f32
      %broadcast_in_dim3A_413 = vector.broadcast %jit3A_411 : f32 to vector<16xf32>
      %broadcast_in_dim3A_414 = vector.broadcast %jit3A_412 : f32 to vector<16xf32>
      %select_n3A_415 = arith.select %ne3A_410, %broadcast_in_dim3A_413, %broadcast_in_dim3A_414 : vector<16xi1>, vector<16xf32>
      %reduce_sum3A_416 = arith.constant true
      %reduce_sum3A_417 = vector.broadcast %reduce_sum3A_416 : i1 to vector<16xi1>
      %reduce_sum3A_418 = tpu.scan <sum>, %select_n3A_415 masked %reduce_sum3A_417 : vector<16xf32>, vector<16xi1> -> vector<16xf32>
      %reduce_sum3A_419 = vector.extract %reduce_sum3A_418[15] : f32 from vector<16xf32>
      %add3A_420 = arith.addf %add3A_404, %reduce_sum3A_419 : f32
      %get3A_421 = arith.index_cast %add3A_362 : i32 to index
      %get3A_422 = arith.constant 48 : index
      %get3A_423 = tpu.vector_load %arg5[%get3A_421, %get3A_422] {strides = array<i32>} : memref<32x64xi32, #tpu.memory_space<vmem>>, vector<16xi32>,
      %ne3A_424 = arith.constant 0 : i32
      %ne3A_425 = vector.broadcast %ne3A_424 : i32 to vector<16xi32>
      %ne3A_426 = arith.cmpi ne, %get3A_423, %ne3A_425 : vector<16xi32>
      %jit3A_427 = arith.constant 1.000000e+00 : f32
      %jit3A_428 = arith.constant 0.000000e+00 : f32
      %broadcast_in_dim3A_429 = vector.broadcast %jit3A_427 : f32 to vector<16xf32>
      %broadcast_in_dim3A_430 = vector.broadcast %jit3A_428 : f32 to vector<16xf32>
      %select_n3A_431 = arith.select %ne3A_426, %broadcast_in_dim3A_429, %broadcast_in_dim3A_430 : vector<16xi1>, vector<16xf32>
      %reduce_sum3A_432 = arith.constant true
      %reduce_sum3A_433 = vector.broadcast %reduce_sum3A_432 : i1 to vector<16xi1>
      %reduce_sum3A_434 = tpu.scan <sum>, %select_n3A_431 masked %reduce_sum3A_433 : vector<16xf32>, vector<16xi1> -> vector<16xf32>
      %reduce_sum3A_435 = vector.extract %reduce_sum3A_434[15] : f32 from vector<16xf32>
      %add3A_436 = arith.addf %add3A_420, %reduce_sum3A_435 : f32
      %broadcast_in_dim3A_437 = vector.broadcast %add3A_436 : f32 to vector<16xf32>
      %broadcast_in_dim3A_438 = arith.constant 1.000000e+00 : f32
      %broadcast_in_dim3A_439 = vector.broadcast %broadcast_in_dim3A_438 : f32 to vector<16xf32>
      %max3A = arith.constant 1.000000e+00 : f32
      %max3A_440 = vector.broadcast %max3A : f32 to vector<16xf32>
      %max3A_441 = arith.maximumf %broadcast_in_dim3A_437, %max3A_440 : vector<16xf32>
      %div3A = arith.divf %broadcast_in_dim3A_439, %max3A_441 : vector<16xf32>
      %sub3A = arith.constant 6.400000e+01 : f32
      %sub3A_442 = vector.broadcast %sub3A : f32 to vector<16xf32>
      %sub3A_443 = arith.subf %sub3A_442, %broadcast_in_dim3A_437 : vector<16xf32>
      %get3A_444 = arith.constant 0 : i32
      %get3A_445 = arith.index_cast %get3A_444 : i32 to index
      %get3A_446 = arith.constant 0 : index
      %get3A_447 = tpu.vector_load %arg8[%get3A_445, %get3A_446] {strides = array<i32>} : memref<16x64xf32, #tpu.memory_space<vmem>>, vector<16xf32>,
      %mul3A_448 = arith.mulf %sub3A_443, %get3A_447 : vector<16xf32>
      %sub3A_449 = arith.subf %scan3A_375#0, %mul3A_448 : vector<16xf32>
      %mul3A_450 = arith.mulf %sub3A_449, %div3A : vector<16xf32>
      %swap3A_451 = arith.index_cast %add3A_362 : i32 to index
      %swap3A_452 = arith.constant 0 : index
      %swap3A_453 = tpu.vector_load %arg10[%swap3A_451, %swap3A_452] {strides = array<i32>} : memref<32x64xf32, #tpu.memory_space<vmem>>, vector<16xf32>,
      tpu.vector_store %arg10[%swap3A_451, %swap3A_452], %mul3A_450 {strides = array<i32>} : memref<32x64xf32, #tpu.memory_space<vmem>>, vector<16xf32>,
      %get3A_454 = arith.constant 0 : i32
      %get3A_455 = arith.index_cast %get3A_454 : i32 to index
      %get3A_456 = arith.constant 16 : index
      %get3A_457 = tpu.vector_load %arg8[%get3A_455, %get3A_456] {strides = array<i32>} : memref<16x64xf32, #tpu.memory_space<vmem>>, vector<16xf32>,
      %mul3A_458 = arith.mulf %sub3A_443, %get3A_457 : vector<16xf32>
      %sub3A_459 = arith.subf %scan3A_375#1, %mul3A_458 : vector<16xf32>
      %mul3A_460 = arith.mulf %sub3A_459, %div3A : vector<16xf32>
      %swap3A_461 = arith.index_cast %add3A_362 : i32 to index
      %swap3A_462 = arith.constant 16 : index
      %swap3A_463 = tpu.vector_load %arg10[%swap3A_461, %swap3A_462] {strides = array<i32>} : memref<32x64xf32, #tpu.memory_space<vmem>>, vector<16xf32>,
      tpu.vector_store %arg10[%swap3A_461, %swap3A_462], %mul3A_460 {strides = array<i32>} : memref<32x64xf32, #tpu.memory_space<vmem>>, vector<16xf32>,
      %get3A_464 = arith.constant 0 : i32
      %get3A_465 = arith.index_cast %get3A_464 : i32 to index
      %get3A_466 = arith.constant 32 : index
      %get3A_467 = tpu.vector_load %arg8[%get3A_465, %get3A_466] {strides = array<i32>} : memref<16x64xf32, #tpu.memory_space<vmem>>, vector<16xf32>,
      %mul3A_468 = arith.mulf %sub3A_443, %get3A_467 : vector<16xf32>
      %sub3A_469 = arith.subf %scan3A_375#2, %mul3A_468 : vector<16xf32>
      %mul3A_470 = arith.mulf %sub3A_469, %div3A : vector<16xf32>
      %swap3A_471 = arith.index_cast %add3A_362 : i32 to index
      %swap3A_472 = arith.constant 32 : index
      %swap3A_473 = tpu.vector_load %arg10[%swap3A_471, %swap3A_472] {strides = array<i32>} : memref<32x64xf32, #tpu.memory_space<vmem>>, vector<16xf32>,
      tpu.vector_store %arg10[%swap3A_471, %swap3A_472], %mul3A_470 {strides = array<i32>} : memref<32x64xf32, #tpu.memory_space<vmem>>, vector<16xf32>,
      %get3A_474 = arith.constant 0 : i32
      %get3A_475 = arith.index_cast %get3A_474 : i32 to index
      %get3A_476 = arith.constant 48 : index
      %get3A_477 = tpu.vector_load %arg8[%get3A_475, %get3A_476] {strides = array<i32>} : memref<16x64xf32, #tpu.memory_space<vmem>>, vector<16xf32>,
      %mul3A_478 = arith.mulf %sub3A_443, %get3A_477 : vector<16xf32>
      %sub3A_479 = arith.subf %scan3A_375#3, %mul3A_478 : vector<16xf32>
      %mul3A_480 = arith.mulf %sub3A_479, %div3A : vector<16xf32>
      %swap3A_481 = arith.index_cast %add3A_362 : i32 to index
      %swap3A_482 = arith.constant 48 : index
      %swap3A_483 = tpu.vector_load %arg10[%swap3A_481, %swap3A_482] {strides = array<i32>} : memref<32x64xf32, #tpu.memory_space<vmem>>, vector<16xf32>,
      tpu.vector_store %arg10[%swap3A_481, %swap3A_482], %mul3A_480 {strides = array<i32>} : memref<32x64xf32, #tpu.memory_space<vmem>>, vector<16xf32>,
      %scan3A_484 = arith.constant 0 : i32
      scf.yield %scan3A_484 : i32
    }
    %scan3A_191 = arith.constant 16 : i32
    %dma_start3A_192 = arith.constant 8 : i32
    %dma_start3A_193 = arith.constant 0 : i32
    %dma_start3A_194 = arith.constant 0 : i32
    %dma_start3A_195 = tpu.memref_slice %arg9[%dma_start3A_193, %dma_start3A_194] : memref<1024x64xf32, #tpu.memory_space<vmem>> -> memref<128x64xf32, #tpu.memory_space<vmem>>
    %dma_start3A_196 = arith.constant 0 : i32
    %dma_start3A_197 = tpu.memref_slice %arg6[%dma_start3A_192, %dma_start3A_196] : memref<16x128xi32, #tpu.memory_space<vmem>> -> memref<1x128xi32, #tpu.memory_space<vmem>>
    %dma_start3A_198 = tpu.memref_squeeze %dma_start3A_197 : memref<1x128xi32, #tpu.memory_space<vmem>> -> memref<128xi32, #tpu.memory_space<vmem>>
    %dma_start3A_199 = arith.constant 0 : i32
    %dma_start3A_200 = arith.constant 0 : i32
    %dma_start3A_201 = tpu.memref_slice %arg3[%dma_start3A_199, %dma_start3A_200] : memref<100000x64xf32, #tpu.memory_space<hbm>> -> memref<100000x64xf32, #tpu.memory_space<hbm>>
    tpu.enqueue_indirect_dma source(%dma_start3A_201 : memref<100000x64xf32, #tpu.memory_space<hbm>>) target(%dma_start3A_195 : memref<128x64xf32, #tpu.memory_space<vmem>>) offsets(%dma_start3A_198 : memref<128xi32, #tpu.memory_space<vmem>>) semaphore(%arg11 : memref<!tpu.dma_semaphore, #tpu.memory_space<semaphore_mem>>)
    %dma_start3A_202 = arith.constant 9 : i32
    %dma_start3A_203 = arith.constant 128 : i32
    %dma_start3A_204 = arith.constant 0 : i32
    %dma_start3A_205 = tpu.memref_slice %arg9[%dma_start3A_203, %dma_start3A_204] : memref<1024x64xf32, #tpu.memory_space<vmem>> -> memref<128x64xf32, #tpu.memory_space<vmem>>
    %dma_start3A_206 = arith.constant 0 : i32
    %dma_start3A_207 = tpu.memref_slice %arg6[%dma_start3A_202, %dma_start3A_206] : memref<16x128xi32, #tpu.memory_space<vmem>> -> memref<1x128xi32, #tpu.memory_space<vmem>>
    %dma_start3A_208 = tpu.memref_squeeze %dma_start3A_207 : memref<1x128xi32, #tpu.memory_space<vmem>> -> memref<128xi32, #tpu.memory_space<vmem>>
    %dma_start3A_209 = arith.constant 0 : i32
    %dma_start3A_210 = arith.constant 0 : i32
    %dma_start3A_211 = tpu.memref_slice %arg3[%dma_start3A_209, %dma_start3A_210] : memref<100000x64xf32, #tpu.memory_space<hbm>> -> memref<100000x64xf32, #tpu.memory_space<hbm>>
    tpu.enqueue_indirect_dma source(%dma_start3A_211 : memref<100000x64xf32, #tpu.memory_space<hbm>>) target(%dma_start3A_205 : memref<128x64xf32, #tpu.memory_space<vmem>>) offsets(%dma_start3A_208 : memref<128xi32, #tpu.memory_space<vmem>>) semaphore(%arg11 : memref<!tpu.dma_semaphore, #tpu.memory_space<semaphore_mem>>)
    %dma_start3A_212 = arith.constant 10 : i32
    %dma_start3A_213 = arith.constant 256 : i32
    %dma_start3A_214 = arith.constant 0 : i32
    %dma_start3A_215 = tpu.memref_slice %arg9[%dma_start3A_213, %dma_start3A_214] : memref<1024x64xf32, #tpu.memory_space<vmem>> -> memref<128x64xf32, #tpu.memory_space<vmem>>
    %dma_start3A_216 = arith.constant 0 : i32
    %dma_start3A_217 = tpu.memref_slice %arg6[%dma_start3A_212, %dma_start3A_216] : memref<16x128xi32, #tpu.memory_space<vmem>> -> memref<1x128xi32, #tpu.memory_space<vmem>>
    %dma_start3A_218 = tpu.memref_squeeze %dma_start3A_217 : memref<1x128xi32, #tpu.memory_space<vmem>> -> memref<128xi32, #tpu.memory_space<vmem>>
    %dma_start3A_219 = arith.constant 0 : i32
    %dma_start3A_220 = arith.constant 0 : i32
    %dma_start3A_221 = tpu.memref_slice %arg3[%dma_start3A_219, %dma_start3A_220] : memref<100000x64xf32, #tpu.memory_space<hbm>> -> memref<100000x64xf32, #tpu.memory_space<hbm>>
    tpu.enqueue_indirect_dma source(%dma_start3A_221 : memref<100000x64xf32, #tpu.memory_space<hbm>>) target(%dma_start3A_215 : memref<128x64xf32, #tpu.memory_space<vmem>>) offsets(%dma_start3A_218 : memref<128xi32, #tpu.memory_space<vmem>>) semaphore(%arg11 : memref<!tpu.dma_semaphore, #tpu.memory_space<semaphore_mem>>)
    %dma_start3A_222 = arith.constant 11 : i32
    %dma_start3A_223 = arith.constant 384 : i32
    %dma_start3A_224 = arith.constant 0 : i32
    %dma_start3A_225 = tpu.memref_slice %arg9[%dma_start3A_223, %dma_start3A_224] : memref<1024x64xf32, #tpu.memory_space<vmem>> -> memref<128x64xf32, #tpu.memory_space<vmem>>
    %dma_start3A_226 = arith.constant 0 : i32
    %dma_start3A_227 = tpu.memref_slice %arg6[%dma_start3A_222, %dma_start3A_226] : memref<16x128xi32, #tpu.memory_space<vmem>> -> memref<1x128xi32, #tpu.memory_space<vmem>>
    %dma_start3A_228 = tpu.memref_squeeze %dma_start3A_227 : memref<1x128xi32, #tpu.memory_space<vmem>> -> memref<128xi32, #tpu.memory_space<vmem>>
    %dma_start3A_229 = arith.constant 0 : i32
    %dma_start3A_230 = arith.constant 0 : i32
    %dma_start3A_231 = tpu.memref_slice %arg3[%dma_start3A_229, %dma_start3A_230] : memref<100000x64xf32, #tpu.memory_space<hbm>> -> memref<100000x64xf32, #tpu.memory_space<hbm>>
    tpu.enqueue_indirect_dma source(%dma_start3A_231 : memref<100000x64xf32, #tpu.memory_space<hbm>>) target(%dma_start3A_225 : memref<128x64xf32, #tpu.memory_space<vmem>>) offsets(%dma_start3A_228 : memref<128xi32, #tpu.memory_space<vmem>>) semaphore(%arg11 : memref<!tpu.dma_semaphore, #tpu.memory_space<semaphore_mem>>)
    %dma_start3A_232 = arith.constant 12 : i32
    %dma_start3A_233 = arith.constant 512 : i32
    %dma_start3A_234 = arith.constant 0 : i32
    %dma_start3A_235 = tpu.memref_slice %arg9[%dma_start3A_233, %dma_start3A_234] : memref<1024x64xf32, #tpu.memory_space<vmem>> -> memref<128x64xf32, #tpu.memory_space<vmem>>
    %dma_start3A_236 = arith.constant 0 : i32
    %dma_start3A_237 = tpu.memref_slice %arg6[%dma_start3A_232, %dma_start3A_236] : memref<16x128xi32, #tpu.memory_space<vmem>> -> memref<1x128xi32, #tpu.memory_space<vmem>>
    %dma_start3A_238 = tpu.memref_squeeze %dma_start3A_237 : memref<1x128xi32, #tpu.memory_space<vmem>> -> memref<128xi32, #tpu.memory_space<vmem>>
    %dma_start3A_239 = arith.constant 0 : i32
    %dma_start3A_240 = arith.constant 0 : i32
    %dma_start3A_241 = tpu.memref_slice %arg3[%dma_start3A_239, %dma_start3A_240] : memref<100000x64xf32, #tpu.memory_space<hbm>> -> memref<100000x64xf32, #tpu.memory_space<hbm>>
    tpu.enqueue_indirect_dma source(%dma_start3A_241 : memref<100000x64xf32, #tpu.memory_space<hbm>>) target(%dma_start3A_235 : memref<128x64xf32, #tpu.memory_space<vmem>>) offsets(%dma_start3A_238 : memref<128xi32, #tpu.memory_space<vmem>>) semaphore(%arg11 : memref<!tpu.dma_semaphore, #tpu.memory_space<semaphore_mem>>)
    %dma_start3A_242 = arith.constant 13 : i32
    %dma_start3A_243 = arith.constant 640 : i32
    %dma_start3A_244 = arith.constant 0 : i32
    %dma_start3A_245 = tpu.memref_slice %arg9[%dma_start3A_243, %dma_start3A_244] : memref<1024x64xf32, #tpu.memory_space<vmem>> -> memref<128x64xf32, #tpu.memory_space<vmem>>
    %dma_start3A_246 = arith.constant 0 : i32
    %dma_start3A_247 = tpu.memref_slice %arg6[%dma_start3A_242, %dma_start3A_246] : memref<16x128xi32, #tpu.memory_space<vmem>> -> memref<1x128xi32, #tpu.memory_space<vmem>>
    %dma_start3A_248 = tpu.memref_squeeze %dma_start3A_247 : memref<1x128xi32, #tpu.memory_space<vmem>> -> memref<128xi32, #tpu.memory_space<vmem>>
    %dma_start3A_249 = arith.constant 0 : i32
    %dma_start3A_250 = arith.constant 0 : i32
    %dma_start3A_251 = tpu.memref_slice %arg3[%dma_start3A_249, %dma_start3A_250] : memref<100000x64xf32, #tpu.memory_space<hbm>> -> memref<100000x64xf32, #tpu.memory_space<hbm>>
    tpu.enqueue_indirect_dma source(%dma_start3A_251 : memref<100000x64xf32, #tpu.memory_space<hbm>>) target(%dma_start3A_245 : memref<128x64xf32, #tpu.memory_space<vmem>>) offsets(%dma_start3A_248 : memref<128xi32, #tpu.memory_space<vmem>>) semaphore(%arg11 : memref<!tpu.dma_semaphore, #tpu.memory_space<semaphore_mem>>)
    %dma_start3A_252 = arith.constant 14 : i32
    %dma_start3A_253 = arith.constant 768 : i32
    %dma_start3A_254 = arith.constant 0 : i32
    %dma_start3A_255 = tpu.memref_slice %arg9[%dma_start3A_253, %dma_start3A_254] : memref<1024x64xf32, #tpu.memory_space<vmem>> -> memref<128x64xf32, #tpu.memory_space<vmem>>
    %dma_start3A_256 = arith.constant 0 : i32
    %dma_start3A_257 = tpu.memref_slice %arg6[%dma_start3A_252, %dma_start3A_256] : memref<16x128xi32, #tpu.memory_space<vmem>> -> memref<1x128xi32, #tpu.memory_space<vmem>>
    %dma_start3A_258 = tpu.memref_squeeze %dma_start3A_257 : memref<1x128xi32, #tpu.memory_space<vmem>> -> memref<128xi32, #tpu.memory_space<vmem>>
    %dma_start3A_259 = arith.constant 0 : i32
    %dma_start3A_260 = arith.constant 0 : i32
    %dma_start3A_261 = tpu.memref_slice %arg3[%dma_start3A_259, %dma_start3A_260] : memref<100000x64xf32, #tpu.memory_space<hbm>> -> memref<100000x64xf32, #tpu.memory_space<hbm>>
    tpu.enqueue_indirect_dma source(%dma_start3A_261 : memref<100000x64xf32, #tpu.memory_space<hbm>>) target(%dma_start3A_255 : memref<128x64xf32, #tpu.memory_space<vmem>>) offsets(%dma_start3A_258 : memref<128xi32, #tpu.memory_space<vmem>>) semaphore(%arg11 : memref<!tpu.dma_semaphore, #tpu.memory_space<semaphore_mem>>)
    %dma_start3A_262 = arith.constant 15 : i32
    %dma_start3A_263 = arith.constant 896 : i32
    %dma_start3A_264 = arith.constant 0 : i32
    %dma_start3A_265 = tpu.memref_slice %arg9[%dma_start3A_263, %dma_start3A_264] : memref<1024x64xf32, #tpu.memory_space<vmem>> -> memref<128x64xf32, #tpu.memory_space<vmem>>
    %dma_start3A_266 = arith.constant 0 : i32
    %dma_start3A_267 = tpu.memref_slice %arg6[%dma_start3A_262, %dma_start3A_266] : memref<16x128xi32, #tpu.memory_space<vmem>> -> memref<1x128xi32, #tpu.memory_space<vmem>>
    %dma_start3A_268 = tpu.memref_squeeze %dma_start3A_267 : memref<1x128xi32, #tpu.memory_space<vmem>> -> memref<128xi32, #tpu.memory_space<vmem>>
    %dma_start3A_269 = arith.constant 0 : i32
    %dma_start3A_270 = arith.constant 0 : i32
    %dma_start3A_271 = tpu.memref_slice %arg3[%dma_start3A_269, %dma_start3A_270] : memref<100000x64xf32, #tpu.memory_space<hbm>> -> memref<100000x64xf32, #tpu.memory_space<hbm>>
    tpu.enqueue_indirect_dma source(%dma_start3A_271 : memref<100000x64xf32, #tpu.memory_space<hbm>>) target(%dma_start3A_265 : memref<128x64xf32, #tpu.memory_space<vmem>>) offsets(%dma_start3A_268 : memref<128xi32, #tpu.memory_space<vmem>>) semaphore(%arg11 : memref<!tpu.dma_semaphore, #tpu.memory_space<semaphore_mem>>)
    %dma_wait3A_272 = arith.constant 8 : i32
    %dma_wait3A_273 = arith.constant 0 : i32
    %dma_wait3A_274 = arith.constant 0 : i32
    %dma_wait3A_275 = tpu.memref_slice %arg9[%dma_wait3A_273, %dma_wait3A_274] : memref<1024x64xf32, #tpu.memory_space<vmem>> -> memref<128x64xf32, #tpu.memory_space<vmem>>
    %dma_wait3A_276 = arith.constant 0 : i32
    %dma_wait3A_277 = tpu.memref_slice %arg6[%dma_wait3A_272, %dma_wait3A_276] : memref<16x128xi32, #tpu.memory_space<vmem>> -> memref<1x128xi32, #tpu.memory_space<vmem>>
    %dma_wait3A_278 = tpu.memref_squeeze %dma_wait3A_277 : memref<1x128xi32, #tpu.memory_space<vmem>> -> memref<128xi32, #tpu.memory_space<vmem>>
    %dma_wait3A_279 = arith.constant 0 : i32
    %dma_wait3A_280 = arith.constant 0 : i32
    %dma_wait3A_281 = tpu.memref_slice %arg3[%dma_wait3A_279, %dma_wait3A_280] : memref<100000x64xf32, #tpu.memory_space<hbm>> -> memref<100000x64xf32, #tpu.memory_space<hbm>>
    tpu.wait_indirect_dma semaphore(%arg11 : memref<!tpu.dma_semaphore, #tpu.memory_space<semaphore_mem>>) src(%dma_wait3A_281 : memref<100000x64xf32, #tpu.memory_space<hbm>>) dst(%dma_wait3A_275 : memref<128x64xf32, #tpu.memory_space<vmem>>)
    %dma_wait3A_282 = arith.constant 9 : i32
    %dma_wait3A_283 = arith.constant 128 : i32
    %dma_wait3A_284 = arith.constant 0 : i32
    %dma_wait3A_285 = tpu.memref_slice %arg9[%dma_wait3A_283, %dma_wait3A_284] : memref<1024x64xf32, #tpu.memory_space<vmem>> -> memref<128x64xf32, #tpu.memory_space<vmem>>
    %dma_wait3A_286 = arith.constant 0 : i32
    %dma_wait3A_287 = tpu.memref_slice %arg6[%dma_wait3A_282, %dma_wait3A_286] : memref<16x128xi32, #tpu.memory_space<vmem>> -> memref<1x128xi32, #tpu.memory_space<vmem>>
    %dma_wait3A_288 = tpu.memref_squeeze %dma_wait3A_287 : memref<1x128xi32, #tpu.memory_space<vmem>> -> memref<128xi32, #tpu.memory_space<vmem>>
    %dma_wait3A_289 = arith.constant 0 : i32
    %dma_wait3A_290 = arith.constant 0 : i32
    %dma_wait3A_291 = tpu.memref_slice %arg3[%dma_wait3A_289, %dma_wait3A_290] : memref<100000x64xf32, #tpu.memory_space<hbm>> -> memref<100000x64xf32, #tpu.memory_space<hbm>>
    tpu.wait_indirect_dma semaphore(%arg11 : memref<!tpu.dma_semaphore, #tpu.memory_space<semaphore_mem>>) src(%dma_wait3A_291 : memref<100000x64xf32, #tpu.memory_space<hbm>>) dst(%dma_wait3A_285 : memref<128x64xf32, #tpu.memory_space<vmem>>)
    %dma_wait3A_292 = arith.constant 10 : i32
    %dma_wait3A_293 = arith.constant 256 : i32
    %dma_wait3A_294 = arith.constant 0 : i32
    %dma_wait3A_295 = tpu.memref_slice %arg9[%dma_wait3A_293, %dma_wait3A_294] : memref<1024x64xf32, #tpu.memory_space<vmem>> -> memref<128x64xf32, #tpu.memory_space<vmem>>
    %dma_wait3A_296 = arith.constant 0 : i32
    %dma_wait3A_297 = tpu.memref_slice %arg6[%dma_wait3A_292, %dma_wait3A_296] : memref<16x128xi32, #tpu.memory_space<vmem>> -> memref<1x128xi32, #tpu.memory_space<vmem>>
    %dma_wait3A_298 = tpu.memref_squeeze %dma_wait3A_297 : memref<1x128xi32, #tpu.memory_space<vmem>> -> memref<128xi32, #tpu.memory_space<vmem>>
    %dma_wait3A_299 = arith.constant 0 : i32
    %dma_wait3A_300 = arith.constant 0 : i32
    %dma_wait3A_301 = tpu.memref_slice %arg3[%dma_wait3A_299, %dma_wait3A_300] : memref<100000x64xf32, #tpu.memory_space<hbm>> -> memref<100000x64xf32, #tpu.memory_space<hbm>>
    tpu.wait_indirect_dma semaphore(%arg11 : memref<!tpu.dma_semaphore, #tpu.memory_space<semaphore_mem>>) src(%dma_wait3A_301 : memref<100000x64xf32, #tpu.memory_space<hbm>>) dst(%dma_wait3A_295 : memref<128x64xf32, #tpu.memory_space<vmem>>)
    %dma_wait3A_302 = arith.constant 11 : i32
    %dma_wait3A_303 = arith.constant 384 : i32
    %dma_wait3A_304 = arith.constant 0 : i32
    %dma_wait3A_305 = tpu.memref_slice %arg9[%dma_wait3A_303, %dma_wait3A_304] : memref<1024x64xf32, #tpu.memory_space<vmem>> -> memref<128x64xf32, #tpu.memory_space<vmem>>
    %dma_wait3A_306 = arith.constant 0 : i32
    %dma_wait3A_307 = tpu.memref_slice %arg6[%dma_wait3A_302, %dma_wait3A_306] : memref<16x128xi32, #tpu.memory_space<vmem>> -> memref<1x128xi32, #tpu.memory_space<vmem>>
    %dma_wait3A_308 = tpu.memref_squeeze %dma_wait3A_307 : memref<1x128xi32, #tpu.memory_space<vmem>> -> memref<128xi32, #tpu.memory_space<vmem>>
    %dma_wait3A_309 = arith.constant 0 : i32
    %dma_wait3A_310 = arith.constant 0 : i32
    %dma_wait3A_311 = tpu.memref_slice %arg3[%dma_wait3A_309, %dma_wait3A_310] : memref<100000x64xf32, #tpu.memory_space<hbm>> -> memref<100000x64xf32, #tpu.memory_space<hbm>>
    tpu.wait_indirect_dma semaphore(%arg11 : memref<!tpu.dma_semaphore, #tpu.memory_space<semaphore_mem>>) src(%dma_wait3A_311 : memref<100000x64xf32, #tpu.memory_space<hbm>>) dst(%dma_wait3A_305 : memref<128x64xf32, #tpu.memory_space<vmem>>)
    %dma_wait3A_312 = arith.constant 12 : i32
    %dma_wait3A_313 = arith.constant 512 : i32
    %dma_wait3A_314 = arith.constant 0 : i32
    %dma_wait3A_315 = tpu.memref_slice %arg9[%dma_wait3A_313, %dma_wait3A_314] : memref<1024x64xf32, #tpu.memory_space<vmem>> -> memref<128x64xf32, #tpu.memory_space<vmem>>
    %dma_wait3A_316 = arith.constant 0 : i32
    %dma_wait3A_317 = tpu.memref_slice %arg6[%dma_wait3A_312, %dma_wait3A_316] : memref<16x128xi32, #tpu.memory_space<vmem>> -> memref<1x128xi32, #tpu.memory_space<vmem>>
    %dma_wait3A_318 = tpu.memref_squeeze %dma_wait3A_317 : memref<1x128xi32, #tpu.memory_space<vmem>> -> memref<128xi32, #tpu.memory_space<vmem>>
    %dma_wait3A_319 = arith.constant 0 : i32
    %dma_wait3A_320 = arith.constant 0 : i32
    %dma_wait3A_321 = tpu.memref_slice %arg3[%dma_wait3A_319, %dma_wait3A_320] : memref<100000x64xf32, #tpu.memory_space<hbm>> -> memref<100000x64xf32, #tpu.memory_space<hbm>>
    tpu.wait_indirect_dma semaphore(%arg11 : memref<!tpu.dma_semaphore, #tpu.memory_space<semaphore_mem>>) src(%dma_wait3A_321 : memref<100000x64xf32, #tpu.memory_space<hbm>>) dst(%dma_wait3A_315 : memref<128x64xf32, #tpu.memory_space<vmem>>)
    %dma_wait3A_322 = arith.constant 13 : i32
    %dma_wait3A_323 = arith.constant 640 : i32
    %dma_wait3A_324 = arith.constant 0 : i32
    %dma_wait3A_325 = tpu.memref_slice %arg9[%dma_wait3A_323, %dma_wait3A_324] : memref<1024x64xf32, #tpu.memory_space<vmem>> -> memref<128x64xf32, #tpu.memory_space<vmem>>
    %dma_wait3A_326 = arith.constant 0 : i32
    %dma_wait3A_327 = tpu.memref_slice %arg6[%dma_wait3A_322, %dma_wait3A_326] : memref<16x128xi32, #tpu.memory_space<vmem>> -> memref<1x128xi32, #tpu.memory_space<vmem>>
    %dma_wait3A_328 = tpu.memref_squeeze %dma_wait3A_327 : memref<1x128xi32, #tpu.memory_space<vmem>> -> memref<128xi32, #tpu.memory_space<vmem>>
    %dma_wait3A_329 = arith.constant 0 : i32
    %dma_wait3A_330 = arith.constant 0 : i32
    %dma_wait3A_331 = tpu.memref_slice %arg3[%dma_wait3A_329, %dma_wait3A_330] : memref<100000x64xf32, #tpu.memory_space<hbm>> -> memref<100000x64xf32, #tpu.memory_space<hbm>>
    tpu.wait_indirect_dma semaphore(%arg11 : memref<!tpu.dma_semaphore, #tpu.memory_space<semaphore_mem>>) src(%dma_wait3A_331 : memref<100000x64xf32, #tpu.memory_space<hbm>>) dst(%dma_wait3A_325 : memref<128x64xf32, #tpu.memory_space<vmem>>)
    %dma_wait3A_332 = arith.constant 14 : i32
    %dma_wait3A_333 = arith.constant 768 : i32
    %dma_wait3A_334 = arith.constant 0 : i32
    %dma_wait3A_335 = tpu.memref_slice %arg9[%dma_wait3A_333, %dma_wait3A_334] : memref<1024x64xf32, #tpu.memory_space<vmem>> -> memref<128x64xf32, #tpu.memory_space<vmem>>
    %dma_wait3A_336 = arith.constant 0 : i32
    %dma_wait3A_337 = tpu.memref_slice %arg6[%dma_wait3A_332, %dma_wait3A_336] : memref<16x128xi32, #tpu.memory_space<vmem>> -> memref<1x128xi32, #tpu.memory_space<vmem>>
    %dma_wait3A_338 = tpu.memref_squeeze %dma_wait3A_337 : memref<1x128xi32, #tpu.memory_space<vmem>> -> memref<128xi32, #tpu.memory_space<vmem>>
    %dma_wait3A_339 = arith.constant 0 : i32
    %dma_wait3A_340 = arith.constant 0 : i32
    %dma_wait3A_341 = tpu.memref_slice %arg3[%dma_wait3A_339, %dma_wait3A_340] : memref<100000x64xf32, #tpu.memory_space<hbm>> -> memref<100000x64xf32, #tpu.memory_space<hbm>>
    tpu.wait_indirect_dma semaphore(%arg11 : memref<!tpu.dma_semaphore, #tpu.memory_space<semaphore_mem>>) src(%dma_wait3A_341 : memref<100000x64xf32, #tpu.memory_space<hbm>>) dst(%dma_wait3A_335 : memref<128x64xf32, #tpu.memory_space<vmem>>)
    %dma_wait3A_342 = arith.constant 15 : i32
    %dma_wait3A_343 = arith.constant 896 : i32
    %dma_wait3A_344 = arith.constant 0 : i32
    %dma_wait3A_345 = tpu.memref_slice %arg9[%dma_wait3A_343, %dma_wait3A_344] : memref<1024x64xf32, #tpu.memory_space<vmem>> -> memref<128x64xf32, #tpu.memory_space<vmem>>
    %dma_wait3A_346 = arith.constant 0 : i32
    %dma_wait3A_347 = tpu.memref_slice %arg6[%dma_wait3A_342, %dma_wait3A_346] : memref<16x128xi32, #tpu.memory_space<vmem>> -> memref<1x128xi32, #tpu.memory_space<vmem>>
    %dma_wait3A_348 = tpu.memref_squeeze %dma_wait3A_347 : memref<1x128xi32, #tpu.memory_space<vmem>> -> memref<128xi32, #tpu.memory_space<vmem>>
    %dma_wait3A_349 = arith.constant 0 : i32
    %dma_wait3A_350 = arith.constant 0 : i32
    %dma_wait3A_351 = tpu.memref_slice %arg3[%dma_wait3A_349, %dma_wait3A_350] : memref<100000x64xf32, #tpu.memory_space<hbm>> -> memref<100000x64xf32, #tpu.memory_space<hbm>>
    tpu.wait_indirect_dma semaphore(%arg11 : memref<!tpu.dma_semaphore, #tpu.memory_space<semaphore_mem>>) src(%dma_wait3A_351 : memref<100000x64xf32, #tpu.memory_space<hbm>>) dst(%dma_wait3A_345 : memref<128x64xf32, #tpu.memory_space<vmem>>)
    %scan3A_352 = arith.constant 0 : i32
    %scan3A_353 = arith.constant 0 : i32
    %scan3A_354 = arith.constant 16 : i32
    %scan3A_355 = arith.addi %scan3A_353, %scan3A_354 : i32
    %scan3A_356 = arith.constant 1 : i32
    %scan3A_357 = scf.for %scan3A_359 = %scan3A_353 to %scan3A_355 step %scan3A_356 iter_args(%scan3A_360 = %scan3A_352) -> (i32)  : i32 {
      %add3A_361 = arith.constant 16 : i32
      %add3A_362 = arith.addi %add3A_361, %scan3A_359 : i32
      %broadcast_in_dim3A_363 = arith.constant 0.000000e+00 : f32
      %broadcast_in_dim3A_364 = vector.broadcast %broadcast_in_dim3A_363 : f32 to vector<16xf32>
      %broadcast_in_dim3A_365 = arith.constant 0.000000e+00 : f32
      %broadcast_in_dim3A_366 = vector.broadcast %broadcast_in_dim3A_365 : f32 to vector<16xf32>
      %broadcast_in_dim3A_367 = arith.constant 0.000000e+00 : f32
      %broadcast_in_dim3A_368 = vector.broadcast %broadcast_in_dim3A_367 : f32 to vector<16xf32>
      %broadcast_in_dim3A_369 = arith.constant 0.000000e+00 : f32
      %broadcast_in_dim3A_370 = vector.broadcast %broadcast_in_dim3A_369 : f32 to vector<16xf32>
      %scan3A_371 = arith.constant 0 : i32
      %scan3A_372 = arith.constant 64 : i32
      %scan3A_373 = arith.addi %scan3A_371, %scan3A_372 : i32
      %scan3A_374 = arith.constant 1 : i32
      %scan3A_375:4 = scf.for %scan3A_485 = %scan3A_371 to %scan3A_373 step %scan3A_374 iter_args(%scan3A_486 = %broadcast_in_dim3A_364, %scan3A_487 = %broadcast_in_dim3A_366, %scan3A_488 = %broadcast_in_dim3A_368, %scan3A_489 = %broadcast_in_dim3A_370) -> (vector<16xf32>, vector<16xf32>, vector<16xf32>, vector<16xf32>)  : i32 {
        %mul3A_490 = arith.constant 64 : i32
        %mul3A_491 = arith.muli %scan3A_359, %mul3A_490 : i32
        %add3A_492 = arith.addi %mul3A_491, %scan3A_485 : i32
        %get3A_493 = arith.index_cast %add3A_492 : i32 to index
        %get3A_494 = arith.constant 0 : index
        %get3A_495 = tpu.vector_load %arg9[%get3A_493, %get3A_494] {strides = array<i32>} : memref<1024x64xf32, #tpu.memory_space<vmem>>, vector<16xf32>,
        %add3A_496 = arith.addf %scan3A_486, %get3A_495 : vector<16xf32>
        %get3A_497 = arith.index_cast %add3A_492 : i32 to index
        %get3A_498 = arith.constant 16 : index
        %get3A_499 = tpu.vector_load %arg9[%get3A_497, %get3A_498] {strides = array<i32>} : memref<1024x64xf32, #tpu.memory_space<vmem>>, vector<16xf32>,
        %add3A_500 = arith.addf %scan3A_487, %get3A_499 : vector<16xf32>
        %get3A_501 = arith.index_cast %add3A_492 : i32 to index
        %get3A_502 = arith.constant 32 : index
        %get3A_503 = tpu.vector_load %arg9[%get3A_501, %get3A_502] {strides = array<i32>} : memref<1024x64xf32, #tpu.memory_space<vmem>>, vector<16xf32>,
        %add3A_504 = arith.addf %scan3A_488, %get3A_503 : vector<16xf32>
        %get3A_505 = arith.index_cast %add3A_492 : i32 to index
        %get3A_506 = arith.constant 48 : index
        %get3A_507 = tpu.vector_load %arg9[%get3A_505, %get3A_506] {strides = array<i32>} : memref<1024x64xf32, #tpu.memory_space<vmem>>, vector<16xf32>,
        %add3A_508 = arith.addf %scan3A_489, %get3A_507 : vector<16xf32>
        scf.yield %add3A_496, %add3A_500, %add3A_504, %add3A_508 : vector<16xf32>, vector<16xf32>, vector<16xf32>, vector<16xf32>
      }
      %scan3A_376 = arith.constant 64 : i32
      %get3A = arith.index_cast %add3A_362 : i32 to index
      %get3A_377 = arith.constant 0 : index
      %get3A_378 = tpu.vector_load %arg5[%get3A, %get3A_377] {strides = array<i32>} : memref<32x64xi32, #tpu.memory_space<vmem>>, vector<16xi32>,
      %ne3A = arith.constant 0 : i32
      %ne3A_379 = vector.broadcast %ne3A : i32 to vector<16xi32>
      %ne3A_380 = arith.cmpi ne, %get3A_378, %ne3A_379 : vector<16xi32>
      %jit3A = arith.constant 1.000000e+00 : f32
      %jit3A_381 = arith.constant 0.000000e+00 : f32
      %broadcast_in_dim3A_382 = vector.broadcast %jit3A : f32 to vector<16xf32>
      %broadcast_in_dim3A_383 = vector.broadcast %jit3A_381 : f32 to vector<16xf32>
      %select_n3A = arith.select %ne3A_380, %broadcast_in_dim3A_382, %broadcast_in_dim3A_383 : vector<16xi1>, vector<16xf32>
      %reduce_sum3A = arith.constant true
      %reduce_sum3A_384 = vector.broadcast %reduce_sum3A : i1 to vector<16xi1>
      %reduce_sum3A_385 = tpu.scan <sum>, %select_n3A masked %reduce_sum3A_384 : vector<16xf32>, vector<16xi1> -> vector<16xf32>
      %reduce_sum3A_386 = vector.extract %reduce_sum3A_385[15] : f32 from vector<16xf32>
      %add3A_387 = arith.constant 0.000000e+00 : f32
      %add3A_388 = arith.addf %add3A_387, %reduce_sum3A_386 : f32
      %get3A_389 = arith.index_cast %add3A_362 : i32 to index
      %get3A_390 = arith.constant 16 : index
      %get3A_391 = tpu.vector_load %arg5[%get3A_389, %get3A_390] {strides = array<i32>} : memref<32x64xi32, #tpu.memory_space<vmem>>, vector<16xi32>,
      %ne3A_392 = arith.constant 0 : i32
      %ne3A_393 = vector.broadcast %ne3A_392 : i32 to vector<16xi32>
      %ne3A_394 = arith.cmpi ne, %get3A_391, %ne3A_393 : vector<16xi32>
      %jit3A_395 = arith.constant 1.000000e+00 : f32
      %jit3A_396 = arith.constant 0.000000e+00 : f32
      %broadcast_in_dim3A_397 = vector.broadcast %jit3A_395 : f32 to vector<16xf32>
      %broadcast_in_dim3A_398 = vector.broadcast %jit3A_396 : f32 to vector<16xf32>
      %select_n3A_399 = arith.select %ne3A_394, %broadcast_in_dim3A_397, %broadcast_in_dim3A_398 : vector<16xi1>, vector<16xf32>
      %reduce_sum3A_400 = arith.constant true
      %reduce_sum3A_401 = vector.broadcast %reduce_sum3A_400 : i1 to vector<16xi1>
      %reduce_sum3A_402 = tpu.scan <sum>, %select_n3A_399 masked %reduce_sum3A_401 : vector<16xf32>, vector<16xi1> -> vector<16xf32>
      %reduce_sum3A_403 = vector.extract %reduce_sum3A_402[15] : f32 from vector<16xf32>
      %add3A_404 = arith.addf %add3A_388, %reduce_sum3A_403 : f32
      %get3A_405 = arith.index_cast %add3A_362 : i32 to index
      %get3A_406 = arith.constant 32 : index
      %get3A_407 = tpu.vector_load %arg5[%get3A_405, %get3A_406] {strides = array<i32>} : memref<32x64xi32, #tpu.memory_space<vmem>>, vector<16xi32>,
      %ne3A_408 = arith.constant 0 : i32
      %ne3A_409 = vector.broadcast %ne3A_408 : i32 to vector<16xi32>
      %ne3A_410 = arith.cmpi ne, %get3A_407, %ne3A_409 : vector<16xi32>
      %jit3A_411 = arith.constant 1.000000e+00 : f32
      %jit3A_412 = arith.constant 0.000000e+00 : f32
      %broadcast_in_dim3A_413 = vector.broadcast %jit3A_411 : f32 to vector<16xf32>
      %broadcast_in_dim3A_414 = vector.broadcast %jit3A_412 : f32 to vector<16xf32>
      %select_n3A_415 = arith.select %ne3A_410, %broadcast_in_dim3A_413, %broadcast_in_dim3A_414 : vector<16xi1>, vector<16xf32>
      %reduce_sum3A_416 = arith.constant true
      %reduce_sum3A_417 = vector.broadcast %reduce_sum3A_416 : i1 to vector<16xi1>
      %reduce_sum3A_418 = tpu.scan <sum>, %select_n3A_415 masked %reduce_sum3A_417 : vector<16xf32>, vector<16xi1> -> vector<16xf32>
      %reduce_sum3A_419 = vector.extract %reduce_sum3A_418[15] : f32 from vector<16xf32>
      %add3A_420 = arith.addf %add3A_404, %reduce_sum3A_419 : f32
      %get3A_421 = arith.index_cast %add3A_362 : i32 to index
      %get3A_422 = arith.constant 48 : index
      %get3A_423 = tpu.vector_load %arg5[%get3A_421, %get3A_422] {strides = array<i32>} : memref<32x64xi32, #tpu.memory_space<vmem>>, vector<16xi32>,
      %ne3A_424 = arith.constant 0 : i32
      %ne3A_425 = vector.broadcast %ne3A_424 : i32 to vector<16xi32>
      %ne3A_426 = arith.cmpi ne, %get3A_423, %ne3A_425 : vector<16xi32>
      %jit3A_427 = arith.constant 1.000000e+00 : f32
      %jit3A_428 = arith.constant 0.000000e+00 : f32
      %broadcast_in_dim3A_429 = vector.broadcast %jit3A_427 : f32 to vector<16xf32>
      %broadcast_in_dim3A_430 = vector.broadcast %jit3A_428 : f32 to vector<16xf32>
      %select_n3A_431 = arith.select %ne3A_426, %broadcast_in_dim3A_429, %broadcast_in_dim3A_430 : vector<16xi1>, vector<16xf32>
      %reduce_sum3A_432 = arith.constant true
      %reduce_sum3A_433 = vector.broadcast %reduce_sum3A_432 : i1 to vector<16xi1>
      %reduce_sum3A_434 = tpu.scan <sum>, %select_n3A_431 masked %reduce_sum3A_433 : vector<16xf32>, vector<16xi1> -> vector<16xf32>
      %reduce_sum3A_435 = vector.extract %reduce_sum3A_434[15] : f32 from vector<16xf32>
      %add3A_436 = arith.addf %add3A_420, %reduce_sum3A_435 : f32
      %broadcast_in_dim3A_437 = vector.broadcast %add3A_436 : f32 to vector<16xf32>
      %broadcast_in_dim3A_438 = arith.constant 1.000000e+00 : f32
      %broadcast_in_dim3A_439 = vector.broadcast %broadcast_in_dim3A_438 : f32 to vector<16xf32>
      %max3A = arith.constant 1.000000e+00 : f32
      %max3A_440 = vector.broadcast %max3A : f32 to vector<16xf32>
      %max3A_441 = arith.maximumf %broadcast_in_dim3A_437, %max3A_440 : vector<16xf32>
      %div3A = arith.divf %broadcast_in_dim3A_439, %max3A_441 : vector<16xf32>
      %sub3A = arith.constant 6.400000e+01 : f32
      %sub3A_442 = vector.broadcast %sub3A : f32 to vector<16xf32>
      %sub3A_443 = arith.subf %sub3A_442, %broadcast_in_dim3A_437 : vector<16xf32>
      %get3A_444 = arith.constant 0 : i32
      %get3A_445 = arith.index_cast %get3A_444 : i32 to index
      %get3A_446 = arith.constant 0 : index
      %get3A_447 = tpu.vector_load %arg8[%get3A_445, %get3A_446] {strides = array<i32>} : memref<16x64xf32, #tpu.memory_space<vmem>>, vector<16xf32>,
      %mul3A_448 = arith.mulf %sub3A_443, %get3A_447 : vector<16xf32>
      %sub3A_449 = arith.subf %scan3A_375#0, %mul3A_448 : vector<16xf32>
      %mul3A_450 = arith.mulf %sub3A_449, %div3A : vector<16xf32>
      %swap3A_451 = arith.index_cast %add3A_362 : i32 to index
      %swap3A_452 = arith.constant 0 : index
      %swap3A_453 = tpu.vector_load %arg10[%swap3A_451, %swap3A_452] {strides = array<i32>} : memref<32x64xf32, #tpu.memory_space<vmem>>, vector<16xf32>,
      tpu.vector_store %arg10[%swap3A_451, %swap3A_452], %mul3A_450 {strides = array<i32>} : memref<32x64xf32, #tpu.memory_space<vmem>>, vector<16xf32>,
      %get3A_454 = arith.constant 0 : i32
      %get3A_455 = arith.index_cast %get3A_454 : i32 to index
      %get3A_456 = arith.constant 16 : index
      %get3A_457 = tpu.vector_load %arg8[%get3A_455, %get3A_456] {strides = array<i32>} : memref<16x64xf32, #tpu.memory_space<vmem>>, vector<16xf32>,
      %mul3A_458 = arith.mulf %sub3A_443, %get3A_457 : vector<16xf32>
      %sub3A_459 = arith.subf %scan3A_375#1, %mul3A_458 : vector<16xf32>
      %mul3A_460 = arith.mulf %sub3A_459, %div3A : vector<16xf32>
      %swap3A_461 = arith.index_cast %add3A_362 : i32 to index
      %swap3A_462 = arith.constant 16 : index
      %swap3A_463 = tpu.vector_load %arg10[%swap3A_461, %swap3A_462] {strides = array<i32>} : memref<32x64xf32, #tpu.memory_space<vmem>>, vector<16xf32>,
      tpu.vector_store %arg10[%swap3A_461, %swap3A_462], %mul3A_460 {strides = array<i32>} : memref<32x64xf32, #tpu.memory_space<vmem>>, vector<16xf32>,
      %get3A_464 = arith.constant 0 : i32
      %get3A_465 = arith.index_cast %get3A_464 : i32 to index
      %get3A_466 = arith.constant 32 : index
      %get3A_467 = tpu.vector_load %arg8[%get3A_465, %get3A_466] {strides = array<i32>} : memref<16x64xf32, #tpu.memory_space<vmem>>, vector<16xf32>,
      %mul3A_468 = arith.mulf %sub3A_443, %get3A_467 : vector<16xf32>
      %sub3A_469 = arith.subf %scan3A_375#2, %mul3A_468 : vector<16xf32>
      %mul3A_470 = arith.mulf %sub3A_469, %div3A : vector<16xf32>
      %swap3A_471 = arith.index_cast %add3A_362 : i32 to index
      %swap3A_472 = arith.constant 32 : index
      %swap3A_473 = tpu.vector_load %arg10[%swap3A_471, %swap3A_472] {strides = array<i32>} : memref<32x64xf32, #tpu.memory_space<vmem>>, vector<16xf32>,
      tpu.vector_store %arg10[%swap3A_471, %swap3A_472], %mul3A_470 {strides = array<i32>} : memref<32x64xf32, #tpu.memory_space<vmem>>, vector<16xf32>,
      %get3A_474 = arith.constant 0 : i32
      %get3A_475 = arith.index_cast %get3A_474 : i32 to index
      %get3A_476 = arith.constant 48 : index
      %get3A_477 = tpu.vector_load %arg8[%get3A_475, %get3A_476] {strides = array<i32>} : memref<16x64xf32, #tpu.memory_space<vmem>>, vector<16xf32>,
      %mul3A_478 = arith.mulf %sub3A_443, %get3A_477 : vector<16xf32>
      %sub3A_479 = arith.subf %scan3A_375#3, %mul3A_478 : vector<16xf32>
      %mul3A_480 = arith.mulf %sub3A_479, %div3A : vector<16xf32>
      %swap3A_481 = arith.index_cast %add3A_362 : i32 to index
      %swap3A_482 = arith.constant 48 : index
      %swap3A_483 = tpu.vector_load %arg10[%swap3A_481, %swap3A_482] {strides = array<i32>} : memref<32x64xf32, #tpu.memory_space<vmem>>, vector<16xf32>,
      tpu.vector_store %arg10[%swap3A_481, %swap3A_482], %mul3A_480 {strides = array<i32>} : memref<32x64xf32, #tpu.memory_space<vmem>>, vector<16xf32>,
      %scan3A_484 = arith.constant 0 : i32
      scf.yield %scan3A_484 : i32
    }
    %scan3A_358 = arith.constant 16 : i32
    "tpu.region"() ({
      %run_scoped3A = tpu.sem_alloc : memref<!tpu.dma_semaphore, #tpu.memory_space<semaphore_mem>>
      %dma_start3A_359 = arith.constant 0 : i32
      %dma_start3A_360 = tpu.memref_slice %arg4[%mul3A_2, %dma_start3A_359] : memref<1024x64xf32, #tpu.memory_space<hbm>> -> memref<32x64xf32, #tpu.memory_space<hbm>>
      %dma_start3A_361 = arith.constant 0 : i32
      %dma_start3A_362 = tpu.memref_slice %arg4[%mul3A_2, %dma_start3A_361] : memref<1024x64xf32, #tpu.memory_space<hbm>> -> memref<32x64xf32, #tpu.memory_space<hbm>>
      tpu.enqueue_dma source(%arg10 : memref<32x64xf32, #tpu.memory_space<vmem>>) target(%dma_start3A_362 : memref<32x64xf32, #tpu.memory_space<hbm>>) target_semaphore(%run_scoped3A : memref<!tpu.dma_semaphore, #tpu.memory_space<semaphore_mem>>)
      %dma_wait3A_363 = arith.constant 0 : i32
      %dma_wait3A_364 = tpu.memref_slice %arg4[%mul3A_2, %dma_wait3A_363] : memref<1024x64xf32, #tpu.memory_space<hbm>> -> memref<32x64xf32, #tpu.memory_space<hbm>>
      %dma_wait3A_365 = arith.constant 0 : i32
      %dma_wait3A_366 = tpu.memref_slice %arg4[%mul3A_2, %dma_wait3A_365] : memref<1024x64xf32, #tpu.memory_space<hbm>> -> memref<32x64xf32, #tpu.memory_space<hbm>>
      tpu.wait_dma2 semaphore(%run_scoped3A : memref<!tpu.dma_semaphore, #tpu.memory_space<semaphore_mem>>) src(%arg10 : memref<32x64xf32, #tpu.memory_space<vmem>>) dst(%dma_wait3A_366 : memref<32x64xf32, #tpu.memory_space<hbm>>)
      tpu.yield
    }) : () -> ()
    return
  }
}

#map = affine_map<(d0, d1) -> (0, 0)>
#map1 = affine_map<(d0, d1) -> (0)>
module attributes {stable_mosaic.version = 14 : i64} {
  func.func @_retrieve_sc(%arg0: i32, %arg1: i32, %arg2: memref<802816x128xf32, #tpu.memory_space<hbm>>, %arg3: memref<1024x16xi32, #tpu.memory_space<hbm>>, %arg4: memref<100000x64xf32, #tpu.memory_space<hbm>>, %arg5: memref<64xf32, #tpu.memory_space<hbm>>, %arg6: memref<1024x64xf32, #tpu.memory_space<hbm>>, %arg7: memref<32x16xi32, #tpu.memory_space<vmem>>, %arg8: memref<4x128xi32, #tpu.memory_space<vmem>>, %arg9: memref<8x16xi32, #tpu.memory_space<vmem>>, %arg10: memref<512x128xf32, #tpu.memory_space<vmem>>, %arg11: memref<512x64xf32, #tpu.memory_space<vmem>>, %arg12: memref<64xf32, #tpu.memory_space<vmem>>, %arg13: memref<32x64xf32, #tpu.memory_space<vmem>>, %arg14: memref<!tpu.dma_semaphore, #tpu.memory_space<semaphore_mem>>) attributes {dimension_semantics = [#tpu.dimension_semantics<core_parallel>, #tpu.dimension_semantics<subcore_parallel>], iteration_bounds = array<i64: 2, 16>, scalar_prefetch = 0 : i64, scratch_operands = 8 : i64, tpu.core_type = #tpu.core_type<sc_vector_subcore>, window_params = [{transform_indices = #map}, {transform_indices = #map}, {transform_indices = #map}, {transform_indices = #map1}, {transform_indices = #map}]} {
    %mul3A = arith.constant 2 : i32
    %mul3A_0 = arith.muli %arg1, %mul3A : i32
    %add3A = arith.addi %mul3A_0, %arg0 : i32
    %mul3A_1 = arith.constant 32 : i32
    %mul3A_2 = arith.muli %add3A, %mul3A_1 : i32
    "tpu.region"() ({
      %run_scoped3A = tpu.sem_alloc : memref<!tpu.dma_semaphore, #tpu.memory_space<semaphore_mem>>
      %dma_start3A_94 = arith.constant 0 : i32
      %dma_start3A_95 = tpu.memref_slice %arg3[%mul3A_2, %dma_start3A_94] : memref<1024x16xi32, #tpu.memory_space<hbm>> -> memref<32x16xi32, #tpu.memory_space<hbm>>
      %dma_start3A_96 = arith.constant 0 : i32
      %dma_start3A_97 = tpu.memref_slice %arg3[%mul3A_2, %dma_start3A_96] : memref<1024x16xi32, #tpu.memory_space<hbm>> -> memref<32x16xi32, #tpu.memory_space<hbm>>
      tpu.enqueue_dma source(%dma_start3A_97 : memref<32x16xi32, #tpu.memory_space<hbm>>) target(%arg7 : memref<32x16xi32, #tpu.memory_space<vmem>>) target_semaphore(%run_scoped3A : memref<!tpu.dma_semaphore, #tpu.memory_space<semaphore_mem>>)
      %dma_wait3A_98 = arith.constant 0 : i32
      %dma_wait3A_99 = tpu.memref_slice %arg3[%mul3A_2, %dma_wait3A_98] : memref<1024x16xi32, #tpu.memory_space<hbm>> -> memref<32x16xi32, #tpu.memory_space<hbm>>
      %dma_wait3A_100 = arith.constant 0 : i32
      %dma_wait3A_101 = tpu.memref_slice %arg3[%mul3A_2, %dma_wait3A_100] : memref<1024x16xi32, #tpu.memory_space<hbm>> -> memref<32x16xi32, #tpu.memory_space<hbm>>
      tpu.wait_dma2 semaphore(%run_scoped3A : memref<!tpu.dma_semaphore, #tpu.memory_space<semaphore_mem>>) src(%dma_wait3A_101 : memref<32x16xi32, #tpu.memory_space<hbm>>) dst(%arg7 : memref<32x16xi32, #tpu.memory_space<vmem>>)
      tpu.yield
    }) : () -> ()
    "tpu.region"() ({
      %run_scoped3A = tpu.sem_alloc : memref<!tpu.dma_semaphore, #tpu.memory_space<semaphore_mem>>
      tpu.enqueue_dma source(%arg5 : memref<64xf32, #tpu.memory_space<hbm>>) target(%arg12 : memref<64xf32, #tpu.memory_space<vmem>>) target_semaphore(%run_scoped3A : memref<!tpu.dma_semaphore, #tpu.memory_space<semaphore_mem>>)
      tpu.wait_dma2 semaphore(%run_scoped3A : memref<!tpu.dma_semaphore, #tpu.memory_space<semaphore_mem>>) src(%arg5 : memref<64xf32, #tpu.memory_space<hbm>>) dst(%arg12 : memref<64xf32, #tpu.memory_space<vmem>>)
      tpu.yield
    }) : () -> ()
    %scan3A = arith.constant 0 : i32
    %scan3A_3 = arith.constant 0 : i32
    %scan3A_4 = arith.constant 32 : i32
    %scan3A_5 = arith.addi %scan3A_3, %scan3A_4 : i32
    %scan3A_6 = arith.constant 1 : i32
    %scan3A_7 = scf.for %scan3A_94 = %scan3A_3 to %scan3A_5 step %scan3A_6 iter_args(%scan3A_95 = %scan3A) -> (i32)  : i32 {
      %get3A = arith.index_cast %scan3A_94 : i32 to index
      %get3A_96 = arith.constant 0 : index
      %get3A_97 = tpu.vector_load %arg7[%get3A, %get3A_96] {strides = array<i32>} : memref<32x16xi32, #tpu.memory_space<vmem>>, vector<16xi32>,
      %add3A_98 = arith.addi %mul3A_2, %scan3A_94 : i32
      %mul3A_99 = arith.constant 784 : i32
      %mul3A_100 = arith.muli %add3A_98, %mul3A_99 : i32
      %add3A_101 = vector.broadcast %mul3A_100 : i32 to vector<16xi32>
      %add3A_102 = arith.addi %get3A_97, %add3A_101 : vector<16xi32>
      %jit3A = arith.constant 8 : i32
      %div3A = arith.divsi %scan3A_94, %jit3A : i32
      %sign3A = arith.constant 0 : i32
      %sign3A_103 = arith.cmpi sgt, %scan3A_94, %sign3A : i32
      %sign3A_104 = arith.extui %sign3A_103 : i1 to i32
      %sign3A_105 = arith.constant 0 : i32
      %sign3A_106 = arith.cmpi slt, %scan3A_94, %sign3A_105 : i32
      %sign3A_107 = arith.extui %sign3A_106 : i1 to i32
      %sign3A_108 = arith.subi %sign3A_104, %sign3A_107 : i32
      %sign3A_109 = arith.constant 0 : i32
      %sign3A_110 = arith.cmpi sgt, %jit3A, %sign3A_109 : i32
      %sign3A_111 = arith.extui %sign3A_110 : i1 to i32
      %sign3A_112 = arith.constant 0 : i32
      %sign3A_113 = arith.cmpi slt, %jit3A, %sign3A_112 : i32
      %sign3A_114 = arith.extui %sign3A_113 : i1 to i32
      %sign3A_115 = arith.subi %sign3A_111, %sign3A_114 : i32
      %ne3A = arith.cmpi ne, %sign3A_108, %sign3A_115 : i32
      %rem3A = arith.remsi %scan3A_94, %jit3A : i32
      %ne3A_116 = arith.constant 0 : i32
      %ne3A_117 = arith.cmpi ne, %rem3A, %ne3A_116 : i32
      %and3A = arith.andi %ne3A, %ne3A_117 : i1
      %sub3A = arith.constant 1 : i32
      %sub3A_118 = arith.subi %div3A, %sub3A : i32
      %select_n3A = arith.select %and3A, %sub3A_118, %div3A : i32
      %jit3A_119 = arith.constant 8 : i32
      %eq3A = arith.constant 0 : i32
      %eq3A_120 = arith.cmpi eq, %jit3A_119, %eq3A : i32
      %jit3A_121 = arith.constant 1 : i32
      %select_n3A_122 = arith.select %eq3A_120, %jit3A_121, %jit3A_119 : i32
      %rem3A_123 = arith.remsi %scan3A_94, %select_n3A_122 : i32
      %ne3A_124 = arith.constant 0 : i32
      %ne3A_125 = arith.cmpi ne, %rem3A_123, %ne3A_124 : i32
      %lt3A = arith.constant 0 : i32
      %lt3A_126 = arith.cmpi slt, %rem3A_123, %lt3A : i32
      %lt3A_127 = arith.constant 0 : i32
      %lt3A_128 = arith.cmpi slt, %select_n3A_122, %lt3A_127 : i32
      %ne3A_129 = arith.xori %lt3A_126, %lt3A_128 : i1
      %and3A_130 = arith.andi %ne3A_129, %ne3A_125 : i1
      %add3A_131 = arith.addi %rem3A_123, %select_n3A_122 : i32
      %select_n3A_132 = arith.select %and3A_130, %add3A_131, %rem3A_123 : i32
      %mul3A_133 = arith.constant 16 : i32
      %mul3A_134 = arith.muli %select_n3A_132, %mul3A_133 : i32
      %swap3A = arith.index_cast %select_n3A : i32 to index
      %swap3A_135 = arith.index_cast %mul3A_134 : i32 to index
      %swap3A_136 = tpu.vector_load %arg8[%swap3A, %swap3A_135] {strides = array<i32>} : memref<4x128xi32, #tpu.memory_space<vmem>>, vector<16xi32>,
      tpu.vector_store %arg8[%swap3A, %swap3A_135], %add3A_102 {strides = array<i32>} : memref<4x128xi32, #tpu.memory_space<vmem>>, vector<16xi32>,
      %scan3A_137 = arith.constant 0 : i32
      scf.yield %scan3A_137 : i32
    }
    %scan3A_8 = arith.constant 32 : i32
    %dma_start3A = arith.constant 0 : i32
    %dma_start3A_9 = arith.constant 0 : i32
    %dma_start3A_10 = arith.constant 0 : i32
    %dma_start3A_11 = tpu.memref_slice %arg10[%dma_start3A_9, %dma_start3A_10] : memref<512x128xf32, #tpu.memory_space<vmem>> -> memref<128x128xf32, #tpu.memory_space<vmem>>
    %dma_start3A_12 = arith.constant 0 : i32
    %dma_start3A_13 = tpu.memref_slice %arg8[%dma_start3A, %dma_start3A_12] : memref<4x128xi32, #tpu.memory_space<vmem>> -> memref<1x128xi32, #tpu.memory_space<vmem>>
    %dma_start3A_14 = tpu.memref_squeeze %dma_start3A_13 : memref<1x128xi32, #tpu.memory_space<vmem>> -> memref<128xi32, #tpu.memory_space<vmem>>
    %dma_start3A_15 = arith.constant 0 : i32
    %dma_start3A_16 = arith.constant 0 : i32
    %dma_start3A_17 = tpu.memref_slice %arg2[%dma_start3A_15, %dma_start3A_16] : memref<802816x128xf32, #tpu.memory_space<hbm>> -> memref<802816x128xf32, #tpu.memory_space<hbm>>
    tpu.enqueue_indirect_dma source(%dma_start3A_17 : memref<802816x128xf32, #tpu.memory_space<hbm>>) target(%dma_start3A_11 : memref<128x128xf32, #tpu.memory_space<vmem>>) offsets(%dma_start3A_14 : memref<128xi32, #tpu.memory_space<vmem>>) semaphore(%arg14 : memref<!tpu.dma_semaphore, #tpu.memory_space<semaphore_mem>>)
    %dma_start3A_18 = arith.constant 1 : i32
    %dma_start3A_19 = arith.constant 128 : i32
    %dma_start3A_20 = arith.constant 0 : i32
    %dma_start3A_21 = tpu.memref_slice %arg10[%dma_start3A_19, %dma_start3A_20] : memref<512x128xf32, #tpu.memory_space<vmem>> -> memref<128x128xf32, #tpu.memory_space<vmem>>
    %dma_start3A_22 = arith.constant 0 : i32
    %dma_start3A_23 = tpu.memref_slice %arg8[%dma_start3A_18, %dma_start3A_22] : memref<4x128xi32, #tpu.memory_space<vmem>> -> memref<1x128xi32, #tpu.memory_space<vmem>>
    %dma_start3A_24 = tpu.memref_squeeze %dma_start3A_23 : memref<1x128xi32, #tpu.memory_space<vmem>> -> memref<128xi32, #tpu.memory_space<vmem>>
    %dma_start3A_25 = arith.constant 0 : i32
    %dma_start3A_26 = arith.constant 0 : i32
    %dma_start3A_27 = tpu.memref_slice %arg2[%dma_start3A_25, %dma_start3A_26] : memref<802816x128xf32, #tpu.memory_space<hbm>> -> memref<802816x128xf32, #tpu.memory_space<hbm>>
    tpu.enqueue_indirect_dma source(%dma_start3A_27 : memref<802816x128xf32, #tpu.memory_space<hbm>>) target(%dma_start3A_21 : memref<128x128xf32, #tpu.memory_space<vmem>>) offsets(%dma_start3A_24 : memref<128xi32, #tpu.memory_space<vmem>>) semaphore(%arg14 : memref<!tpu.dma_semaphore, #tpu.memory_space<semaphore_mem>>)
    %dma_start3A_28 = arith.constant 2 : i32
    %dma_start3A_29 = arith.constant 256 : i32
    %dma_start3A_30 = arith.constant 0 : i32
    %dma_start3A_31 = tpu.memref_slice %arg10[%dma_start3A_29, %dma_start3A_30] : memref<512x128xf32, #tpu.memory_space<vmem>> -> memref<128x128xf32, #tpu.memory_space<vmem>>
    %dma_start3A_32 = arith.constant 0 : i32
    %dma_start3A_33 = tpu.memref_slice %arg8[%dma_start3A_28, %dma_start3A_32] : memref<4x128xi32, #tpu.memory_space<vmem>> -> memref<1x128xi32, #tpu.memory_space<vmem>>
    %dma_start3A_34 = tpu.memref_squeeze %dma_start3A_33 : memref<1x128xi32, #tpu.memory_space<vmem>> -> memref<128xi32, #tpu.memory_space<vmem>>
    %dma_start3A_35 = arith.constant 0 : i32
    %dma_start3A_36 = arith.constant 0 : i32
    %dma_start3A_37 = tpu.memref_slice %arg2[%dma_start3A_35, %dma_start3A_36] : memref<802816x128xf32, #tpu.memory_space<hbm>> -> memref<802816x128xf32, #tpu.memory_space<hbm>>
    tpu.enqueue_indirect_dma source(%dma_start3A_37 : memref<802816x128xf32, #tpu.memory_space<hbm>>) target(%dma_start3A_31 : memref<128x128xf32, #tpu.memory_space<vmem>>) offsets(%dma_start3A_34 : memref<128xi32, #tpu.memory_space<vmem>>) semaphore(%arg14 : memref<!tpu.dma_semaphore, #tpu.memory_space<semaphore_mem>>)
    %dma_start3A_38 = arith.constant 3 : i32
    %dma_start3A_39 = arith.constant 384 : i32
    %dma_start3A_40 = arith.constant 0 : i32
    %dma_start3A_41 = tpu.memref_slice %arg10[%dma_start3A_39, %dma_start3A_40] : memref<512x128xf32, #tpu.memory_space<vmem>> -> memref<128x128xf32, #tpu.memory_space<vmem>>
    %dma_start3A_42 = arith.constant 0 : i32
    %dma_start3A_43 = tpu.memref_slice %arg8[%dma_start3A_38, %dma_start3A_42] : memref<4x128xi32, #tpu.memory_space<vmem>> -> memref<1x128xi32, #tpu.memory_space<vmem>>
    %dma_start3A_44 = tpu.memref_squeeze %dma_start3A_43 : memref<1x128xi32, #tpu.memory_space<vmem>> -> memref<128xi32, #tpu.memory_space<vmem>>
    %dma_start3A_45 = arith.constant 0 : i32
    %dma_start3A_46 = arith.constant 0 : i32
    %dma_start3A_47 = tpu.memref_slice %arg2[%dma_start3A_45, %dma_start3A_46] : memref<802816x128xf32, #tpu.memory_space<hbm>> -> memref<802816x128xf32, #tpu.memory_space<hbm>>
    tpu.enqueue_indirect_dma source(%dma_start3A_47 : memref<802816x128xf32, #tpu.memory_space<hbm>>) target(%dma_start3A_41 : memref<128x128xf32, #tpu.memory_space<vmem>>) offsets(%dma_start3A_44 : memref<128xi32, #tpu.memory_space<vmem>>) semaphore(%arg14 : memref<!tpu.dma_semaphore, #tpu.memory_space<semaphore_mem>>)
    %dma_wait3A = arith.constant 0 : i32
    %dma_wait3A_48 = arith.constant 0 : i32
    %dma_wait3A_49 = arith.constant 0 : i32
    %dma_wait3A_50 = tpu.memref_slice %arg10[%dma_wait3A_48, %dma_wait3A_49] : memref<512x128xf32, #tpu.memory_space<vmem>> -> memref<128x128xf32, #tpu.memory_space<vmem>>
    %dma_wait3A_51 = arith.constant 0 : i32
    %dma_wait3A_52 = tpu.memref_slice %arg8[%dma_wait3A, %dma_wait3A_51] : memref<4x128xi32, #tpu.memory_space<vmem>> -> memref<1x128xi32, #tpu.memory_space<vmem>>
    %dma_wait3A_53 = tpu.memref_squeeze %dma_wait3A_52 : memref<1x128xi32, #tpu.memory_space<vmem>> -> memref<128xi32, #tpu.memory_space<vmem>>
    %dma_wait3A_54 = arith.constant 0 : i32
    %dma_wait3A_55 = arith.constant 0 : i32
    %dma_wait3A_56 = tpu.memref_slice %arg2[%dma_wait3A_54, %dma_wait3A_55] : memref<802816x128xf32, #tpu.memory_space<hbm>> -> memref<802816x128xf32, #tpu.memory_space<hbm>>
    tpu.wait_indirect_dma semaphore(%arg14 : memref<!tpu.dma_semaphore, #tpu.memory_space<semaphore_mem>>) src(%dma_wait3A_56 : memref<802816x128xf32, #tpu.memory_space<hbm>>) dst(%dma_wait3A_50 : memref<128x128xf32, #tpu.memory_space<vmem>>)
    %dma_wait3A_57 = arith.constant 1 : i32
    %dma_wait3A_58 = arith.constant 128 : i32
    %dma_wait3A_59 = arith.constant 0 : i32
    %dma_wait3A_60 = tpu.memref_slice %arg10[%dma_wait3A_58, %dma_wait3A_59] : memref<512x128xf32, #tpu.memory_space<vmem>> -> memref<128x128xf32, #tpu.memory_space<vmem>>
    %dma_wait3A_61 = arith.constant 0 : i32
    %dma_wait3A_62 = tpu.memref_slice %arg8[%dma_wait3A_57, %dma_wait3A_61] : memref<4x128xi32, #tpu.memory_space<vmem>> -> memref<1x128xi32, #tpu.memory_space<vmem>>
    %dma_wait3A_63 = tpu.memref_squeeze %dma_wait3A_62 : memref<1x128xi32, #tpu.memory_space<vmem>> -> memref<128xi32, #tpu.memory_space<vmem>>
    %dma_wait3A_64 = arith.constant 0 : i32
    %dma_wait3A_65 = arith.constant 0 : i32
    %dma_wait3A_66 = tpu.memref_slice %arg2[%dma_wait3A_64, %dma_wait3A_65] : memref<802816x128xf32, #tpu.memory_space<hbm>> -> memref<802816x128xf32, #tpu.memory_space<hbm>>
    tpu.wait_indirect_dma semaphore(%arg14 : memref<!tpu.dma_semaphore, #tpu.memory_space<semaphore_mem>>) src(%dma_wait3A_66 : memref<802816x128xf32, #tpu.memory_space<hbm>>) dst(%dma_wait3A_60 : memref<128x128xf32, #tpu.memory_space<vmem>>)
    %dma_wait3A_67 = arith.constant 2 : i32
    %dma_wait3A_68 = arith.constant 256 : i32
    %dma_wait3A_69 = arith.constant 0 : i32
    %dma_wait3A_70 = tpu.memref_slice %arg10[%dma_wait3A_68, %dma_wait3A_69] : memref<512x128xf32, #tpu.memory_space<vmem>> -> memref<128x128xf32, #tpu.memory_space<vmem>>
    %dma_wait3A_71 = arith.constant 0 : i32
    %dma_wait3A_72 = tpu.memref_slice %arg8[%dma_wait3A_67, %dma_wait3A_71] : memref<4x128xi32, #tpu.memory_space<vmem>> -> memref<1x128xi32, #tpu.memory_space<vmem>>
    %dma_wait3A_73 = tpu.memref_squeeze %dma_wait3A_72 : memref<1x128xi32, #tpu.memory_space<vmem>> -> memref<128xi32, #tpu.memory_space<vmem>>
    %dma_wait3A_74 = arith.constant 0 : i32
    %dma_wait3A_75 = arith.constant 0 : i32
    %dma_wait3A_76 = tpu.memref_slice %arg2[%dma_wait3A_74, %dma_wait3A_75] : memref<802816x128xf32, #tpu.memory_space<hbm>> -> memref<802816x128xf32, #tpu.memory_space<hbm>>
    tpu.wait_indirect_dma semaphore(%arg14 : memref<!tpu.dma_semaphore, #tpu.memory_space<semaphore_mem>>) src(%dma_wait3A_76 : memref<802816x128xf32, #tpu.memory_space<hbm>>) dst(%dma_wait3A_70 : memref<128x128xf32, #tpu.memory_space<vmem>>)
    %dma_wait3A_77 = arith.constant 3 : i32
    %dma_wait3A_78 = arith.constant 384 : i32
    %dma_wait3A_79 = arith.constant 0 : i32
    %dma_wait3A_80 = tpu.memref_slice %arg10[%dma_wait3A_78, %dma_wait3A_79] : memref<512x128xf32, #tpu.memory_space<vmem>> -> memref<128x128xf32, #tpu.memory_space<vmem>>
    %dma_wait3A_81 = arith.constant 0 : i32
    %dma_wait3A_82 = tpu.memref_slice %arg8[%dma_wait3A_77, %dma_wait3A_81] : memref<4x128xi32, #tpu.memory_space<vmem>> -> memref<1x128xi32, #tpu.memory_space<vmem>>
    %dma_wait3A_83 = tpu.memref_squeeze %dma_wait3A_82 : memref<1x128xi32, #tpu.memory_space<vmem>> -> memref<128xi32, #tpu.memory_space<vmem>>
    %dma_wait3A_84 = arith.constant 0 : i32
    %dma_wait3A_85 = arith.constant 0 : i32
    %dma_wait3A_86 = tpu.memref_slice %arg2[%dma_wait3A_84, %dma_wait3A_85] : memref<802816x128xf32, #tpu.memory_space<hbm>> -> memref<802816x128xf32, #tpu.memory_space<hbm>>
    tpu.wait_indirect_dma semaphore(%arg14 : memref<!tpu.dma_semaphore, #tpu.memory_space<semaphore_mem>>) src(%dma_wait3A_86 : memref<802816x128xf32, #tpu.memory_space<hbm>>) dst(%dma_wait3A_80 : memref<128x128xf32, #tpu.memory_space<vmem>>)
    %iota3A = tpu.iota {dimensions = array<i32: 0>} : vector<16xi32>
    %scan3A_87 = arith.constant 0 : i32
    %scan3A_88 = arith.constant 0 : i32
    %scan3A_89 = arith.constant 32 : i32
    %scan3A_90 = arith.addi %scan3A_88, %scan3A_89 : i32
    %scan3A_91 = arith.constant 1 : i32
    %scan3A_92 = scf.for %scan3A_94 = %scan3A_88 to %scan3A_90 step %scan3A_91 iter_args(%scan3A_95 = %scan3A_87) -> (i32)  : i32 {
      %get3A = arith.index_cast %scan3A_94 : i32 to index
      %get3A_96 = arith.constant 0 : index
      %get3A_97 = tpu.vector_load %arg7[%get3A, %get3A_96] {strides = array<i32>} : memref<32x16xi32, #tpu.memory_space<vmem>>, vector<16xi32>,
      %broadcast_in_dim3A = arith.constant -3.000000e+38 : f32
      %broadcast_in_dim3A_98 = vector.broadcast %broadcast_in_dim3A : f32 to vector<16xf32>
      %broadcast_in_dim3A_99 = arith.constant 0 : i32
      %broadcast_in_dim3A_100 = vector.broadcast %broadcast_in_dim3A_99 : i32 to vector<16xi32>
      %scan3A_101 = arith.constant 0 : i32
      %scan3A_102 = arith.constant 10 : i32
      %scan3A_103 = arith.addi %scan3A_101, %scan3A_102 : i32
      %scan3A_104 = arith.constant 1 : i32
      %scan3A_105:2 = scf.for %scan3A_1508 = %scan3A_101 to %scan3A_103 step %scan3A_104 iter_args(%scan3A_1509 = %broadcast_in_dim3A_98, %scan3A_1510 = %broadcast_in_dim3A_100) -> (vector<16xf32>, vector<16xi32>)  : i32 {
        %eq3A_1511 = vector.broadcast %scan3A_1508 : i32 to vector<16xi32>
        %eq3A_1512 = arith.cmpi eq, %iota3A, %eq3A_1511 : vector<16xi32>
        %jit3A_1513 = arith.constant 0 : i32
        %broadcast_in_dim3A_1514 = vector.broadcast %jit3A_1513 : i32 to vector<16xi32>
        %select_n3A_1515 = arith.select %eq3A_1512, %get3A_97, %broadcast_in_dim3A_1514 : vector<16xi1>, vector<16xi32>
        %reduce_sum3A_1516 = arith.constant true
        %reduce_sum3A_1517 = vector.broadcast %reduce_sum3A_1516 : i1 to vector<16xi1>
        %reduce_sum3A_1518 = tpu.scan <sum>, %select_n3A_1515 masked %reduce_sum3A_1517 : vector<16xi32>, vector<16xi1> -> vector<16xi32>
        %reduce_sum3A_1519 = vector.extract %reduce_sum3A_1518[15] : i32 from vector<16xi32>
        %mul3A_1520 = arith.constant 128 : i32
        %mul3A_1521 = arith.muli %reduce_sum3A_1519, %mul3A_1520 : i32
        %mul3A_1522 = arith.constant 16 : i32
        %mul3A_1523 = arith.muli %scan3A_94, %mul3A_1522 : i32
        %add3A_1524 = arith.addi %mul3A_1523, %scan3A_1508 : i32
        %get3A_1525 = arith.index_cast %add3A_1524 : i32 to index
        %get3A_1526 = arith.constant 0 : index
        %get3A_1527 = tpu.vector_load %arg10[%get3A_1525, %get3A_1526] {strides = array<i32>} : memref<512x128xf32, #tpu.memory_space<vmem>>, vector<16xf32>,
        %add3A_1528 = arith.constant 0 : i32
        %add3A_1529 = arith.addi %mul3A_1521, %add3A_1528 : i32
        %add3A_1530 = vector.broadcast %add3A_1529 : i32 to vector<16xi32>
        %add3A_1531 = arith.addi %add3A_1530, %iota3A : vector<16xi32>
        %masked_sort3A = arith.constant dense<true> : vector<16xi1>
        %masked_sort3A_1532, %masked_sort3A_1533, %masked_sort3A_1534 = tpu.sort %get3A_1527, %add3A_1531 masked %masked_sort3A : (vector<16xf32>, vector<16xi32>, vector<16xi1>) -> (vector<16xi1>, vector<16xf32>, vector<16xi32>)
        %ge3A = arith.cmpf oge, %scan3A_1509, %masked_sort3A_1533 : vector<16xf32>
        %max3A = arith.maximumf %scan3A_1509, %masked_sort3A_1533 : vector<16xf32>
        %select_n3A_1535 = arith.select %ge3A, %scan3A_1510, %masked_sort3A_1534 : vector<16xi1>, vector<16xi32>
        %masked_sort3A_1536 = arith.constant dense<true> : vector<16xi1>
        %masked_sort3A_1537, %masked_sort3A_1538, %masked_sort3A_1539 = tpu.sort %max3A, %select_n3A_1535 masked %masked_sort3A_1536 {descending = true} : (vector<16xf32>, vector<16xi32>, vector<16xi1>) -> (vector<16xi1>, vector<16xf32>, vector<16xi32>)
        %mul3A_1540 = arith.constant 16 : i32
        %mul3A_1541 = arith.muli %scan3A_94, %mul3A_1540 : i32
        %add3A_1542 = arith.addi %mul3A_1541, %scan3A_1508 : i32
        %get3A_1543 = arith.index_cast %add3A_1542 : i32 to index
        %get3A_1544 = arith.constant 16 : index
        %get3A_1545 = tpu.vector_load %arg10[%get3A_1543, %get3A_1544] {strides = array<i32>} : memref<512x128xf32, #tpu.memory_space<vmem>>, vector<16xf32>,
        %add3A_1546 = arith.constant 16 : i32
        %add3A_1547 = arith.addi %mul3A_1521, %add3A_1546 : i32
        %add3A_1548 = vector.broadcast %add3A_1547 : i32 to vector<16xi32>
        %add3A_1549 = arith.addi %add3A_1548, %iota3A : vector<16xi32>
        %masked_sort3A_1550 = arith.constant dense<true> : vector<16xi1>
        %masked_sort3A_1551, %masked_sort3A_1552, %masked_sort3A_1553 = tpu.sort %get3A_1545, %add3A_1549 masked %masked_sort3A_1550 : (vector<16xf32>, vector<16xi32>, vector<16xi1>) -> (vector<16xi1>, vector<16xf32>, vector<16xi32>)
        %ge3A_1554 = arith.cmpf oge, %masked_sort3A_1538, %masked_sort3A_1552 : vector<16xf32>
        %max3A_1555 = arith.maximumf %masked_sort3A_1538, %masked_sort3A_1552 : vector<16xf32>
        %select_n3A_1556 = arith.select %ge3A_1554, %masked_sort3A_1539, %masked_sort3A_1553 : vector<16xi1>, vector<16xi32>
        %masked_sort3A_1557 = arith.constant dense<true> : vector<16xi1>
        %masked_sort3A_1558, %masked_sort3A_1559, %masked_sort3A_1560 = tpu.sort %max3A_1555, %select_n3A_1556 masked %masked_sort3A_1557 {descending = true} : (vector<16xf32>, vector<16xi32>, vector<16xi1>) -> (vector<16xi1>, vector<16xf32>, vector<16xi32>)
        %mul3A_1561 = arith.constant 16 : i32
        %mul3A_1562 = arith.muli %scan3A_94, %mul3A_1561 : i32
        %add3A_1563 = arith.addi %mul3A_1562, %scan3A_1508 : i32
        %get3A_1564 = arith.index_cast %add3A_1563 : i32 to index
        %get3A_1565 = arith.constant 32 : index
        %get3A_1566 = tpu.vector_load %arg10[%get3A_1564, %get3A_1565] {strides = array<i32>} : memref<512x128xf32, #tpu.memory_space<vmem>>, vector<16xf32>,
        %add3A_1567 = arith.constant 32 : i32
        %add3A_1568 = arith.addi %mul3A_1521, %add3A_1567 : i32
        %add3A_1569 = vector.broadcast %add3A_1568 : i32 to vector<16xi32>
        %add3A_1570 = arith.addi %add3A_1569, %iota3A : vector<16xi32>
        %masked_sort3A_1571 = arith.constant dense<true> : vector<16xi1>
        %masked_sort3A_1572, %masked_sort3A_1573, %masked_sort3A_1574 = tpu.sort %get3A_1566, %add3A_1570 masked %masked_sort3A_1571 : (vector<16xf32>, vector<16xi32>, vector<16xi1>) -> (vector<16xi1>, vector<16xf32>, vector<16xi32>)
        %ge3A_1575 = arith.cmpf oge, %masked_sort3A_1559, %masked_sort3A_1573 : vector<16xf32>
        %max3A_1576 = arith.maximumf %masked_sort3A_1559, %masked_sort3A_1573 : vector<16xf32>
        %select_n3A_1577 = arith.select %ge3A_1575, %masked_sort3A_1560, %masked_sort3A_1574 : vector<16xi1>, vector<16xi32>
        %masked_sort3A_1578 = arith.constant dense<true> : vector<16xi1>
        %masked_sort3A_1579, %masked_sort3A_1580, %masked_sort3A_1581 = tpu.sort %max3A_1576, %select_n3A_1577 masked %masked_sort3A_1578 {descending = true} : (vector<16xf32>, vector<16xi32>, vector<16xi1>) -> (vector<16xi1>, vector<16xf32>, vector<16xi32>)
        %mul3A_1582 = arith.constant 16 : i32
        %mul3A_1583 = arith.muli %scan3A_94, %mul3A_1582 : i32
        %add3A_1584 = arith.addi %mul3A_1583, %scan3A_1508 : i32
        %get3A_1585 = arith.index_cast %add3A_1584 : i32 to index
        %get3A_1586 = arith.constant 48 : index
        %get3A_1587 = tpu.vector_load %arg10[%get3A_1585, %get3A_1586] {strides = array<i32>} : memref<512x128xf32, #tpu.memory_space<vmem>>, vector<16xf32>,
        %add3A_1588 = arith.constant 48 : i32
        %add3A_1589 = arith.addi %mul3A_1521, %add3A_1588 : i32
        %add3A_1590 = vector.broadcast %add3A_1589 : i32 to vector<16xi32>
        %add3A_1591 = arith.addi %add3A_1590, %iota3A : vector<16xi32>
        %masked_sort3A_1592 = arith.constant dense<true> : vector<16xi1>
        %masked_sort3A_1593, %masked_sort3A_1594, %masked_sort3A_1595 = tpu.sort %get3A_1587, %add3A_1591 masked %masked_sort3A_1592 : (vector<16xf32>, vector<16xi32>, vector<16xi1>) -> (vector<16xi1>, vector<16xf32>, vector<16xi32>)
        %ge3A_1596 = arith.cmpf oge, %masked_sort3A_1580, %masked_sort3A_1594 : vector<16xf32>
        %max3A_1597 = arith.maximumf %masked_sort3A_1580, %masked_sort3A_1594 : vector<16xf32>
        %select_n3A_1598 = arith.select %ge3A_1596, %masked_sort3A_1581, %masked_sort3A_1595 : vector<16xi1>, vector<16xi32>
        %masked_sort3A_1599 = arith.constant dense<true> : vector<16xi1>
        %masked_sort3A_1600, %masked_sort3A_1601, %masked_sort3A_1602 = tpu.sort %max3A_1597, %select_n3A_1598 masked %masked_sort3A_1599 {descending = true} : (vector<16xf32>, vector<16xi32>, vector<16xi1>) -> (vector<16xi1>, vector<16xf32>, vector<16xi32>)
        %mul3A_1603 = arith.constant 16 : i32
        %mul3A_1604 = arith.muli %scan3A_94, %mul3A_1603 : i32
        %add3A_1605 = arith.addi %mul3A_1604, %scan3A_1508 : i32
        %get3A_1606 = arith.index_cast %add3A_1605 : i32 to index
        %get3A_1607 = arith.constant 64 : index
        %get3A_1608 = tpu.vector_load %arg10[%get3A_1606, %get3A_1607] {strides = array<i32>} : memref<512x128xf32, #tpu.memory_space<vmem>>, vector<16xf32>,
        %add3A_1609 = arith.constant 64 : i32
        %add3A_1610 = arith.addi %mul3A_1521, %add3A_1609 : i32
        %add3A_1611 = vector.broadcast %add3A_1610 : i32 to vector<16xi32>
        %add3A_1612 = arith.addi %add3A_1611, %iota3A : vector<16xi32>
        %masked_sort3A_1613 = arith.constant dense<true> : vector<16xi1>
        %masked_sort3A_1614, %masked_sort3A_1615, %masked_sort3A_1616 = tpu.sort %get3A_1608, %add3A_1612 masked %masked_sort3A_1613 : (vector<16xf32>, vector<16xi32>, vector<16xi1>) -> (vector<16xi1>, vector<16xf32>, vector<16xi32>)
        %ge3A_1617 = arith.cmpf oge, %masked_sort3A_1601, %masked_sort3A_1615 : vector<16xf32>
        %max3A_1618 = arith.maximumf %masked_sort3A_1601, %masked_sort3A_1615 : vector<16xf32>
        %select_n3A_1619 = arith.select %ge3A_1617, %masked_sort3A_1602, %masked_sort3A_1616 : vector<16xi1>, vector<16xi32>
        %masked_sort3A_1620 = arith.constant dense<true> : vector<16xi1>
        %masked_sort3A_1621, %masked_sort3A_1622, %masked_sort3A_1623 = tpu.sort %max3A_1618, %select_n3A_1619 masked %masked_sort3A_1620 {descending = true} : (vector<16xf32>, vector<16xi32>, vector<16xi1>) -> (vector<16xi1>, vector<16xf32>, vector<16xi32>)
        %mul3A_1624 = arith.constant 16 : i32
        %mul3A_1625 = arith.muli %scan3A_94, %mul3A_1624 : i32
        %add3A_1626 = arith.addi %mul3A_1625, %scan3A_1508 : i32
        %get3A_1627 = arith.index_cast %add3A_1626 : i32 to index
        %get3A_1628 = arith.constant 80 : index
        %get3A_1629 = tpu.vector_load %arg10[%get3A_1627, %get3A_1628] {strides = array<i32>} : memref<512x128xf32, #tpu.memory_space<vmem>>, vector<16xf32>,
        %add3A_1630 = arith.constant 80 : i32
        %add3A_1631 = arith.addi %mul3A_1521, %add3A_1630 : i32
        %add3A_1632 = vector.broadcast %add3A_1631 : i32 to vector<16xi32>
        %add3A_1633 = arith.addi %add3A_1632, %iota3A : vector<16xi32>
        %masked_sort3A_1634 = arith.constant dense<true> : vector<16xi1>
        %masked_sort3A_1635, %masked_sort3A_1636, %masked_sort3A_1637 = tpu.sort %get3A_1629, %add3A_1633 masked %masked_sort3A_1634 : (vector<16xf32>, vector<16xi32>, vector<16xi1>) -> (vector<16xi1>, vector<16xf32>, vector<16xi32>)
        %ge3A_1638 = arith.cmpf oge, %masked_sort3A_1622, %masked_sort3A_1636 : vector<16xf32>
        %max3A_1639 = arith.maximumf %masked_sort3A_1622, %masked_sort3A_1636 : vector<16xf32>
        %select_n3A_1640 = arith.select %ge3A_1638, %masked_sort3A_1623, %masked_sort3A_1637 : vector<16xi1>, vector<16xi32>
        %masked_sort3A_1641 = arith.constant dense<true> : vector<16xi1>
        %masked_sort3A_1642, %masked_sort3A_1643, %masked_sort3A_1644 = tpu.sort %max3A_1639, %select_n3A_1640 masked %masked_sort3A_1641 {descending = true} : (vector<16xf32>, vector<16xi32>, vector<16xi1>) -> (vector<16xi1>, vector<16xf32>, vector<16xi32>)
        %mul3A_1645 = arith.constant 16 : i32
        %mul3A_1646 = arith.muli %scan3A_94, %mul3A_1645 : i32
        %add3A_1647 = arith.addi %mul3A_1646, %scan3A_1508 : i32
        %get3A_1648 = arith.index_cast %add3A_1647 : i32 to index
        %get3A_1649 = arith.constant 96 : index
        %get3A_1650 = tpu.vector_load %arg10[%get3A_1648, %get3A_1649] {strides = array<i32>} : memref<512x128xf32, #tpu.memory_space<vmem>>, vector<16xf32>,
        %add3A_1651 = arith.constant 96 : i32
        %add3A_1652 = arith.addi %mul3A_1521, %add3A_1651 : i32
        %add3A_1653 = vector.broadcast %add3A_1652 : i32 to vector<16xi32>
        %add3A_1654 = arith.addi %add3A_1653, %iota3A : vector<16xi32>
        %masked_sort3A_1655 = arith.constant dense<true> : vector<16xi1>
        %masked_sort3A_1656, %masked_sort3A_1657, %masked_sort3A_1658 = tpu.sort %get3A_1650, %add3A_1654 masked %masked_sort3A_1655 : (vector<16xf32>, vector<16xi32>, vector<16xi1>) -> (vector<16xi1>, vector<16xf32>, vector<16xi32>)
        %ge3A_1659 = arith.cmpf oge, %masked_sort3A_1643, %masked_sort3A_1657 : vector<16xf32>
        %max3A_1660 = arith.maximumf %masked_sort3A_1643, %masked_sort3A_1657 : vector<16xf32>
        %select_n3A_1661 = arith.select %ge3A_1659, %masked_sort3A_1644, %masked_sort3A_1658 : vector<16xi1>, vector<16xi32>
        %masked_sort3A_1662 = arith.constant dense<true> : vector<16xi1>
        %masked_sort3A_1663, %masked_sort3A_1664, %masked_sort3A_1665 = tpu.sort %max3A_1660, %select_n3A_1661 masked %masked_sort3A_1662 {descending = true} : (vector<16xf32>, vector<16xi32>, vector<16xi1>) -> (vector<16xi1>, vector<16xf32>, vector<16xi32>)
        %mul3A_1666 = arith.constant 16 : i32
        %mul3A_1667 = arith.muli %scan3A_94, %mul3A_1666 : i32
        %add3A_1668 = arith.addi %mul3A_1667, %scan3A_1508 : i32
        %get3A_1669 = arith.index_cast %add3A_1668 : i32 to index
        %get3A_1670 = arith.constant 112 : index
        %get3A_1671 = tpu.vector_load %arg10[%get3A_1669, %get3A_1670] {strides = array<i32>} : memref<512x128xf32, #tpu.memory_space<vmem>>, vector<16xf32>,
        %add3A_1672 = arith.constant 112 : i32
        %add3A_1673 = arith.addi %mul3A_1521, %add3A_1672 : i32
        %add3A_1674 = vector.broadcast %add3A_1673 : i32 to vector<16xi32>
        %add3A_1675 = arith.addi %add3A_1674, %iota3A : vector<16xi32>
        %masked_sort3A_1676 = arith.constant dense<true> : vector<16xi1>
        %masked_sort3A_1677, %masked_sort3A_1678, %masked_sort3A_1679 = tpu.sort %get3A_1671, %add3A_1675 masked %masked_sort3A_1676 : (vector<16xf32>, vector<16xi32>, vector<16xi1>) -> (vector<16xi1>, vector<16xf32>, vector<16xi32>)
        %ge3A_1680 = arith.cmpf oge, %masked_sort3A_1664, %masked_sort3A_1678 : vector<16xf32>
        %max3A_1681 = arith.maximumf %masked_sort3A_1664, %masked_sort3A_1678 : vector<16xf32>
        %select_n3A_1682 = arith.select %ge3A_1680, %masked_sort3A_1665, %masked_sort3A_1679 : vector<16xi1>, vector<16xi32>
        %masked_sort3A_1683 = arith.constant dense<true> : vector<16xi1>
        %masked_sort3A_1684, %masked_sort3A_1685, %masked_sort3A_1686 = tpu.sort %max3A_1681, %select_n3A_1682 masked %masked_sort3A_1683 {descending = true} : (vector<16xf32>, vector<16xi32>, vector<16xi1>) -> (vector<16xi1>, vector<16xf32>, vector<16xi32>)
        scf.yield %masked_sort3A_1685, %masked_sort3A_1686 : vector<16xf32>, vector<16xi32>
      }
      %scan3A_106 = arith.constant 10 : i32
      %swap3A = arith.constant 0 : i32
      %swap3A_107 = arith.index_cast %swap3A : i32 to index
      %swap3A_108 = arith.constant 0 : index
      %swap3A_109 = tpu.vector_load %arg9[%swap3A_107, %swap3A_108] {strides = array<i32>} : memref<8x16xi32, #tpu.memory_space<vmem>>, vector<16xi32>,
      tpu.vector_store %arg9[%swap3A_107, %swap3A_108], %scan3A_105#1 {strides = array<i32>} : memref<8x16xi32, #tpu.memory_space<vmem>>, vector<16xi32>,
      %mul3A_110 = arith.constant 16 : i32
      %mul3A_111 = arith.muli %scan3A_94, %mul3A_110 : i32
      %dma_start3A_112 = arith.constant 0 : i32
      %dma_start3A_113 = arith.constant 0 : i32
      %dma_start3A_114 = tpu.memref_slice %arg11[%mul3A_111, %dma_start3A_113] : memref<512x64xf32, #tpu.memory_space<vmem>> -> memref<16x64xf32, #tpu.memory_space<vmem>>
      %dma_start3A_115 = arith.constant 0 : i32
      %dma_start3A_116 = tpu.memref_slice %arg9[%dma_start3A_112, %dma_start3A_115] : memref<8x16xi32, #tpu.memory_space<vmem>> -> memref<1x16xi32, #tpu.memory_space<vmem>>
      %dma_start3A_117 = tpu.memref_squeeze %dma_start3A_116 : memref<1x16xi32, #tpu.memory_space<vmem>> -> memref<16xi32, #tpu.memory_space<vmem>>
      %dma_start3A_118 = arith.constant 0 : i32
      %dma_start3A_119 = arith.constant 0 : i32
      %dma_start3A_120 = tpu.memref_slice %arg4[%dma_start3A_118, %dma_start3A_119] : memref<100000x64xf32, #tpu.memory_space<hbm>> -> memref<100000x64xf32, #tpu.memory_space<hbm>>
      tpu.enqueue_indirect_dma source(%dma_start3A_120 : memref<100000x64xf32, #tpu.memory_space<hbm>>) target(%dma_start3A_114 : memref<16x64xf32, #tpu.memory_space<vmem>>) offsets(%dma_start3A_117 : memref<16xi32, #tpu.memory_space<vmem>>) semaphore(%arg14 : memref<!tpu.dma_semaphore, #tpu.memory_space<semaphore_mem>>)
      %dma_wait3A_121 = arith.constant 0 : i32
      %dma_wait3A_122 = arith.constant 0 : i32
      %dma_wait3A_123 = tpu.memref_slice %arg11[%mul3A_111, %dma_wait3A_122] : memref<512x64xf32, #tpu.memory_space<vmem>> -> memref<16x64xf32, #tpu.memory_space<vmem>>
      %dma_wait3A_124 = arith.constant 0 : i32
      %dma_wait3A_125 = tpu.memref_slice %arg9[%dma_wait3A_121, %dma_wait3A_124] : memref<8x16xi32, #tpu.memory_space<vmem>> -> memref<1x16xi32, #tpu.memory_space<vmem>>
      %dma_wait3A_126 = tpu.memref_squeeze %dma_wait3A_125 : memref<1x16xi32, #tpu.memory_space<vmem>> -> memref<16xi32, #tpu.memory_space<vmem>>
      %dma_wait3A_127 = arith.constant 0 : i32
      %dma_wait3A_128 = arith.constant 0 : i32
      %dma_wait3A_129 = tpu.memref_slice %arg4[%dma_wait3A_127, %dma_wait3A_128] : memref<100000x64xf32, #tpu.memory_space<hbm>> -> memref<100000x64xf32, #tpu.memory_space<hbm>>
      tpu.wait_indirect_dma semaphore(%arg14 : memref<!tpu.dma_semaphore, #tpu.memory_space<semaphore_mem>>) src(%dma_wait3A_129 : memref<100000x64xf32, #tpu.memory_space<hbm>>) dst(%dma_wait3A_123 : memref<16x64xf32, #tpu.memory_space<vmem>>)
      %broadcast_in_dim3A_130 = arith.constant -3.000000e+38 : f32
      %broadcast_in_dim3A_131 = vector.broadcast %broadcast_in_dim3A_130 : f32 to vector<16xf32>
      %broadcast_in_dim3A_132 = arith.constant 0.000000e+00 : f32
      %broadcast_in_dim3A_133 = vector.broadcast %broadcast_in_dim3A_132 : f32 to vector<16xf32>
      %mul3A_134 = arith.constant 16 : i32
      %mul3A_135 = arith.muli %scan3A_94, %mul3A_134 : i32
      %add3A_136 = arith.constant 0 : i32
      %add3A_137 = arith.addi %mul3A_135, %add3A_136 : i32
      %get3A_138 = arith.index_cast %add3A_137 : i32 to index
      %get3A_139 = arith.constant 0 : index
      %get3A_140 = tpu.vector_load %arg11[%get3A_138, %get3A_139] {strides = array<i32>} : memref<512x64xf32, #tpu.memory_space<vmem>>, vector<16xf32>,
      %get3A_141 = arith.constant 0 : index
      %get3A_142 = tpu.vector_load %arg12[%get3A_141] {strides = array<i32>} : memref<64xf32, #tpu.memory_space<vmem>>, vector<16xf32>,
      %mul3A_143 = arith.mulf %get3A_140, %get3A_142 : vector<16xf32>
      %add3A_144 = arith.addf %broadcast_in_dim3A_133, %mul3A_143 : vector<16xf32>
      %mul3A_145 = arith.constant 16 : i32
      %mul3A_146 = arith.muli %scan3A_94, %mul3A_145 : i32
      %add3A_147 = arith.constant 0 : i32
      %add3A_148 = arith.addi %mul3A_146, %add3A_147 : i32
      %get3A_149 = arith.index_cast %add3A_148 : i32 to index
      %get3A_150 = arith.constant 16 : index
      %get3A_151 = tpu.vector_load %arg11[%get3A_149, %get3A_150] {strides = array<i32>} : memref<512x64xf32, #tpu.memory_space<vmem>>, vector<16xf32>,
      %get3A_152 = arith.constant 16 : index
      %get3A_153 = tpu.vector_load %arg12[%get3A_152] {strides = array<i32>} : memref<64xf32, #tpu.memory_space<vmem>>, vector<16xf32>,
      %mul3A_154 = arith.mulf %get3A_151, %get3A_153 : vector<16xf32>
      %add3A_155 = arith.addf %add3A_144, %mul3A_154 : vector<16xf32>
      %mul3A_156 = arith.constant 16 : i32
      %mul3A_157 = arith.muli %scan3A_94, %mul3A_156 : i32
      %add3A_158 = arith.constant 0 : i32
      %add3A_159 = arith.addi %mul3A_157, %add3A_158 : i32
      %get3A_160 = arith.index_cast %add3A_159 : i32 to index
      %get3A_161 = arith.constant 32 : index
      %get3A_162 = tpu.vector_load %arg11[%get3A_160, %get3A_161] {strides = array<i32>} : memref<512x64xf32, #tpu.memory_space<vmem>>, vector<16xf32>,
      %get3A_163 = arith.constant 32 : index
      %get3A_164 = tpu.vector_load %arg12[%get3A_163] {strides = array<i32>} : memref<64xf32, #tpu.memory_space<vmem>>, vector<16xf32>,
      %mul3A_165 = arith.mulf %get3A_162, %get3A_164 : vector<16xf32>
      %add3A_166 = arith.addf %add3A_155, %mul3A_165 : vector<16xf32>
      %mul3A_167 = arith.constant 16 : i32
      %mul3A_168 = arith.muli %scan3A_94, %mul3A_167 : i32
      %add3A_169 = arith.constant 0 : i32
      %add3A_170 = arith.addi %mul3A_168, %add3A_169 : i32
      %get3A_171 = arith.index_cast %add3A_170 : i32 to index
      %get3A_172 = arith.constant 48 : index
      %get3A_173 = tpu.vector_load %arg11[%get3A_171, %get3A_172] {strides = array<i32>} : memref<512x64xf32, #tpu.memory_space<vmem>>, vector<16xf32>,
      %get3A_174 = arith.constant 48 : index
      %get3A_175 = tpu.vector_load %arg12[%get3A_174] {strides = array<i32>} : memref<64xf32, #tpu.memory_space<vmem>>, vector<16xf32>,
      %mul3A_176 = arith.mulf %get3A_173, %get3A_175 : vector<16xf32>
      %add3A_177 = arith.addf %add3A_166, %mul3A_176 : vector<16xf32>
      %reduce_sum3A = arith.constant true
      %reduce_sum3A_178 = vector.broadcast %reduce_sum3A : i1 to vector<16xi1>
      %reduce_sum3A_179 = tpu.scan <sum>, %add3A_177 masked %reduce_sum3A_178 : vector<16xf32>, vector<16xi1> -> vector<16xf32>
      %reduce_sum3A_180 = vector.extract %reduce_sum3A_179[15] : f32 from vector<16xf32>
      %eq3A = arith.constant 0 : i32
      %eq3A_181 = vector.broadcast %eq3A : i32 to vector<16xi32>
      %eq3A_182 = arith.cmpi eq, %iota3A, %eq3A_181 : vector<16xi32>
      %broadcast_in_dim3A_183 = vector.broadcast %reduce_sum3A_180 : f32 to vector<16xf32>
      %select_n3A = arith.select %eq3A_182, %broadcast_in_dim3A_183, %broadcast_in_dim3A_131 : vector<16xi1>, vector<16xf32>
      %broadcast_in_dim3A_184 = arith.constant 0.000000e+00 : f32
      %broadcast_in_dim3A_185 = vector.broadcast %broadcast_in_dim3A_184 : f32 to vector<16xf32>
      %mul3A_186 = arith.constant 16 : i32
      %mul3A_187 = arith.muli %scan3A_94, %mul3A_186 : i32
      %add3A_188 = arith.constant 1 : i32
      %add3A_189 = arith.addi %mul3A_187, %add3A_188 : i32
      %get3A_190 = arith.index_cast %add3A_189 : i32 to index
      %get3A_191 = arith.constant 0 : index
      %get3A_192 = tpu.vector_load %arg11[%get3A_190, %get3A_191] {strides = array<i32>} : memref<512x64xf32, #tpu.memory_space<vmem>>, vector<16xf32>,
      %get3A_193 = arith.constant 0 : index
      %get3A_194 = tpu.vector_load %arg12[%get3A_193] {strides = array<i32>} : memref<64xf32, #tpu.memory_space<vmem>>, vector<16xf32>,
      %mul3A_195 = arith.mulf %get3A_192, %get3A_194 : vector<16xf32>
      %add3A_196 = arith.addf %broadcast_in_dim3A_185, %mul3A_195 : vector<16xf32>
      %mul3A_197 = arith.constant 16 : i32
      %mul3A_198 = arith.muli %scan3A_94, %mul3A_197 : i32
      %add3A_199 = arith.constant 1 : i32
      %add3A_200 = arith.addi %mul3A_198, %add3A_199 : i32
      %get3A_201 = arith.index_cast %add3A_200 : i32 to index
      %get3A_202 = arith.constant 16 : index
      %get3A_203 = tpu.vector_load %arg11[%get3A_201, %get3A_202] {strides = array<i32>} : memref<512x64xf32, #tpu.memory_space<vmem>>, vector<16xf32>,
      %get3A_204 = arith.constant 16 : index
      %get3A_205 = tpu.vector_load %arg12[%get3A_204] {strides = array<i32>} : memref<64xf32, #tpu.memory_space<vmem>>, vector<16xf32>,
      %mul3A_206 = arith.mulf %get3A_203, %get3A_205 : vector<16xf32>
      %add3A_207 = arith.addf %add3A_196, %mul3A_206 : vector<16xf32>
      %mul3A_208 = arith.constant 16 : i32
      %mul3A_209 = arith.muli %scan3A_94, %mul3A_208 : i32
      %add3A_210 = arith.constant 1 : i32
      %add3A_211 = arith.addi %mul3A_209, %add3A_210 : i32
      %get3A_212 = arith.index_cast %add3A_211 : i32 to index
      %get3A_213 = arith.constant 32 : index
      %get3A_214 = tpu.vector_load %arg11[%get3A_212, %get3A_213] {strides = array<i32>} : memref<512x64xf32, #tpu.memory_space<vmem>>, vector<16xf32>,
      %get3A_215 = arith.constant 32 : index
      %get3A_216 = tpu.vector_load %arg12[%get3A_215] {strides = array<i32>} : memref<64xf32, #tpu.memory_space<vmem>>, vector<16xf32>,
      %mul3A_217 = arith.mulf %get3A_214, %get3A_216 : vector<16xf32>
      %add3A_218 = arith.addf %add3A_207, %mul3A_217 : vector<16xf32>
      %mul3A_219 = arith.constant 16 : i32
      %mul3A_220 = arith.muli %scan3A_94, %mul3A_219 : i32
      %add3A_221 = arith.constant 1 : i32
      %add3A_222 = arith.addi %mul3A_220, %add3A_221 : i32
      %get3A_223 = arith.index_cast %add3A_222 : i32 to index
      %get3A_224 = arith.constant 48 : index
      %get3A_225 = tpu.vector_load %arg11[%get3A_223, %get3A_224] {strides = array<i32>} : memref<512x64xf32, #tpu.memory_space<vmem>>, vector<16xf32>,
      %get3A_226 = arith.constant 48 : index
      %get3A_227 = tpu.vector_load %arg12[%get3A_226] {strides = array<i32>} : memref<64xf32, #tpu.memory_space<vmem>>, vector<16xf32>,
      %mul3A_228 = arith.mulf %get3A_225, %get3A_227 : vector<16xf32>
      %add3A_229 = arith.addf %add3A_218, %mul3A_228 : vector<16xf32>
      %reduce_sum3A_230 = arith.constant true
      %reduce_sum3A_231 = vector.broadcast %reduce_sum3A_230 : i1 to vector<16xi1>
      %reduce_sum3A_232 = tpu.scan <sum>, %add3A_229 masked %reduce_sum3A_231 : vector<16xf32>, vector<16xi1> -> vector<16xf32>
      %reduce_sum3A_233 = vector.extract %reduce_sum3A_232[15] : f32 from vector<16xf32>
      %eq3A_234 = arith.constant 1 : i32
      %eq3A_235 = vector.broadcast %eq3A_234 : i32 to vector<16xi32>
      %eq3A_236 = arith.cmpi eq, %iota3A, %eq3A_235 : vector<16xi32>
      %broadcast_in_dim3A_237 = vector.broadcast %reduce_sum3A_233 : f32 to vector<16xf32>
      %select_n3A_238 = arith.select %eq3A_236, %broadcast_in_dim3A_237, %select_n3A : vector<16xi1>, vector<16xf32>
      %broadcast_in_dim3A_239 = arith.constant 0.000000e+00 : f32
      %broadcast_in_dim3A_240 = vector.broadcast %broadcast_in_dim3A_239 : f32 to vector<16xf32>
      %mul3A_241 = arith.constant 16 : i32
      %mul3A_242 = arith.muli %scan3A_94, %mul3A_241 : i32
      %add3A_243 = arith.constant 2 : i32
      %add3A_244 = arith.addi %mul3A_242, %add3A_243 : i32
      %get3A_245 = arith.index_cast %add3A_244 : i32 to index
      %get3A_246 = arith.constant 0 : index
      %get3A_247 = tpu.vector_load %arg11[%get3A_245, %get3A_246] {strides = array<i32>} : memref<512x64xf32, #tpu.memory_space<vmem>>, vector<16xf32>,
      %get3A_248 = arith.constant 0 : index
      %get3A_249 = tpu.vector_load %arg12[%get3A_248] {strides = array<i32>} : memref<64xf32, #tpu.memory_space<vmem>>, vector<16xf32>,
      %mul3A_250 = arith.mulf %get3A_247, %get3A_249 : vector<16xf32>
      %add3A_251 = arith.addf %broadcast_in_dim3A_240, %mul3A_250 : vector<16xf32>
      %mul3A_252 = arith.constant 16 : i32
      %mul3A_253 = arith.muli %scan3A_94, %mul3A_252 : i32
      %add3A_254 = arith.constant 2 : i32
      %add3A_255 = arith.addi %mul3A_253, %add3A_254 : i32
      %get3A_256 = arith.index_cast %add3A_255 : i32 to index
      %get3A_257 = arith.constant 16 : index
      %get3A_258 = tpu.vector_load %arg11[%get3A_256, %get3A_257] {strides = array<i32>} : memref<512x64xf32, #tpu.memory_space<vmem>>, vector<16xf32>,
      %get3A_259 = arith.constant 16 : index
      %get3A_260 = tpu.vector_load %arg12[%get3A_259] {strides = array<i32>} : memref<64xf32, #tpu.memory_space<vmem>>, vector<16xf32>,
      %mul3A_261 = arith.mulf %get3A_258, %get3A_260 : vector<16xf32>
      %add3A_262 = arith.addf %add3A_251, %mul3A_261 : vector<16xf32>
      %mul3A_263 = arith.constant 16 : i32
      %mul3A_264 = arith.muli %scan3A_94, %mul3A_263 : i32
      %add3A_265 = arith.constant 2 : i32
      %add3A_266 = arith.addi %mul3A_264, %add3A_265 : i32
      %get3A_267 = arith.index_cast %add3A_266 : i32 to index
      %get3A_268 = arith.constant 32 : index
      %get3A_269 = tpu.vector_load %arg11[%get3A_267, %get3A_268] {strides = array<i32>} : memref<512x64xf32, #tpu.memory_space<vmem>>, vector<16xf32>,
      %get3A_270 = arith.constant 32 : index
      %get3A_271 = tpu.vector_load %arg12[%get3A_270] {strides = array<i32>} : memref<64xf32, #tpu.memory_space<vmem>>, vector<16xf32>,
      %mul3A_272 = arith.mulf %get3A_269, %get3A_271 : vector<16xf32>
      %add3A_273 = arith.addf %add3A_262, %mul3A_272 : vector<16xf32>
      %mul3A_274 = arith.constant 16 : i32
      %mul3A_275 = arith.muli %scan3A_94, %mul3A_274 : i32
      %add3A_276 = arith.constant 2 : i32
      %add3A_277 = arith.addi %mul3A_275, %add3A_276 : i32
      %get3A_278 = arith.index_cast %add3A_277 : i32 to index
      %get3A_279 = arith.constant 48 : index
      %get3A_280 = tpu.vector_load %arg11[%get3A_278, %get3A_279] {strides = array<i32>} : memref<512x64xf32, #tpu.memory_space<vmem>>, vector<16xf32>,
      %get3A_281 = arith.constant 48 : index
      %get3A_282 = tpu.vector_load %arg12[%get3A_281] {strides = array<i32>} : memref<64xf32, #tpu.memory_space<vmem>>, vector<16xf32>,
      %mul3A_283 = arith.mulf %get3A_280, %get3A_282 : vector<16xf32>
      %add3A_284 = arith.addf %add3A_273, %mul3A_283 : vector<16xf32>
      %reduce_sum3A_285 = arith.constant true
      %reduce_sum3A_286 = vector.broadcast %reduce_sum3A_285 : i1 to vector<16xi1>
      %reduce_sum3A_287 = tpu.scan <sum>, %add3A_284 masked %reduce_sum3A_286 : vector<16xf32>, vector<16xi1> -> vector<16xf32>
      %reduce_sum3A_288 = vector.extract %reduce_sum3A_287[15] : f32 from vector<16xf32>
      %eq3A_289 = arith.constant 2 : i32
      %eq3A_290 = vector.broadcast %eq3A_289 : i32 to vector<16xi32>
      %eq3A_291 = arith.cmpi eq, %iota3A, %eq3A_290 : vector<16xi32>
      %broadcast_in_dim3A_292 = vector.broadcast %reduce_sum3A_288 : f32 to vector<16xf32>
      %select_n3A_293 = arith.select %eq3A_291, %broadcast_in_dim3A_292, %select_n3A_238 : vector<16xi1>, vector<16xf32>
      %broadcast_in_dim3A_294 = arith.constant 0.000000e+00 : f32
      %broadcast_in_dim3A_295 = vector.broadcast %broadcast_in_dim3A_294 : f32 to vector<16xf32>
      %mul3A_296 = arith.constant 16 : i32
      %mul3A_297 = arith.muli %scan3A_94, %mul3A_296 : i32
      %add3A_298 = arith.constant 3 : i32
      %add3A_299 = arith.addi %mul3A_297, %add3A_298 : i32
      %get3A_300 = arith.index_cast %add3A_299 : i32 to index
      %get3A_301 = arith.constant 0 : index
      %get3A_302 = tpu.vector_load %arg11[%get3A_300, %get3A_301] {strides = array<i32>} : memref<512x64xf32, #tpu.memory_space<vmem>>, vector<16xf32>,
      %get3A_303 = arith.constant 0 : index
      %get3A_304 = tpu.vector_load %arg12[%get3A_303] {strides = array<i32>} : memref<64xf32, #tpu.memory_space<vmem>>, vector<16xf32>,
      %mul3A_305 = arith.mulf %get3A_302, %get3A_304 : vector<16xf32>
      %add3A_306 = arith.addf %broadcast_in_dim3A_295, %mul3A_305 : vector<16xf32>
      %mul3A_307 = arith.constant 16 : i32
      %mul3A_308 = arith.muli %scan3A_94, %mul3A_307 : i32
      %add3A_309 = arith.constant 3 : i32
      %add3A_310 = arith.addi %mul3A_308, %add3A_309 : i32
      %get3A_311 = arith.index_cast %add3A_310 : i32 to index
      %get3A_312 = arith.constant 16 : index
      %get3A_313 = tpu.vector_load %arg11[%get3A_311, %get3A_312] {strides = array<i32>} : memref<512x64xf32, #tpu.memory_space<vmem>>, vector<16xf32>,
      %get3A_314 = arith.constant 16 : index
      %get3A_315 = tpu.vector_load %arg12[%get3A_314] {strides = array<i32>} : memref<64xf32, #tpu.memory_space<vmem>>, vector<16xf32>,
      %mul3A_316 = arith.mulf %get3A_313, %get3A_315 : vector<16xf32>
      %add3A_317 = arith.addf %add3A_306, %mul3A_316 : vector<16xf32>
      %mul3A_318 = arith.constant 16 : i32
      %mul3A_319 = arith.muli %scan3A_94, %mul3A_318 : i32
      %add3A_320 = arith.constant 3 : i32
      %add3A_321 = arith.addi %mul3A_319, %add3A_320 : i32
      %get3A_322 = arith.index_cast %add3A_321 : i32 to index
      %get3A_323 = arith.constant 32 : index
      %get3A_324 = tpu.vector_load %arg11[%get3A_322, %get3A_323] {strides = array<i32>} : memref<512x64xf32, #tpu.memory_space<vmem>>, vector<16xf32>,
      %get3A_325 = arith.constant 32 : index
      %get3A_326 = tpu.vector_load %arg12[%get3A_325] {strides = array<i32>} : memref<64xf32, #tpu.memory_space<vmem>>, vector<16xf32>,
      %mul3A_327 = arith.mulf %get3A_324, %get3A_326 : vector<16xf32>
      %add3A_328 = arith.addf %add3A_317, %mul3A_327 : vector<16xf32>
      %mul3A_329 = arith.constant 16 : i32
      %mul3A_330 = arith.muli %scan3A_94, %mul3A_329 : i32
      %add3A_331 = arith.constant 3 : i32
      %add3A_332 = arith.addi %mul3A_330, %add3A_331 : i32
      %get3A_333 = arith.index_cast %add3A_332 : i32 to index
      %get3A_334 = arith.constant 48 : index
      %get3A_335 = tpu.vector_load %arg11[%get3A_333, %get3A_334] {strides = array<i32>} : memref<512x64xf32, #tpu.memory_space<vmem>>, vector<16xf32>,
      %get3A_336 = arith.constant 48 : index
      %get3A_337 = tpu.vector_load %arg12[%get3A_336] {strides = array<i32>} : memref<64xf32, #tpu.memory_space<vmem>>, vector<16xf32>,
      %mul3A_338 = arith.mulf %get3A_335, %get3A_337 : vector<16xf32>
      %add3A_339 = arith.addf %add3A_328, %mul3A_338 : vector<16xf32>
      %reduce_sum3A_340 = arith.constant true
      %reduce_sum3A_341 = vector.broadcast %reduce_sum3A_340 : i1 to vector<16xi1>
      %reduce_sum3A_342 = tpu.scan <sum>, %add3A_339 masked %reduce_sum3A_341 : vector<16xf32>, vector<16xi1> -> vector<16xf32>
      %reduce_sum3A_343 = vector.extract %reduce_sum3A_342[15] : f32 from vector<16xf32>
      %eq3A_344 = arith.constant 3 : i32
      %eq3A_345 = vector.broadcast %eq3A_344 : i32 to vector<16xi32>
      %eq3A_346 = arith.cmpi eq, %iota3A, %eq3A_345 : vector<16xi32>
      %broadcast_in_dim3A_347 = vector.broadcast %reduce_sum3A_343 : f32 to vector<16xf32>
      %select_n3A_348 = arith.select %eq3A_346, %broadcast_in_dim3A_347, %select_n3A_293 : vector<16xi1>, vector<16xf32>
      %broadcast_in_dim3A_349 = arith.constant 0.000000e+00 : f32
      %broadcast_in_dim3A_350 = vector.broadcast %broadcast_in_dim3A_349 : f32 to vector<16xf32>
      %mul3A_351 = arith.constant 16 : i32
      %mul3A_352 = arith.muli %scan3A_94, %mul3A_351 : i32
      %add3A_353 = arith.constant 4 : i32
      %add3A_354 = arith.addi %mul3A_352, %add3A_353 : i32
      %get3A_355 = arith.index_cast %add3A_354 : i32 to index
      %get3A_356 = arith.constant 0 : index
      %get3A_357 = tpu.vector_load %arg11[%get3A_355, %get3A_356] {strides = array<i32>} : memref<512x64xf32, #tpu.memory_space<vmem>>, vector<16xf32>,
      %get3A_358 = arith.constant 0 : index
      %get3A_359 = tpu.vector_load %arg12[%get3A_358] {strides = array<i32>} : memref<64xf32, #tpu.memory_space<vmem>>, vector<16xf32>,
      %mul3A_360 = arith.mulf %get3A_357, %get3A_359 : vector<16xf32>
      %add3A_361 = arith.addf %broadcast_in_dim3A_350, %mul3A_360 : vector<16xf32>
      %mul3A_362 = arith.constant 16 : i32
      %mul3A_363 = arith.muli %scan3A_94, %mul3A_362 : i32
      %add3A_364 = arith.constant 4 : i32
      %add3A_365 = arith.addi %mul3A_363, %add3A_364 : i32
      %get3A_366 = arith.index_cast %add3A_365 : i32 to index
      %get3A_367 = arith.constant 16 : index
      %get3A_368 = tpu.vector_load %arg11[%get3A_366, %get3A_367] {strides = array<i32>} : memref<512x64xf32, #tpu.memory_space<vmem>>, vector<16xf32>,
      %get3A_369 = arith.constant 16 : index
      %get3A_370 = tpu.vector_load %arg12[%get3A_369] {strides = array<i32>} : memref<64xf32, #tpu.memory_space<vmem>>, vector<16xf32>,
      %mul3A_371 = arith.mulf %get3A_368, %get3A_370 : vector<16xf32>
      %add3A_372 = arith.addf %add3A_361, %mul3A_371 : vector<16xf32>
      %mul3A_373 = arith.constant 16 : i32
      %mul3A_374 = arith.muli %scan3A_94, %mul3A_373 : i32
      %add3A_375 = arith.constant 4 : i32
      %add3A_376 = arith.addi %mul3A_374, %add3A_375 : i32
      %get3A_377 = arith.index_cast %add3A_376 : i32 to index
      %get3A_378 = arith.constant 32 : index
      %get3A_379 = tpu.vector_load %arg11[%get3A_377, %get3A_378] {strides = array<i32>} : memref<512x64xf32, #tpu.memory_space<vmem>>, vector<16xf32>,
      %get3A_380 = arith.constant 32 : index
      %get3A_381 = tpu.vector_load %arg12[%get3A_380] {strides = array<i32>} : memref<64xf32, #tpu.memory_space<vmem>>, vector<16xf32>,
      %mul3A_382 = arith.mulf %get3A_379, %get3A_381 : vector<16xf32>
      %add3A_383 = arith.addf %add3A_372, %mul3A_382 : vector<16xf32>
      %mul3A_384 = arith.constant 16 : i32
      %mul3A_385 = arith.muli %scan3A_94, %mul3A_384 : i32
      %add3A_386 = arith.constant 4 : i32
      %add3A_387 = arith.addi %mul3A_385, %add3A_386 : i32
      %get3A_388 = arith.index_cast %add3A_387 : i32 to index
      %get3A_389 = arith.constant 48 : index
      %get3A_390 = tpu.vector_load %arg11[%get3A_388, %get3A_389] {strides = array<i32>} : memref<512x64xf32, #tpu.memory_space<vmem>>, vector<16xf32>,
      %get3A_391 = arith.constant 48 : index
      %get3A_392 = tpu.vector_load %arg12[%get3A_391] {strides = array<i32>} : memref<64xf32, #tpu.memory_space<vmem>>, vector<16xf32>,
      %mul3A_393 = arith.mulf %get3A_390, %get3A_392 : vector<16xf32>
      %add3A_394 = arith.addf %add3A_383, %mul3A_393 : vector<16xf32>
      %reduce_sum3A_395 = arith.constant true
      %reduce_sum3A_396 = vector.broadcast %reduce_sum3A_395 : i1 to vector<16xi1>
      %reduce_sum3A_397 = tpu.scan <sum>, %add3A_394 masked %reduce_sum3A_396 : vector<16xf32>, vector<16xi1> -> vector<16xf32>
      %reduce_sum3A_398 = vector.extract %reduce_sum3A_397[15] : f32 from vector<16xf32>
      %eq3A_399 = arith.constant 4 : i32
      %eq3A_400 = vector.broadcast %eq3A_399 : i32 to vector<16xi32>
      %eq3A_401 = arith.cmpi eq, %iota3A, %eq3A_400 : vector<16xi32>
      %broadcast_in_dim3A_402 = vector.broadcast %reduce_sum3A_398 : f32 to vector<16xf32>
      %select_n3A_403 = arith.select %eq3A_401, %broadcast_in_dim3A_402, %select_n3A_348 : vector<16xi1>, vector<16xf32>
      %broadcast_in_dim3A_404 = arith.constant 0.000000e+00 : f32
      %broadcast_in_dim3A_405 = vector.broadcast %broadcast_in_dim3A_404 : f32 to vector<16xf32>
      %mul3A_406 = arith.constant 16 : i32
      %mul3A_407 = arith.muli %scan3A_94, %mul3A_406 : i32
      %add3A_408 = arith.constant 5 : i32
      %add3A_409 = arith.addi %mul3A_407, %add3A_408 : i32
      %get3A_410 = arith.index_cast %add3A_409 : i32 to index
      %get3A_411 = arith.constant 0 : index
      %get3A_412 = tpu.vector_load %arg11[%get3A_410, %get3A_411] {strides = array<i32>} : memref<512x64xf32, #tpu.memory_space<vmem>>, vector<16xf32>,
      %get3A_413 = arith.constant 0 : index
      %get3A_414 = tpu.vector_load %arg12[%get3A_413] {strides = array<i32>} : memref<64xf32, #tpu.memory_space<vmem>>, vector<16xf32>,
      %mul3A_415 = arith.mulf %get3A_412, %get3A_414 : vector<16xf32>
      %add3A_416 = arith.addf %broadcast_in_dim3A_405, %mul3A_415 : vector<16xf32>
      %mul3A_417 = arith.constant 16 : i32
      %mul3A_418 = arith.muli %scan3A_94, %mul3A_417 : i32
      %add3A_419 = arith.constant 5 : i32
      %add3A_420 = arith.addi %mul3A_418, %add3A_419 : i32
      %get3A_421 = arith.index_cast %add3A_420 : i32 to index
      %get3A_422 = arith.constant 16 : index
      %get3A_423 = tpu.vector_load %arg11[%get3A_421, %get3A_422] {strides = array<i32>} : memref<512x64xf32, #tpu.memory_space<vmem>>, vector<16xf32>,
      %get3A_424 = arith.constant 16 : index
      %get3A_425 = tpu.vector_load %arg12[%get3A_424] {strides = array<i32>} : memref<64xf32, #tpu.memory_space<vmem>>, vector<16xf32>,
      %mul3A_426 = arith.mulf %get3A_423, %get3A_425 : vector<16xf32>
      %add3A_427 = arith.addf %add3A_416, %mul3A_426 : vector<16xf32>
      %mul3A_428 = arith.constant 16 : i32
      %mul3A_429 = arith.muli %scan3A_94, %mul3A_428 : i32
      %add3A_430 = arith.constant 5 : i32
      %add3A_431 = arith.addi %mul3A_429, %add3A_430 : i32
      %get3A_432 = arith.index_cast %add3A_431 : i32 to index
      %get3A_433 = arith.constant 32 : index
      %get3A_434 = tpu.vector_load %arg11[%get3A_432, %get3A_433] {strides = array<i32>} : memref<512x64xf32, #tpu.memory_space<vmem>>, vector<16xf32>,
      %get3A_435 = arith.constant 32 : index
      %get3A_436 = tpu.vector_load %arg12[%get3A_435] {strides = array<i32>} : memref<64xf32, #tpu.memory_space<vmem>>, vector<16xf32>,
      %mul3A_437 = arith.mulf %get3A_434, %get3A_436 : vector<16xf32>
      %add3A_438 = arith.addf %add3A_427, %mul3A_437 : vector<16xf32>
      %mul3A_439 = arith.constant 16 : i32
      %mul3A_440 = arith.muli %scan3A_94, %mul3A_439 : i32
      %add3A_441 = arith.constant 5 : i32
      %add3A_442 = arith.addi %mul3A_440, %add3A_441 : i32
      %get3A_443 = arith.index_cast %add3A_442 : i32 to index
      %get3A_444 = arith.constant 48 : index
      %get3A_445 = tpu.vector_load %arg11[%get3A_443, %get3A_444] {strides = array<i32>} : memref<512x64xf32, #tpu.memory_space<vmem>>, vector<16xf32>,
      %get3A_446 = arith.constant 48 : index
      %get3A_447 = tpu.vector_load %arg12[%get3A_446] {strides = array<i32>} : memref<64xf32, #tpu.memory_space<vmem>>, vector<16xf32>,
      %mul3A_448 = arith.mulf %get3A_445, %get3A_447 : vector<16xf32>
      %add3A_449 = arith.addf %add3A_438, %mul3A_448 : vector<16xf32>
      %reduce_sum3A_450 = arith.constant true
      %reduce_sum3A_451 = vector.broadcast %reduce_sum3A_450 : i1 to vector<16xi1>
      %reduce_sum3A_452 = tpu.scan <sum>, %add3A_449 masked %reduce_sum3A_451 : vector<16xf32>, vector<16xi1> -> vector<16xf32>
      %reduce_sum3A_453 = vector.extract %reduce_sum3A_452[15] : f32 from vector<16xf32>
      %eq3A_454 = arith.constant 5 : i32
      %eq3A_455 = vector.broadcast %eq3A_454 : i32 to vector<16xi32>
      %eq3A_456 = arith.cmpi eq, %iota3A, %eq3A_455 : vector<16xi32>
      %broadcast_in_dim3A_457 = vector.broadcast %reduce_sum3A_453 : f32 to vector<16xf32>
      %select_n3A_458 = arith.select %eq3A_456, %broadcast_in_dim3A_457, %select_n3A_403 : vector<16xi1>, vector<16xf32>
      %broadcast_in_dim3A_459 = arith.constant 0.000000e+00 : f32
      %broadcast_in_dim3A_460 = vector.broadcast %broadcast_in_dim3A_459 : f32 to vector<16xf32>
      %mul3A_461 = arith.constant 16 : i32
      %mul3A_462 = arith.muli %scan3A_94, %mul3A_461 : i32
      %add3A_463 = arith.constant 6 : i32
      %add3A_464 = arith.addi %mul3A_462, %add3A_463 : i32
      %get3A_465 = arith.index_cast %add3A_464 : i32 to index
      %get3A_466 = arith.constant 0 : index
      %get3A_467 = tpu.vector_load %arg11[%get3A_465, %get3A_466] {strides = array<i32>} : memref<512x64xf32, #tpu.memory_space<vmem>>, vector<16xf32>,
      %get3A_468 = arith.constant 0 : index
      %get3A_469 = tpu.vector_load %arg12[%get3A_468] {strides = array<i32>} : memref<64xf32, #tpu.memory_space<vmem>>, vector<16xf32>,
      %mul3A_470 = arith.mulf %get3A_467, %get3A_469 : vector<16xf32>
      %add3A_471 = arith.addf %broadcast_in_dim3A_460, %mul3A_470 : vector<16xf32>
      %mul3A_472 = arith.constant 16 : i32
      %mul3A_473 = arith.muli %scan3A_94, %mul3A_472 : i32
      %add3A_474 = arith.constant 6 : i32
      %add3A_475 = arith.addi %mul3A_473, %add3A_474 : i32
      %get3A_476 = arith.index_cast %add3A_475 : i32 to index
      %get3A_477 = arith.constant 16 : index
      %get3A_478 = tpu.vector_load %arg11[%get3A_476, %get3A_477] {strides = array<i32>} : memref<512x64xf32, #tpu.memory_space<vmem>>, vector<16xf32>,
      %get3A_479 = arith.constant 16 : index
      %get3A_480 = tpu.vector_load %arg12[%get3A_479] {strides = array<i32>} : memref<64xf32, #tpu.memory_space<vmem>>, vector<16xf32>,
      %mul3A_481 = arith.mulf %get3A_478, %get3A_480 : vector<16xf32>
      %add3A_482 = arith.addf %add3A_471, %mul3A_481 : vector<16xf32>
      %mul3A_483 = arith.constant 16 : i32
      %mul3A_484 = arith.muli %scan3A_94, %mul3A_483 : i32
      %add3A_485 = arith.constant 6 : i32
      %add3A_486 = arith.addi %mul3A_484, %add3A_485 : i32
      %get3A_487 = arith.index_cast %add3A_486 : i32 to index
      %get3A_488 = arith.constant 32 : index
      %get3A_489 = tpu.vector_load %arg11[%get3A_487, %get3A_488] {strides = array<i32>} : memref<512x64xf32, #tpu.memory_space<vmem>>, vector<16xf32>,
      %get3A_490 = arith.constant 32 : index
      %get3A_491 = tpu.vector_load %arg12[%get3A_490] {strides = array<i32>} : memref<64xf32, #tpu.memory_space<vmem>>, vector<16xf32>,
      %mul3A_492 = arith.mulf %get3A_489, %get3A_491 : vector<16xf32>
      %add3A_493 = arith.addf %add3A_482, %mul3A_492 : vector<16xf32>
      %mul3A_494 = arith.constant 16 : i32
      %mul3A_495 = arith.muli %scan3A_94, %mul3A_494 : i32
      %add3A_496 = arith.constant 6 : i32
      %add3A_497 = arith.addi %mul3A_495, %add3A_496 : i32
      %get3A_498 = arith.index_cast %add3A_497 : i32 to index
      %get3A_499 = arith.constant 48 : index
      %get3A_500 = tpu.vector_load %arg11[%get3A_498, %get3A_499] {strides = array<i32>} : memref<512x64xf32, #tpu.memory_space<vmem>>, vector<16xf32>,
      %get3A_501 = arith.constant 48 : index
      %get3A_502 = tpu.vector_load %arg12[%get3A_501] {strides = array<i32>} : memref<64xf32, #tpu.memory_space<vmem>>, vector<16xf32>,
      %mul3A_503 = arith.mulf %get3A_500, %get3A_502 : vector<16xf32>
      %add3A_504 = arith.addf %add3A_493, %mul3A_503 : vector<16xf32>
      %reduce_sum3A_505 = arith.constant true
      %reduce_sum3A_506 = vector.broadcast %reduce_sum3A_505 : i1 to vector<16xi1>
      %reduce_sum3A_507 = tpu.scan <sum>, %add3A_504 masked %reduce_sum3A_506 : vector<16xf32>, vector<16xi1> -> vector<16xf32>
      %reduce_sum3A_508 = vector.extract %reduce_sum3A_507[15] : f32 from vector<16xf32>
      %eq3A_509 = arith.constant 6 : i32
      %eq3A_510 = vector.broadcast %eq3A_509 : i32 to vector<16xi32>
      %eq3A_511 = arith.cmpi eq, %iota3A, %eq3A_510 : vector<16xi32>
      %broadcast_in_dim3A_512 = vector.broadcast %reduce_sum3A_508 : f32 to vector<16xf32>
      %select_n3A_513 = arith.select %eq3A_511, %broadcast_in_dim3A_512, %select_n3A_458 : vector<16xi1>, vector<16xf32>
      %broadcast_in_dim3A_514 = arith.constant 0.000000e+00 : f32
      %broadcast_in_dim3A_515 = vector.broadcast %broadcast_in_dim3A_514 : f32 to vector<16xf32>
      %mul3A_516 = arith.constant 16 : i32
      %mul3A_517 = arith.muli %scan3A_94, %mul3A_516 : i32
      %add3A_518 = arith.constant 7 : i32
      %add3A_519 = arith.addi %mul3A_517, %add3A_518 : i32
      %get3A_520 = arith.index_cast %add3A_519 : i32 to index
      %get3A_521 = arith.constant 0 : index
      %get3A_522 = tpu.vector_load %arg11[%get3A_520, %get3A_521] {strides = array<i32>} : memref<512x64xf32, #tpu.memory_space<vmem>>, vector<16xf32>,
      %get3A_523 = arith.constant 0 : index
      %get3A_524 = tpu.vector_load %arg12[%get3A_523] {strides = array<i32>} : memref<64xf32, #tpu.memory_space<vmem>>, vector<16xf32>,
      %mul3A_525 = arith.mulf %get3A_522, %get3A_524 : vector<16xf32>
      %add3A_526 = arith.addf %broadcast_in_dim3A_515, %mul3A_525 : vector<16xf32>
      %mul3A_527 = arith.constant 16 : i32
      %mul3A_528 = arith.muli %scan3A_94, %mul3A_527 : i32
      %add3A_529 = arith.constant 7 : i32
      %add3A_530 = arith.addi %mul3A_528, %add3A_529 : i32
      %get3A_531 = arith.index_cast %add3A_530 : i32 to index
      %get3A_532 = arith.constant 16 : index
      %get3A_533 = tpu.vector_load %arg11[%get3A_531, %get3A_532] {strides = array<i32>} : memref<512x64xf32, #tpu.memory_space<vmem>>, vector<16xf32>,
      %get3A_534 = arith.constant 16 : index
      %get3A_535 = tpu.vector_load %arg12[%get3A_534] {strides = array<i32>} : memref<64xf32, #tpu.memory_space<vmem>>, vector<16xf32>,
      %mul3A_536 = arith.mulf %get3A_533, %get3A_535 : vector<16xf32>
      %add3A_537 = arith.addf %add3A_526, %mul3A_536 : vector<16xf32>
      %mul3A_538 = arith.constant 16 : i32
      %mul3A_539 = arith.muli %scan3A_94, %mul3A_538 : i32
      %add3A_540 = arith.constant 7 : i32
      %add3A_541 = arith.addi %mul3A_539, %add3A_540 : i32
      %get3A_542 = arith.index_cast %add3A_541 : i32 to index
      %get3A_543 = arith.constant 32 : index
      %get3A_544 = tpu.vector_load %arg11[%get3A_542, %get3A_543] {strides = array<i32>} : memref<512x64xf32, #tpu.memory_space<vmem>>, vector<16xf32>,
      %get3A_545 = arith.constant 32 : index
      %get3A_546 = tpu.vector_load %arg12[%get3A_545] {strides = array<i32>} : memref<64xf32, #tpu.memory_space<vmem>>, vector<16xf32>,
      %mul3A_547 = arith.mulf %get3A_544, %get3A_546 : vector<16xf32>
      %add3A_548 = arith.addf %add3A_537, %mul3A_547 : vector<16xf32>
      %mul3A_549 = arith.constant 16 : i32
      %mul3A_550 = arith.muli %scan3A_94, %mul3A_549 : i32
      %add3A_551 = arith.constant 7 : i32
      %add3A_552 = arith.addi %mul3A_550, %add3A_551 : i32
      %get3A_553 = arith.index_cast %add3A_552 : i32 to index
      %get3A_554 = arith.constant 48 : index
      %get3A_555 = tpu.vector_load %arg11[%get3A_553, %get3A_554] {strides = array<i32>} : memref<512x64xf32, #tpu.memory_space<vmem>>, vector<16xf32>,
      %get3A_556 = arith.constant 48 : index
      %get3A_557 = tpu.vector_load %arg12[%get3A_556] {strides = array<i32>} : memref<64xf32, #tpu.memory_space<vmem>>, vector<16xf32>,
      %mul3A_558 = arith.mulf %get3A_555, %get3A_557 : vector<16xf32>
      %add3A_559 = arith.addf %add3A_548, %mul3A_558 : vector<16xf32>
      %reduce_sum3A_560 = arith.constant true
      %reduce_sum3A_561 = vector.broadcast %reduce_sum3A_560 : i1 to vector<16xi1>
      %reduce_sum3A_562 = tpu.scan <sum>, %add3A_559 masked %reduce_sum3A_561 : vector<16xf32>, vector<16xi1> -> vector<16xf32>
      %reduce_sum3A_563 = vector.extract %reduce_sum3A_562[15] : f32 from vector<16xf32>
      %eq3A_564 = arith.constant 7 : i32
      %eq3A_565 = vector.broadcast %eq3A_564 : i32 to vector<16xi32>
      %eq3A_566 = arith.cmpi eq, %iota3A, %eq3A_565 : vector<16xi32>
      %broadcast_in_dim3A_567 = vector.broadcast %reduce_sum3A_563 : f32 to vector<16xf32>
      %select_n3A_568 = arith.select %eq3A_566, %broadcast_in_dim3A_567, %select_n3A_513 : vector<16xi1>, vector<16xf32>
      %broadcast_in_dim3A_569 = arith.constant 0.000000e+00 : f32
      %broadcast_in_dim3A_570 = vector.broadcast %broadcast_in_dim3A_569 : f32 to vector<16xf32>
      %mul3A_571 = arith.constant 16 : i32
      %mul3A_572 = arith.muli %scan3A_94, %mul3A_571 : i32
      %add3A_573 = arith.constant 8 : i32
      %add3A_574 = arith.addi %mul3A_572, %add3A_573 : i32
      %get3A_575 = arith.index_cast %add3A_574 : i32 to index
      %get3A_576 = arith.constant 0 : index
      %get3A_577 = tpu.vector_load %arg11[%get3A_575, %get3A_576] {strides = array<i32>} : memref<512x64xf32, #tpu.memory_space<vmem>>, vector<16xf32>,
      %get3A_578 = arith.constant 0 : index
      %get3A_579 = tpu.vector_load %arg12[%get3A_578] {strides = array<i32>} : memref<64xf32, #tpu.memory_space<vmem>>, vector<16xf32>,
      %mul3A_580 = arith.mulf %get3A_577, %get3A_579 : vector<16xf32>
      %add3A_581 = arith.addf %broadcast_in_dim3A_570, %mul3A_580 : vector<16xf32>
      %mul3A_582 = arith.constant 16 : i32
      %mul3A_583 = arith.muli %scan3A_94, %mul3A_582 : i32
      %add3A_584 = arith.constant 8 : i32
      %add3A_585 = arith.addi %mul3A_583, %add3A_584 : i32
      %get3A_586 = arith.index_cast %add3A_585 : i32 to index
      %get3A_587 = arith.constant 16 : index
      %get3A_588 = tpu.vector_load %arg11[%get3A_586, %get3A_587] {strides = array<i32>} : memref<512x64xf32, #tpu.memory_space<vmem>>, vector<16xf32>,
      %get3A_589 = arith.constant 16 : index
      %get3A_590 = tpu.vector_load %arg12[%get3A_589] {strides = array<i32>} : memref<64xf32, #tpu.memory_space<vmem>>, vector<16xf32>,
      %mul3A_591 = arith.mulf %get3A_588, %get3A_590 : vector<16xf32>
      %add3A_592 = arith.addf %add3A_581, %mul3A_591 : vector<16xf32>
      %mul3A_593 = arith.constant 16 : i32
      %mul3A_594 = arith.muli %scan3A_94, %mul3A_593 : i32
      %add3A_595 = arith.constant 8 : i32
      %add3A_596 = arith.addi %mul3A_594, %add3A_595 : i32
      %get3A_597 = arith.index_cast %add3A_596 : i32 to index
      %get3A_598 = arith.constant 32 : index
      %get3A_599 = tpu.vector_load %arg11[%get3A_597, %get3A_598] {strides = array<i32>} : memref<512x64xf32, #tpu.memory_space<vmem>>, vector<16xf32>,
      %get3A_600 = arith.constant 32 : index
      %get3A_601 = tpu.vector_load %arg12[%get3A_600] {strides = array<i32>} : memref<64xf32, #tpu.memory_space<vmem>>, vector<16xf32>,
      %mul3A_602 = arith.mulf %get3A_599, %get3A_601 : vector<16xf32>
      %add3A_603 = arith.addf %add3A_592, %mul3A_602 : vector<16xf32>
      %mul3A_604 = arith.constant 16 : i32
      %mul3A_605 = arith.muli %scan3A_94, %mul3A_604 : i32
      %add3A_606 = arith.constant 8 : i32
      %add3A_607 = arith.addi %mul3A_605, %add3A_606 : i32
      %get3A_608 = arith.index_cast %add3A_607 : i32 to index
      %get3A_609 = arith.constant 48 : index
      %get3A_610 = tpu.vector_load %arg11[%get3A_608, %get3A_609] {strides = array<i32>} : memref<512x64xf32, #tpu.memory_space<vmem>>, vector<16xf32>,
      %get3A_611 = arith.constant 48 : index
      %get3A_612 = tpu.vector_load %arg12[%get3A_611] {strides = array<i32>} : memref<64xf32, #tpu.memory_space<vmem>>, vector<16xf32>,
      %mul3A_613 = arith.mulf %get3A_610, %get3A_612 : vector<16xf32>
      %add3A_614 = arith.addf %add3A_603, %mul3A_613 : vector<16xf32>
      %reduce_sum3A_615 = arith.constant true
      %reduce_sum3A_616 = vector.broadcast %reduce_sum3A_615 : i1 to vector<16xi1>
      %reduce_sum3A_617 = tpu.scan <sum>, %add3A_614 masked %reduce_sum3A_616 : vector<16xf32>, vector<16xi1> -> vector<16xf32>
      %reduce_sum3A_618 = vector.extract %reduce_sum3A_617[15] : f32 from vector<16xf32>
      %eq3A_619 = arith.constant 8 : i32
      %eq3A_620 = vector.broadcast %eq3A_619 : i32 to vector<16xi32>
      %eq3A_621 = arith.cmpi eq, %iota3A, %eq3A_620 : vector<16xi32>
      %broadcast_in_dim3A_622 = vector.broadcast %reduce_sum3A_618 : f32 to vector<16xf32>
      %select_n3A_623 = arith.select %eq3A_621, %broadcast_in_dim3A_622, %select_n3A_568 : vector<16xi1>, vector<16xf32>
      %broadcast_in_dim3A_624 = arith.constant 0.000000e+00 : f32
      %broadcast_in_dim3A_625 = vector.broadcast %broadcast_in_dim3A_624 : f32 to vector<16xf32>
      %mul3A_626 = arith.constant 16 : i32
      %mul3A_627 = arith.muli %scan3A_94, %mul3A_626 : i32
      %add3A_628 = arith.constant 9 : i32
      %add3A_629 = arith.addi %mul3A_627, %add3A_628 : i32
      %get3A_630 = arith.index_cast %add3A_629 : i32 to index
      %get3A_631 = arith.constant 0 : index
      %get3A_632 = tpu.vector_load %arg11[%get3A_630, %get3A_631] {strides = array<i32>} : memref<512x64xf32, #tpu.memory_space<vmem>>, vector<16xf32>,
      %get3A_633 = arith.constant 0 : index
      %get3A_634 = tpu.vector_load %arg12[%get3A_633] {strides = array<i32>} : memref<64xf32, #tpu.memory_space<vmem>>, vector<16xf32>,
      %mul3A_635 = arith.mulf %get3A_632, %get3A_634 : vector<16xf32>
      %add3A_636 = arith.addf %broadcast_in_dim3A_625, %mul3A_635 : vector<16xf32>
      %mul3A_637 = arith.constant 16 : i32
      %mul3A_638 = arith.muli %scan3A_94, %mul3A_637 : i32
      %add3A_639 = arith.constant 9 : i32
      %add3A_640 = arith.addi %mul3A_638, %add3A_639 : i32
      %get3A_641 = arith.index_cast %add3A_640 : i32 to index
      %get3A_642 = arith.constant 16 : index
      %get3A_643 = tpu.vector_load %arg11[%get3A_641, %get3A_642] {strides = array<i32>} : memref<512x64xf32, #tpu.memory_space<vmem>>, vector<16xf32>,
      %get3A_644 = arith.constant 16 : index
      %get3A_645 = tpu.vector_load %arg12[%get3A_644] {strides = array<i32>} : memref<64xf32, #tpu.memory_space<vmem>>, vector<16xf32>,
      %mul3A_646 = arith.mulf %get3A_643, %get3A_645 : vector<16xf32>
      %add3A_647 = arith.addf %add3A_636, %mul3A_646 : vector<16xf32>
      %mul3A_648 = arith.constant 16 : i32
      %mul3A_649 = arith.muli %scan3A_94, %mul3A_648 : i32
      %add3A_650 = arith.constant 9 : i32
      %add3A_651 = arith.addi %mul3A_649, %add3A_650 : i32
      %get3A_652 = arith.index_cast %add3A_651 : i32 to index
      %get3A_653 = arith.constant 32 : index
      %get3A_654 = tpu.vector_load %arg11[%get3A_652, %get3A_653] {strides = array<i32>} : memref<512x64xf32, #tpu.memory_space<vmem>>, vector<16xf32>,
      %get3A_655 = arith.constant 32 : index
      %get3A_656 = tpu.vector_load %arg12[%get3A_655] {strides = array<i32>} : memref<64xf32, #tpu.memory_space<vmem>>, vector<16xf32>,
      %mul3A_657 = arith.mulf %get3A_654, %get3A_656 : vector<16xf32>
      %add3A_658 = arith.addf %add3A_647, %mul3A_657 : vector<16xf32>
      %mul3A_659 = arith.constant 16 : i32
      %mul3A_660 = arith.muli %scan3A_94, %mul3A_659 : i32
      %add3A_661 = arith.constant 9 : i32
      %add3A_662 = arith.addi %mul3A_660, %add3A_661 : i32
      %get3A_663 = arith.index_cast %add3A_662 : i32 to index
      %get3A_664 = arith.constant 48 : index
      %get3A_665 = tpu.vector_load %arg11[%get3A_663, %get3A_664] {strides = array<i32>} : memref<512x64xf32, #tpu.memory_space<vmem>>, vector<16xf32>,
      %get3A_666 = arith.constant 48 : index
      %get3A_667 = tpu.vector_load %arg12[%get3A_666] {strides = array<i32>} : memref<64xf32, #tpu.memory_space<vmem>>, vector<16xf32>,
      %mul3A_668 = arith.mulf %get3A_665, %get3A_667 : vector<16xf32>
      %add3A_669 = arith.addf %add3A_658, %mul3A_668 : vector<16xf32>
      %reduce_sum3A_670 = arith.constant true
      %reduce_sum3A_671 = vector.broadcast %reduce_sum3A_670 : i1 to vector<16xi1>
      %reduce_sum3A_672 = tpu.scan <sum>, %add3A_669 masked %reduce_sum3A_671 : vector<16xf32>, vector<16xi1> -> vector<16xf32>
      %reduce_sum3A_673 = vector.extract %reduce_sum3A_672[15] : f32 from vector<16xf32>
      %eq3A_674 = arith.constant 9 : i32
      %eq3A_675 = vector.broadcast %eq3A_674 : i32 to vector<16xi32>
      %eq3A_676 = arith.cmpi eq, %iota3A, %eq3A_675 : vector<16xi32>
      %broadcast_in_dim3A_677 = vector.broadcast %reduce_sum3A_673 : f32 to vector<16xf32>
      %select_n3A_678 = arith.select %eq3A_676, %broadcast_in_dim3A_677, %select_n3A_623 : vector<16xi1>, vector<16xf32>
      %reduce_max3A = arith.constant true
      %reduce_max3A_679 = vector.broadcast %reduce_max3A : i1 to vector<16xi1>
      %reduce_max3A_680 = tpu.scan <max>, %select_n3A_678 masked %reduce_max3A_679 : vector<16xf32>, vector<16xi1> -> vector<16xf32>
      %reduce_max3A_681 = vector.extract %reduce_max3A_680[15] : f32 from vector<16xf32>
      %sub3A = vector.broadcast %reduce_max3A_681 : f32 to vector<16xf32>
      %sub3A_682 = arith.subf %select_n3A_678, %sub3A : vector<16xf32>
      %exp3A = math.exp %sub3A_682 : vector<16xf32>
      %reduce_sum3A_683 = arith.constant true
      %reduce_sum3A_684 = vector.broadcast %reduce_sum3A_683 : i1 to vector<16xi1>
      %reduce_sum3A_685 = tpu.scan <sum>, %exp3A masked %reduce_sum3A_684 : vector<16xf32>, vector<16xi1> -> vector<16xf32>
      %reduce_sum3A_686 = vector.extract %reduce_sum3A_685[15] : f32 from vector<16xf32>
      %broadcast_in_dim3A_687 = vector.broadcast %reduce_sum3A_686 : f32 to vector<16xf32>
      %div3A = arith.divf %exp3A, %broadcast_in_dim3A_687 : vector<16xf32>
      %broadcast_in_dim3A_688 = arith.constant 0.000000e+00 : f32
      %broadcast_in_dim3A_689 = vector.broadcast %broadcast_in_dim3A_688 : f32 to vector<16xf32>
      %eq3A_690 = arith.constant 0 : i32
      %eq3A_691 = vector.broadcast %eq3A_690 : i32 to vector<16xi32>
      %eq3A_692 = arith.cmpi eq, %iota3A, %eq3A_691 : vector<16xi32>
      %jit3A = arith.constant 0.000000e+00 : f32
      %broadcast_in_dim3A_693 = vector.broadcast %jit3A : f32 to vector<16xf32>
      %select_n3A_694 = arith.select %eq3A_692, %div3A, %broadcast_in_dim3A_693 : vector<16xi1>, vector<16xf32>
      %reduce_sum3A_695 = arith.constant true
      %reduce_sum3A_696 = vector.broadcast %reduce_sum3A_695 : i1 to vector<16xi1>
      %reduce_sum3A_697 = tpu.scan <sum>, %select_n3A_694 masked %reduce_sum3A_696 : vector<16xf32>, vector<16xi1> -> vector<16xf32>
      %reduce_sum3A_698 = vector.extract %reduce_sum3A_697[15] : f32 from vector<16xf32>
      %mul3A_699 = arith.constant 16 : i32
      %mul3A_700 = arith.muli %scan3A_94, %mul3A_699 : i32
      %add3A_701 = arith.constant 0 : i32
      %add3A_702 = arith.addi %mul3A_700, %add3A_701 : i32
      %get3A_703 = arith.index_cast %add3A_702 : i32 to index
      %get3A_704 = arith.constant 0 : index
      %get3A_705 = tpu.vector_load %arg11[%get3A_703, %get3A_704] {strides = array<i32>} : memref<512x64xf32, #tpu.memory_space<vmem>>, vector<16xf32>,
      %mul3A_706 = vector.broadcast %reduce_sum3A_698 : f32 to vector<16xf32>
      %mul3A_707 = arith.mulf %mul3A_706, %get3A_705 : vector<16xf32>
      %add3A_708 = arith.addf %broadcast_in_dim3A_689, %mul3A_707 : vector<16xf32>
      %eq3A_709 = arith.constant 1 : i32
      %eq3A_710 = vector.broadcast %eq3A_709 : i32 to vector<16xi32>
      %eq3A_711 = arith.cmpi eq, %iota3A, %eq3A_710 : vector<16xi32>
      %jit3A_712 = arith.constant 0.000000e+00 : f32
      %broadcast_in_dim3A_713 = vector.broadcast %jit3A_712 : f32 to vector<16xf32>
      %select_n3A_714 = arith.select %eq3A_711, %div3A, %broadcast_in_dim3A_713 : vector<16xi1>, vector<16xf32>
      %reduce_sum3A_715 = arith.constant true
      %reduce_sum3A_716 = vector.broadcast %reduce_sum3A_715 : i1 to vector<16xi1>
      %reduce_sum3A_717 = tpu.scan <sum>, %select_n3A_714 masked %reduce_sum3A_716 : vector<16xf32>, vector<16xi1> -> vector<16xf32>
      %reduce_sum3A_718 = vector.extract %reduce_sum3A_717[15] : f32 from vector<16xf32>
      %mul3A_719 = arith.constant 16 : i32
      %mul3A_720 = arith.muli %scan3A_94, %mul3A_719 : i32
      %add3A_721 = arith.constant 1 : i32
      %add3A_722 = arith.addi %mul3A_720, %add3A_721 : i32
      %get3A_723 = arith.index_cast %add3A_722 : i32 to index
      %get3A_724 = arith.constant 0 : index
      %get3A_725 = tpu.vector_load %arg11[%get3A_723, %get3A_724] {strides = array<i32>} : memref<512x64xf32, #tpu.memory_space<vmem>>, vector<16xf32>,
      %mul3A_726 = vector.broadcast %reduce_sum3A_718 : f32 to vector<16xf32>
      %mul3A_727 = arith.mulf %mul3A_726, %get3A_725 : vector<16xf32>
      %add3A_728 = arith.addf %add3A_708, %mul3A_727 : vector<16xf32>
      %eq3A_729 = arith.constant 2 : i32
      %eq3A_730 = vector.broadcast %eq3A_729 : i32 to vector<16xi32>
      %eq3A_731 = arith.cmpi eq, %iota3A, %eq3A_730 : vector<16xi32>
      %jit3A_732 = arith.constant 0.000000e+00 : f32
      %broadcast_in_dim3A_733 = vector.broadcast %jit3A_732 : f32 to vector<16xf32>
      %select_n3A_734 = arith.select %eq3A_731, %div3A, %broadcast_in_dim3A_733 : vector<16xi1>, vector<16xf32>
      %reduce_sum3A_735 = arith.constant true
      %reduce_sum3A_736 = vector.broadcast %reduce_sum3A_735 : i1 to vector<16xi1>
      %reduce_sum3A_737 = tpu.scan <sum>, %select_n3A_734 masked %reduce_sum3A_736 : vector<16xf32>, vector<16xi1> -> vector<16xf32>
      %reduce_sum3A_738 = vector.extract %reduce_sum3A_737[15] : f32 from vector<16xf32>
      %mul3A_739 = arith.constant 16 : i32
      %mul3A_740 = arith.muli %scan3A_94, %mul3A_739 : i32
      %add3A_741 = arith.constant 2 : i32
      %add3A_742 = arith.addi %mul3A_740, %add3A_741 : i32
      %get3A_743 = arith.index_cast %add3A_742 : i32 to index
      %get3A_744 = arith.constant 0 : index
      %get3A_745 = tpu.vector_load %arg11[%get3A_743, %get3A_744] {strides = array<i32>} : memref<512x64xf32, #tpu.memory_space<vmem>>, vector<16xf32>,
      %mul3A_746 = vector.broadcast %reduce_sum3A_738 : f32 to vector<16xf32>
      %mul3A_747 = arith.mulf %mul3A_746, %get3A_745 : vector<16xf32>
      %add3A_748 = arith.addf %add3A_728, %mul3A_747 : vector<16xf32>
      %eq3A_749 = arith.constant 3 : i32
      %eq3A_750 = vector.broadcast %eq3A_749 : i32 to vector<16xi32>
      %eq3A_751 = arith.cmpi eq, %iota3A, %eq3A_750 : vector<16xi32>
      %jit3A_752 = arith.constant 0.000000e+00 : f32
      %broadcast_in_dim3A_753 = vector.broadcast %jit3A_752 : f32 to vector<16xf32>
      %select_n3A_754 = arith.select %eq3A_751, %div3A, %broadcast_in_dim3A_753 : vector<16xi1>, vector<16xf32>
      %reduce_sum3A_755 = arith.constant true
      %reduce_sum3A_756 = vector.broadcast %reduce_sum3A_755 : i1 to vector<16xi1>
      %reduce_sum3A_757 = tpu.scan <sum>, %select_n3A_754 masked %reduce_sum3A_756 : vector<16xf32>, vector<16xi1> -> vector<16xf32>
      %reduce_sum3A_758 = vector.extract %reduce_sum3A_757[15] : f32 from vector<16xf32>
      %mul3A_759 = arith.constant 16 : i32
      %mul3A_760 = arith.muli %scan3A_94, %mul3A_759 : i32
      %add3A_761 = arith.constant 3 : i32
      %add3A_762 = arith.addi %mul3A_760, %add3A_761 : i32
      %get3A_763 = arith.index_cast %add3A_762 : i32 to index
      %get3A_764 = arith.constant 0 : index
      %get3A_765 = tpu.vector_load %arg11[%get3A_763, %get3A_764] {strides = array<i32>} : memref<512x64xf32, #tpu.memory_space<vmem>>, vector<16xf32>,
      %mul3A_766 = vector.broadcast %reduce_sum3A_758 : f32 to vector<16xf32>
      %mul3A_767 = arith.mulf %mul3A_766, %get3A_765 : vector<16xf32>
      %add3A_768 = arith.addf %add3A_748, %mul3A_767 : vector<16xf32>
      %eq3A_769 = arith.constant 4 : i32
      %eq3A_770 = vector.broadcast %eq3A_769 : i32 to vector<16xi32>
      %eq3A_771 = arith.cmpi eq, %iota3A, %eq3A_770 : vector<16xi32>
      %jit3A_772 = arith.constant 0.000000e+00 : f32
      %broadcast_in_dim3A_773 = vector.broadcast %jit3A_772 : f32 to vector<16xf32>
      %select_n3A_774 = arith.select %eq3A_771, %div3A, %broadcast_in_dim3A_773 : vector<16xi1>, vector<16xf32>
      %reduce_sum3A_775 = arith.constant true
      %reduce_sum3A_776 = vector.broadcast %reduce_sum3A_775 : i1 to vector<16xi1>
      %reduce_sum3A_777 = tpu.scan <sum>, %select_n3A_774 masked %reduce_sum3A_776 : vector<16xf32>, vector<16xi1> -> vector<16xf32>
      %reduce_sum3A_778 = vector.extract %reduce_sum3A_777[15] : f32 from vector<16xf32>
      %mul3A_779 = arith.constant 16 : i32
      %mul3A_780 = arith.muli %scan3A_94, %mul3A_779 : i32
      %add3A_781 = arith.constant 4 : i32
      %add3A_782 = arith.addi %mul3A_780, %add3A_781 : i32
      %get3A_783 = arith.index_cast %add3A_782 : i32 to index
      %get3A_784 = arith.constant 0 : index
      %get3A_785 = tpu.vector_load %arg11[%get3A_783, %get3A_784] {strides = array<i32>} : memref<512x64xf32, #tpu.memory_space<vmem>>, vector<16xf32>,
      %mul3A_786 = vector.broadcast %reduce_sum3A_778 : f32 to vector<16xf32>
      %mul3A_787 = arith.mulf %mul3A_786, %get3A_785 : vector<16xf32>
      %add3A_788 = arith.addf %add3A_768, %mul3A_787 : vector<16xf32>
      %eq3A_789 = arith.constant 5 : i32
      %eq3A_790 = vector.broadcast %eq3A_789 : i32 to vector<16xi32>
      %eq3A_791 = arith.cmpi eq, %iota3A, %eq3A_790 : vector<16xi32>
      %jit3A_792 = arith.constant 0.000000e+00 : f32
      %broadcast_in_dim3A_793 = vector.broadcast %jit3A_792 : f32 to vector<16xf32>
      %select_n3A_794 = arith.select %eq3A_791, %div3A, %broadcast_in_dim3A_793 : vector<16xi1>, vector<16xf32>
      %reduce_sum3A_795 = arith.constant true
      %reduce_sum3A_796 = vector.broadcast %reduce_sum3A_795 : i1 to vector<16xi1>
      %reduce_sum3A_797 = tpu.scan <sum>, %select_n3A_794 masked %reduce_sum3A_796 : vector<16xf32>, vector<16xi1> -> vector<16xf32>
      %reduce_sum3A_798 = vector.extract %reduce_sum3A_797[15] : f32 from vector<16xf32>
      %mul3A_799 = arith.constant 16 : i32
      %mul3A_800 = arith.muli %scan3A_94, %mul3A_799 : i32
      %add3A_801 = arith.constant 5 : i32
      %add3A_802 = arith.addi %mul3A_800, %add3A_801 : i32
      %get3A_803 = arith.index_cast %add3A_802 : i32 to index
      %get3A_804 = arith.constant 0 : index
      %get3A_805 = tpu.vector_load %arg11[%get3A_803, %get3A_804] {strides = array<i32>} : memref<512x64xf32, #tpu.memory_space<vmem>>, vector<16xf32>,
      %mul3A_806 = vector.broadcast %reduce_sum3A_798 : f32 to vector<16xf32>
      %mul3A_807 = arith.mulf %mul3A_806, %get3A_805 : vector<16xf32>
      %add3A_808 = arith.addf %add3A_788, %mul3A_807 : vector<16xf32>
      %eq3A_809 = arith.constant 6 : i32
      %eq3A_810 = vector.broadcast %eq3A_809 : i32 to vector<16xi32>
      %eq3A_811 = arith.cmpi eq, %iota3A, %eq3A_810 : vector<16xi32>
      %jit3A_812 = arith.constant 0.000000e+00 : f32
      %broadcast_in_dim3A_813 = vector.broadcast %jit3A_812 : f32 to vector<16xf32>
      %select_n3A_814 = arith.select %eq3A_811, %div3A, %broadcast_in_dim3A_813 : vector<16xi1>, vector<16xf32>
      %reduce_sum3A_815 = arith.constant true
      %reduce_sum3A_816 = vector.broadcast %reduce_sum3A_815 : i1 to vector<16xi1>
      %reduce_sum3A_817 = tpu.scan <sum>, %select_n3A_814 masked %reduce_sum3A_816 : vector<16xf32>, vector<16xi1> -> vector<16xf32>
      %reduce_sum3A_818 = vector.extract %reduce_sum3A_817[15] : f32 from vector<16xf32>
      %mul3A_819 = arith.constant 16 : i32
      %mul3A_820 = arith.muli %scan3A_94, %mul3A_819 : i32
      %add3A_821 = arith.constant 6 : i32
      %add3A_822 = arith.addi %mul3A_820, %add3A_821 : i32
      %get3A_823 = arith.index_cast %add3A_822 : i32 to index
      %get3A_824 = arith.constant 0 : index
      %get3A_825 = tpu.vector_load %arg11[%get3A_823, %get3A_824] {strides = array<i32>} : memref<512x64xf32, #tpu.memory_space<vmem>>, vector<16xf32>,
      %mul3A_826 = vector.broadcast %reduce_sum3A_818 : f32 to vector<16xf32>
      %mul3A_827 = arith.mulf %mul3A_826, %get3A_825 : vector<16xf32>
      %add3A_828 = arith.addf %add3A_808, %mul3A_827 : vector<16xf32>
      %eq3A_829 = arith.constant 7 : i32
      %eq3A_830 = vector.broadcast %eq3A_829 : i32 to vector<16xi32>
      %eq3A_831 = arith.cmpi eq, %iota3A, %eq3A_830 : vector<16xi32>
      %jit3A_832 = arith.constant 0.000000e+00 : f32
      %broadcast_in_dim3A_833 = vector.broadcast %jit3A_832 : f32 to vector<16xf32>
      %select_n3A_834 = arith.select %eq3A_831, %div3A, %broadcast_in_dim3A_833 : vector<16xi1>, vector<16xf32>
      %reduce_sum3A_835 = arith.constant true
      %reduce_sum3A_836 = vector.broadcast %reduce_sum3A_835 : i1 to vector<16xi1>
      %reduce_sum3A_837 = tpu.scan <sum>, %select_n3A_834 masked %reduce_sum3A_836 : vector<16xf32>, vector<16xi1> -> vector<16xf32>
      %reduce_sum3A_838 = vector.extract %reduce_sum3A_837[15] : f32 from vector<16xf32>
      %mul3A_839 = arith.constant 16 : i32
      %mul3A_840 = arith.muli %scan3A_94, %mul3A_839 : i32
      %add3A_841 = arith.constant 7 : i32
      %add3A_842 = arith.addi %mul3A_840, %add3A_841 : i32
      %get3A_843 = arith.index_cast %add3A_842 : i32 to index
      %get3A_844 = arith.constant 0 : index
      %get3A_845 = tpu.vector_load %arg11[%get3A_843, %get3A_844] {strides = array<i32>} : memref<512x64xf32, #tpu.memory_space<vmem>>, vector<16xf32>,
      %mul3A_846 = vector.broadcast %reduce_sum3A_838 : f32 to vector<16xf32>
      %mul3A_847 = arith.mulf %mul3A_846, %get3A_845 : vector<16xf32>
      %add3A_848 = arith.addf %add3A_828, %mul3A_847 : vector<16xf32>
      %eq3A_849 = arith.constant 8 : i32
      %eq3A_850 = vector.broadcast %eq3A_849 : i32 to vector<16xi32>
      %eq3A_851 = arith.cmpi eq, %iota3A, %eq3A_850 : vector<16xi32>
      %jit3A_852 = arith.constant 0.000000e+00 : f32
      %broadcast_in_dim3A_853 = vector.broadcast %jit3A_852 : f32 to vector<16xf32>
      %select_n3A_854 = arith.select %eq3A_851, %div3A, %broadcast_in_dim3A_853 : vector<16xi1>, vector<16xf32>
      %reduce_sum3A_855 = arith.constant true
      %reduce_sum3A_856 = vector.broadcast %reduce_sum3A_855 : i1 to vector<16xi1>
      %reduce_sum3A_857 = tpu.scan <sum>, %select_n3A_854 masked %reduce_sum3A_856 : vector<16xf32>, vector<16xi1> -> vector<16xf32>
      %reduce_sum3A_858 = vector.extract %reduce_sum3A_857[15] : f32 from vector<16xf32>
      %mul3A_859 = arith.constant 16 : i32
      %mul3A_860 = arith.muli %scan3A_94, %mul3A_859 : i32
      %add3A_861 = arith.constant 8 : i32
      %add3A_862 = arith.addi %mul3A_860, %add3A_861 : i32
      %get3A_863 = arith.index_cast %add3A_862 : i32 to index
      %get3A_864 = arith.constant 0 : index
      %get3A_865 = tpu.vector_load %arg11[%get3A_863, %get3A_864] {strides = array<i32>} : memref<512x64xf32, #tpu.memory_space<vmem>>, vector<16xf32>,
      %mul3A_866 = vector.broadcast %reduce_sum3A_858 : f32 to vector<16xf32>
      %mul3A_867 = arith.mulf %mul3A_866, %get3A_865 : vector<16xf32>
      %add3A_868 = arith.addf %add3A_848, %mul3A_867 : vector<16xf32>
      %eq3A_869 = arith.constant 9 : i32
      %eq3A_870 = vector.broadcast %eq3A_869 : i32 to vector<16xi32>
      %eq3A_871 = arith.cmpi eq, %iota3A, %eq3A_870 : vector<16xi32>
      %jit3A_872 = arith.constant 0.000000e+00 : f32
      %broadcast_in_dim3A_873 = vector.broadcast %jit3A_872 : f32 to vector<16xf32>
      %select_n3A_874 = arith.select %eq3A_871, %div3A, %broadcast_in_dim3A_873 : vector<16xi1>, vector<16xf32>
      %reduce_sum3A_875 = arith.constant true
      %reduce_sum3A_876 = vector.broadcast %reduce_sum3A_875 : i1 to vector<16xi1>
      %reduce_sum3A_877 = tpu.scan <sum>, %select_n3A_874 masked %reduce_sum3A_876 : vector<16xf32>, vector<16xi1> -> vector<16xf32>
      %reduce_sum3A_878 = vector.extract %reduce_sum3A_877[15] : f32 from vector<16xf32>
      %mul3A_879 = arith.constant 16 : i32
      %mul3A_880 = arith.muli %scan3A_94, %mul3A_879 : i32
      %add3A_881 = arith.constant 9 : i32
      %add3A_882 = arith.addi %mul3A_880, %add3A_881 : i32
      %get3A_883 = arith.index_cast %add3A_882 : i32 to index
      %get3A_884 = arith.constant 0 : index
      %get3A_885 = tpu.vector_load %arg11[%get3A_883, %get3A_884] {strides = array<i32>} : memref<512x64xf32, #tpu.memory_space<vmem>>, vector<16xf32>,
      %mul3A_886 = vector.broadcast %reduce_sum3A_878 : f32 to vector<16xf32>
      %mul3A_887 = arith.mulf %mul3A_886, %get3A_885 : vector<16xf32>
      %add3A_888 = arith.addf %add3A_868, %mul3A_887 : vector<16xf32>
      %swap3A_889 = arith.index_cast %scan3A_94 : i32 to index
      %swap3A_890 = arith.constant 0 : index
      %swap3A_891 = tpu.vector_load %arg13[%swap3A_889, %swap3A_890] {strides = array<i32>} : memref<32x64xf32, #tpu.memory_space<vmem>>, vector<16xf32>,
      tpu.vector_store %arg13[%swap3A_889, %swap3A_890], %add3A_888 {strides = array<i32>} : memref<32x64xf32, #tpu.memory_space<vmem>>, vector<16xf32>,
      %broadcast_in_dim3A_892 = arith.constant 0.000000e+00 : f32
      %broadcast_in_dim3A_893 = vector.broadcast %broadcast_in_dim3A_892 : f32 to vector<16xf32>
      %eq3A_894 = arith.constant 0 : i32
      %eq3A_895 = vector.broadcast %eq3A_894 : i32 to vector<16xi32>
      %eq3A_896 = arith.cmpi eq, %iota3A, %eq3A_895 : vector<16xi32>
      %jit3A_897 = arith.constant 0.000000e+00 : f32
      %broadcast_in_dim3A_898 = vector.broadcast %jit3A_897 : f32 to vector<16xf32>
      %select_n3A_899 = arith.select %eq3A_896, %div3A, %broadcast_in_dim3A_898 : vector<16xi1>, vector<16xf32>
      %reduce_sum3A_900 = arith.constant true
      %reduce_sum3A_901 = vector.broadcast %reduce_sum3A_900 : i1 to vector<16xi1>
      %reduce_sum3A_902 = tpu.scan <sum>, %select_n3A_899 masked %reduce_sum3A_901 : vector<16xf32>, vector<16xi1> -> vector<16xf32>
      %reduce_sum3A_903 = vector.extract %reduce_sum3A_902[15] : f32 from vector<16xf32>
      %mul3A_904 = arith.constant 16 : i32
      %mul3A_905 = arith.muli %scan3A_94, %mul3A_904 : i32
      %add3A_906 = arith.constant 0 : i32
      %add3A_907 = arith.addi %mul3A_905, %add3A_906 : i32
      %get3A_908 = arith.index_cast %add3A_907 : i32 to index
      %get3A_909 = arith.constant 16 : index
      %get3A_910 = tpu.vector_load %arg11[%get3A_908, %get3A_909] {strides = array<i32>} : memref<512x64xf32, #tpu.memory_space<vmem>>, vector<16xf32>,
      %mul3A_911 = vector.broadcast %reduce_sum3A_903 : f32 to vector<16xf32>
      %mul3A_912 = arith.mulf %mul3A_911, %get3A_910 : vector<16xf32>
      %add3A_913 = arith.addf %broadcast_in_dim3A_893, %mul3A_912 : vector<16xf32>
      %eq3A_914 = arith.constant 1 : i32
      %eq3A_915 = vector.broadcast %eq3A_914 : i32 to vector<16xi32>
      %eq3A_916 = arith.cmpi eq, %iota3A, %eq3A_915 : vector<16xi32>
      %jit3A_917 = arith.constant 0.000000e+00 : f32
      %broadcast_in_dim3A_918 = vector.broadcast %jit3A_917 : f32 to vector<16xf32>
      %select_n3A_919 = arith.select %eq3A_916, %div3A, %broadcast_in_dim3A_918 : vector<16xi1>, vector<16xf32>
      %reduce_sum3A_920 = arith.constant true
      %reduce_sum3A_921 = vector.broadcast %reduce_sum3A_920 : i1 to vector<16xi1>
      %reduce_sum3A_922 = tpu.scan <sum>, %select_n3A_919 masked %reduce_sum3A_921 : vector<16xf32>, vector<16xi1> -> vector<16xf32>
      %reduce_sum3A_923 = vector.extract %reduce_sum3A_922[15] : f32 from vector<16xf32>
      %mul3A_924 = arith.constant 16 : i32
      %mul3A_925 = arith.muli %scan3A_94, %mul3A_924 : i32
      %add3A_926 = arith.constant 1 : i32
      %add3A_927 = arith.addi %mul3A_925, %add3A_926 : i32
      %get3A_928 = arith.index_cast %add3A_927 : i32 to index
      %get3A_929 = arith.constant 16 : index
      %get3A_930 = tpu.vector_load %arg11[%get3A_928, %get3A_929] {strides = array<i32>} : memref<512x64xf32, #tpu.memory_space<vmem>>, vector<16xf32>,
      %mul3A_931 = vector.broadcast %reduce_sum3A_923 : f32 to vector<16xf32>
      %mul3A_932 = arith.mulf %mul3A_931, %get3A_930 : vector<16xf32>
      %add3A_933 = arith.addf %add3A_913, %mul3A_932 : vector<16xf32>
      %eq3A_934 = arith.constant 2 : i32
      %eq3A_935 = vector.broadcast %eq3A_934 : i32 to vector<16xi32>
      %eq3A_936 = arith.cmpi eq, %iota3A, %eq3A_935 : vector<16xi32>
      %jit3A_937 = arith.constant 0.000000e+00 : f32
      %broadcast_in_dim3A_938 = vector.broadcast %jit3A_937 : f32 to vector<16xf32>
      %select_n3A_939 = arith.select %eq3A_936, %div3A, %broadcast_in_dim3A_938 : vector<16xi1>, vector<16xf32>
      %reduce_sum3A_940 = arith.constant true
      %reduce_sum3A_941 = vector.broadcast %reduce_sum3A_940 : i1 to vector<16xi1>
      %reduce_sum3A_942 = tpu.scan <sum>, %select_n3A_939 masked %reduce_sum3A_941 : vector<16xf32>, vector<16xi1> -> vector<16xf32>
      %reduce_sum3A_943 = vector.extract %reduce_sum3A_942[15] : f32 from vector<16xf32>
      %mul3A_944 = arith.constant 16 : i32
      %mul3A_945 = arith.muli %scan3A_94, %mul3A_944 : i32
      %add3A_946 = arith.constant 2 : i32
      %add3A_947 = arith.addi %mul3A_945, %add3A_946 : i32
      %get3A_948 = arith.index_cast %add3A_947 : i32 to index
      %get3A_949 = arith.constant 16 : index
      %get3A_950 = tpu.vector_load %arg11[%get3A_948, %get3A_949] {strides = array<i32>} : memref<512x64xf32, #tpu.memory_space<vmem>>, vector<16xf32>,
      %mul3A_951 = vector.broadcast %reduce_sum3A_943 : f32 to vector<16xf32>
      %mul3A_952 = arith.mulf %mul3A_951, %get3A_950 : vector<16xf32>
      %add3A_953 = arith.addf %add3A_933, %mul3A_952 : vector<16xf32>
      %eq3A_954 = arith.constant 3 : i32
      %eq3A_955 = vector.broadcast %eq3A_954 : i32 to vector<16xi32>
      %eq3A_956 = arith.cmpi eq, %iota3A, %eq3A_955 : vector<16xi32>
      %jit3A_957 = arith.constant 0.000000e+00 : f32
      %broadcast_in_dim3A_958 = vector.broadcast %jit3A_957 : f32 to vector<16xf32>
      %select_n3A_959 = arith.select %eq3A_956, %div3A, %broadcast_in_dim3A_958 : vector<16xi1>, vector<16xf32>
      %reduce_sum3A_960 = arith.constant true
      %reduce_sum3A_961 = vector.broadcast %reduce_sum3A_960 : i1 to vector<16xi1>
      %reduce_sum3A_962 = tpu.scan <sum>, %select_n3A_959 masked %reduce_sum3A_961 : vector<16xf32>, vector<16xi1> -> vector<16xf32>
      %reduce_sum3A_963 = vector.extract %reduce_sum3A_962[15] : f32 from vector<16xf32>
      %mul3A_964 = arith.constant 16 : i32
      %mul3A_965 = arith.muli %scan3A_94, %mul3A_964 : i32
      %add3A_966 = arith.constant 3 : i32
      %add3A_967 = arith.addi %mul3A_965, %add3A_966 : i32
      %get3A_968 = arith.index_cast %add3A_967 : i32 to index
      %get3A_969 = arith.constant 16 : index
      %get3A_970 = tpu.vector_load %arg11[%get3A_968, %get3A_969] {strides = array<i32>} : memref<512x64xf32, #tpu.memory_space<vmem>>, vector<16xf32>,
      %mul3A_971 = vector.broadcast %reduce_sum3A_963 : f32 to vector<16xf32>
      %mul3A_972 = arith.mulf %mul3A_971, %get3A_970 : vector<16xf32>
      %add3A_973 = arith.addf %add3A_953, %mul3A_972 : vector<16xf32>
      %eq3A_974 = arith.constant 4 : i32
      %eq3A_975 = vector.broadcast %eq3A_974 : i32 to vector<16xi32>
      %eq3A_976 = arith.cmpi eq, %iota3A, %eq3A_975 : vector<16xi32>
      %jit3A_977 = arith.constant 0.000000e+00 : f32
      %broadcast_in_dim3A_978 = vector.broadcast %jit3A_977 : f32 to vector<16xf32>
      %select_n3A_979 = arith.select %eq3A_976, %div3A, %broadcast_in_dim3A_978 : vector<16xi1>, vector<16xf32>
      %reduce_sum3A_980 = arith.constant true
      %reduce_sum3A_981 = vector.broadcast %reduce_sum3A_980 : i1 to vector<16xi1>
      %reduce_sum3A_982 = tpu.scan <sum>, %select_n3A_979 masked %reduce_sum3A_981 : vector<16xf32>, vector<16xi1> -> vector<16xf32>
      %reduce_sum3A_983 = vector.extract %reduce_sum3A_982[15] : f32 from vector<16xf32>
      %mul3A_984 = arith.constant 16 : i32
      %mul3A_985 = arith.muli %scan3A_94, %mul3A_984 : i32
      %add3A_986 = arith.constant 4 : i32
      %add3A_987 = arith.addi %mul3A_985, %add3A_986 : i32
      %get3A_988 = arith.index_cast %add3A_987 : i32 to index
      %get3A_989 = arith.constant 16 : index
      %get3A_990 = tpu.vector_load %arg11[%get3A_988, %get3A_989] {strides = array<i32>} : memref<512x64xf32, #tpu.memory_space<vmem>>, vector<16xf32>,
      %mul3A_991 = vector.broadcast %reduce_sum3A_983 : f32 to vector<16xf32>
      %mul3A_992 = arith.mulf %mul3A_991, %get3A_990 : vector<16xf32>
      %add3A_993 = arith.addf %add3A_973, %mul3A_992 : vector<16xf32>
      %eq3A_994 = arith.constant 5 : i32
      %eq3A_995 = vector.broadcast %eq3A_994 : i32 to vector<16xi32>
      %eq3A_996 = arith.cmpi eq, %iota3A, %eq3A_995 : vector<16xi32>
      %jit3A_997 = arith.constant 0.000000e+00 : f32
      %broadcast_in_dim3A_998 = vector.broadcast %jit3A_997 : f32 to vector<16xf32>
      %select_n3A_999 = arith.select %eq3A_996, %div3A, %broadcast_in_dim3A_998 : vector<16xi1>, vector<16xf32>
      %reduce_sum3A_1000 = arith.constant true
      %reduce_sum3A_1001 = vector.broadcast %reduce_sum3A_1000 : i1 to vector<16xi1>
      %reduce_sum3A_1002 = tpu.scan <sum>, %select_n3A_999 masked %reduce_sum3A_1001 : vector<16xf32>, vector<16xi1> -> vector<16xf32>
      %reduce_sum3A_1003 = vector.extract %reduce_sum3A_1002[15] : f32 from vector<16xf32>
      %mul3A_1004 = arith.constant 16 : i32
      %mul3A_1005 = arith.muli %scan3A_94, %mul3A_1004 : i32
      %add3A_1006 = arith.constant 5 : i32
      %add3A_1007 = arith.addi %mul3A_1005, %add3A_1006 : i32
      %get3A_1008 = arith.index_cast %add3A_1007 : i32 to index
      %get3A_1009 = arith.constant 16 : index
      %get3A_1010 = tpu.vector_load %arg11[%get3A_1008, %get3A_1009] {strides = array<i32>} : memref<512x64xf32, #tpu.memory_space<vmem>>, vector<16xf32>,
      %mul3A_1011 = vector.broadcast %reduce_sum3A_1003 : f32 to vector<16xf32>
      %mul3A_1012 = arith.mulf %mul3A_1011, %get3A_1010 : vector<16xf32>
      %add3A_1013 = arith.addf %add3A_993, %mul3A_1012 : vector<16xf32>
      %eq3A_1014 = arith.constant 6 : i32
      %eq3A_1015 = vector.broadcast %eq3A_1014 : i32 to vector<16xi32>
      %eq3A_1016 = arith.cmpi eq, %iota3A, %eq3A_1015 : vector<16xi32>
      %jit3A_1017 = arith.constant 0.000000e+00 : f32
      %broadcast_in_dim3A_1018 = vector.broadcast %jit3A_1017 : f32 to vector<16xf32>
      %select_n3A_1019 = arith.select %eq3A_1016, %div3A, %broadcast_in_dim3A_1018 : vector<16xi1>, vector<16xf32>
      %reduce_sum3A_1020 = arith.constant true
      %reduce_sum3A_1021 = vector.broadcast %reduce_sum3A_1020 : i1 to vector<16xi1>
      %reduce_sum3A_1022 = tpu.scan <sum>, %select_n3A_1019 masked %reduce_sum3A_1021 : vector<16xf32>, vector<16xi1> -> vector<16xf32>
      %reduce_sum3A_1023 = vector.extract %reduce_sum3A_1022[15] : f32 from vector<16xf32>
      %mul3A_1024 = arith.constant 16 : i32
      %mul3A_1025 = arith.muli %scan3A_94, %mul3A_1024 : i32
      %add3A_1026 = arith.constant 6 : i32
      %add3A_1027 = arith.addi %mul3A_1025, %add3A_1026 : i32
      %get3A_1028 = arith.index_cast %add3A_1027 : i32 to index
      %get3A_1029 = arith.constant 16 : index
      %get3A_1030 = tpu.vector_load %arg11[%get3A_1028, %get3A_1029] {strides = array<i32>} : memref<512x64xf32, #tpu.memory_space<vmem>>, vector<16xf32>,
      %mul3A_1031 = vector.broadcast %reduce_sum3A_1023 : f32 to vector<16xf32>
      %mul3A_1032 = arith.mulf %mul3A_1031, %get3A_1030 : vector<16xf32>
      %add3A_1033 = arith.addf %add3A_1013, %mul3A_1032 : vector<16xf32>
      %eq3A_1034 = arith.constant 7 : i32
      %eq3A_1035 = vector.broadcast %eq3A_1034 : i32 to vector<16xi32>
      %eq3A_1036 = arith.cmpi eq, %iota3A, %eq3A_1035 : vector<16xi32>
      %jit3A_1037 = arith.constant 0.000000e+00 : f32
      %broadcast_in_dim3A_1038 = vector.broadcast %jit3A_1037 : f32 to vector<16xf32>
      %select_n3A_1039 = arith.select %eq3A_1036, %div3A, %broadcast_in_dim3A_1038 : vector<16xi1>, vector<16xf32>
      %reduce_sum3A_1040 = arith.constant true
      %reduce_sum3A_1041 = vector.broadcast %reduce_sum3A_1040 : i1 to vector<16xi1>
      %reduce_sum3A_1042 = tpu.scan <sum>, %select_n3A_1039 masked %reduce_sum3A_1041 : vector<16xf32>, vector<16xi1> -> vector<16xf32>
      %reduce_sum3A_1043 = vector.extract %reduce_sum3A_1042[15] : f32 from vector<16xf32>
      %mul3A_1044 = arith.constant 16 : i32
      %mul3A_1045 = arith.muli %scan3A_94, %mul3A_1044 : i32
      %add3A_1046 = arith.constant 7 : i32
      %add3A_1047 = arith.addi %mul3A_1045, %add3A_1046 : i32
      %get3A_1048 = arith.index_cast %add3A_1047 : i32 to index
      %get3A_1049 = arith.constant 16 : index
      %get3A_1050 = tpu.vector_load %arg11[%get3A_1048, %get3A_1049] {strides = array<i32>} : memref<512x64xf32, #tpu.memory_space<vmem>>, vector<16xf32>,
      %mul3A_1051 = vector.broadcast %reduce_sum3A_1043 : f32 to vector<16xf32>
      %mul3A_1052 = arith.mulf %mul3A_1051, %get3A_1050 : vector<16xf32>
      %add3A_1053 = arith.addf %add3A_1033, %mul3A_1052 : vector<16xf32>
      %eq3A_1054 = arith.constant 8 : i32
      %eq3A_1055 = vector.broadcast %eq3A_1054 : i32 to vector<16xi32>
      %eq3A_1056 = arith.cmpi eq, %iota3A, %eq3A_1055 : vector<16xi32>
      %jit3A_1057 = arith.constant 0.000000e+00 : f32
      %broadcast_in_dim3A_1058 = vector.broadcast %jit3A_1057 : f32 to vector<16xf32>
      %select_n3A_1059 = arith.select %eq3A_1056, %div3A, %broadcast_in_dim3A_1058 : vector<16xi1>, vector<16xf32>
      %reduce_sum3A_1060 = arith.constant true
      %reduce_sum3A_1061 = vector.broadcast %reduce_sum3A_1060 : i1 to vector<16xi1>
      %reduce_sum3A_1062 = tpu.scan <sum>, %select_n3A_1059 masked %reduce_sum3A_1061 : vector<16xf32>, vector<16xi1> -> vector<16xf32>
      %reduce_sum3A_1063 = vector.extract %reduce_sum3A_1062[15] : f32 from vector<16xf32>
      %mul3A_1064 = arith.constant 16 : i32
      %mul3A_1065 = arith.muli %scan3A_94, %mul3A_1064 : i32
      %add3A_1066 = arith.constant 8 : i32
      %add3A_1067 = arith.addi %mul3A_1065, %add3A_1066 : i32
      %get3A_1068 = arith.index_cast %add3A_1067 : i32 to index
      %get3A_1069 = arith.constant 16 : index
      %get3A_1070 = tpu.vector_load %arg11[%get3A_1068, %get3A_1069] {strides = array<i32>} : memref<512x64xf32, #tpu.memory_space<vmem>>, vector<16xf32>,
      %mul3A_1071 = vector.broadcast %reduce_sum3A_1063 : f32 to vector<16xf32>
      %mul3A_1072 = arith.mulf %mul3A_1071, %get3A_1070 : vector<16xf32>
      %add3A_1073 = arith.addf %add3A_1053, %mul3A_1072 : vector<16xf32>
      %eq3A_1074 = arith.constant 9 : i32
      %eq3A_1075 = vector.broadcast %eq3A_1074 : i32 to vector<16xi32>
      %eq3A_1076 = arith.cmpi eq, %iota3A, %eq3A_1075 : vector<16xi32>
      %jit3A_1077 = arith.constant 0.000000e+00 : f32
      %broadcast_in_dim3A_1078 = vector.broadcast %jit3A_1077 : f32 to vector<16xf32>
      %select_n3A_1079 = arith.select %eq3A_1076, %div3A, %broadcast_in_dim3A_1078 : vector<16xi1>, vector<16xf32>
      %reduce_sum3A_1080 = arith.constant true
      %reduce_sum3A_1081 = vector.broadcast %reduce_sum3A_1080 : i1 to vector<16xi1>
      %reduce_sum3A_1082 = tpu.scan <sum>, %select_n3A_1079 masked %reduce_sum3A_1081 : vector<16xf32>, vector<16xi1> -> vector<16xf32>
      %reduce_sum3A_1083 = vector.extract %reduce_sum3A_1082[15] : f32 from vector<16xf32>
      %mul3A_1084 = arith.constant 16 : i32
      %mul3A_1085 = arith.muli %scan3A_94, %mul3A_1084 : i32
      %add3A_1086 = arith.constant 9 : i32
      %add3A_1087 = arith.addi %mul3A_1085, %add3A_1086 : i32
      %get3A_1088 = arith.index_cast %add3A_1087 : i32 to index
      %get3A_1089 = arith.constant 16 : index
      %get3A_1090 = tpu.vector_load %arg11[%get3A_1088, %get3A_1089] {strides = array<i32>} : memref<512x64xf32, #tpu.memory_space<vmem>>, vector<16xf32>,
      %mul3A_1091 = vector.broadcast %reduce_sum3A_1083 : f32 to vector<16xf32>
      %mul3A_1092 = arith.mulf %mul3A_1091, %get3A_1090 : vector<16xf32>
      %add3A_1093 = arith.addf %add3A_1073, %mul3A_1092 : vector<16xf32>
      %swap3A_1094 = arith.index_cast %scan3A_94 : i32 to index
      %swap3A_1095 = arith.constant 16 : index
      %swap3A_1096 = tpu.vector_load %arg13[%swap3A_1094, %swap3A_1095] {strides = array<i32>} : memref<32x64xf32, #tpu.memory_space<vmem>>, vector<16xf32>,
      tpu.vector_store %arg13[%swap3A_1094, %swap3A_1095], %add3A_1093 {strides = array<i32>} : memref<32x64xf32, #tpu.memory_space<vmem>>, vector<16xf32>,
      %broadcast_in_dim3A_1097 = arith.constant 0.000000e+00 : f32
      %broadcast_in_dim3A_1098 = vector.broadcast %broadcast_in_dim3A_1097 : f32 to vector<16xf32>
      %eq3A_1099 = arith.constant 0 : i32
      %eq3A_1100 = vector.broadcast %eq3A_1099 : i32 to vector<16xi32>
      %eq3A_1101 = arith.cmpi eq, %iota3A, %eq3A_1100 : vector<16xi32>
      %jit3A_1102 = arith.constant 0.000000e+00 : f32
      %broadcast_in_dim3A_1103 = vector.broadcast %jit3A_1102 : f32 to vector<16xf32>
      %select_n3A_1104 = arith.select %eq3A_1101, %div3A, %broadcast_in_dim3A_1103 : vector<16xi1>, vector<16xf32>
      %reduce_sum3A_1105 = arith.constant true
      %reduce_sum3A_1106 = vector.broadcast %reduce_sum3A_1105 : i1 to vector<16xi1>
      %reduce_sum3A_1107 = tpu.scan <sum>, %select_n3A_1104 masked %reduce_sum3A_1106 : vector<16xf32>, vector<16xi1> -> vector<16xf32>
      %reduce_sum3A_1108 = vector.extract %reduce_sum3A_1107[15] : f32 from vector<16xf32>
      %mul3A_1109 = arith.constant 16 : i32
      %mul3A_1110 = arith.muli %scan3A_94, %mul3A_1109 : i32
      %add3A_1111 = arith.constant 0 : i32
      %add3A_1112 = arith.addi %mul3A_1110, %add3A_1111 : i32
      %get3A_1113 = arith.index_cast %add3A_1112 : i32 to index
      %get3A_1114 = arith.constant 32 : index
      %get3A_1115 = tpu.vector_load %arg11[%get3A_1113, %get3A_1114] {strides = array<i32>} : memref<512x64xf32, #tpu.memory_space<vmem>>, vector<16xf32>,
      %mul3A_1116 = vector.broadcast %reduce_sum3A_1108 : f32 to vector<16xf32>
      %mul3A_1117 = arith.mulf %mul3A_1116, %get3A_1115 : vector<16xf32>
      %add3A_1118 = arith.addf %broadcast_in_dim3A_1098, %mul3A_1117 : vector<16xf32>
      %eq3A_1119 = arith.constant 1 : i32
      %eq3A_1120 = vector.broadcast %eq3A_1119 : i32 to vector<16xi32>
      %eq3A_1121 = arith.cmpi eq, %iota3A, %eq3A_1120 : vector<16xi32>
      %jit3A_1122 = arith.constant 0.000000e+00 : f32
      %broadcast_in_dim3A_1123 = vector.broadcast %jit3A_1122 : f32 to vector<16xf32>
      %select_n3A_1124 = arith.select %eq3A_1121, %div3A, %broadcast_in_dim3A_1123 : vector<16xi1>, vector<16xf32>
      %reduce_sum3A_1125 = arith.constant true
      %reduce_sum3A_1126 = vector.broadcast %reduce_sum3A_1125 : i1 to vector<16xi1>
      %reduce_sum3A_1127 = tpu.scan <sum>, %select_n3A_1124 masked %reduce_sum3A_1126 : vector<16xf32>, vector<16xi1> -> vector<16xf32>
      %reduce_sum3A_1128 = vector.extract %reduce_sum3A_1127[15] : f32 from vector<16xf32>
      %mul3A_1129 = arith.constant 16 : i32
      %mul3A_1130 = arith.muli %scan3A_94, %mul3A_1129 : i32
      %add3A_1131 = arith.constant 1 : i32
      %add3A_1132 = arith.addi %mul3A_1130, %add3A_1131 : i32
      %get3A_1133 = arith.index_cast %add3A_1132 : i32 to index
      %get3A_1134 = arith.constant 32 : index
      %get3A_1135 = tpu.vector_load %arg11[%get3A_1133, %get3A_1134] {strides = array<i32>} : memref<512x64xf32, #tpu.memory_space<vmem>>, vector<16xf32>,
      %mul3A_1136 = vector.broadcast %reduce_sum3A_1128 : f32 to vector<16xf32>
      %mul3A_1137 = arith.mulf %mul3A_1136, %get3A_1135 : vector<16xf32>
      %add3A_1138 = arith.addf %add3A_1118, %mul3A_1137 : vector<16xf32>
      %eq3A_1139 = arith.constant 2 : i32
      %eq3A_1140 = vector.broadcast %eq3A_1139 : i32 to vector<16xi32>
      %eq3A_1141 = arith.cmpi eq, %iota3A, %eq3A_1140 : vector<16xi32>
      %jit3A_1142 = arith.constant 0.000000e+00 : f32
      %broadcast_in_dim3A_1143 = vector.broadcast %jit3A_1142 : f32 to vector<16xf32>
      %select_n3A_1144 = arith.select %eq3A_1141, %div3A, %broadcast_in_dim3A_1143 : vector<16xi1>, vector<16xf32>
      %reduce_sum3A_1145 = arith.constant true
      %reduce_sum3A_1146 = vector.broadcast %reduce_sum3A_1145 : i1 to vector<16xi1>
      %reduce_sum3A_1147 = tpu.scan <sum>, %select_n3A_1144 masked %reduce_sum3A_1146 : vector<16xf32>, vector<16xi1> -> vector<16xf32>
      %reduce_sum3A_1148 = vector.extract %reduce_sum3A_1147[15] : f32 from vector<16xf32>
      %mul3A_1149 = arith.constant 16 : i32
      %mul3A_1150 = arith.muli %scan3A_94, %mul3A_1149 : i32
      %add3A_1151 = arith.constant 2 : i32
      %add3A_1152 = arith.addi %mul3A_1150, %add3A_1151 : i32
      %get3A_1153 = arith.index_cast %add3A_1152 : i32 to index
      %get3A_1154 = arith.constant 32 : index
      %get3A_1155 = tpu.vector_load %arg11[%get3A_1153, %get3A_1154] {strides = array<i32>} : memref<512x64xf32, #tpu.memory_space<vmem>>, vector<16xf32>,
      %mul3A_1156 = vector.broadcast %reduce_sum3A_1148 : f32 to vector<16xf32>
      %mul3A_1157 = arith.mulf %mul3A_1156, %get3A_1155 : vector<16xf32>
      %add3A_1158 = arith.addf %add3A_1138, %mul3A_1157 : vector<16xf32>
      %eq3A_1159 = arith.constant 3 : i32
      %eq3A_1160 = vector.broadcast %eq3A_1159 : i32 to vector<16xi32>
      %eq3A_1161 = arith.cmpi eq, %iota3A, %eq3A_1160 : vector<16xi32>
      %jit3A_1162 = arith.constant 0.000000e+00 : f32
      %broadcast_in_dim3A_1163 = vector.broadcast %jit3A_1162 : f32 to vector<16xf32>
      %select_n3A_1164 = arith.select %eq3A_1161, %div3A, %broadcast_in_dim3A_1163 : vector<16xi1>, vector<16xf32>
      %reduce_sum3A_1165 = arith.constant true
      %reduce_sum3A_1166 = vector.broadcast %reduce_sum3A_1165 : i1 to vector<16xi1>
      %reduce_sum3A_1167 = tpu.scan <sum>, %select_n3A_1164 masked %reduce_sum3A_1166 : vector<16xf32>, vector<16xi1> -> vector<16xf32>
      %reduce_sum3A_1168 = vector.extract %reduce_sum3A_1167[15] : f32 from vector<16xf32>
      %mul3A_1169 = arith.constant 16 : i32
      %mul3A_1170 = arith.muli %scan3A_94, %mul3A_1169 : i32
      %add3A_1171 = arith.constant 3 : i32
      %add3A_1172 = arith.addi %mul3A_1170, %add3A_1171 : i32
      %get3A_1173 = arith.index_cast %add3A_1172 : i32 to index
      %get3A_1174 = arith.constant 32 : index
      %get3A_1175 = tpu.vector_load %arg11[%get3A_1173, %get3A_1174] {strides = array<i32>} : memref<512x64xf32, #tpu.memory_space<vmem>>, vector<16xf32>,
      %mul3A_1176 = vector.broadcast %reduce_sum3A_1168 : f32 to vector<16xf32>
      %mul3A_1177 = arith.mulf %mul3A_1176, %get3A_1175 : vector<16xf32>
      %add3A_1178 = arith.addf %add3A_1158, %mul3A_1177 : vector<16xf32>
      %eq3A_1179 = arith.constant 4 : i32
      %eq3A_1180 = vector.broadcast %eq3A_1179 : i32 to vector<16xi32>
      %eq3A_1181 = arith.cmpi eq, %iota3A, %eq3A_1180 : vector<16xi32>
      %jit3A_1182 = arith.constant 0.000000e+00 : f32
      %broadcast_in_dim3A_1183 = vector.broadcast %jit3A_1182 : f32 to vector<16xf32>
      %select_n3A_1184 = arith.select %eq3A_1181, %div3A, %broadcast_in_dim3A_1183 : vector<16xi1>, vector<16xf32>
      %reduce_sum3A_1185 = arith.constant true
      %reduce_sum3A_1186 = vector.broadcast %reduce_sum3A_1185 : i1 to vector<16xi1>
      %reduce_sum3A_1187 = tpu.scan <sum>, %select_n3A_1184 masked %reduce_sum3A_1186 : vector<16xf32>, vector<16xi1> -> vector<16xf32>
      %reduce_sum3A_1188 = vector.extract %reduce_sum3A_1187[15] : f32 from vector<16xf32>
      %mul3A_1189 = arith.constant 16 : i32
      %mul3A_1190 = arith.muli %scan3A_94, %mul3A_1189 : i32
      %add3A_1191 = arith.constant 4 : i32
      %add3A_1192 = arith.addi %mul3A_1190, %add3A_1191 : i32
      %get3A_1193 = arith.index_cast %add3A_1192 : i32 to index
      %get3A_1194 = arith.constant 32 : index
      %get3A_1195 = tpu.vector_load %arg11[%get3A_1193, %get3A_1194] {strides = array<i32>} : memref<512x64xf32, #tpu.memory_space<vmem>>, vector<16xf32>,
      %mul3A_1196 = vector.broadcast %reduce_sum3A_1188 : f32 to vector<16xf32>
      %mul3A_1197 = arith.mulf %mul3A_1196, %get3A_1195 : vector<16xf32>
      %add3A_1198 = arith.addf %add3A_1178, %mul3A_1197 : vector<16xf32>
      %eq3A_1199 = arith.constant 5 : i32
      %eq3A_1200 = vector.broadcast %eq3A_1199 : i32 to vector<16xi32>
      %eq3A_1201 = arith.cmpi eq, %iota3A, %eq3A_1200 : vector<16xi32>
      %jit3A_1202 = arith.constant 0.000000e+00 : f32
      %broadcast_in_dim3A_1203 = vector.broadcast %jit3A_1202 : f32 to vector<16xf32>
      %select_n3A_1204 = arith.select %eq3A_1201, %div3A, %broadcast_in_dim3A_1203 : vector<16xi1>, vector<16xf32>
      %reduce_sum3A_1205 = arith.constant true
      %reduce_sum3A_1206 = vector.broadcast %reduce_sum3A_1205 : i1 to vector<16xi1>
      %reduce_sum3A_1207 = tpu.scan <sum>, %select_n3A_1204 masked %reduce_sum3A_1206 : vector<16xf32>, vector<16xi1> -> vector<16xf32>
      %reduce_sum3A_1208 = vector.extract %reduce_sum3A_1207[15] : f32 from vector<16xf32>
      %mul3A_1209 = arith.constant 16 : i32
      %mul3A_1210 = arith.muli %scan3A_94, %mul3A_1209 : i32
      %add3A_1211 = arith.constant 5 : i32
      %add3A_1212 = arith.addi %mul3A_1210, %add3A_1211 : i32
      %get3A_1213 = arith.index_cast %add3A_1212 : i32 to index
      %get3A_1214 = arith.constant 32 : index
      %get3A_1215 = tpu.vector_load %arg11[%get3A_1213, %get3A_1214] {strides = array<i32>} : memref<512x64xf32, #tpu.memory_space<vmem>>, vector<16xf32>,
      %mul3A_1216 = vector.broadcast %reduce_sum3A_1208 : f32 to vector<16xf32>
      %mul3A_1217 = arith.mulf %mul3A_1216, %get3A_1215 : vector<16xf32>
      %add3A_1218 = arith.addf %add3A_1198, %mul3A_1217 : vector<16xf32>
      %eq3A_1219 = arith.constant 6 : i32
      %eq3A_1220 = vector.broadcast %eq3A_1219 : i32 to vector<16xi32>
      %eq3A_1221 = arith.cmpi eq, %iota3A, %eq3A_1220 : vector<16xi32>
      %jit3A_1222 = arith.constant 0.000000e+00 : f32
      %broadcast_in_dim3A_1223 = vector.broadcast %jit3A_1222 : f32 to vector<16xf32>
      %select_n3A_1224 = arith.select %eq3A_1221, %div3A, %broadcast_in_dim3A_1223 : vector<16xi1>, vector<16xf32>
      %reduce_sum3A_1225 = arith.constant true
      %reduce_sum3A_1226 = vector.broadcast %reduce_sum3A_1225 : i1 to vector<16xi1>
      %reduce_sum3A_1227 = tpu.scan <sum>, %select_n3A_1224 masked %reduce_sum3A_1226 : vector<16xf32>, vector<16xi1> -> vector<16xf32>
      %reduce_sum3A_1228 = vector.extract %reduce_sum3A_1227[15] : f32 from vector<16xf32>
      %mul3A_1229 = arith.constant 16 : i32
      %mul3A_1230 = arith.muli %scan3A_94, %mul3A_1229 : i32
      %add3A_1231 = arith.constant 6 : i32
      %add3A_1232 = arith.addi %mul3A_1230, %add3A_1231 : i32
      %get3A_1233 = arith.index_cast %add3A_1232 : i32 to index
      %get3A_1234 = arith.constant 32 : index
      %get3A_1235 = tpu.vector_load %arg11[%get3A_1233, %get3A_1234] {strides = array<i32>} : memref<512x64xf32, #tpu.memory_space<vmem>>, vector<16xf32>,
      %mul3A_1236 = vector.broadcast %reduce_sum3A_1228 : f32 to vector<16xf32>
      %mul3A_1237 = arith.mulf %mul3A_1236, %get3A_1235 : vector<16xf32>
      %add3A_1238 = arith.addf %add3A_1218, %mul3A_1237 : vector<16xf32>
      %eq3A_1239 = arith.constant 7 : i32
      %eq3A_1240 = vector.broadcast %eq3A_1239 : i32 to vector<16xi32>
      %eq3A_1241 = arith.cmpi eq, %iota3A, %eq3A_1240 : vector<16xi32>
      %jit3A_1242 = arith.constant 0.000000e+00 : f32
      %broadcast_in_dim3A_1243 = vector.broadcast %jit3A_1242 : f32 to vector<16xf32>
      %select_n3A_1244 = arith.select %eq3A_1241, %div3A, %broadcast_in_dim3A_1243 : vector<16xi1>, vector<16xf32>
      %reduce_sum3A_1245 = arith.constant true
      %reduce_sum3A_1246 = vector.broadcast %reduce_sum3A_1245 : i1 to vector<16xi1>
      %reduce_sum3A_1247 = tpu.scan <sum>, %select_n3A_1244 masked %reduce_sum3A_1246 : vector<16xf32>, vector<16xi1> -> vector<16xf32>
      %reduce_sum3A_1248 = vector.extract %reduce_sum3A_1247[15] : f32 from vector<16xf32>
      %mul3A_1249 = arith.constant 16 : i32
      %mul3A_1250 = arith.muli %scan3A_94, %mul3A_1249 : i32
      %add3A_1251 = arith.constant 7 : i32
      %add3A_1252 = arith.addi %mul3A_1250, %add3A_1251 : i32
      %get3A_1253 = arith.index_cast %add3A_1252 : i32 to index
      %get3A_1254 = arith.constant 32 : index
      %get3A_1255 = tpu.vector_load %arg11[%get3A_1253, %get3A_1254] {strides = array<i32>} : memref<512x64xf32, #tpu.memory_space<vmem>>, vector<16xf32>,
      %mul3A_1256 = vector.broadcast %reduce_sum3A_1248 : f32 to vector<16xf32>
      %mul3A_1257 = arith.mulf %mul3A_1256, %get3A_1255 : vector<16xf32>
      %add3A_1258 = arith.addf %add3A_1238, %mul3A_1257 : vector<16xf32>
      %eq3A_1259 = arith.constant 8 : i32
      %eq3A_1260 = vector.broadcast %eq3A_1259 : i32 to vector<16xi32>
      %eq3A_1261 = arith.cmpi eq, %iota3A, %eq3A_1260 : vector<16xi32>
      %jit3A_1262 = arith.constant 0.000000e+00 : f32
      %broadcast_in_dim3A_1263 = vector.broadcast %jit3A_1262 : f32 to vector<16xf32>
      %select_n3A_1264 = arith.select %eq3A_1261, %div3A, %broadcast_in_dim3A_1263 : vector<16xi1>, vector<16xf32>
      %reduce_sum3A_1265 = arith.constant true
      %reduce_sum3A_1266 = vector.broadcast %reduce_sum3A_1265 : i1 to vector<16xi1>
      %reduce_sum3A_1267 = tpu.scan <sum>, %select_n3A_1264 masked %reduce_sum3A_1266 : vector<16xf32>, vector<16xi1> -> vector<16xf32>
      %reduce_sum3A_1268 = vector.extract %reduce_sum3A_1267[15] : f32 from vector<16xf32>
      %mul3A_1269 = arith.constant 16 : i32
      %mul3A_1270 = arith.muli %scan3A_94, %mul3A_1269 : i32
      %add3A_1271 = arith.constant 8 : i32
      %add3A_1272 = arith.addi %mul3A_1270, %add3A_1271 : i32
      %get3A_1273 = arith.index_cast %add3A_1272 : i32 to index
      %get3A_1274 = arith.constant 32 : index
      %get3A_1275 = tpu.vector_load %arg11[%get3A_1273, %get3A_1274] {strides = array<i32>} : memref<512x64xf32, #tpu.memory_space<vmem>>, vector<16xf32>,
      %mul3A_1276 = vector.broadcast %reduce_sum3A_1268 : f32 to vector<16xf32>
      %mul3A_1277 = arith.mulf %mul3A_1276, %get3A_1275 : vector<16xf32>
      %add3A_1278 = arith.addf %add3A_1258, %mul3A_1277 : vector<16xf32>
      %eq3A_1279 = arith.constant 9 : i32
      %eq3A_1280 = vector.broadcast %eq3A_1279 : i32 to vector<16xi32>
      %eq3A_1281 = arith.cmpi eq, %iota3A, %eq3A_1280 : vector<16xi32>
      %jit3A_1282 = arith.constant 0.000000e+00 : f32
      %broadcast_in_dim3A_1283 = vector.broadcast %jit3A_1282 : f32 to vector<16xf32>
      %select_n3A_1284 = arith.select %eq3A_1281, %div3A, %broadcast_in_dim3A_1283 : vector<16xi1>, vector<16xf32>
      %reduce_sum3A_1285 = arith.constant true
      %reduce_sum3A_1286 = vector.broadcast %reduce_sum3A_1285 : i1 to vector<16xi1>
      %reduce_sum3A_1287 = tpu.scan <sum>, %select_n3A_1284 masked %reduce_sum3A_1286 : vector<16xf32>, vector<16xi1> -> vector<16xf32>
      %reduce_sum3A_1288 = vector.extract %reduce_sum3A_1287[15] : f32 from vector<16xf32>
      %mul3A_1289 = arith.constant 16 : i32
      %mul3A_1290 = arith.muli %scan3A_94, %mul3A_1289 : i32
      %add3A_1291 = arith.constant 9 : i32
      %add3A_1292 = arith.addi %mul3A_1290, %add3A_1291 : i32
      %get3A_1293 = arith.index_cast %add3A_1292 : i32 to index
      %get3A_1294 = arith.constant 32 : index
      %get3A_1295 = tpu.vector_load %arg11[%get3A_1293, %get3A_1294] {strides = array<i32>} : memref<512x64xf32, #tpu.memory_space<vmem>>, vector<16xf32>,
      %mul3A_1296 = vector.broadcast %reduce_sum3A_1288 : f32 to vector<16xf32>
      %mul3A_1297 = arith.mulf %mul3A_1296, %get3A_1295 : vector<16xf32>
      %add3A_1298 = arith.addf %add3A_1278, %mul3A_1297 : vector<16xf32>
      %swap3A_1299 = arith.index_cast %scan3A_94 : i32 to index
      %swap3A_1300 = arith.constant 32 : index
      %swap3A_1301 = tpu.vector_load %arg13[%swap3A_1299, %swap3A_1300] {strides = array<i32>} : memref<32x64xf32, #tpu.memory_space<vmem>>, vector<16xf32>,
      tpu.vector_store %arg13[%swap3A_1299, %swap3A_1300], %add3A_1298 {strides = array<i32>} : memref<32x64xf32, #tpu.memory_space<vmem>>, vector<16xf32>,
      %broadcast_in_dim3A_1302 = arith.constant 0.000000e+00 : f32
      %broadcast_in_dim3A_1303 = vector.broadcast %broadcast_in_dim3A_1302 : f32 to vector<16xf32>
      %eq3A_1304 = arith.constant 0 : i32
      %eq3A_1305 = vector.broadcast %eq3A_1304 : i32 to vector<16xi32>
      %eq3A_1306 = arith.cmpi eq, %iota3A, %eq3A_1305 : vector<16xi32>
      %jit3A_1307 = arith.constant 0.000000e+00 : f32
      %broadcast_in_dim3A_1308 = vector.broadcast %jit3A_1307 : f32 to vector<16xf32>
      %select_n3A_1309 = arith.select %eq3A_1306, %div3A, %broadcast_in_dim3A_1308 : vector<16xi1>, vector<16xf32>
      %reduce_sum3A_1310 = arith.constant true
      %reduce_sum3A_1311 = vector.broadcast %reduce_sum3A_1310 : i1 to vector<16xi1>
      %reduce_sum3A_1312 = tpu.scan <sum>, %select_n3A_1309 masked %reduce_sum3A_1311 : vector<16xf32>, vector<16xi1> -> vector<16xf32>
      %reduce_sum3A_1313 = vector.extract %reduce_sum3A_1312[15] : f32 from vector<16xf32>
      %mul3A_1314 = arith.constant 16 : i32
      %mul3A_1315 = arith.muli %scan3A_94, %mul3A_1314 : i32
      %add3A_1316 = arith.constant 0 : i32
      %add3A_1317 = arith.addi %mul3A_1315, %add3A_1316 : i32
      %get3A_1318 = arith.index_cast %add3A_1317 : i32 to index
      %get3A_1319 = arith.constant 48 : index
      %get3A_1320 = tpu.vector_load %arg11[%get3A_1318, %get3A_1319] {strides = array<i32>} : memref<512x64xf32, #tpu.memory_space<vmem>>, vector<16xf32>,
      %mul3A_1321 = vector.broadcast %reduce_sum3A_1313 : f32 to vector<16xf32>
      %mul3A_1322 = arith.mulf %mul3A_1321, %get3A_1320 : vector<16xf32>
      %add3A_1323 = arith.addf %broadcast_in_dim3A_1303, %mul3A_1322 : vector<16xf32>
      %eq3A_1324 = arith.constant 1 : i32
      %eq3A_1325 = vector.broadcast %eq3A_1324 : i32 to vector<16xi32>
      %eq3A_1326 = arith.cmpi eq, %iota3A, %eq3A_1325 : vector<16xi32>
      %jit3A_1327 = arith.constant 0.000000e+00 : f32
      %broadcast_in_dim3A_1328 = vector.broadcast %jit3A_1327 : f32 to vector<16xf32>
      %select_n3A_1329 = arith.select %eq3A_1326, %div3A, %broadcast_in_dim3A_1328 : vector<16xi1>, vector<16xf32>
      %reduce_sum3A_1330 = arith.constant true
      %reduce_sum3A_1331 = vector.broadcast %reduce_sum3A_1330 : i1 to vector<16xi1>
      %reduce_sum3A_1332 = tpu.scan <sum>, %select_n3A_1329 masked %reduce_sum3A_1331 : vector<16xf32>, vector<16xi1> -> vector<16xf32>
      %reduce_sum3A_1333 = vector.extract %reduce_sum3A_1332[15] : f32 from vector<16xf32>
      %mul3A_1334 = arith.constant 16 : i32
      %mul3A_1335 = arith.muli %scan3A_94, %mul3A_1334 : i32
      %add3A_1336 = arith.constant 1 : i32
      %add3A_1337 = arith.addi %mul3A_1335, %add3A_1336 : i32
      %get3A_1338 = arith.index_cast %add3A_1337 : i32 to index
      %get3A_1339 = arith.constant 48 : index
      %get3A_1340 = tpu.vector_load %arg11[%get3A_1338, %get3A_1339] {strides = array<i32>} : memref<512x64xf32, #tpu.memory_space<vmem>>, vector<16xf32>,
      %mul3A_1341 = vector.broadcast %reduce_sum3A_1333 : f32 to vector<16xf32>
      %mul3A_1342 = arith.mulf %mul3A_1341, %get3A_1340 : vector<16xf32>
      %add3A_1343 = arith.addf %add3A_1323, %mul3A_1342 : vector<16xf32>
      %eq3A_1344 = arith.constant 2 : i32
      %eq3A_1345 = vector.broadcast %eq3A_1344 : i32 to vector<16xi32>
      %eq3A_1346 = arith.cmpi eq, %iota3A, %eq3A_1345 : vector<16xi32>
      %jit3A_1347 = arith.constant 0.000000e+00 : f32
      %broadcast_in_dim3A_1348 = vector.broadcast %jit3A_1347 : f32 to vector<16xf32>
      %select_n3A_1349 = arith.select %eq3A_1346, %div3A, %broadcast_in_dim3A_1348 : vector<16xi1>, vector<16xf32>
      %reduce_sum3A_1350 = arith.constant true
      %reduce_sum3A_1351 = vector.broadcast %reduce_sum3A_1350 : i1 to vector<16xi1>
      %reduce_sum3A_1352 = tpu.scan <sum>, %select_n3A_1349 masked %reduce_sum3A_1351 : vector<16xf32>, vector<16xi1> -> vector<16xf32>
      %reduce_sum3A_1353 = vector.extract %reduce_sum3A_1352[15] : f32 from vector<16xf32>
      %mul3A_1354 = arith.constant 16 : i32
      %mul3A_1355 = arith.muli %scan3A_94, %mul3A_1354 : i32
      %add3A_1356 = arith.constant 2 : i32
      %add3A_1357 = arith.addi %mul3A_1355, %add3A_1356 : i32
      %get3A_1358 = arith.index_cast %add3A_1357 : i32 to index
      %get3A_1359 = arith.constant 48 : index
      %get3A_1360 = tpu.vector_load %arg11[%get3A_1358, %get3A_1359] {strides = array<i32>} : memref<512x64xf32, #tpu.memory_space<vmem>>, vector<16xf32>,
      %mul3A_1361 = vector.broadcast %reduce_sum3A_1353 : f32 to vector<16xf32>
      %mul3A_1362 = arith.mulf %mul3A_1361, %get3A_1360 : vector<16xf32>
      %add3A_1363 = arith.addf %add3A_1343, %mul3A_1362 : vector<16xf32>
      %eq3A_1364 = arith.constant 3 : i32
      %eq3A_1365 = vector.broadcast %eq3A_1364 : i32 to vector<16xi32>
      %eq3A_1366 = arith.cmpi eq, %iota3A, %eq3A_1365 : vector<16xi32>
      %jit3A_1367 = arith.constant 0.000000e+00 : f32
      %broadcast_in_dim3A_1368 = vector.broadcast %jit3A_1367 : f32 to vector<16xf32>
      %select_n3A_1369 = arith.select %eq3A_1366, %div3A, %broadcast_in_dim3A_1368 : vector<16xi1>, vector<16xf32>
      %reduce_sum3A_1370 = arith.constant true
      %reduce_sum3A_1371 = vector.broadcast %reduce_sum3A_1370 : i1 to vector<16xi1>
      %reduce_sum3A_1372 = tpu.scan <sum>, %select_n3A_1369 masked %reduce_sum3A_1371 : vector<16xf32>, vector<16xi1> -> vector<16xf32>
      %reduce_sum3A_1373 = vector.extract %reduce_sum3A_1372[15] : f32 from vector<16xf32>
      %mul3A_1374 = arith.constant 16 : i32
      %mul3A_1375 = arith.muli %scan3A_94, %mul3A_1374 : i32
      %add3A_1376 = arith.constant 3 : i32
      %add3A_1377 = arith.addi %mul3A_1375, %add3A_1376 : i32
      %get3A_1378 = arith.index_cast %add3A_1377 : i32 to index
      %get3A_1379 = arith.constant 48 : index
      %get3A_1380 = tpu.vector_load %arg11[%get3A_1378, %get3A_1379] {strides = array<i32>} : memref<512x64xf32, #tpu.memory_space<vmem>>, vector<16xf32>,
      %mul3A_1381 = vector.broadcast %reduce_sum3A_1373 : f32 to vector<16xf32>
      %mul3A_1382 = arith.mulf %mul3A_1381, %get3A_1380 : vector<16xf32>
      %add3A_1383 = arith.addf %add3A_1363, %mul3A_1382 : vector<16xf32>
      %eq3A_1384 = arith.constant 4 : i32
      %eq3A_1385 = vector.broadcast %eq3A_1384 : i32 to vector<16xi32>
      %eq3A_1386 = arith.cmpi eq, %iota3A, %eq3A_1385 : vector<16xi32>
      %jit3A_1387 = arith.constant 0.000000e+00 : f32
      %broadcast_in_dim3A_1388 = vector.broadcast %jit3A_1387 : f32 to vector<16xf32>
      %select_n3A_1389 = arith.select %eq3A_1386, %div3A, %broadcast_in_dim3A_1388 : vector<16xi1>, vector<16xf32>
      %reduce_sum3A_1390 = arith.constant true
      %reduce_sum3A_1391 = vector.broadcast %reduce_sum3A_1390 : i1 to vector<16xi1>
      %reduce_sum3A_1392 = tpu.scan <sum>, %select_n3A_1389 masked %reduce_sum3A_1391 : vector<16xf32>, vector<16xi1> -> vector<16xf32>
      %reduce_sum3A_1393 = vector.extract %reduce_sum3A_1392[15] : f32 from vector<16xf32>
      %mul3A_1394 = arith.constant 16 : i32
      %mul3A_1395 = arith.muli %scan3A_94, %mul3A_1394 : i32
      %add3A_1396 = arith.constant 4 : i32
      %add3A_1397 = arith.addi %mul3A_1395, %add3A_1396 : i32
      %get3A_1398 = arith.index_cast %add3A_1397 : i32 to index
      %get3A_1399 = arith.constant 48 : index
      %get3A_1400 = tpu.vector_load %arg11[%get3A_1398, %get3A_1399] {strides = array<i32>} : memref<512x64xf32, #tpu.memory_space<vmem>>, vector<16xf32>,
      %mul3A_1401 = vector.broadcast %reduce_sum3A_1393 : f32 to vector<16xf32>
      %mul3A_1402 = arith.mulf %mul3A_1401, %get3A_1400 : vector<16xf32>
      %add3A_1403 = arith.addf %add3A_1383, %mul3A_1402 : vector<16xf32>
      %eq3A_1404 = arith.constant 5 : i32
      %eq3A_1405 = vector.broadcast %eq3A_1404 : i32 to vector<16xi32>
      %eq3A_1406 = arith.cmpi eq, %iota3A, %eq3A_1405 : vector<16xi32>
      %jit3A_1407 = arith.constant 0.000000e+00 : f32
      %broadcast_in_dim3A_1408 = vector.broadcast %jit3A_1407 : f32 to vector<16xf32>
      %select_n3A_1409 = arith.select %eq3A_1406, %div3A, %broadcast_in_dim3A_1408 : vector<16xi1>, vector<16xf32>
      %reduce_sum3A_1410 = arith.constant true
      %reduce_sum3A_1411 = vector.broadcast %reduce_sum3A_1410 : i1 to vector<16xi1>
      %reduce_sum3A_1412 = tpu.scan <sum>, %select_n3A_1409 masked %reduce_sum3A_1411 : vector<16xf32>, vector<16xi1> -> vector<16xf32>
      %reduce_sum3A_1413 = vector.extract %reduce_sum3A_1412[15] : f32 from vector<16xf32>
      %mul3A_1414 = arith.constant 16 : i32
      %mul3A_1415 = arith.muli %scan3A_94, %mul3A_1414 : i32
      %add3A_1416 = arith.constant 5 : i32
      %add3A_1417 = arith.addi %mul3A_1415, %add3A_1416 : i32
      %get3A_1418 = arith.index_cast %add3A_1417 : i32 to index
      %get3A_1419 = arith.constant 48 : index
      %get3A_1420 = tpu.vector_load %arg11[%get3A_1418, %get3A_1419] {strides = array<i32>} : memref<512x64xf32, #tpu.memory_space<vmem>>, vector<16xf32>,
      %mul3A_1421 = vector.broadcast %reduce_sum3A_1413 : f32 to vector<16xf32>
      %mul3A_1422 = arith.mulf %mul3A_1421, %get3A_1420 : vector<16xf32>
      %add3A_1423 = arith.addf %add3A_1403, %mul3A_1422 : vector<16xf32>
      %eq3A_1424 = arith.constant 6 : i32
      %eq3A_1425 = vector.broadcast %eq3A_1424 : i32 to vector<16xi32>
      %eq3A_1426 = arith.cmpi eq, %iota3A, %eq3A_1425 : vector<16xi32>
      %jit3A_1427 = arith.constant 0.000000e+00 : f32
      %broadcast_in_dim3A_1428 = vector.broadcast %jit3A_1427 : f32 to vector<16xf32>
      %select_n3A_1429 = arith.select %eq3A_1426, %div3A, %broadcast_in_dim3A_1428 : vector<16xi1>, vector<16xf32>
      %reduce_sum3A_1430 = arith.constant true
      %reduce_sum3A_1431 = vector.broadcast %reduce_sum3A_1430 : i1 to vector<16xi1>
      %reduce_sum3A_1432 = tpu.scan <sum>, %select_n3A_1429 masked %reduce_sum3A_1431 : vector<16xf32>, vector<16xi1> -> vector<16xf32>
      %reduce_sum3A_1433 = vector.extract %reduce_sum3A_1432[15] : f32 from vector<16xf32>
      %mul3A_1434 = arith.constant 16 : i32
      %mul3A_1435 = arith.muli %scan3A_94, %mul3A_1434 : i32
      %add3A_1436 = arith.constant 6 : i32
      %add3A_1437 = arith.addi %mul3A_1435, %add3A_1436 : i32
      %get3A_1438 = arith.index_cast %add3A_1437 : i32 to index
      %get3A_1439 = arith.constant 48 : index
      %get3A_1440 = tpu.vector_load %arg11[%get3A_1438, %get3A_1439] {strides = array<i32>} : memref<512x64xf32, #tpu.memory_space<vmem>>, vector<16xf32>,
      %mul3A_1441 = vector.broadcast %reduce_sum3A_1433 : f32 to vector<16xf32>
      %mul3A_1442 = arith.mulf %mul3A_1441, %get3A_1440 : vector<16xf32>
      %add3A_1443 = arith.addf %add3A_1423, %mul3A_1442 : vector<16xf32>
      %eq3A_1444 = arith.constant 7 : i32
      %eq3A_1445 = vector.broadcast %eq3A_1444 : i32 to vector<16xi32>
      %eq3A_1446 = arith.cmpi eq, %iota3A, %eq3A_1445 : vector<16xi32>
      %jit3A_1447 = arith.constant 0.000000e+00 : f32
      %broadcast_in_dim3A_1448 = vector.broadcast %jit3A_1447 : f32 to vector<16xf32>
      %select_n3A_1449 = arith.select %eq3A_1446, %div3A, %broadcast_in_dim3A_1448 : vector<16xi1>, vector<16xf32>
      %reduce_sum3A_1450 = arith.constant true
      %reduce_sum3A_1451 = vector.broadcast %reduce_sum3A_1450 : i1 to vector<16xi1>
      %reduce_sum3A_1452 = tpu.scan <sum>, %select_n3A_1449 masked %reduce_sum3A_1451 : vector<16xf32>, vector<16xi1> -> vector<16xf32>
      %reduce_sum3A_1453 = vector.extract %reduce_sum3A_1452[15] : f32 from vector<16xf32>
      %mul3A_1454 = arith.constant 16 : i32
      %mul3A_1455 = arith.muli %scan3A_94, %mul3A_1454 : i32
      %add3A_1456 = arith.constant 7 : i32
      %add3A_1457 = arith.addi %mul3A_1455, %add3A_1456 : i32
      %get3A_1458 = arith.index_cast %add3A_1457 : i32 to index
      %get3A_1459 = arith.constant 48 : index
      %get3A_1460 = tpu.vector_load %arg11[%get3A_1458, %get3A_1459] {strides = array<i32>} : memref<512x64xf32, #tpu.memory_space<vmem>>, vector<16xf32>,
      %mul3A_1461 = vector.broadcast %reduce_sum3A_1453 : f32 to vector<16xf32>
      %mul3A_1462 = arith.mulf %mul3A_1461, %get3A_1460 : vector<16xf32>
      %add3A_1463 = arith.addf %add3A_1443, %mul3A_1462 : vector<16xf32>
      %eq3A_1464 = arith.constant 8 : i32
      %eq3A_1465 = vector.broadcast %eq3A_1464 : i32 to vector<16xi32>
      %eq3A_1466 = arith.cmpi eq, %iota3A, %eq3A_1465 : vector<16xi32>
      %jit3A_1467 = arith.constant 0.000000e+00 : f32
      %broadcast_in_dim3A_1468 = vector.broadcast %jit3A_1467 : f32 to vector<16xf32>
      %select_n3A_1469 = arith.select %eq3A_1466, %div3A, %broadcast_in_dim3A_1468 : vector<16xi1>, vector<16xf32>
      %reduce_sum3A_1470 = arith.constant true
      %reduce_sum3A_1471 = vector.broadcast %reduce_sum3A_1470 : i1 to vector<16xi1>
      %reduce_sum3A_1472 = tpu.scan <sum>, %select_n3A_1469 masked %reduce_sum3A_1471 : vector<16xf32>, vector<16xi1> -> vector<16xf32>
      %reduce_sum3A_1473 = vector.extract %reduce_sum3A_1472[15] : f32 from vector<16xf32>
      %mul3A_1474 = arith.constant 16 : i32
      %mul3A_1475 = arith.muli %scan3A_94, %mul3A_1474 : i32
      %add3A_1476 = arith.constant 8 : i32
      %add3A_1477 = arith.addi %mul3A_1475, %add3A_1476 : i32
      %get3A_1478 = arith.index_cast %add3A_1477 : i32 to index
      %get3A_1479 = arith.constant 48 : index
      %get3A_1480 = tpu.vector_load %arg11[%get3A_1478, %get3A_1479] {strides = array<i32>} : memref<512x64xf32, #tpu.memory_space<vmem>>, vector<16xf32>,
      %mul3A_1481 = vector.broadcast %reduce_sum3A_1473 : f32 to vector<16xf32>
      %mul3A_1482 = arith.mulf %mul3A_1481, %get3A_1480 : vector<16xf32>
      %add3A_1483 = arith.addf %add3A_1463, %mul3A_1482 : vector<16xf32>
      %eq3A_1484 = arith.constant 9 : i32
      %eq3A_1485 = vector.broadcast %eq3A_1484 : i32 to vector<16xi32>
      %eq3A_1486 = arith.cmpi eq, %iota3A, %eq3A_1485 : vector<16xi32>
      %jit3A_1487 = arith.constant 0.000000e+00 : f32
      %broadcast_in_dim3A_1488 = vector.broadcast %jit3A_1487 : f32 to vector<16xf32>
      %select_n3A_1489 = arith.select %eq3A_1486, %div3A, %broadcast_in_dim3A_1488 : vector<16xi1>, vector<16xf32>
      %reduce_sum3A_1490 = arith.constant true
      %reduce_sum3A_1491 = vector.broadcast %reduce_sum3A_1490 : i1 to vector<16xi1>
      %reduce_sum3A_1492 = tpu.scan <sum>, %select_n3A_1489 masked %reduce_sum3A_1491 : vector<16xf32>, vector<16xi1> -> vector<16xf32>
      %reduce_sum3A_1493 = vector.extract %reduce_sum3A_1492[15] : f32 from vector<16xf32>
      %mul3A_1494 = arith.constant 16 : i32
      %mul3A_1495 = arith.muli %scan3A_94, %mul3A_1494 : i32
      %add3A_1496 = arith.constant 9 : i32
      %add3A_1497 = arith.addi %mul3A_1495, %add3A_1496 : i32
      %get3A_1498 = arith.index_cast %add3A_1497 : i32 to index
      %get3A_1499 = arith.constant 48 : index
      %get3A_1500 = tpu.vector_load %arg11[%get3A_1498, %get3A_1499] {strides = array<i32>} : memref<512x64xf32, #tpu.memory_space<vmem>>, vector<16xf32>,
      %mul3A_1501 = vector.broadcast %reduce_sum3A_1493 : f32 to vector<16xf32>
      %mul3A_1502 = arith.mulf %mul3A_1501, %get3A_1500 : vector<16xf32>
      %add3A_1503 = arith.addf %add3A_1483, %mul3A_1502 : vector<16xf32>
      %swap3A_1504 = arith.index_cast %scan3A_94 : i32 to index
      %swap3A_1505 = arith.constant 48 : index
      %swap3A_1506 = tpu.vector_load %arg13[%swap3A_1504, %swap3A_1505] {strides = array<i32>} : memref<32x64xf32, #tpu.memory_space<vmem>>, vector<16xf32>,
      tpu.vector_store %arg13[%swap3A_1504, %swap3A_1505], %add3A_1503 {strides = array<i32>} : memref<32x64xf32, #tpu.memory_space<vmem>>, vector<16xf32>,
      %scan3A_1507 = arith.constant 0 : i32
      scf.yield %scan3A_1507 : i32
    }
    %scan3A_93 = arith.constant 32 : i32
    "tpu.region"() ({
      %run_scoped3A = tpu.sem_alloc : memref<!tpu.dma_semaphore, #tpu.memory_space<semaphore_mem>>
      %dma_start3A_94 = arith.constant 0 : i32
      %dma_start3A_95 = tpu.memref_slice %arg6[%mul3A_2, %dma_start3A_94] : memref<1024x64xf32, #tpu.memory_space<hbm>> -> memref<32x64xf32, #tpu.memory_space<hbm>>
      %dma_start3A_96 = arith.constant 0 : i32
      %dma_start3A_97 = tpu.memref_slice %arg6[%mul3A_2, %dma_start3A_96] : memref<1024x64xf32, #tpu.memory_space<hbm>> -> memref<32x64xf32, #tpu.memory_space<hbm>>
      tpu.enqueue_dma source(%arg13 : memref<32x64xf32, #tpu.memory_space<vmem>>) target(%dma_start3A_97 : memref<32x64xf32, #tpu.memory_space<hbm>>) target_semaphore(%run_scoped3A : memref<!tpu.dma_semaphore, #tpu.memory_space<semaphore_mem>>)
      %dma_wait3A_98 = arith.constant 0 : i32
      %dma_wait3A_99 = tpu.memref_slice %arg6[%mul3A_2, %dma_wait3A_98] : memref<1024x64xf32, #tpu.memory_space<hbm>> -> memref<32x64xf32, #tpu.memory_space<hbm>>
      %dma_wait3A_100 = arith.constant 0 : i32
      %dma_wait3A_101 = tpu.memref_slice %arg6[%mul3A_2, %dma_wait3A_100] : memref<1024x64xf32, #tpu.memory_space<hbm>> -> memref<32x64xf32, #tpu.memory_space<hbm>>
      tpu.wait_dma2 semaphore(%run_scoped3A : memref<!tpu.dma_semaphore, #tpu.memory_space<semaphore_mem>>) src(%arg13 : memref<32x64xf32, #tpu.memory_space<vmem>>) dst(%dma_wait3A_101 : memref<32x64xf32, #tpu.memory_space<hbm>>)
      tpu.yield
    }) : () -> ()
    return
  }
}

module attributes {stable_mosaic.version = 14 : i64} {
  func.func @_sims_body(%arg0: i32, %arg1: memref<1024x64xf32, #tpu.memory_space<vmem>>, %arg2: memref<1024x64xf32, #tpu.memory_space<vmem>>, %arg3: memref<1024x8x128xf32, #tpu.memory_space<vmem>>, %arg4: memref<8x1024xf32, #tpu.memory_space<vmem>>) attributes {dimension_semantics = [#tpu.dimension_semantics<arbitrary>], iteration_bounds = array<i64: 98>, scalar_prefetch = 0 : i64, scratch_operands = 0 : i64, tpu.core_type = #tpu.core_type<tc>, window_params = [{pipeline_mode = #tpu.pipeline_mode<synchronous>, transform_indices = @transform_0, window_bounds = array<i64: 1024, 64>}, {transform_indices = @transform_1, window_bounds = array<i64: 1024, 64>}, {transform_indices = @transform_2, window_bounds = array<i64: 1024, 8, 128>}, {transform_indices = @transform_3, window_bounds = array<i64: 8, 1024>}]} {
    %get3A = arith.constant 0 : index
    %get3A_0 = arith.constant 0 : index
    %get3A_1 = vector.load %arg1[%get3A, %get3A_0] : memref<1024x64xf32, #tpu.memory_space<vmem>>, vector<1024x64xf32>
    %get3A_2 = arith.constant 0 : index
    %get3A_3 = arith.constant 0 : index
    %get3A_4 = vector.load %arg2[%get3A_2, %get3A_3] : memref<1024x64xf32, #tpu.memory_space<vmem>>, vector<1024x64xf32>
    %dot_general3A = arith.constant dense<0.000000e+00> : vector<1024x1024xf32>
    %dot_general3A_5 = tpu.matmul %get3A_1, %get3A_4, %dot_general3A {dimension_numbers = #tpu.dot_dimension_numbers<[1], [1], [0], [0], [0, 0, 1, 0], [], []>, transpose_lhs_hint = false} : vector<1024x64xf32>, vector<1024x64xf32>, vector<1024x1024xf32> -> vector<1024x1024xf32>
    %eq3A = arith.constant 97 : i32
    %eq3A_6 = arith.cmpi eq, %arg0, %eq3A : i32
    %convert_element_type3A = arith.extui %eq3A_6 : i1 to i32
    %cond3A = arith.constant 0 : i32
    %cond3A_7 = arith.cmpi ne, %convert_element_type3A, %cond3A : i32
    %cond3A_8 = scf.if %cond3A_7 -> (vector<1024x1024xf32>) {
      %mul3A = arith.constant 1024 : i32
      %mul3A_44 = arith.muli %arg0, %mul3A : i32
      %iota3A = tpu.iota {dimensions = array<i32: 1>} : vector<1024x1024xi32>
      %add3A = vector.broadcast %mul3A_44 : i32 to vector<1024x1024xi32>
      %add3A_45 = arith.addi %add3A, %iota3A : vector<1024x1024xi32>
      %lt3A = arith.constant 100000 : i32
      %lt3A_46 = vector.broadcast %lt3A : i32 to vector<1024x1024xi32>
      %lt3A_47 = arith.cmpi slt, %add3A_45, %lt3A_46 : vector<1024x1024xi32>
      %jit3A = arith.constant -1.000000e+30 : f32
      %broadcast_in_dim3A_48 = vector.broadcast %jit3A : f32 to vector<1024x1024xf32>
      %select_n3A = arith.select %lt3A_47, %dot_general3A_5, %broadcast_in_dim3A_48 : vector<1024x1024xi1>, vector<1024x1024xf32>
      scf.yield %select_n3A : vector<1024x1024xf32>
    } else {
      scf.yield %dot_general3A_5 : vector<1024x1024xf32>
    }
    %reshape3A = vector.shape_cast %cond3A_8 : vector<1024x1024xf32> to vector<1024x8x128xf32>
    %swap3A = arith.constant 0 : index
    %swap3A_9 = arith.constant 0 : index
    %swap3A_10 = arith.constant 0 : index
    %swap3A_11 = vector.load %arg3[%swap3A, %swap3A_9, %swap3A_10] : memref<1024x8x128xf32, #tpu.memory_space<vmem>>, vector<1024x8x128xf32>
    tpu.vector_store %arg3[%swap3A, %swap3A_9, %swap3A_10], %reshape3A {strides = array<i32>} : memref<1024x8x128xf32, #tpu.memory_space<vmem>>, vector<1024x8x128xf32>,
    %slice3A = vector.extract_strided_slice %cond3A_8 {offsets = [0, 0], sizes = [1024, 128], strides = [1, 1]} : vector<1024x1024xf32> to vector<1024x128xf32>
    %reduce_max3A = arith.constant dense<0xFF800000> : vector<1024xf32>
    %reduce_max3A_12 = vector.multi_reduction <maximumf>, %slice3A, %reduce_max3A [1] : vector<1024x128xf32> to vector<1024xf32>
    %broadcast_in_dim3A = vector.shape_cast %reduce_max3A_12 : vector<1024xf32> to vector<1024x1xf32>
    %slice3A_13 = vector.extract_strided_slice %cond3A_8 {offsets = [0, 128], sizes = [1024, 128], strides = [1, 1]} : vector<1024x1024xf32> to vector<1024x128xf32>
    %reduce_max3A_14 = arith.constant dense<0xFF800000> : vector<1024xf32>
    %reduce_max3A_15 = vector.multi_reduction <maximumf>, %slice3A_13, %reduce_max3A_14 [1] : vector<1024x128xf32> to vector<1024xf32>
    %broadcast_in_dim3A_16 = vector.shape_cast %reduce_max3A_15 : vector<1024xf32> to vector<1024x1xf32>
    %slice3A_17 = vector.extract_strided_slice %cond3A_8 {offsets = [0, 256], sizes = [1024, 128], strides = [1, 1]} : vector<1024x1024xf32> to vector<1024x128xf32>
    %reduce_max3A_18 = arith.constant dense<0xFF800000> : vector<1024xf32>
    %reduce_max3A_19 = vector.multi_reduction <maximumf>, %slice3A_17, %reduce_max3A_18 [1] : vector<1024x128xf32> to vector<1024xf32>
    %broadcast_in_dim3A_20 = vector.shape_cast %reduce_max3A_19 : vector<1024xf32> to vector<1024x1xf32>
    %slice3A_21 = vector.extract_strided_slice %cond3A_8 {offsets = [0, 384], sizes = [1024, 128], strides = [1, 1]} : vector<1024x1024xf32> to vector<1024x128xf32>
    %reduce_max3A_22 = arith.constant dense<0xFF800000> : vector<1024xf32>
    %reduce_max3A_23 = vector.multi_reduction <maximumf>, %slice3A_21, %reduce_max3A_22 [1] : vector<1024x128xf32> to vector<1024xf32>
    %broadcast_in_dim3A_24 = vector.shape_cast %reduce_max3A_23 : vector<1024xf32> to vector<1024x1xf32>
    %slice3A_25 = vector.extract_strided_slice %cond3A_8 {offsets = [0, 512], sizes = [1024, 128], strides = [1, 1]} : vector<1024x1024xf32> to vector<1024x128xf32>
    %reduce_max3A_26 = arith.constant dense<0xFF800000> : vector<1024xf32>
    %reduce_max3A_27 = vector.multi_reduction <maximumf>, %slice3A_25, %reduce_max3A_26 [1] : vector<1024x128xf32> to vector<1024xf32>
    %broadcast_in_dim3A_28 = vector.shape_cast %reduce_max3A_27 : vector<1024xf32> to vector<1024x1xf32>
    %slice3A_29 = vector.extract_strided_slice %cond3A_8 {offsets = [0, 640], sizes = [1024, 128], strides = [1, 1]} : vector<1024x1024xf32> to vector<1024x128xf32>
    %reduce_max3A_30 = arith.constant dense<0xFF800000> : vector<1024xf32>
    %reduce_max3A_31 = vector.multi_reduction <maximumf>, %slice3A_29, %reduce_max3A_30 [1] : vector<1024x128xf32> to vector<1024xf32>
    %broadcast_in_dim3A_32 = vector.shape_cast %reduce_max3A_31 : vector<1024xf32> to vector<1024x1xf32>
    %slice3A_33 = vector.extract_strided_slice %cond3A_8 {offsets = [0, 768], sizes = [1024, 128], strides = [1, 1]} : vector<1024x1024xf32> to vector<1024x128xf32>
    %reduce_max3A_34 = arith.constant dense<0xFF800000> : vector<1024xf32>
    %reduce_max3A_35 = vector.multi_reduction <maximumf>, %slice3A_33, %reduce_max3A_34 [1] : vector<1024x128xf32> to vector<1024xf32>
    %broadcast_in_dim3A_36 = vector.shape_cast %reduce_max3A_35 : vector<1024xf32> to vector<1024x1xf32>
    %slice3A_37 = vector.extract_strided_slice %cond3A_8 {offsets = [0, 896], sizes = [1024, 128], strides = [1, 1]} : vector<1024x1024xf32> to vector<1024x128xf32>
    %reduce_max3A_38 = arith.constant dense<0xFF800000> : vector<1024xf32>
    %reduce_max3A_39 = vector.multi_reduction <maximumf>, %slice3A_37, %reduce_max3A_38 [1] : vector<1024x128xf32> to vector<1024xf32>
    %broadcast_in_dim3A_40 = vector.shape_cast %reduce_max3A_39 : vector<1024xf32> to vector<1024x1xf32>
    %concatenate3A = tpu.concatenate %broadcast_in_dim3A, %broadcast_in_dim3A_16, %broadcast_in_dim3A_20, %broadcast_in_dim3A_24, %broadcast_in_dim3A_28, %broadcast_in_dim3A_32, %broadcast_in_dim3A_36, %broadcast_in_dim3A_40 in 1 : vector<1024x1xf32>, vector<1024x1xf32>, vector<1024x1xf32>, vector<1024x1xf32>, vector<1024x1xf32>, vector<1024x1xf32>, vector<1024x1xf32>, vector<1024x1xf32> -> vector<1024x8xf32>
    %transpose3A = tpu.transpose %concatenate3A, [1, 0] : vector<1024x8xf32> -> vector<8x1024xf32>
    %swap3A_41 = arith.constant 0 : index
    %swap3A_42 = arith.constant 0 : index
    %swap3A_43 = vector.load %arg4[%swap3A_41, %swap3A_42] : memref<8x1024xf32, #tpu.memory_space<vmem>>, vector<8x1024xf32>
    tpu.vector_store %arg4[%swap3A_41, %swap3A_42], %transpose3A {strides = array<i32>} : memref<8x1024xf32, #tpu.memory_space<vmem>>, vector<8x1024xf32>,
    return
  }
  func.func @transform_0(%arg0: i32) -> (i32, i32) {
    %c0_i32 = arith.constant 0 : i32
    %c0_i32_0 = arith.constant 0 : i32
    %c0_i32_1 = arith.constant 0 : i32
    return %c0_i32, %c0_i32_0 : i32, i32
  }
  func.func @transform_1(%arg0: i32) -> (i32, i32) {
    %c0_i32 = arith.constant 0 : i32
    %c0_i32_0 = arith.constant 0 : i32
    return %arg0, %c0_i32 : i32, i32
  }
  func.func @transform_2(%arg0: i32) -> (i32, i32, i32) {
    %c0_i32 = arith.constant 0 : i32
    %c0_i32_0 = arith.constant 0 : i32
    %c0_i32_1 = arith.constant 0 : i32
    return %c0_i32, %arg0, %c0_i32_0 : i32, i32, i32
  }
  func.func @transform_3(%arg0: i32) -> (i32, i32) {
    %c0_i32 = arith.constant 0 : i32
    %c0_i32_0 = arith.constant 0 : i32
    return %arg0, %c0_i32 : i32, i32
  }
}

module attributes {stable_mosaic.version = 14 : i64} {
  func.func @_topc_body(%arg0: memref<784x1024xf32, #tpu.memory_space<vmem>>, %arg1: memref<16x1024xi32, #tpu.memory_space<vmem>>) attributes {dimension_semantics = [], scalar_prefetch = 0 : i64, scratch_operands = 0 : i64, tpu.core_type = #tpu.core_type<tc>} {
    %get3A = arith.constant 0 : index
    %get3A_0 = arith.constant 0 : index
    %get3A_1 = vector.load %arg0[%get3A, %get3A_0] : memref<784x1024xf32, #tpu.memory_space<vmem>>, vector<784x1024xf32>
    %iota3A = tpu.iota {dimensions = array<i32: 0>} : vector<784x1024xi32>
    %broadcast_in_dim3A = arith.constant 783 : i32
    %broadcast_in_dim3A_2 = vector.broadcast %broadcast_in_dim3A : i32 to vector<6x1024xi32>
    %swap3A = arith.constant 10 : index
    %swap3A_3 = arith.constant 0 : index
    %swap3A_4 = vector.load %arg1[%swap3A, %swap3A_3] : memref<16x1024xi32, #tpu.memory_space<vmem>>, vector<6x1024xi32>
    tpu.vector_store %arg1[%swap3A, %swap3A_3], %broadcast_in_dim3A_2 {strides = array<i32>} : memref<16x1024xi32, #tpu.memory_space<vmem>>, vector<6x1024xi32>,
    %reduce_max3A = arith.constant dense<0xFF800000> : vector<1024xf32>
    %reduce_max3A_5 = vector.multi_reduction <maximumf>, %get3A_1, %reduce_max3A [0] : vector<784x1024xf32> to vector<1024xf32>
    %broadcast_in_dim3A_6 = vector.shape_cast %reduce_max3A_5 : vector<1024xf32> to vector<1x1024xf32>
    %eq3A = vector.broadcast %broadcast_in_dim3A_6 : vector<1x1024xf32> to vector<784x1024xf32>
    %eq3A_7 = arith.cmpf oeq, %get3A_1, %eq3A : vector<784x1024xf32>
    %jit3A = arith.constant 784 : i32
    %broadcast_in_dim3A_8 = vector.broadcast %jit3A : i32 to vector<784x1024xi32>
    %select_n3A = arith.select %eq3A_7, %iota3A, %broadcast_in_dim3A_8 : vector<784x1024xi1>, vector<784x1024xi32>
    %reduce_min3A = arith.constant dense<2147483647> : vector<1024xi32>
    %reduce_min3A_9 = vector.multi_reduction <minsi>, %select_n3A, %reduce_min3A [0] : vector<784x1024xi32> to vector<1024xi32>
    %broadcast_in_dim3A_10 = vector.shape_cast %reduce_min3A_9 : vector<1024xi32> to vector<1x1024xi32>
    %swap3A_11 = arith.constant 0 : index
    %swap3A_12 = arith.constant 0 : index
    %swap3A_13 = vector.load %arg1[%swap3A_11, %swap3A_12] : memref<16x1024xi32, #tpu.memory_space<vmem>>, vector<1x1024xi32>
    tpu.vector_store %arg1[%swap3A_11, %swap3A_12], %broadcast_in_dim3A_10 {strides = array<i32>} : memref<16x1024xi32, #tpu.memory_space<vmem>>, vector<1x1024xi32>,
    %eq3A_14 = vector.broadcast %broadcast_in_dim3A_10 : vector<1x1024xi32> to vector<784x1024xi32>
    %eq3A_15 = arith.cmpi eq, %iota3A, %eq3A_14 : vector<784x1024xi32>
    %jit3A_16 = arith.constant -3.000000e+38 : f32
    %broadcast_in_dim3A_17 = vector.broadcast %jit3A_16 : f32 to vector<784x1024xf32>
    %select_n3A_18 = arith.select %eq3A_15, %broadcast_in_dim3A_17, %get3A_1 : vector<784x1024xi1>, vector<784x1024xf32>
    %reduce_max3A_19 = arith.constant dense<0xFF800000> : vector<1024xf32>
    %reduce_max3A_20 = vector.multi_reduction <maximumf>, %select_n3A_18, %reduce_max3A_19 [0] : vector<784x1024xf32> to vector<1024xf32>
    %broadcast_in_dim3A_21 = vector.shape_cast %reduce_max3A_20 : vector<1024xf32> to vector<1x1024xf32>
    %eq3A_22 = vector.broadcast %broadcast_in_dim3A_21 : vector<1x1024xf32> to vector<784x1024xf32>
    %eq3A_23 = arith.cmpf oeq, %select_n3A_18, %eq3A_22 : vector<784x1024xf32>
    %jit3A_24 = arith.constant 784 : i32
    %broadcast_in_dim3A_25 = vector.broadcast %jit3A_24 : i32 to vector<784x1024xi32>
    %select_n3A_26 = arith.select %eq3A_23, %iota3A, %broadcast_in_dim3A_25 : vector<784x1024xi1>, vector<784x1024xi32>
    %reduce_min3A_27 = arith.constant dense<2147483647> : vector<1024xi32>
    %reduce_min3A_28 = vector.multi_reduction <minsi>, %select_n3A_26, %reduce_min3A_27 [0] : vector<784x1024xi32> to vector<1024xi32>
    %broadcast_in_dim3A_29 = vector.shape_cast %reduce_min3A_28 : vector<1024xi32> to vector<1x1024xi32>
    %swap3A_30 = arith.constant 1 : index
    %swap3A_31 = arith.constant 0 : index
    %swap3A_32 = vector.load %arg1[%swap3A_30, %swap3A_31] : memref<16x1024xi32, #tpu.memory_space<vmem>>, vector<1x1024xi32>
    tpu.vector_store %arg1[%swap3A_30, %swap3A_31], %broadcast_in_dim3A_29 {strides = array<i32>} : memref<16x1024xi32, #tpu.memory_space<vmem>>, vector<1x1024xi32>,
    %eq3A_33 = vector.broadcast %broadcast_in_dim3A_29 : vector<1x1024xi32> to vector<784x1024xi32>
    %eq3A_34 = arith.cmpi eq, %iota3A, %eq3A_33 : vector<784x1024xi32>
    %jit3A_35 = arith.constant -3.000000e+38 : f32
    %broadcast_in_dim3A_36 = vector.broadcast %jit3A_35 : f32 to vector<784x1024xf32>
    %select_n3A_37 = arith.select %eq3A_34, %broadcast_in_dim3A_36, %select_n3A_18 : vector<784x1024xi1>, vector<784x1024xf32>
    %reduce_max3A_38 = arith.constant dense<0xFF800000> : vector<1024xf32>
    %reduce_max3A_39 = vector.multi_reduction <maximumf>, %select_n3A_37, %reduce_max3A_38 [0] : vector<784x1024xf32> to vector<1024xf32>
    %broadcast_in_dim3A_40 = vector.shape_cast %reduce_max3A_39 : vector<1024xf32> to vector<1x1024xf32>
    %eq3A_41 = vector.broadcast %broadcast_in_dim3A_40 : vector<1x1024xf32> to vector<784x1024xf32>
    %eq3A_42 = arith.cmpf oeq, %select_n3A_37, %eq3A_41 : vector<784x1024xf32>
    %jit3A_43 = arith.constant 784 : i32
    %broadcast_in_dim3A_44 = vector.broadcast %jit3A_43 : i32 to vector<784x1024xi32>
    %select_n3A_45 = arith.select %eq3A_42, %iota3A, %broadcast_in_dim3A_44 : vector<784x1024xi1>, vector<784x1024xi32>
    %reduce_min3A_46 = arith.constant dense<2147483647> : vector<1024xi32>
    %reduce_min3A_47 = vector.multi_reduction <minsi>, %select_n3A_45, %reduce_min3A_46 [0] : vector<784x1024xi32> to vector<1024xi32>
    %broadcast_in_dim3A_48 = vector.shape_cast %reduce_min3A_47 : vector<1024xi32> to vector<1x1024xi32>
    %swap3A_49 = arith.constant 2 : index
    %swap3A_50 = arith.constant 0 : index
    %swap3A_51 = vector.load %arg1[%swap3A_49, %swap3A_50] : memref<16x1024xi32, #tpu.memory_space<vmem>>, vector<1x1024xi32>
    tpu.vector_store %arg1[%swap3A_49, %swap3A_50], %broadcast_in_dim3A_48 {strides = array<i32>} : memref<16x1024xi32, #tpu.memory_space<vmem>>, vector<1x1024xi32>,
    %eq3A_52 = vector.broadcast %broadcast_in_dim3A_48 : vector<1x1024xi32> to vector<784x1024xi32>
    %eq3A_53 = arith.cmpi eq, %iota3A, %eq3A_52 : vector<784x1024xi32>
    %jit3A_54 = arith.constant -3.000000e+38 : f32
    %broadcast_in_dim3A_55 = vector.broadcast %jit3A_54 : f32 to vector<784x1024xf32>
    %select_n3A_56 = arith.select %eq3A_53, %broadcast_in_dim3A_55, %select_n3A_37 : vector<784x1024xi1>, vector<784x1024xf32>
    %reduce_max3A_57 = arith.constant dense<0xFF800000> : vector<1024xf32>
    %reduce_max3A_58 = vector.multi_reduction <maximumf>, %select_n3A_56, %reduce_max3A_57 [0] : vector<784x1024xf32> to vector<1024xf32>
    %broadcast_in_dim3A_59 = vector.shape_cast %reduce_max3A_58 : vector<1024xf32> to vector<1x1024xf32>
    %eq3A_60 = vector.broadcast %broadcast_in_dim3A_59 : vector<1x1024xf32> to vector<784x1024xf32>
    %eq3A_61 = arith.cmpf oeq, %select_n3A_56, %eq3A_60 : vector<784x1024xf32>
    %jit3A_62 = arith.constant 784 : i32
    %broadcast_in_dim3A_63 = vector.broadcast %jit3A_62 : i32 to vector<784x1024xi32>
    %select_n3A_64 = arith.select %eq3A_61, %iota3A, %broadcast_in_dim3A_63 : vector<784x1024xi1>, vector<784x1024xi32>
    %reduce_min3A_65 = arith.constant dense<2147483647> : vector<1024xi32>
    %reduce_min3A_66 = vector.multi_reduction <minsi>, %select_n3A_64, %reduce_min3A_65 [0] : vector<784x1024xi32> to vector<1024xi32>
    %broadcast_in_dim3A_67 = vector.shape_cast %reduce_min3A_66 : vector<1024xi32> to vector<1x1024xi32>
    %swap3A_68 = arith.constant 3 : index
    %swap3A_69 = arith.constant 0 : index
    %swap3A_70 = vector.load %arg1[%swap3A_68, %swap3A_69] : memref<16x1024xi32, #tpu.memory_space<vmem>>, vector<1x1024xi32>
    tpu.vector_store %arg1[%swap3A_68, %swap3A_69], %broadcast_in_dim3A_67 {strides = array<i32>} : memref<16x1024xi32, #tpu.memory_space<vmem>>, vector<1x1024xi32>,
    %eq3A_71 = vector.broadcast %broadcast_in_dim3A_67 : vector<1x1024xi32> to vector<784x1024xi32>
    %eq3A_72 = arith.cmpi eq, %iota3A, %eq3A_71 : vector<784x1024xi32>
    %jit3A_73 = arith.constant -3.000000e+38 : f32
    %broadcast_in_dim3A_74 = vector.broadcast %jit3A_73 : f32 to vector<784x1024xf32>
    %select_n3A_75 = arith.select %eq3A_72, %broadcast_in_dim3A_74, %select_n3A_56 : vector<784x1024xi1>, vector<784x1024xf32>
    %reduce_max3A_76 = arith.constant dense<0xFF800000> : vector<1024xf32>
    %reduce_max3A_77 = vector.multi_reduction <maximumf>, %select_n3A_75, %reduce_max3A_76 [0] : vector<784x1024xf32> to vector<1024xf32>
    %broadcast_in_dim3A_78 = vector.shape_cast %reduce_max3A_77 : vector<1024xf32> to vector<1x1024xf32>
    %eq3A_79 = vector.broadcast %broadcast_in_dim3A_78 : vector<1x1024xf32> to vector<784x1024xf32>
    %eq3A_80 = arith.cmpf oeq, %select_n3A_75, %eq3A_79 : vector<784x1024xf32>
    %jit3A_81 = arith.constant 784 : i32
    %broadcast_in_dim3A_82 = vector.broadcast %jit3A_81 : i32 to vector<784x1024xi32>
    %select_n3A_83 = arith.select %eq3A_80, %iota3A, %broadcast_in_dim3A_82 : vector<784x1024xi1>, vector<784x1024xi32>
    %reduce_min3A_84 = arith.constant dense<2147483647> : vector<1024xi32>
    %reduce_min3A_85 = vector.multi_reduction <minsi>, %select_n3A_83, %reduce_min3A_84 [0] : vector<784x1024xi32> to vector<1024xi32>
    %broadcast_in_dim3A_86 = vector.shape_cast %reduce_min3A_85 : vector<1024xi32> to vector<1x1024xi32>
    %swap3A_87 = arith.constant 4 : index
    %swap3A_88 = arith.constant 0 : index
    %swap3A_89 = vector.load %arg1[%swap3A_87, %swap3A_88] : memref<16x1024xi32, #tpu.memory_space<vmem>>, vector<1x1024xi32>
    tpu.vector_store %arg1[%swap3A_87, %swap3A_88], %broadcast_in_dim3A_86 {strides = array<i32>} : memref<16x1024xi32, #tpu.memory_space<vmem>>, vector<1x1024xi32>,
    %eq3A_90 = vector.broadcast %broadcast_in_dim3A_86 : vector<1x1024xi32> to vector<784x1024xi32>
    %eq3A_91 = arith.cmpi eq, %iota3A, %eq3A_90 : vector<784x1024xi32>
    %jit3A_92 = arith.constant -3.000000e+38 : f32
    %broadcast_in_dim3A_93 = vector.broadcast %jit3A_92 : f32 to vector<784x1024xf32>
    %select_n3A_94 = arith.select %eq3A_91, %broadcast_in_dim3A_93, %select_n3A_75 : vector<784x1024xi1>, vector<784x1024xf32>
    %reduce_max3A_95 = arith.constant dense<0xFF800000> : vector<1024xf32>
    %reduce_max3A_96 = vector.multi_reduction <maximumf>, %select_n3A_94, %reduce_max3A_95 [0] : vector<784x1024xf32> to vector<1024xf32>
    %broadcast_in_dim3A_97 = vector.shape_cast %reduce_max3A_96 : vector<1024xf32> to vector<1x1024xf32>
    %eq3A_98 = vector.broadcast %broadcast_in_dim3A_97 : vector<1x1024xf32> to vector<784x1024xf32>
    %eq3A_99 = arith.cmpf oeq, %select_n3A_94, %eq3A_98 : vector<784x1024xf32>
    %jit3A_100 = arith.constant 784 : i32
    %broadcast_in_dim3A_101 = vector.broadcast %jit3A_100 : i32 to vector<784x1024xi32>
    %select_n3A_102 = arith.select %eq3A_99, %iota3A, %broadcast_in_dim3A_101 : vector<784x1024xi1>, vector<784x1024xi32>
    %reduce_min3A_103 = arith.constant dense<2147483647> : vector<1024xi32>
    %reduce_min3A_104 = vector.multi_reduction <minsi>, %select_n3A_102, %reduce_min3A_103 [0] : vector<784x1024xi32> to vector<1024xi32>
    %broadcast_in_dim3A_105 = vector.shape_cast %reduce_min3A_104 : vector<1024xi32> to vector<1x1024xi32>
    %swap3A_106 = arith.constant 5 : index
    %swap3A_107 = arith.constant 0 : index
    %swap3A_108 = vector.load %arg1[%swap3A_106, %swap3A_107] : memref<16x1024xi32, #tpu.memory_space<vmem>>, vector<1x1024xi32>
    tpu.vector_store %arg1[%swap3A_106, %swap3A_107], %broadcast_in_dim3A_105 {strides = array<i32>} : memref<16x1024xi32, #tpu.memory_space<vmem>>, vector<1x1024xi32>,
    %eq3A_109 = vector.broadcast %broadcast_in_dim3A_105 : vector<1x1024xi32> to vector<784x1024xi32>
    %eq3A_110 = arith.cmpi eq, %iota3A, %eq3A_109 : vector<784x1024xi32>
    %jit3A_111 = arith.constant -3.000000e+38 : f32
    %broadcast_in_dim3A_112 = vector.broadcast %jit3A_111 : f32 to vector<784x1024xf32>
    %select_n3A_113 = arith.select %eq3A_110, %broadcast_in_dim3A_112, %select_n3A_94 : vector<784x1024xi1>, vector<784x1024xf32>
    %reduce_max3A_114 = arith.constant dense<0xFF800000> : vector<1024xf32>
    %reduce_max3A_115 = vector.multi_reduction <maximumf>, %select_n3A_113, %reduce_max3A_114 [0] : vector<784x1024xf32> to vector<1024xf32>
    %broadcast_in_dim3A_116 = vector.shape_cast %reduce_max3A_115 : vector<1024xf32> to vector<1x1024xf32>
    %eq3A_117 = vector.broadcast %broadcast_in_dim3A_116 : vector<1x1024xf32> to vector<784x1024xf32>
    %eq3A_118 = arith.cmpf oeq, %select_n3A_113, %eq3A_117 : vector<784x1024xf32>
    %jit3A_119 = arith.constant 784 : i32
    %broadcast_in_dim3A_120 = vector.broadcast %jit3A_119 : i32 to vector<784x1024xi32>
    %select_n3A_121 = arith.select %eq3A_118, %iota3A, %broadcast_in_dim3A_120 : vector<784x1024xi1>, vector<784x1024xi32>
    %reduce_min3A_122 = arith.constant dense<2147483647> : vector<1024xi32>
    %reduce_min3A_123 = vector.multi_reduction <minsi>, %select_n3A_121, %reduce_min3A_122 [0] : vector<784x1024xi32> to vector<1024xi32>
    %broadcast_in_dim3A_124 = vector.shape_cast %reduce_min3A_123 : vector<1024xi32> to vector<1x1024xi32>
    %swap3A_125 = arith.constant 6 : index
    %swap3A_126 = arith.constant 0 : index
    %swap3A_127 = vector.load %arg1[%swap3A_125, %swap3A_126] : memref<16x1024xi32, #tpu.memory_space<vmem>>, vector<1x1024xi32>
    tpu.vector_store %arg1[%swap3A_125, %swap3A_126], %broadcast_in_dim3A_124 {strides = array<i32>} : memref<16x1024xi32, #tpu.memory_space<vmem>>, vector<1x1024xi32>,
    %eq3A_128 = vector.broadcast %broadcast_in_dim3A_124 : vector<1x1024xi32> to vector<784x1024xi32>
    %eq3A_129 = arith.cmpi eq, %iota3A, %eq3A_128 : vector<784x1024xi32>
    %jit3A_130 = arith.constant -3.000000e+38 : f32
    %broadcast_in_dim3A_131 = vector.broadcast %jit3A_130 : f32 to vector<784x1024xf32>
    %select_n3A_132 = arith.select %eq3A_129, %broadcast_in_dim3A_131, %select_n3A_113 : vector<784x1024xi1>, vector<784x1024xf32>
    %reduce_max3A_133 = arith.constant dense<0xFF800000> : vector<1024xf32>
    %reduce_max3A_134 = vector.multi_reduction <maximumf>, %select_n3A_132, %reduce_max3A_133 [0] : vector<784x1024xf32> to vector<1024xf32>
    %broadcast_in_dim3A_135 = vector.shape_cast %reduce_max3A_134 : vector<1024xf32> to vector<1x1024xf32>
    %eq3A_136 = vector.broadcast %broadcast_in_dim3A_135 : vector<1x1024xf32> to vector<784x1024xf32>
    %eq3A_137 = arith.cmpf oeq, %select_n3A_132, %eq3A_136 : vector<784x1024xf32>
    %jit3A_138 = arith.constant 784 : i32
    %broadcast_in_dim3A_139 = vector.broadcast %jit3A_138 : i32 to vector<784x1024xi32>
    %select_n3A_140 = arith.select %eq3A_137, %iota3A, %broadcast_in_dim3A_139 : vector<784x1024xi1>, vector<784x1024xi32>
    %reduce_min3A_141 = arith.constant dense<2147483647> : vector<1024xi32>
    %reduce_min3A_142 = vector.multi_reduction <minsi>, %select_n3A_140, %reduce_min3A_141 [0] : vector<784x1024xi32> to vector<1024xi32>
    %broadcast_in_dim3A_143 = vector.shape_cast %reduce_min3A_142 : vector<1024xi32> to vector<1x1024xi32>
    %swap3A_144 = arith.constant 7 : index
    %swap3A_145 = arith.constant 0 : index
    %swap3A_146 = vector.load %arg1[%swap3A_144, %swap3A_145] : memref<16x1024xi32, #tpu.memory_space<vmem>>, vector<1x1024xi32>
    tpu.vector_store %arg1[%swap3A_144, %swap3A_145], %broadcast_in_dim3A_143 {strides = array<i32>} : memref<16x1024xi32, #tpu.memory_space<vmem>>, vector<1x1024xi32>,
    %eq3A_147 = vector.broadcast %broadcast_in_dim3A_143 : vector<1x1024xi32> to vector<784x1024xi32>
    %eq3A_148 = arith.cmpi eq, %iota3A, %eq3A_147 : vector<784x1024xi32>
    %jit3A_149 = arith.constant -3.000000e+38 : f32
    %broadcast_in_dim3A_150 = vector.broadcast %jit3A_149 : f32 to vector<784x1024xf32>
    %select_n3A_151 = arith.select %eq3A_148, %broadcast_in_dim3A_150, %select_n3A_132 : vector<784x1024xi1>, vector<784x1024xf32>
    %reduce_max3A_152 = arith.constant dense<0xFF800000> : vector<1024xf32>
    %reduce_max3A_153 = vector.multi_reduction <maximumf>, %select_n3A_151, %reduce_max3A_152 [0] : vector<784x1024xf32> to vector<1024xf32>
    %broadcast_in_dim3A_154 = vector.shape_cast %reduce_max3A_153 : vector<1024xf32> to vector<1x1024xf32>
    %eq3A_155 = vector.broadcast %broadcast_in_dim3A_154 : vector<1x1024xf32> to vector<784x1024xf32>
    %eq3A_156 = arith.cmpf oeq, %select_n3A_151, %eq3A_155 : vector<784x1024xf32>
    %jit3A_157 = arith.constant 784 : i32
    %broadcast_in_dim3A_158 = vector.broadcast %jit3A_157 : i32 to vector<784x1024xi32>
    %select_n3A_159 = arith.select %eq3A_156, %iota3A, %broadcast_in_dim3A_158 : vector<784x1024xi1>, vector<784x1024xi32>
    %reduce_min3A_160 = arith.constant dense<2147483647> : vector<1024xi32>
    %reduce_min3A_161 = vector.multi_reduction <minsi>, %select_n3A_159, %reduce_min3A_160 [0] : vector<784x1024xi32> to vector<1024xi32>
    %broadcast_in_dim3A_162 = vector.shape_cast %reduce_min3A_161 : vector<1024xi32> to vector<1x1024xi32>
    %swap3A_163 = arith.constant 8 : index
    %swap3A_164 = arith.constant 0 : index
    %swap3A_165 = vector.load %arg1[%swap3A_163, %swap3A_164] : memref<16x1024xi32, #tpu.memory_space<vmem>>, vector<1x1024xi32>
    tpu.vector_store %arg1[%swap3A_163, %swap3A_164], %broadcast_in_dim3A_162 {strides = array<i32>} : memref<16x1024xi32, #tpu.memory_space<vmem>>, vector<1x1024xi32>,
    %eq3A_166 = vector.broadcast %broadcast_in_dim3A_162 : vector<1x1024xi32> to vector<784x1024xi32>
    %eq3A_167 = arith.cmpi eq, %iota3A, %eq3A_166 : vector<784x1024xi32>
    %jit3A_168 = arith.constant -3.000000e+38 : f32
    %broadcast_in_dim3A_169 = vector.broadcast %jit3A_168 : f32 to vector<784x1024xf32>
    %select_n3A_170 = arith.select %eq3A_167, %broadcast_in_dim3A_169, %select_n3A_151 : vector<784x1024xi1>, vector<784x1024xf32>
    %reduce_max3A_171 = arith.constant dense<0xFF800000> : vector<1024xf32>
    %reduce_max3A_172 = vector.multi_reduction <maximumf>, %select_n3A_170, %reduce_max3A_171 [0] : vector<784x1024xf32> to vector<1024xf32>
    %broadcast_in_dim3A_173 = vector.shape_cast %reduce_max3A_172 : vector<1024xf32> to vector<1x1024xf32>
    %eq3A_174 = vector.broadcast %broadcast_in_dim3A_173 : vector<1x1024xf32> to vector<784x1024xf32>
    %eq3A_175 = arith.cmpf oeq, %select_n3A_170, %eq3A_174 : vector<784x1024xf32>
    %jit3A_176 = arith.constant 784 : i32
    %broadcast_in_dim3A_177 = vector.broadcast %jit3A_176 : i32 to vector<784x1024xi32>
    %select_n3A_178 = arith.select %eq3A_175, %iota3A, %broadcast_in_dim3A_177 : vector<784x1024xi1>, vector<784x1024xi32>
    %reduce_min3A_179 = arith.constant dense<2147483647> : vector<1024xi32>
    %reduce_min3A_180 = vector.multi_reduction <minsi>, %select_n3A_178, %reduce_min3A_179 [0] : vector<784x1024xi32> to vector<1024xi32>
    %broadcast_in_dim3A_181 = vector.shape_cast %reduce_min3A_180 : vector<1024xi32> to vector<1x1024xi32>
    %swap3A_182 = arith.constant 9 : index
    %swap3A_183 = arith.constant 0 : index
    %swap3A_184 = vector.load %arg1[%swap3A_182, %swap3A_183] : memref<16x1024xi32, #tpu.memory_space<vmem>>, vector<1x1024xi32>
    tpu.vector_store %arg1[%swap3A_182, %swap3A_183], %broadcast_in_dim3A_181 {strides = array<i32>} : memref<16x1024xi32, #tpu.memory_space<vmem>>, vector<1x1024xi32>,
    return
  }
}

module attributes {stable_mosaic.version = 14 : i64} {
  func.func @_proj_body(%arg0: i32, %arg1: memref<1024x64xf32, #tpu.memory_space<vmem>>, %arg2: memref<1024x64xf32, #tpu.memory_space<vmem>>, %arg3: memref<128x64xf32, #tpu.memory_space<vmem>>, %arg4: memref<8x64xf32, #tpu.memory_space<vmem>>, %arg5: memref<8x64xf32, #tpu.memory_space<vmem>>, %arg6: memref<8x64xf32, #tpu.memory_space<vmem>>, %arg7: memref<64x1024xf32, #tpu.memory_space<vmem>>, %arg8: memref<8x1024xf32, #tpu.memory_space<vmem>>, %arg9: memref<1024x1024xf32, #tpu.memory_space<vmem>>, %arg10: memref<1024x64xf32, #tpu.memory_space<vmem>>) attributes {dimension_semantics = [#tpu.dimension_semantics<arbitrary>], iteration_bounds = array<i64: 98>, scalar_prefetch = 0 : i64, scratch_operands = 1 : i64, tpu.core_type = #tpu.core_type<tc>, window_params = [{pipeline_mode = #tpu.pipeline_mode<synchronous>, transform_indices = @transform_0, window_bounds = array<i64: 1024, 64>}, {pipeline_mode = #tpu.pipeline_mode<synchronous>, transform_indices = @transform_1, window_bounds = array<i64: 1024, 64>}, {pipeline_mode = #tpu.pipeline_mode<synchronous>, transform_indices = @transform_2, window_bounds = array<i64: 128, 64>}, {pipeline_mode = #tpu.pipeline_mode<synchronous>, transform_indices = @transform_3, window_bounds = array<i64: 8, 64>}, {pipeline_mode = #tpu.pipeline_mode<synchronous>, transform_indices = @transform_4, window_bounds = array<i64: 8, 64>}, {pipeline_mode = #tpu.pipeline_mode<synchronous>, transform_indices = @transform_5, window_bounds = array<i64: 8, 64>}, {transform_indices = @transform_6, window_bounds = array<i64: 64, 1024>}, {transform_indices = @transform_7, window_bounds = array<i64: 8, 1024>}, {transform_indices = @transform_8, window_bounds = array<i64: 1024, 1024>}]} {
    %eq3A = arith.constant 0 : i32
    %eq3A_0 = arith.cmpi eq, %arg0, %eq3A : i32
    %convert_element_type3A = arith.extui %eq3A_0 : i1 to i32
    %cond3A = arith.constant 0 : i32
    %cond3A_1 = arith.cmpi ne, %convert_element_type3A, %cond3A : i32
    scf.if %cond3A_1 {
      %get3A_14 = arith.constant 0 : index
      %get3A_15 = arith.constant 0 : index
      %get3A_16 = vector.load %arg1[%get3A_14, %get3A_15] : memref<1024x64xf32, #tpu.memory_space<vmem>>, vector<1024x64xf32>
      %get3A_17 = arith.constant 0 : index
      %get3A_18 = arith.constant 0 : index
      %get3A_19 = vector.load %arg2[%get3A_17, %get3A_18] : memref<1024x64xf32, #tpu.memory_space<vmem>>, vector<1024x64xf32>
      %get3A_20 = arith.constant 0 : index
      %get3A_21 = arith.constant 0 : index
      %get3A_22 = vector.load %arg3[%get3A_20, %get3A_21] : memref<128x64xf32, #tpu.memory_space<vmem>>, vector<128x64xf32>
      %slice3A = vector.extract_strided_slice %get3A_22 {offsets = [0, 0], sizes = [64, 64], strides = [1, 1]} : vector<128x64xf32> to vector<64x64xf32>
      %dot_general3A_23 = arith.constant dense<0.000000e+00> : vector<1024x64xf32>
      %dot_general3A_24 = tpu.matmul %get3A_16, %slice3A, %dot_general3A_23 {dimension_numbers = #tpu.dot_dimension_numbers<[1], [0], [0], [1], [0, 0, 1, 1], [], []>, transpose_lhs_hint = false} : vector<1024x64xf32>, vector<64x64xf32>, vector<1024x64xf32> -> vector<1024x64xf32>
      %slice3A_25 = vector.extract_strided_slice %get3A_22 {offsets = [64, 0], sizes = [64, 64], strides = [1, 1]} : vector<128x64xf32> to vector<64x64xf32>
      %dot_general3A_26 = arith.constant dense<0.000000e+00> : vector<1024x64xf32>
      %dot_general3A_27 = tpu.matmul %get3A_19, %slice3A_25, %dot_general3A_26 {dimension_numbers = #tpu.dot_dimension_numbers<[1], [0], [0], [1], [0, 0, 1, 1], [], []>, transpose_lhs_hint = false} : vector<1024x64xf32>, vector<64x64xf32>, vector<1024x64xf32> -> vector<1024x64xf32>
      %add3A_28 = arith.addf %dot_general3A_24, %dot_general3A_27 : vector<1024x64xf32>
      %get3A_29 = arith.constant 0 : index
      %get3A_30 = arith.constant 0 : index
      %get3A_31 = vector.load %arg4[%get3A_29, %get3A_30] : memref<8x64xf32, #tpu.memory_space<vmem>>, vector<1x64xf32>
      %add3A_32 = vector.broadcast %get3A_31 : vector<1x64xf32> to vector<1024x64xf32>
      %add3A_33 = arith.addf %add3A_28, %add3A_32 : vector<1024x64xf32>
      %logistic3A = arith.negf %add3A_33 : vector<1024x64xf32>
      %logistic3A_34 = math.exp %logistic3A : vector<1024x64xf32>
      %logistic3A_35 = arith.constant 1.000000e+00 : f32
      %logistic3A_36 = vector.broadcast %logistic3A_35 : f32 to vector<1024x64xf32>
      %logistic3A_37 = arith.addf %logistic3A_36, %logistic3A_34 : vector<1024x64xf32>
      %logistic3A_38 = arith.divf %logistic3A_36, %logistic3A_37 : vector<1024x64xf32>
      %mul3A = arith.mulf %logistic3A_38, %get3A_16 : vector<1024x64xf32>
      %sub3A = arith.constant 1.000000e+00 : f32
      %sub3A_39 = vector.broadcast %sub3A : f32 to vector<1024x64xf32>
      %sub3A_40 = arith.subf %sub3A_39, %logistic3A_38 : vector<1024x64xf32>
      %mul3A_41 = arith.mulf %sub3A_40, %get3A_19 : vector<1024x64xf32>
      %add3A_42 = arith.addf %mul3A, %mul3A_41 : vector<1024x64xf32>
      %reduce_sum3A = arith.constant dense<0.000000e+00> : vector<1024xf32>
      %reduce_sum3A_43 = vector.multi_reduction <add>, %add3A_42, %reduce_sum3A [1] : vector<1024x64xf32> to vector<1024xf32>
      %broadcast_in_dim3A = vector.shape_cast %reduce_sum3A_43 : vector<1024xf32> to vector<1024x1xf32>
      %div3A = arith.constant 6.400000e+01 : f32
      %div3A_44 = vector.broadcast %div3A : f32 to vector<1024x1xf32>
      %div3A_45 = arith.divf %broadcast_in_dim3A, %div3A_44 : vector<1024x1xf32>
      %sub3A_46 = vector.broadcast %div3A_45 : vector<1024x1xf32> to vector<1024x64xf32>
      %sub3A_47 = arith.subf %add3A_42, %sub3A_46 : vector<1024x64xf32>
      %mul3A_48 = arith.mulf %sub3A_47, %sub3A_47 : vector<1024x64xf32>
      %reduce_sum3A_49 = arith.constant dense<0.000000e+00> : vector<1024xf32>
      %reduce_sum3A_50 = vector.multi_reduction <add>, %mul3A_48, %reduce_sum3A_49 [1] : vector<1024x64xf32> to vector<1024xf32>
      %broadcast_in_dim3A_51 = vector.shape_cast %reduce_sum3A_50 : vector<1024xf32> to vector<1024x1xf32>
      %div3A_52 = arith.constant 6.400000e+01 : f32
      %div3A_53 = vector.broadcast %div3A_52 : f32 to vector<1024x1xf32>
      %div3A_54 = arith.divf %broadcast_in_dim3A_51, %div3A_53 : vector<1024x1xf32>
      %add3A_55 = arith.constant 9.99999974E-6 : f32
      %add3A_56 = vector.broadcast %add3A_55 : f32 to vector<1024x1xf32>
      %add3A_57 = arith.addf %div3A_54, %add3A_56 : vector<1024x1xf32>
      %rsqrt3A = math.rsqrt %add3A_57 : vector<1024x1xf32>
      %mul3A_58 = vector.broadcast %rsqrt3A : vector<1024x1xf32> to vector<1024x64xf32>
      %mul3A_59 = arith.mulf %sub3A_47, %mul3A_58 : vector<1024x64xf32>
      %get3A_60 = arith.constant 0 : index
      %get3A_61 = arith.constant 0 : index
      %get3A_62 = vector.load %arg5[%get3A_60, %get3A_61] : memref<8x64xf32, #tpu.memory_space<vmem>>, vector<1x64xf32>
      %mul3A_63 = vector.broadcast %get3A_62 : vector<1x64xf32> to vector<1024x64xf32>
      %mul3A_64 = arith.mulf %mul3A_59, %mul3A_63 : vector<1024x64xf32>
      %get3A_65 = arith.constant 0 : index
      %get3A_66 = arith.constant 0 : index
      %get3A_67 = vector.load %arg6[%get3A_65, %get3A_66] : memref<8x64xf32, #tpu.memory_space<vmem>>, vector<1x64xf32>
      %add3A_68 = vector.broadcast %get3A_67 : vector<1x64xf32> to vector<1024x64xf32>
      %add3A_69 = arith.addf %mul3A_64, %add3A_68 : vector<1024x64xf32>
      %swap3A_70 = arith.constant 0 : index
      %swap3A_71 = arith.constant 0 : index
      %swap3A_72 = vector.load %arg10[%swap3A_70, %swap3A_71] : memref<1024x64xf32, #tpu.memory_space<vmem>>, vector<1024x64xf32>
      tpu.vector_store %arg10[%swap3A_70, %swap3A_71], %add3A_69 {strides = array<i32>} : memref<1024x64xf32, #tpu.memory_space<vmem>>, vector<1024x64xf32>,
    } else {
    }
    %get3A = arith.constant 0 : index
    %get3A_2 = arith.constant 0 : index
    %get3A_3 = vector.load %arg10[%get3A, %get3A_2] : memref<1024x64xf32, #tpu.memory_space<vmem>>, vector<1024x64xf32>
    %get3A_4 = arith.constant 0 : index
    %get3A_5 = arith.constant 0 : index
    %get3A_6 = vector.load %arg7[%get3A_4, %get3A_5] : memref<64x1024xf32, #tpu.memory_space<vmem>>, vector<64x1024xf32>
    %dot_general3A = arith.constant dense<0.000000e+00> : vector<1024x1024xf32>
    %dot_general3A_7 = tpu.matmul %get3A_3, %get3A_6, %dot_general3A {dimension_numbers = #tpu.dot_dimension_numbers<[1], [0], [0], [1], [0, 0, 1, 1], [], []>, transpose_lhs_hint = false} : vector<1024x64xf32>, vector<64x1024xf32>, vector<1024x1024xf32> -> vector<1024x1024xf32>
    %get3A_8 = arith.constant 0 : index
    %get3A_9 = arith.constant 0 : index
    %get3A_10 = vector.load %arg8[%get3A_8, %get3A_9] : memref<8x1024xf32, #tpu.memory_space<vmem>>, vector<1x1024xf32>
    %add3A = vector.broadcast %get3A_10 : vector<1x1024xf32> to vector<1024x1024xf32>
    %add3A_11 = arith.addf %dot_general3A_7, %add3A : vector<1024x1024xf32>
    %swap3A = arith.constant 0 : index
    %swap3A_12 = arith.constant 0 : index
    %swap3A_13 = vector.load %arg9[%swap3A, %swap3A_12] : memref<1024x1024xf32, #tpu.memory_space<vmem>>, vector<1024x1024xf32>
    tpu.vector_store %arg9[%swap3A, %swap3A_12], %add3A_11 {strides = array<i32>} : memref<1024x1024xf32, #tpu.memory_space<vmem>>, vector<1024x1024xf32>,
    return
  }
  func.func @transform_0(%arg0: i32) -> (i32, i32) {
    %c0_i32 = arith.constant 0 : i32
    %c0_i32_0 = arith.constant 0 : i32
    %c0_i32_1 = arith.constant 0 : i32
    return %c0_i32, %c0_i32_0 : i32, i32
  }
  func.func @transform_1(%arg0: i32) -> (i32, i32) {
    %c0_i32 = arith.constant 0 : i32
    %c0_i32_0 = arith.constant 0 : i32
    %c0_i32_1 = arith.constant 0 : i32
    return %c0_i32, %c0_i32_0 : i32, i32
  }
  func.func @transform_2(%arg0: i32) -> (i32, i32) {
    %c0_i32 = arith.constant 0 : i32
    %c0_i32_0 = arith.constant 0 : i32
    %c0_i32_1 = arith.constant 0 : i32
    return %c0_i32, %c0_i32_0 : i32, i32
  }
  func.func @transform_3(%arg0: i32) -> (i32, i32) {
    %c0_i32 = arith.constant 0 : i32
    %c0_i32_0 = arith.constant 0 : i32
    %c0_i32_1 = arith.constant 0 : i32
    return %c0_i32, %c0_i32_0 : i32, i32
  }
  func.func @transform_4(%arg0: i32) -> (i32, i32) {
    %c0_i32 = arith.constant 0 : i32
    %c0_i32_0 = arith.constant 0 : i32
    %c0_i32_1 = arith.constant 0 : i32
    return %c0_i32, %c0_i32_0 : i32, i32
  }
  func.func @transform_5(%arg0: i32) -> (i32, i32) {
    %c0_i32 = arith.constant 0 : i32
    %c0_i32_0 = arith.constant 0 : i32
    %c0_i32_1 = arith.constant 0 : i32
    return %c0_i32, %c0_i32_0 : i32, i32
  }
  func.func @transform_6(%arg0: i32) -> (i32, i32) {
    %c0_i32 = arith.constant 0 : i32
    %c0_i32_0 = arith.constant 0 : i32
    return %c0_i32, %arg0 : i32, i32
  }
  func.func @transform_7(%arg0: i32) -> (i32, i32) {
    %c0_i32 = arith.constant 0 : i32
    %c0_i32_0 = arith.constant 0 : i32
    return %c0_i32, %arg0 : i32, i32
  }
  func.func @transform_8(%arg0: i32) -> (i32, i32) {
    %c0_i32 = arith.constant 0 : i32
    %c0_i32_0 = arith.constant 0 : i32
    return %c0_i32, %arg0 : i32, i32
  }
}

</mosaic_0001>

<sc_bundles>
// kernel: kernel.10.cloned.1.call-start
scs
__scs_entry_jumppad:
0x0: {  	(pc) =	sbr.rel $0x88, $3  }
0x1: {  	(tag) =	ssettag $0x0;
	lr =	simm.s32 $0x1  }
0x2: {  	[smem:$0x3F98] =	sst lr;
	_ =	strace $0xD0000000  }
0x3: {  	_ = 	snop  }
0x4: {  	_ = 	snop  }
0x5: {  	_ = 	snop  }
0x6: {  	_ = 	snop  }
0x7: {  	_ = 	snop  }
__scs_overlays_trampoline_lowered:
0x8: {  	[smem:$0x3FA7] =	sst s0  }
0x9: {  	[smem:$0x3FA8] =	sst s1  }
0xa: {  	[smem:$0x3FA9] =	sst s2  }
0xb: {  	[smem:$0x3FAA] =	sst s3  }
0xc: {  	[smem:$0x3FAB] =	sst s4  }
0xd: {  	[smem:$0x3FAC] =	sst s5  }
0xe: {  	[smem:$0x3FAD] =	sst s6  }
0xf: {  	[smem:$0x3FAE] =	sst s7  }
0x10: {  	[smem:$0x3FAF] =	sst s8  }
0x11: {  	[smem:$0x3FB0] =	sst s9;
	s0 =	simm.s32 @!p0 $0x0  }
0x12: {  	s1 =	sld [smem:$0x3F96];
	s0 =	simm.s32 @p0 $0x1  }
0x13: {  	[smem:$0x3FB1] =	sst s0;
	s0 =	simm.s32 @!p1 $0x0  }
0x14: {  	s2 =	sld [smem:$0x3F95];
	s0 =	simm.s32 @p1 $0x1  }
0x15: {  	[smem:$0x3FB2] =	sst s0;
	s0 =	simm.s32 @!p2 $0x0  }
0x16: {  	s3 =	sld [smem:$0x3FDB];
	s0 =	simm.s32 @p2 $0x1  }
0x17: {  	s4 =	simm.s32 $0x1BF5;
	[smem:$0x3FB4] =	sst s0  }
0x18: {  	s0 =	sld [smem:$0x3F97];
	_ =	swait.ge [sflag:s4], $0x0  }
0x19: {  	s7 =	sld [smem:$0x3F98]  }
0x1a: {  	s8 =	sadd.s32 $0xFFFFE003, lr  }
0x1b: {  	s9 =	sadd.s32 $0xFFFFFEF7, lr;
	s5 =	simm.s32 $0xFFFFFFFF;
	p2 =	slt.u32 s8, $0xFFFFF086  }
0x1c: {  	p1 =	slt.u32 s9, $0xF7A;
	s5 =	simm.s32 @!p2 $0x0  }
0x1d: {  	s5 =	simm.s32 @p1 $0x1;
	p0 =	seq.s32 s7, s2  }
0x1e: {  	s7 =	smul.u32 @!p0 $0xF7A, s2;
	p2 =	seq.s32 @!p0 s5, $0x0  }
0x1f: {  	s9 =	smul.u32 $0xF7A, s1;
	s8 =	simm.s32 @!p0 $0x1BF5;
	p2 =	por !p2, p0  }
0x20: {  	[sflag:s8] =	ssyncset.s32 @!p0 $0xFFFFF086;
	s6 =	sadd.s32 @!p0 s3, s7;
	s7 =	simm.s32 @!p0 $0x108  }
0x21: {  	s3 =	sadd.s32 s3, s9;
	s6 =	sadd.s32 @!p0 $0x88, s6;
	s7 =	simm.s32 @p2 $0x1082  }
0x22: {  	[simem:s7], [sflag:s8] =	dma.local @!p0 [hbm:s6], $0xF7A  }
0x23: {  	s9 =	sor.u32 $0xD0000000, s2;
	s6 =	simm.s32 $0x108;
	_ =	swait.ge @!p0 [sflag:s8], $0x0  }
0x24: {  	s3 =	sadd.s32 $0x88, s3;
	s6 =	simm.s32 @!p1 $0x1082;
	[sflag:s4] =	ssyncset.s32 $0xFFFFF086  }
0x25: {  	[simem:s6], [sflag:s4] =	dma.local [hbm:s3], $0xF7A  }
0x26: {  	[smem:$0x3F98] =	sst s1;
	(tag) =	ssettag s2;
	_ =	strace s9  }
0x27: {  	s1 =	sld [smem:$0x3FA8]  }
0x28: {  	s2 =	sld [smem:$0x3FA9]  }
0x29: {  	s4 =	sld [smem:$0x3FAB]  }
0x2a: {  	p0 =	seq.s32 s5, $0x0;
	s5 =	sld [smem:$0x3FAC]  }
0x2b: {  	s6 =	sld [smem:$0x3FAD]  }
0x2c: {  	s7 =	sld [smem:$0x3FAE]  }
0x2d: {  	s3 =	simm.s32 $0x108;
	s8 =	sld [smem:$0x3FAF]  }
0x2e: {  	s3 =	simm.s32 @!p0 $0x1082;
	s9 =	sld [smem:$0x3FB0]  }
0x2f: {  	lr =	sadd.s32 s0, s3;
	s0 =	sld [smem:$0x3FA7]  }
0x30: {  	s3 =	sld [smem:$0x3FAA]  }
0x31: {  	[smem:$0x3FB3] =	sst s10  }
0x32: {  	s10 =	sld [smem:$0x3FB1];
	_ =	sdelay $0x3  }
0x33: {  	p0 =	seq.s32 s10, $0x1;
	s10 =	sld [smem:$0x3FB3];
	_ =	sdelay $0x3  }
0x34: {  	[smem:$0x3FB3] =	sst s10  }
0x35: {  	s10 =	sld [smem:$0x3FB2];
	_ =	sdelay $0x3  }
0x36: {  	p1 =	seq.s32 s10, $0x1;
	s10 =	sld [smem:$0x3FB3];
	_ =	sdelay $0x3  }
0x37: {  	[smem:$0x3FB3] =	sst s10  }
0x38: {  	s10 =	sld [smem:$0x3FB4]  }
0x39: {  	_ = 	snop;
	(pc) =	sbr.ind lr, $3  }
0x3a: {  	_ = 	snop  }
0x3b: {  	_ = 	snop  }
0x3c: {  	p2 =	seq.s32 s10, $0x1;
	s10 =	sld [smem:$0x3FB3]  }
0x3d: {  	_ =	shalt  }
0x3e: {  	_ =	shalt  }
0x3f: {  	_ =	shalt  }
0x40: {  	_ =	shalt  }
0x41: {  	_ =	shalt  }
0x42: {  	_ =	shalt  }
0x43: {  	_ =	shalt  }
0x44: {  	_ =	shalt  }
0x45: {  	_ =	shalt  }
0x46: {  	_ =	shalt  }
0x47: {  	_ =	shalt  }
0x48: {  	_ =	shalt  }
0x49: {  	_ =	shalt  }
0x4a: {  	_ =	shalt  }
0x4b: {  	_ =	shalt  }
0x4c: {  	_ =	shalt  }
0x4d: {  	_ =	shalt  }
0x4e: {  	_ =	shalt  }
0x4f: {  	_ =	shalt  }
0x50: {  	_ =	shalt  }
0x51: {  	_ =	shalt  }
0x52: {  	_ =	shalt  }
0x53: {  	_ =	shalt  }
0x54: {  	_ =	shalt  }
0x55: {  	_ =	shalt  }
0x56: {  	_ =	shalt  }
0x57: {  	_ =	shalt  }
0x58: {  	_ =	shalt  }
0x59: {  	_ =	shalt  }
0x5a: {  	_ =	shalt  }
0x5b: {  	_ =	shalt  }
0x5c: {  	_ =	shalt  }
0x5d: {  	_ =	shalt  }
0x5e: {  	_ =	shalt  }
0x5f: {  	_ =	shalt  }
0x60: {  	_ =	shalt  }
0x61: {  	_ =	shalt  }
0x62: {  	_ =	shalt  }
0x63: {  	_ =	shalt  }
0x64: {  	_ =	shalt  }
0x65: {  	_ =	shalt  }
0x66: {  	_ =	shalt  }
0x67: {  	_ =	shalt  }
0x68: {  	_ =	shalt  }
0x69: {  	_ =	shalt  }
0x6a: {  	_ =	shalt  }
0x6b: {  	_ =	shalt  }
0x6c: {  	_ =	shalt  }
0x6d: {  	_ =	shalt  }
0x6e: {  	_ =	shalt  }
0x6f: {  	_ =	shalt  }
0x70: {  	_ =	shalt  }
0x71: {  	_ =	shalt  }
0x72: {  	_ =	shalt  }
0x73: {  	_ =	shalt  }
0x74: {  	_ =	shalt  }
0x75: {  	_ =	shalt  }
0x76: {  	_ =	shalt  }
0x77: {  	_ =	shalt  }
0x78: {  	_ =	shalt  }
0x79: {  	_ =	shalt  }
0x7a: {  	_ =	shalt  }
0x7b: {  	_ =	shalt  }
0x7c: {  	_ =	shalt  }
0x7d: {  	_ =	shalt  }
0x7e: {  	_ =	shalt  }
0x7f: {  	_ =	shalt  }
0x80: {  	_ =	shalt  }
0x81: {  	_ =	shalt  }
0x82: {  	_ =	shalt  }
0x83: {  	_ =	shalt  }
0x84: {  	_ =	shalt  }
0x85: {  	_ =	shalt  }
0x86: {  	_ =	shalt  }
0x87: {  	_ =	shalt  }
.Lfunc_end0:
.L_simem_size_0:
called_computation.1_lowered:
.L_overlay_start_0:
0x88: {  	s2 =	sld [smem:$0x3FD9]  }
0x89: {  	s3 =	sld [smem:$0x3FFE];
	_ =	sdelay $0x1  }
0x8a: {  	s1 =	srdreg.scid  }
0x8b: {  	s0 =	sand.u32 $0x1, s1  }
0x8c: {  	s17 =	sshll.u32 s0, $0xA;
	s2 =	sadd.s32 s3, s2  }
0x8d: {  	s2 =	sadd.s32 s2, s17  }
0x8e: {  	[smem:$0x3FBF] =	sst s2  }
0x8f: {  	_ = 	snop  }
0x90: {  	s2 =	sld [smem:$0x3FC7]  }
0x91: {  	s18 =	sld [smem:$0x3FD0];
	(tm) =	ssettm $0x1  }
0x92: {  	s4 =	sld [smem:$0x3FFB];
	_ =	sdelay $0x3  }
0x93: {  	_ =	strace s4  }
0x94: {  	s4 =	sld [smem:$0x3FFC];
	_ =	sdelay $0x3  }
0x95: {  	_ =	strace s4  }
0x96: {  	s4 =	sld [smem:$0x3FFD];
	_ =	sdelay $0x3  }
0x97: {  	_ =	strace s4  }
0x98: {  	_ =	strace $0x8FFFFFFF  }
0x99: {  	s19 =	sld [smem:$0x3FDB];
	_ =	sdelay $0x1  }
0x9a: {  	s5 =	simm.s32 $_scs_section_size  }
0x9b: {  	s6 =	simm.s32 $_size__tile_overlayer_lowered;
	s7 =	simm.s32 $_tile_overlayer_lowered  }
0x9c: {  	s22 =	simm.s32 $0x1BFF;
	s21 =	sshll.u32 s7, $0x1;
	s4 =	sadd.s32 s5, s19  }
0x9d: {  	s8 =	simm.s32 $0x0;
	s20 =	sshll.u32 s6, $0x1;
	s6 =	sadd.s32 s21, s4  }
0x9e: {  	[timem:s8], [sflag:s22] =	dma.local [hbm:s6], s20  }
0x9f: {  	_ =	swait.ge [sflag:s22], s20  }
0xa0: {  	s5 =	ssub.s32 $0x0, s20;
	[sflag:s22] =	ssyncset.done $0x0  }
0xa1: {  	[sflag:s22] =	ssyncadd.s32 s5;
	_ =	sdelay $0x1  }
0xa2: {  	s23 =	simm.s32 $0x1B8B  }
0xa3: {  	_ =	swait.ge [sflag:s23], $0x1  }
0xa4: {  	[sflag:s23] =	ssyncset.done $0x0  }
0xa5: {  	s25 =	simm.s32 $0x1B8E;
	s24 =	sld [smem:$0x3FFE];
	[sflag:s23] =	ssyncadd.s32 $0xFFFFFFFF  }
0xa6: {  	s26 =	simm.s32 $execute0_lowered;
	[smem:$0x3FD2] =	sst s25  }
0xa7: {  	s6 =	sshll.u32 s26, $0x1;
	_ =	strace $0x80000049;
	[dreg:$0x1] =	wrdreg $0xFFFFFFFF  }
0xa8: {  	s28 =	simm.s32 $_size_execute0_lowered;
	s4 =	sadd.s32 s4, s6;
	[dreg:$0x0] =	wrdreg $0x0  }
0xa9: {  	s6 =	sshll.u32 s28, $0x1;
	[dreg:$0x2] =	wrdreg s4  }
0xaa: {  	[dreg:$0x3] =	wrdreg s6  }
0xab: {  	[dreg:$0x4] =	wrdreg $0xC0  }
0xac: {  	_ =	task [dreg:s8], $0x5FFFF  }
0xad: {  	[dreg:$0x1] =	wrdreg $0xFFFFFFFF  }
0xae: {  	[dreg:$0x0] =	wrdreg $0x60  }
0xaf: {  	[dreg:$0x2] =	wrdreg s24  }
0xb0: {  	[dreg:$0x3] =	wrdreg s2  }
0xb1: {  	[dreg:$0x4] =	wrdreg s18  }
0xb2: {  	[dreg:$0x5] =	wrdreg $0x9  }
0xb3: {  	_ =	task.clear_ibuf [dreg:s8], $0x6FFFF;
	_ =	strace $0x90000049  }
0xb4: {  	s29 =	simm.s32 $0x9;
	_ =	strace $0x8000004B  }
0xb5: {  	_ =	swait.ge [sflag:s29], $0x1  }
0xb6: {  	[sflag:s29] =	ssyncadd.s32 $0xFFFFFFFF  }
0xb7: {  	_ =	strace $0x9000004B  }
0xb8: {  	_ =	sfence  }
0xb9: {  	s30 =	sld [smem:$0x0];
	_ =	sdelay $0x2  }
0xba: {  	s31 =	sshll.u32 s1, $0xD;
	s1 =	sshrl.u32 s1, $0x2  }
0xbb: {  	s3 =	sand.u32 $0x4000, s31;
	s1 =	sadd.s32 s1, s30  }
0xbc: {  	s0 =	sor.u32 s3, s0;
	s1 =	sshll.u32 s1, $0x11  }
0xbd: {  	s0 =	sor.u32 s1, s0  }
0xbe: {  	s0 =	sadd.s32 $0x8F2B, s0  }
0xbf: {  	[sflag:s0] =	ssyncadd.remote.s32 $0x1  }
0xc0: {  	_ =	sfence.sel $0xFFFF  }
0xc1: {  	[dreg:$0x0] =	wrdreg $0xFFFFFFFF;
	(pc) =	sbr.abs _section_cstart, $3  }
0xc2: {  	[dreg:$0x1] =	wrdreg $0xFFFFFFFF  }
0xc3: {  	_ =	task.clear_ibuf [dreg:s8], $0x2FFFF;
	_ =	strace $0x9FFFFFFF  }
0xc4: {  	(tm) =	ssettm $0x7FFFFFFF  }
0xc5: {  	_ =	shalt  }
tec
execute0_lowered:
.L_overlay_start_1:
0x0: {  	(tag) =	ssettag $0x1  }
0x1: {  	s1 =	rddreg [dreg:$0x0]  }
0x2: {  	s3 =	srdreg.scid;
	s2 =	rddreg [dreg:$0x1]  }
0x3: {  	s0 =	stileid.u32;
	s7 =	rddreg [dreg:$0x2];
	s13 =	simm.s32 $0x200  }
0x4: {  	s14 =	simm.s32 $0x480;
	s15 =	simm.s32 $0x280;
	s16 =	simm.s32 $0x4480  }
0x5: {  	s17 =	simm.s32 $0x300;
	s18 =	simm.s32 $0x8480;
	s19 =	simm.s32 $0x380  }
0x6: {  	s20 =	simm.s32 $0xC480;
	s21 =	simm.s32 $0x1;
	s22 =	simm.s32 $0x10  }
0x7: {  	s23 =	simm.s32 $0x400;
	s24 =	simm.s32 $0x184C0;
	s25 =	simm.s32 $0x0  }
0x8: {  	s6 =	sand.u32 $0x1, s3;
	s4 =	sshll.u32 s0, $0x6;
	s3 =	simm.s32 $0x0  }
0x9: {  	s10 =	smul.u32 $0xC400, s0;
	s5 =	sshll.u32 s6, $0x5;
	[smem:$0x7FF] =	sst s3  }
0xa: {  	v0 =	vlaneseq.u32;
	s31 =	ssub.s32 $0x2, s6;
	s12 =	smul.u32 $0x6200, s6;
	s8 =	sor.u32 s5, s4  }
0xb: {  	vm0 =	vmmov $0x1;
	vm4 =	vcmask $0xF28;
	vm5 =	vcmask $0x1328;
	_ =	strace $0x8000004A;
	s4 =	sadd.s32 $0xCAE00, s1;
	s5 =	sshll.u32 s8, $0x1  }
0xc: {  	vm6 =	vcmask $0x1728;
	vm7 =	vcmask $0x1B28;
	vm8 =	vcmask $0x1F28;
	s11 =	sshrl.u32 s31, $0x1;
	s8 =	sshll.u32 s8, $0x3;
	s9 =	sadd.s32 s5, s1  }
0xd: {  	vm9 =	vcmask $0x2328;
	vm10 =	vcmask $0x308;
	vm11 =	vcmask $0x70C;
	s5 =	sadd.s32 $0x3800, s1;
	s1 =	ssub.s32 s31, s11;
	s7 =	sadd.s32 s7, s8  }
0xe: {  	vm12 =	vcmask $0xB10;
	vm13 =	vcmask $0xF14;
	vm14 =	vcmask $0x1318;
	s11 =	simm.s32 $0x18480;
	s6 =	sadd.s32 $0x1800, s9;
	s8 =	smax.u32 s1, $0x1  }
0xf: {  	vm15 =	vcmask $0x171C;
	vm1 =	vcmask $0x1B20;
	vm2 =	vcmask $0x1F24;
	s9 =	sadd.s32 s12, s10;
	s10 =	simm.s32 $0x2;
	s12 =	simm.s32 $0x80  }
.LBB2_1:
0x10: {  	[tilespmem:s3], [sflag:$0x2] =	stream.linear.gather [hbm4b:s6+s3], $0x200, $0x38;
	[tilespmem:$0x18CC0] =	vst v63  }
0x11: {  	_ =	swait.ge [sflag:s10], $0x200  }
0x12: {  	[sflag:s10] =	ssyncset.done $0x0  }
0x13: {  	[sflag:s10] =	ssyncadd.s32 $0xFFFFFE00  }
0x14: {  	[tilespmem:s11], [sflag:$0x2] =	stream.linear.gather [hbm4b:s2+s3], $0x40, $0x38;
	[tilespmem:$0x18CC0] =	vst v63  }
0x15: {  	_ =	swait.ge [sflag:s10], $0x40  }
0x16: {  	[sflag:s10] =	ssyncset.done $0x0  }
0x17: {  	s1 =	simm.s32 $0x0;
	[sflag:s10] =	ssyncadd.s32 $0xFFFFFFC0  }
0x18: {  	v1 =	vld [tilespmem:s1+$0x0];
	_ =	sdelay $0x2  }
0x19: {  	s31 =	sand.u32 $0x600, s3  }
0x1a: {  	s26 =	sand.u32 $0x70, s3;
	s1 =	sshrl.u32 s31, $0x2  }
0x1b: {  	s28 =	simm.s32 $0x10;
	s30 =	simm.s32 $0x10;
	s26 =	sor.u32 s26, s1;
	v1 =	vadd.s32 s9, v1  }
0x1c: {  	s29 =	simm.s32 $0x20;
	s1 =	simm.s32 $0x40;
	[tilespmem:s26+$0x200] =	vst v1;
	s26 =	smov.u32 s9  }
.LBB2_2:
0x1d: {  	p0 =	sne.s32 s29, $0x1F0;
	v1 =	vld [tilespmem:s30+$0x0];
	_ =	sdelay $0x1  }
.Ltmp0:
0x1e: {  	(pc) =	sbr.rel @p0 .LBB2_2-.Ltmp0, $4  }
0x1f: {  	s30 =	sand.u32 $0x600, s1  }
0x20: {  	s28 =	sand.u32 $0x70, s28;
	s26 =	sadd.s32 $0x310, s26;
	s30 =	sshrl.u32 s30, $0x2  }
0x21: {  	s1 =	sadd.s32 $0x40, s1;
	s31 =	sor.u32 s28, s30;
	s28 =	smov.u32 s29;
	v1 =	vadd.s32 s26, v1  }
0x22: {  	s30 =	sshra.s32 s1, $0x2;
	s29 =	sadd.s32 $0x10, s29;
	[tilespmem:s31+$0x200] =	vst v1  }
0x23: {  	v1 =	vld [tilespmem:s30+$0x0];
	_ =	sdelay $0x2  }
0x24: {  	s1 =	sand.u32 $0x600, s1  }
0x25: {  	s28 =	sand.u32 $0x70, s28;
	s26 =	sadd.s32 $0x310, s26;
	s1 =	sshrl.u32 s1, $0x2  }
0x26: {  	s1 =	sor.u32 s28, s1;
	v1 =	vadd.s32 s26, v1  }
0x27: {  	[tilespmem:s1+$0x200] =	vst v1  }
0x28: {  	[tilespmem:s14], [sflag:$0x1] =	stream.indirect.gather [hbm4b:s4+s12], $0x80, s13, s12, $0xb8;
	[tilespmem:$0x18CC0] =	vst v63  }
0x29: {  	_ = 	snop  }
0x2a: {  	[tilespmem:s16], [sflag:$0x1] =	stream.indirect.gather [hbm4b:s4+s12], $0x80, s15, s12, $0xb8;
	[tilespmem:$0x18CC0] =	vst v63  }
0x2b: {  	_ = 	snop  }
0x2c: {  	[tilespmem:s18], [sflag:$0x1] =	stream.indirect.gather [hbm4b:s4+s12], $0x80, s17, s12, $0xb8;
	[tilespmem:$0x18CC0] =	vst v63  }
0x2d: {  	_ = 	snop  }
0x2e: {  	[tilespmem:s20], [sflag:$0x1] =	stream.indirect.gather [hbm4b:s4+s12], $0x80, s19, s12, $0xb8;
	[tilespmem:$0x18CC0] =	vst v63  }
0x2f: {  	_ =	swait.ge [sflag:s21], $0x4000  }
0x30: {  	[sflag:s21] =	ssyncset.done $0x0  }
0x31: {  	[sflag:s21] =	ssyncadd.s32 $0xFFFFC000  }
0x32: {  	_ =	swait.ge [sflag:s21], $0x4000  }
0x33: {  	[sflag:s21] =	ssyncset.done $0x0  }
0x34: {  	[sflag:s21] =	ssyncadd.s32 $0xFFFFC000  }
0x35: {  	_ =	swait.ge [sflag:s21], $0x4000  }
0x36: {  	[sflag:s21] =	ssyncset.done $0x0  }
0x37: {  	[sflag:s21] =	ssyncadd.s32 $0xFFFFC000  }
0x38: {  	_ =	swait.ge [sflag:s21], $0x4000  }
0x39: {  	s29 =	simm.s32 $0x0;
	[sflag:s21] =	ssyncset.done $0x0  }
0x3a: {  	s28 =	simm.s32 $0x4C0;
	s26 =	simm.s32 $0x0;
	[sflag:s21] =	ssyncadd.s32 $0xFFFFC000  }
.LBB2_4:
0x3b: {  	s1 =	sshll.u32 s29, $0x4  }
0x3c: {  	v1 =	vld [tilespmem:s1+$0x0];
	_ =	sdelay $0x2  }
0x3d: {  	v2 =	vmov s26  }
0x3e: {  	vm3 =	veq.s32 v2, v0  }
0x3f: {  	v2 =	vnsel vm3, $0x0, v1  }
0x40: {  	(xrf0) =	vadd.scan.msk.s32 $0xffff, v2;
	_ =	sdelay $0x5  }
0x41: {  	v2, _, _ =	vpop (xrf0)  }
0x42: {  	(v2sf) =	vpush v2, $0xF;
	_ =	sdelay $0xc  }
0x43: {  	v2 =	vld [tilespmem:s28+$0xFFFFFFC0];
	_ =	sdelay $0x1  }
0x44: {  	s0 =	spop (v2sf)  }
0x45: {  	s30 =	sshll.u32 s0, $0x7  }
0x46: {  	v3 =	vor.u32 s30, v0  }
0x47: {  	(xrf1) =	vsort.ascd.msk.f32 $0xffff, v2, v3;
	_ =	sdelay $0xa  }
0x48: {  	v2 =	vld [tilespmem:s28+$0xFFFFFFD0];
	_ =	sdelay $0x2  }
0x49: {  	s1 =	sor.u32 $0x10, s30;
	v3 =	vimm.f32 $-3.000000010e+38;
	v4, v5, _ =	vpop (xrf1)  }
0x4a: {  	v6 =	vimm.s32 $0x0;
	v7 =	vor.u32 s1, v0;
	vm3 =	vge.f32 v3, v4  }
0x4b: {  	(xrf1) =	vsort.ascd.msk.f32 $0xffff, v2, v7;
	v3 =	vmax.f32 v3, v4;
	v49 =	vsel vm3, v6, v5  }
0x4c: {  	(xrf1) =	vsort.dscd.msk.f32 $0xffff, v3, v49;
	_ =	sdelay $0xa  }
0x4d: {  	v2 =	vld [tilespmem:s28+$0xFFFFFFE0];
	_ =	sdelay $0x1  }
0x4e: {  	v3, v4, _ =	vpop (xrf1)  }
0x4f: {  	s0 =	sor.u32 $0x20, s30;
	v5, v6, _ =	vpop (xrf1)  }
0x50: {  	v50 =	vor.u32 s0, v0;
	vm3 =	vge.f32 v5, v3  }
0x51: {  	(xrf1) =	vsort.ascd.msk.f32 $0xffff, v2, v50;
	v3 =	vmax.f32 v5, v3;
	v4 =	vsel vm3, v6, v4  }
0x52: {  	(xrf1) =	vsort.dscd.msk.f32 $0xffff, v3, v4;
	_ =	sdelay $0xa  }
0x53: {  	v2 =	vld [tilespmem:s28+$0xFFFFFFF0];
	_ =	sdelay $0x1  }
0x54: {  	v3, v4, _ =	vpop (xrf1)  }
0x55: {  	s0 =	sor.u32 $0x30, s30;
	v51, v52, _ =	vpop (xrf1)  }
0x56: {  	v53 =	vor.u32 s0, v0;
	vm3 =	vge.f32 v51, v3  }
0x57: {  	(xrf1) =	vsort.ascd.msk.f32 $0xffff, v2, v53;
	v3 =	vmax.f32 v51, v3;
	v4 =	vsel vm3, v52, v4  }
0x58: {  	(xrf1) =	vsort.dscd.msk.f32 $0xffff, v3, v4;
	_ =	sdelay $0xa  }
0x59: {  	v2 =	vld [tilespmem:s28+$0x0];
	_ =	sdelay $0x1  }
0x5a: {  	v3, v4, _ =	vpop (xrf1)  }
0x5b: {  	s0 =	sor.u32 $0x40, s30;
	v54, v55, _ =	vpop (xrf1)  }
0x5c: {  	v56 =	vor.u32 s0, v0;
	vm3 =	vge.f32 v54, v3  }
0x5d: {  	(xrf1) =	vsort.ascd.msk.f32 $0xffff, v2, v56;
	v3 =	vmax.f32 v54, v3;
	v4 =	vsel vm3, v55, v4  }
0x5e: {  	(xrf1) =	vsort.dscd.msk.f32 $0xffff, v3, v4;
	_ =	sdelay $0xa  }
0x5f: {  	v2 =	vld [tilespmem:s28+$0x10];
	_ =	sdelay $0x1  }
0x60: {  	v3, v4, _ =	vpop (xrf1)  }
0x61: {  	s0 =	sor.u32 $0x50, s30;
	v57, v58, _ =	vpop (xrf1)  }
0x62: {  	v59 =	vor.u32 s0, v0;
	vm3 =	vge.f32 v57, v3  }
0x63: {  	(xrf1) =	vsort.ascd.msk.f32 $0xffff, v2, v59;
	v3 =	vmax.f32 v57, v3;
	v4 =	vsel vm3, v58, v4  }
0x64: {  	(xrf1) =	vsort.dscd.msk.f32 $0xffff, v3, v4;
	_ =	sdelay $0xa  }
0x65: {  	v2 =	vld [tilespmem:s28+$0x20];
	_ =	sdelay $0x1  }
0x66: {  	v3, v4, _ =	vpop (xrf1)  }
0x67: {  	s31 =	sor.u32 $0x60, s30;
	v60, v61, _ =	vpop (xrf1)  }
0x68: {  	v62 =	vor.u32 s31, v0;
	vm3 =	vge.f32 v60, v3  }
0x69: {  	(xrf1) =	vsort.ascd.msk.f32 $0xffff, v2, v62;
	v3 =	vmax.f32 v60, v3;
	v4 =	vsel vm3, v61, v4  }
0x6a: {  	(xrf1) =	vsort.dscd.msk.f32 $0xffff, v3, v4;
	_ =	sdelay $0x1  }
0x6b: {  	s0 =	simm.s32 $0x1  }
0x6c: {  	v63 =	vmov s0  }
0x6d: {  	vm3 =	veq.s32 v63, v0  }
0x6e: {  	v2 =	vnsel vm3, $0x0, v1  }
0x6f: {  	s1 =	simm.s32 $0x2;
	s31 =	smov.u32 s28;
	(xrf0) =	vadd.scan.msk.s32 $0xffff, v2  }
.LBB2_5:
0x70: {  	p0 =	sne.s32 s1, $0x9;
	_ =	sdelay $0x3  }
0x71: {  	v2 =	vld [tilespmem:s31+$0x30]  }
0x72: {  	v3, _, _ =	vpop (xrf0)  }
0x73: {  	v4, v5, _ =	vpop (xrf1)  }
0x74: {  	s30 =	sor.u32 $0x70, s30;
	v6, v7, _ =	vpop (xrf1)  }
0x75: {  	(v2sf) =	vpush v3, $0xF;
	vm3 =	vge.f32 v6, v4;
	v3 =	vor.u32 s30, v0  }
0x76: {  	v4 =	vmax.f32 v6, v4;
	v5 =	vsel vm3, v7, v5;
	(xrf1) =	vsort.ascd.msk.f32 $0xffff, v2, v3  }
0x77: {  	(xrf1) =	vsort.dscd.msk.f32 $0xffff, v4, v5;
	_ =	sdelay $0x9  }
0x78: {  	s31 =	sadd.s32 $0x80, s31  }
0x79: {  	v2 =	vld [tilespmem:s31+$0xFFFFFFC0];
	_ =	sdelay $0x1  }
0x7a: {  	s30 =	spop (v2sf);
	v3, v4, _ =	vpop (xrf1)  }
0x7b: {  	s30 =	sshll.u32 s30, $0x7;
	v5, v6, _ =	vpop (xrf1)  }
0x7c: {  	v7 =	vor.u32 s30, v0;
	vm3 =	vge.f32 v5, v3  }
0x7d: {  	(xrf1) =	vsort.ascd.msk.f32 $0xffff, v2, v7;
	v2 =	vmax.f32 v5, v3;
	v3 =	vsel vm3, v6, v4  }
0x7e: {  	(xrf1) =	vsort.dscd.msk.f32 $0xffff, v2, v3;
	_ =	sdelay $0xa  }
0x7f: {  	v2 =	vld [tilespmem:s31+$0xFFFFFFD0];
	_ =	sdelay $0x1  }
0x80: {  	v3, v4, _ =	vpop (xrf1)  }
0x81: {  	s0 =	sor.u32 $0x10, s30;
	v5, v6, _ =	vpop (xrf1)  }
0x82: {  	v7 =	vor.u32 s0, v0;
	vm3 =	vge.f32 v5, v3  }
0x83: {  	v3 =	vmax.f32 v5, v3;
	v4 =	vsel vm3, v6, v4;
	(xrf1) =	vsort.ascd.msk.f32 $0xffff, v2, v7  }
0x84: {  	(xrf1) =	vsort.dscd.msk.f32 $0xffff, v3, v4;
	_ =	sdelay $0xa  }
0x85: {  	v2 =	vld [tilespmem:s31+$0xFFFFFFE0];
	_ =	sdelay $0x1  }
0x86: {  	v3, v4, _ =	vpop (xrf1)  }
0x87: {  	s0 =	sor.u32 $0x20, s30;
	v5, v6, _ =	vpop (xrf1)  }
0x88: {  	v7 =	vor.u32 s0, v0;
	vm3 =	vge.f32 v5, v3  }
0x89: {  	v3 =	vmax.f32 v5, v3;
	v4 =	vsel vm3, v6, v4;
	(xrf1) =	vsort.ascd.msk.f32 $0xffff, v2, v7  }
0x8a: {  	(xrf1) =	vsort.dscd.msk.f32 $0xffff, v3, v4;
	_ =	sdelay $0xa  }
0x8b: {  	v2 =	vld [tilespmem:s31+$0xFFFFFFF0];
	_ =	sdelay $0x1  }
0x8c: {  	v3, v4, _ =	vpop (xrf1)  }
0x8d: {  	s0 =	sor.u32 $0x30, s30;
	v5, v6, _ =	vpop (xrf1)  }
0x8e: {  	v7 =	vor.u32 s0, v0;
	vm3 =	vge.f32 v5, v3  }
0x8f: {  	v3 =	vmax.f32 v5, v3;
	v4 =	vsel vm3, v6, v4;
	(xrf1) =	vsort.ascd.msk.f32 $0xffff, v2, v7  }
0x90: {  	(xrf1) =	vsort.dscd.msk.f32 $0xffff, v3, v4;
	_ =	sdelay $0xa  }
0x91: {  	v2 =	vld [tilespmem:s31+$0x0];
	_ =	sdelay $0x1  }
0x92: {  	v3, v4, _ =	vpop (xrf1)  }
0x93: {  	s0 =	sor.u32 $0x40, s30;
	v5, v6, _ =	vpop (xrf1)  }
0x94: {  	v7 =	vor.u32 s0, v0;
	vm3 =	vge.f32 v5, v3  }
0x95: {  	v3 =	vmax.f32 v5, v3;
	v4 =	vsel vm3, v6, v4;
	(xrf1) =	vsort.ascd.msk.f32 $0xffff, v2, v7  }
0x96: {  	(xrf1) =	vsort.dscd.msk.f32 $0xffff, v3, v4;
	_ =	sdelay $0xa  }
0x97: {  	v2 =	vld [tilespmem:s31+$0x10];
	_ =	sdelay $0x1  }
0x98: {  	v3, v4, _ =	vpop (xrf1)  }
0x99: {  	s0 =	sor.u32 $0x50, s30;
	v5, v6, _ =	vpop (xrf1)  }
0x9a: {  	v7 =	vor.u32 s0, v0;
	vm3 =	vge.f32 v5, v3  }
0x9b: {  	v3 =	vmax.f32 v5, v3;
	v4 =	vsel vm3, v6, v4;
	(xrf1) =	vsort.ascd.msk.f32 $0xffff, v2, v7  }
0x9c: {  	(xrf1) =	vsort.dscd.msk.f32 $0xffff, v3, v4;
	_ =	sdelay $0xa  }
0x9d: {  	v2 =	vld [tilespmem:s31+$0x20];
	_ =	sdelay $0x1  }
0x9e: {  	v3, v4, _ =	vpop (xrf1)  }
0x9f: {  	s0 =	sor.u32 $0x60, s30;
	v5, v6, _ =	vpop (xrf1)  }
0xa0: {  	v7 =	vor.u32 s0, v0;
	vm3 =	vge.f32 v5, v3  }
0xa1: {  	v3 =	vmax.f32 v5, v3;
	v4 =	vsel vm3, v6, v4;
	(xrf1) =	vsort.ascd.msk.f32 $0xffff, v2, v7  }
0xa2: {  	(xrf1) =	vsort.dscd.msk.f32 $0xffff, v3, v4;
	_ =	sdelay $0x1  }
.Ltmp1:
0xa3: {  	(pc) =	sbr.rel @p0 .LBB2_5-.Ltmp1, $4  }
0xa4: {  	v2 =	vmov s1  }
0xa5: {  	vm3 =	veq.s32 v2, v0  }
0xa6: {  	v2 =	vnsel vm3, $0x0, v1  }
0xa7: {  	s1 =	sadd.s32 $0x1, s1;
	(xrf0) =	vadd.scan.msk.s32 $0xffff, v2  }
0xa8: {  	_ =	sdelay $0x3  }
0xa9: {  	v1 =	vld [tilespmem:s31+$0x30]  }
0xaa: {  	v2, _, _ =	vpop (xrf0)  }
0xab: {  	v3, v4, _ =	vpop (xrf1)  }
0xac: {  	s0 =	sor.u32 $0x70, s30;
	v5, v6, _ =	vpop (xrf1)  }
0xad: {  	(v2sf) =	vpush v2, $0xF;
	v2 =	vor.u32 s0, v0;
	vm3 =	vge.f32 v5, v3  }
0xae: {  	(xrf1) =	vsort.ascd.msk.f32 $0xffff, v1, v2;
	v3 =	vmax.f32 v5, v3;
	v4 =	vsel vm3, v6, v4  }
0xaf: {  	(xrf1) =	vsort.dscd.msk.f32 $0xffff, v3, v4;
	_ =	sdelay $0x9  }
0xb0: {  	s1 =	sadd.s32 $0x80, s31  }
0xb1: {  	v1 =	vld [tilespmem:s1+$0xFFFFFFC0];
	_ =	sdelay $0x1  }
0xb2: {  	s30 =	spop (v2sf);
	v2, v3, _ =	vpop (xrf1)  }
0xb3: {  	s30 =	sshll.u32 s30, $0x7;
	v4, v10, _ =	vpop (xrf1)  }
0xb4: {  	v11 =	vor.u32 s30, v0;
	vm3 =	vge.f32 v4, v2  }
0xb5: {  	(xrf1) =	vsort.ascd.msk.f32 $0xffff, v1, v11;
	v1 =	vmax.f32 v4, v2;
	v2 =	vsel vm3, v10, v3  }
0xb6: {  	(xrf1) =	vsort.dscd.msk.f32 $0xffff, v1, v2;
	_ =	sdelay $0xa  }
0xb7: {  	v1 =	vld [tilespmem:s1+$0xFFFFFFD0];
	_ =	sdelay $0x1  }
0xb8: {  	v2, v3, _ =	vpop (xrf1)  }
0xb9: {  	s0 =	sor.u32 $0x10, s30;
	v12, v13, _ =	vpop (xrf1)  }
0xba: {  	v14 =	vor.u32 s0, v0;
	vm3 =	vge.f32 v12, v2  }
0xbb: {  	(xrf1) =	vsort.ascd.msk.f32 $0xffff, v1, v14;
	v2 =	vmax.f32 v12, v2;
	v3 =	vsel vm3, v13, v3  }
0xbc: {  	(xrf1) =	vsort.dscd.msk.f32 $0xffff, v2, v3;
	_ =	sdelay $0xa  }
0xbd: {  	v1 =	vld [tilespmem:s1+$0xFFFFFFE0];
	_ =	sdelay $0x1  }
0xbe: {  	v2, v3, _ =	vpop (xrf1)  }
0xbf: {  	s31 =	sor.u32 $0x20, s30;
	v15, v16, _ =	vpop (xrf1)  }
0xc0: {  	v17 =	vor.u32 s31, v0;
	vm3 =	vge.f32 v15, v2  }
0xc1: {  	(xrf1) =	vsort.ascd.msk.f32 $0xffff, v1, v17;
	v2 =	vmax.f32 v15, v2;
	v3 =	vsel vm3, v16, v3  }
0xc2: {  	(xrf1) =	vsort.dscd.msk.f32 $0xffff, v2, v3;
	_ =	sdelay $0xa  }
0xc3: {  	v1 =	vld [tilespmem:s1+$0xFFFFFFF0];
	_ =	sdelay $0x1  }
0xc4: {  	v2, v3, _ =	vpop (xrf1)  }
0xc5: {  	s31 =	sor.u32 $0x30, s30;
	v18, v19, _ =	vpop (xrf1)  }
0xc6: {  	v20 =	vor.u32 s31, v0;
	vm3 =	vge.f32 v18, v2  }
0xc7: {  	(xrf1) =	vsort.ascd.msk.f32 $0xffff, v1, v20;
	v2 =	vmax.f32 v18, v2;
	v3 =	vsel vm3, v19, v3  }
0xc8: {  	(xrf1) =	vsort.dscd.msk.f32 $0xffff, v2, v3;
	_ =	sdelay $0xa  }
0xc9: {  	v1 =	vld [tilespmem:s1+$0x0];
	_ =	sdelay $0x1  }
0xca: {  	v2, v3, _ =	vpop (xrf1)  }
0xcb: {  	s31 =	sor.u32 $0x40, s30;
	v21, v22, _ =	vpop (xrf1)  }
0xcc: {  	v23 =	vor.u32 s31, v0;
	vm3 =	vge.f32 v21, v2  }
0xcd: {  	(xrf1) =	vsort.ascd.msk.f32 $0xffff, v1, v23;
	v2 =	vmax.f32 v21, v2;
	v3 =	vsel vm3, v22, v3  }
0xce: {  	(xrf1) =	vsort.dscd.msk.f32 $0xffff, v2, v3;
	_ =	sdelay $0xa  }
0xcf: {  	v1 =	vld [tilespmem:s1+$0x10];
	_ =	sdelay $0x1  }
0xd0: {  	v2, v3, _ =	vpop (xrf1)  }
0xd1: {  	s31 =	sor.u32 $0x50, s30;
	v24, v25, _ =	vpop (xrf1)  }
0xd2: {  	v26 =	vor.u32 s31, v0;
	vm3 =	vge.f32 v24, v2  }
0xd3: {  	(xrf1) =	vsort.ascd.msk.f32 $0xffff, v1, v26;
	v2 =	vmax.f32 v24, v2;
	v3 =	vsel vm3, v25, v3  }
0xd4: {  	(xrf1) =	vsort.dscd.msk.f32 $0xffff, v2, v3;
	_ =	sdelay $0xa  }
0xd5: {  	v1 =	vld [tilespmem:s1+$0x20];
	_ =	sdelay $0x1  }
0xd6: {  	v2, v3, _ =	vpop (xrf1)  }
0xd7: {  	s31 =	sor.u32 $0x60, s30;
	v27, v28, _ =	vpop (xrf1)  }
0xd8: {  	v29 =	vor.u32 s31, v0;
	vm3 =	vge.f32 v27, v2  }
0xd9: {  	(xrf1) =	vsort.ascd.msk.f32 $0xffff, v1, v29;
	v2 =	vmax.f32 v27, v2;
	v3 =	vsel vm3, v28, v3  }
0xda: {  	(xrf1) =	vsort.dscd.msk.f32 $0xffff, v2, v3;
	_ =	sdelay $0xa  }
0xdb: {  	v1 =	vld [tilespmem:s1+$0x30];
	_ =	sdelay $0x1  }
0xdc: {  	v2, v3, _ =	vpop (xrf1)  }
0xdd: {  	s30 =	sor.u32 $0x70, s30;
	v30, v31, _ =	vpop (xrf1)  }
0xde: {  	v32 =	vor.u32 s30, v0;
	vm3 =	vge.f32 v30, v2  }
0xdf: {  	(xrf1) =	vsort.ascd.msk.f32 $0xffff, v1, v32;
	v2 =	vmax.f32 v30, v2;
	v3 =	vsel vm3, v31, v3  }
0xe0: {  	(xrf1) =	vsort.dscd.msk.f32 $0xffff, v2, v3;
	_ =	sdelay $0xc  }
0xe1: {  	v1, v2, _ =	vpop (xrf1)  }
0xe2: {  	v3, v33, _ =	vpop (xrf1)  }
0xe3: {  	vm3 =	vge.f32 v3, v1  }
0xe4: {  	v1 =	vmax.f32 v3, v1;
	v2 =	vsel vm3, v33, v2  }
0xe5: {  	(xrf1) =	vsort.dscd.msk.f32 $0xffff, v1, v2;
	_ =	sdelay $0xc  }
0xe6: {  	s31 =	sshll.u32 s29, $0xA  }
0xe7: {  	s30 =	sand.u32 $0x3FFFFC00, s31;
	v1, v2, _ =	vpop (xrf1)  }
0xe8: {  	s0 =	sadd.s32 $0x10480, s30;
	[tilespmem:$0x400] =	vst v2  }
0xe9: {  	[tilespmem:s0], [sflag:$0x1] =	stream.indirect.gather [hbm4b:s5+s22], $0x40, s23, s22, $0xb8;
	[tilespmem:$0x18CC0] =	vst v63  }
0xea: {  	_ =	swait.ge [sflag:s21], $0x400  }
0xeb: {  	[sflag:s21] =	ssyncset.done $0x0  }
0xec: {  	[sflag:s21] =	ssyncadd.s32 $0xFFFFFC00  }
0xed: {  	v4 =	vld [tilespmem:s30+$0x10480]  }
0xee: {  	v11 =	vld [tilespmem:$0x18480]  }
0xef: {  	v34 =	vld [tilespmem:s30+$0x10490]  }
0xf0: {  	v12 =	vld [tilespmem:$0x18490]  }
0xf1: {  	v7 =	vld [tilespmem:s30+$0x104A0]  }
0xf2: {  	v13 =	vld [tilespmem:$0x184A0]  }
0xf3: {  	v8 =	vld [tilespmem:s30+$0x104B0]  }
0xf4: {  	v14 =	vld [tilespmem:$0x184B0]  }
0xf5: {  	v5 =	vld [tilespmem:s30+$0x104C0]  }
0xf6: {  	v9 =	vld [tilespmem:s30+$0x104D0]  }
0xf7: {  	v10 =	vld [tilespmem:s30+$0x104E0]  }
0xf8: {  	v15 =	vld [tilespmem:s30+$0x104F0]  }
0xf9: {  	v3 =	vld [tilespmem:s30+$0x10500]  }
0xfa: {  	v16 =	vld [tilespmem:s30+$0x10510]  }
0xfb: {  	v17 =	vld [tilespmem:s30+$0x10520]  }
0xfc: {  	v18 =	vld [tilespmem:s30+$0x10530]  }
0xfd: {  	v1 =	vld [tilespmem:s30+$0x10540]  }
0xfe: {  	v19 =	vld [tilespmem:s30+$0x10550]  }
0xff: {  	v20 =	vld [tilespmem:s30+$0x10560]  }
0x100: {  	v21 =	vld [tilespmem:s30+$0x10570]  }
0x101: {  	v2 =	vld [tilespmem:s30+$0x10580];
	v22 =	vmul.f32 v11, v4;
	v23 =	vmul.f32 v5, v11  }
0x102: {  	v24 =	vld [tilespmem:s30+$0x10590];
	v6 =	vmul.f32 v12, v34;
	v9 =	vmul.f32 v9, v12  }
0x103: {  	v25 =	vld [tilespmem:s30+$0x105A0];
	v7 =	vmul.f32 v13, v7;
	v10 =	vmul.f32 v10, v13  }
0x104: {  	v26 =	vld [tilespmem:s30+$0x105B0];
	v36 =	vmul.f32 v3, v11;
	v8 =	vmul.f32 v14, v8  }
0x105: {  	v35 =	vld [tilespmem:s30+$0x105D0];
	v37 =	vmul.f32 v1, v11;
	v15 =	vmul.f32 v15, v14  }
0x106: {  	v27 =	vld [tilespmem:s30+$0x105E0];
	v16 =	vmul.f32 v16, v12;
	v39 =	vmul.f32 v19, v12  }
0x107: {  	v28 =	vld [tilespmem:s30+$0x105F0];
	v42 =	vmul.f32 v17, v13;
	v20 =	vmul.f32 v20, v13  }
0x108: {  	v40 =	vld [tilespmem:s30+$0x10610];
	v44 =	vmul.f32 v2, v11;
	v45 =	vmul.f32 v18, v14  }
0x109: {  	v43 =	vld [tilespmem:s30+$0x10620];
	v24 =	vmul.f32 v24, v12;
	v22 =	vadd.f32 $0.0e+00, v22;
	v23 =	vadd.f32 $0.0e+00, v23  }
0x10a: {  	v48 =	vld [tilespmem:s30+$0x10650];
	v21 =	vmul.f32 v21, v14;
	v49 =	vmul.f32 v25, v13;
	v29 =	vadd.f32 $0.0e+00, v36  }
0x10b: {  	v51 =	vmul.f32 v27, v13;
	v22 =	vadd.f32 v6, v22;
	v6 =	vld [tilespmem:s30+$0x105C0];
	v9 =	vadd.f32 v9, v23  }
0x10c: {  	v31 =	vld [tilespmem:s30+$0x10660];
	v52 =	vmul.f32 v26, v14;
	v38 =	vadd.f32 $0.0e+00, v37;
	v47 =	vadd.f32 $0.0e+00, v44  }
0x10d: {  	v56 =	vld [tilespmem:s30+$0x10690];
	v54 =	vmul.f32 v28, v14;
	v41 =	vadd.f32 v16, v29;
	v9 =	vadd.f32 v10, v9  }
0x10e: {  	v19 =	vmul.f32 v40, v12;
	v22 =	vadd.f32 v7, v22;
	v7 =	vld [tilespmem:s30+$0x10600];
	v10 =	vadd.f32 v39, v38  }
0x10f: {  	v61 =	vld [tilespmem:s30+$0x106A0];
	v60 =	vmul.f32 v48, v12;
	v15 =	vadd.f32 v15, v9;
	v9 =	vadd.f32 v42, v41  }
0x110: {  	v22 =	vadd.f32 v8, v22;
	v8 =	vld [tilespmem:s30+$0x10640];
	v10 =	vadd.f32 v20, v10;
	v46 =	vmul.f32 v6, v11  }
0x111: {  	v17 =	vmul.f32 v43, v13;
	v20 =	vadd.f32 v24, v47;
	v16 =	vadd.f32 v45, v9;
	v9 =	vld [tilespmem:s30+$0x10680]  }
0x112: {  	v23 =	vmul.f32 v35, v12;
	v21 =	vadd.f32 v21, v10;
	v10 =	vld [tilespmem:s30+$0x106C0];
	v18 =	vadd.f32 $0.0e+00, v46  }
0x113: {  	v58 =	vld [tilespmem:s30+$0x106D0];
	v63 =	vmul.f32 v31, v13;
	v53 =	vmul.f32 v7, v11  }
0x114: {  	v30 =	vld [tilespmem:s30+$0x10630];
	v40 =	vmul.f32 v61, v13;
	v20 =	vadd.f32 v49, v20;
	v18 =	vadd.f32 v23, v18  }
0x115: {  	v32 =	vld [tilespmem:s30+$0x106E0];
	v35 =	vmul.f32 v56, v12;
	v55 =	vmul.f32 v8, v11;
	v57 =	vadd.f32 $0.0e+00, v53  }
0x116: {  	v50 =	vld [tilespmem:s30+$0x10670];
	v20 =	vadd.f32 v52, v20;
	v18 =	vadd.f32 v51, v18;
	v62 =	vmul.f32 v9, v11  }
0x117: {  	v33 =	vld [tilespmem:s30+$0x106B0];
	v59 =	vadd.f32 $0.0e+00, v55;
	v19 =	vadd.f32 v19, v57;
	v11 =	vmul.f32 v10, v11  }
0x118: {  	v36 =	vld [tilespmem:s30+$0x106F0];
	v12 =	vmul.f32 v58, v12;
	(xrf2) =	vadd.scan.msk.f32 $0xffff, v22;
	v18 =	vadd.f32 v54, v18;
	v34 =	vadd.f32 $0.0e+00, v62  }
0x119: {  	v39 =	vmul.f32 v30, v14;
	(xrf2) =	vadd.scan.msk.f32 $0xffff, v15;
	v23 =	vadd.f32 v60, v59;
	v11 =	vadd.f32 $0.0e+00, v11  }
0x11a: {  	v41 =	vmul.f32 v32, v13;
	(xrf2) =	vadd.scan.msk.f32 $0xffff, v16;
	v17 =	vadd.f32 v17, v19;
	v38 =	vadd.f32 v35, v34  }
0x11b: {  	v42 =	vmul.f32 v50, v14;
	(xrf2) =	vadd.scan.msk.f32 $0xffff, v21;
	v37 =	vadd.f32 v63, v23;
	v11 =	vadd.f32 v12, v11  }
0x11c: {  	v43 =	vmul.f32 v33, v14;
	(xrf2) =	vadd.scan.msk.f32 $0xffff, v20;
	v17 =	vadd.f32 v39, v17;
	v16 =	vadd.f32 v40, v38  }
0x11d: {  	v44 =	vmul.f32 v36, v14;
	(xrf2) =	vadd.scan.msk.f32 $0xffff, v18;
	v13 =	vadd.f32 v42, v37;
	v11 =	vadd.f32 v41, v11  }
0x11e: {  	(xrf2) =	vadd.scan.msk.f32 $0xffff, v17;
	v45 =	vadd.f32 v43, v16  }
0x11f: {  	(xrf2) =	vadd.scan.msk.f32 $0xffff, v13;
	v11 =	vadd.f32 v44, v11  }
0x120: {  	(xrf2) =	vadd.scan.msk.f32 $0xffff, v45  }
0x121: {  	(xrf2) =	vadd.scan.msk.f32 $0xffff, v11  }
0x122: {  	v46, _, _ =	vpop (xrf2)  }
0x123: {  	v47, _, _ =	vpop (xrf2);
	v11 =	vbroadcast v46, $0xF  }
0x124: {  	v48, _, _ =	vpop (xrf2);
	v12 =	vbroadcast v47, $0xF  }
0x125: {  	vm3 =	vcmask $0x328;
	v49, _, _ =	vpop (xrf2);
	v13 =	vbroadcast v48, $0xF;
	v11 =	vnsel vm0, $0xFF61B1E6, v11  }
0x126: {  	v50, _, _ =	vpop (xrf2);
	v51 =	vbroadcast v49, $0xF;
	v11 =	vsel vm3, v11, v12;
	vm3 =	vcmask $0x728  }
0x127: {  	v52 =	vbroadcast v50, $0xF;
	v53, _, _ =	vpop (xrf2);
	v11 =	vsel vm3, v11, v13;
	vm3 =	vcmask $0xB28  }
0x128: {  	v54 =	vbroadcast v53, $0xF;
	v11 =	vsel vm3, v11, v51;
	v55, _, _ =	vpop (xrf2)  }
0x129: {  	v11 =	vsel vm4, v11, v52;
	v56 =	vbroadcast v55, $0xF;
	v57, _, _ =	vpop (xrf2)  }
0x12a: {  	v11 =	vsel vm5, v11, v54;
	v58 =	vbroadcast v57, $0xF;
	v59, _, _ =	vpop (xrf2)  }
0x12b: {  	v11 =	vsel vm6, v11, v56;
	v60 =	vbroadcast v59, $0xF;
	v61, _, _ =	vpop (xrf2)  }
0x12c: {  	v11 =	vsel vm7, v11, v58;
	v62 =	vbroadcast v61, $0xF  }
0x12d: {  	v11 =	vsel vm8, v11, v60  }
0x12e: {  	v11 =	vsel vm9, v11, v62  }
0x12f: {  	(xrf0) =	vmax.scan.msk.f32 $0xffff, v11;
	_ =	sdelay $0x5  }
0x130: {  	v63, _, _ =	vpop (xrf0)  }
0x131: {  	v12 =	vbroadcast v63, $0xF;
	_ =	sdelay $0x1  }
0x132: {  	v11 =	vsub.f32 v11, v12;
	_ =	sdelay $0x1  }
0x133: {  	v11 =	vmul.f32 $1.442695020e+00, v11;
	_ =	sdelay $0x1  }
0x134: {  	(erf) = vpow2.f32 v11;
	_ =	sdelay $0x8  }
0x135: {  	v11 =	vpop (erf)  }
0x136: {  	(xrf2) =	vadd.scan.msk.f32 $0xffff, v11;
	_ =	sdelay $0x9  }
0x137: {  	v16, _, _ =	vpop (xrf2)  }
0x138: {  	v12 =	vbroadcast v16, $0xF;
	_ =	sdelay $0x1  }
0x139: {  	(erf) = vrcp.f32 v12;
	_ =	sdelay $0x8  }
0x13a: {  	v12 =	vpop (erf)  }
0x13b: {  	v11 =	vmul.f32 v12, v11;
	_ =	sdelay $0x1  }
0x13c: {  	v12 =	vnsel vm0, $0x0, v11  }
0x13d: {  	(xrf2) =	vadd.scan.msk.f32 $0xffff, v12  }
0x13e: {  	v17 =	vsel vm10, $0x0, v11  }
0x13f: {  	(xrf2) =	vadd.scan.msk.f32 $0xffff, v17  }
0x140: {  	v18 =	vsel vm11, $0x0, v11  }
0x141: {  	(xrf2) =	vadd.scan.msk.f32 $0xffff, v18  }
0x142: {  	v19 =	vsel vm12, $0x0, v11  }
0x143: {  	(xrf2) =	vadd.scan.msk.f32 $0xffff, v19  }
0x144: {  	v20 =	vsel vm13, $0x0, v11  }
0x145: {  	(xrf2) =	vadd.scan.msk.f32 $0xffff, v20  }
0x146: {  	v22 =	vsel vm14, $0x0, v11  }
0x147: {  	v21, _, _ =	vpop (xrf2);
	(xrf2) =	vadd.scan.msk.f32 $0xffff, v22  }
0x148: {  	v24 =	vsel vm15, $0x0, v11;
	v12 =	vbroadcast v21, $0xF  }
0x149: {  	v23, _, _ =	vpop (xrf2);
	(xrf2) =	vadd.scan.msk.f32 $0xffff, v24  }
0x14a: {  	v25 =	vsel vm1, $0x0, v11;
	v13 =	vbroadcast v23, $0xF;
	v4 =	vmul.f32 v12, v4  }
0x14b: {  	v28 =	vsel vm2, $0x0, v11;
	v26, _, _ =	vpop (xrf2);
	(xrf2) =	vadd.scan.msk.f32 $0xffff, v25  }
0x14c: {  	v27 =	vbroadcast v26, $0xF;
	v5 =	vmul.f32 v13, v5;
	v4 =	vadd.f32 $0.0e+00, v4  }
0x14d: {  	v11 =	vsel vm9, $0x0, v11;
	v29, _, _ =	vpop (xrf2);
	(xrf2) =	vadd.scan.msk.f32 $0xffff, v28  }
0x14e: {  	v3 =	vmul.f32 v27, v3;
	v4 =	vadd.f32 v4, v5;
	v5 =	vbroadcast v29, $0xF  }
0x14f: {  	v30, _, _ =	vpop (xrf2);
	(xrf2) =	vadd.scan.msk.f32 $0xffff, v11  }
0x150: {  	v31 =	vbroadcast v30, $0xF;
	v3 =	vadd.f32 v4, v3;
	v1 =	vmul.f32 v5, v1  }
0x151: {  	v32, _, _ =	vpop (xrf2)  }
0x152: {  	v2 =	vmul.f32 v31, v2;
	v1 =	vadd.f32 v3, v1;
	v3 =	vbroadcast v32, $0xF  }
0x153: {  	v33, _, _ =	vpop (xrf2)  }
0x154: {  	v34 =	vbroadcast v33, $0xF;
	v1 =	vadd.f32 v1, v2;
	v2 =	vmul.f32 v3, v6  }
0x155: {  	v35, _, _ =	vpop (xrf2)  }
0x156: {  	v36 =	vbroadcast v35, $0xF;
	v1 =	vadd.f32 v1, v2;
	v2 =	vmul.f32 v34, v7  }
0x157: {  	v37, _, _ =	vpop (xrf2)  }
0x158: {  	v38 =	vbroadcast v37, $0xF;
	v1 =	vadd.f32 v1, v2;
	v2 =	vmul.f32 v36, v8  }
0x159: {  	v39, _, _ =	vpop (xrf2)  }
0x15a: {  	v40 =	vbroadcast v39, $0xF;
	v1 =	vadd.f32 v1, v2;
	v2 =	vmul.f32 v38, v9;
	_ =	sdelay $0x1  }
0x15b: {  	v1 =	vadd.f32 v1, v2;
	v2 =	vmul.f32 v40, v10;
	_ =	sdelay $0x1  }
0x15c: {  	s1 =	sshll.u32 s29, $0x6;
	v1 =	vadd.f32 v1, v2  }
0x15d: {  	s31 =	sand.u32 $0x3FFFFFC0, s1  }
0x15e: {  	[tilespmem:s31+$0x184C0] =	vst v1  }
0x15f: {  	v1 =	vld [tilespmem:s30+$0x10490];
	_ =	sdelay $0x1  }
0x160: {  	v2 =	vld [tilespmem:s30+$0x104D0];
	_ =	sdelay $0x1  }
0x161: {  	v41 =	vld [tilespmem:s30+$0x10510]  }
0x162: {  	v1 =	vmul.f32 v12, v1  }
0x163: {  	v42 =	vld [tilespmem:s30+$0x10550]  }
0x164: {  	v2 =	vmul.f32 v13, v2;
	v1 =	vadd.f32 $0.0e+00, v1  }
0x165: {  	v43 =	vld [tilespmem:s30+$0x10590]  }
0x166: {  	v1 =	vadd.f32 v1, v2;
	v2 =	vmul.f32 v27, v41  }
0x167: {  	v44 =	vld [tilespmem:s30+$0x105D0]  }
0x168: {  	v1 =	vadd.f32 v1, v2;
	v2 =	vmul.f32 v5, v42  }
0x169: {  	v45 =	vld [tilespmem:s30+$0x10610]  }
0x16a: {  	v1 =	vadd.f32 v1, v2;
	v2 =	vmul.f32 v31, v43  }
0x16b: {  	v46 =	vld [tilespmem:s30+$0x10650]  }
0x16c: {  	v1 =	vadd.f32 v1, v2;
	v2 =	vmul.f32 v3, v44  }
0x16d: {  	v47 =	vld [tilespmem:s30+$0x10690]  }
0x16e: {  	v1 =	vadd.f32 v1, v2;
	v2 =	vmul.f32 v34, v45  }
0x16f: {  	v48 =	vld [tilespmem:s30+$0x106D0]  }
0x170: {  	v1 =	vadd.f32 v1, v2;
	v2 =	vmul.f32 v36, v46;
	_ =	sdelay $0x1  }
0x171: {  	v1 =	vadd.f32 v1, v2;
	v2 =	vmul.f32 v38, v47;
	_ =	sdelay $0x1  }
0x172: {  	v1 =	vadd.f32 v1, v2;
	v2 =	vmul.f32 v40, v48;
	_ =	sdelay $0x1  }
0x173: {  	v1 =	vadd.f32 v1, v2;
	_ =	sdelay $0x1  }
0x174: {  	[tilespmem:s31+$0x184D0] =	vst v1  }
0x175: {  	v1 =	vld [tilespmem:s30+$0x104A0];
	_ =	sdelay $0x1  }
0x176: {  	v2 =	vld [tilespmem:s30+$0x104E0];
	_ =	sdelay $0x1  }
0x177: {  	v49 =	vld [tilespmem:s30+$0x10520]  }
0x178: {  	v1 =	vmul.f32 v12, v1  }
0x179: {  	v50 =	vld [tilespmem:s30+$0x10560]  }
0x17a: {  	v2 =	vmul.f32 v13, v2;
	v1 =	vadd.f32 $0.0e+00, v1  }
0x17b: {  	v51 =	vld [tilespmem:s30+$0x105A0]  }
0x17c: {  	v1 =	vadd.f32 v1, v2;
	v2 =	vmul.f32 v27, v49  }
0x17d: {  	v52 =	vld [tilespmem:s30+$0x105E0]  }
0x17e: {  	v1 =	vadd.f32 v1, v2;
	v2 =	vmul.f32 v5, v50  }
0x17f: {  	v53 =	vld [tilespmem:s30+$0x10620]  }
0x180: {  	v1 =	vadd.f32 v1, v2;
	v2 =	vmul.f32 v31, v51  }
0x181: {  	v54 =	vld [tilespmem:s30+$0x10660]  }
0x182: {  	v1 =	vadd.f32 v1, v2;
	v2 =	vmul.f32 v3, v52  }
0x183: {  	v55 =	vld [tilespmem:s30+$0x106A0]  }
0x184: {  	v1 =	vadd.f32 v1, v2;
	v2 =	vmul.f32 v34, v53  }
0x185: {  	v56 =	vld [tilespmem:s30+$0x106E0]  }
0x186: {  	v1 =	vadd.f32 v1, v2;
	v2 =	vmul.f32 v36, v54;
	_ =	sdelay $0x1  }
0x187: {  	v1 =	vadd.f32 v1, v2;
	v2 =	vmul.f32 v55, v38;
	_ =	sdelay $0x1  }
0x188: {  	v1 =	vadd.f32 v1, v2;
	v2 =	vmul.f32 v56, v40;
	_ =	sdelay $0x1  }
0x189: {  	v1 =	vadd.f32 v1, v2;
	_ =	sdelay $0x1  }
0x18a: {  	[tilespmem:s31+$0x184E0] =	vst v1  }
0x18b: {  	v1 =	vld [tilespmem:s30+$0x104B0];
	_ =	sdelay $0x1  }
0x18c: {  	v2 =	vld [tilespmem:s30+$0x104F0];
	_ =	sdelay $0x1  }
0x18d: {  	v57 =	vld [tilespmem:s30+$0x10530]  }
0x18e: {  	v1 =	vmul.f32 v1, v12  }
0x18f: {  	v58 =	vld [tilespmem:s30+$0x10570]  }
0x190: {  	v2 =	vmul.f32 v2, v13;
	v1 =	vadd.f32 $0.0e+00, v1  }
0x191: {  	v59 =	vld [tilespmem:s30+$0x105B0]  }
0x192: {  	v1 =	vadd.f32 v2, v1;
	v2 =	vmul.f32 v57, v27  }
0x193: {  	v60 =	vld [tilespmem:s30+$0x105F0]  }
0x194: {  	v1 =	vadd.f32 v2, v1;
	v2 =	vmul.f32 v58, v5  }
0x195: {  	v61 =	vld [tilespmem:s30+$0x10630]  }
0x196: {  	v1 =	vadd.f32 v2, v1;
	v2 =	vmul.f32 v59, v31  }
0x197: {  	v62 =	vld [tilespmem:s30+$0x10670]  }
0x198: {  	v1 =	vadd.f32 v2, v1;
	v2 =	vmul.f32 v60, v3  }
0x199: {  	v3 =	vld [tilespmem:s30+$0x106B0]  }
0x19a: {  	v1 =	vadd.f32 v2, v1;
	v2 =	vmul.f32 v61, v34  }
0x19b: {  	v63 =	vld [tilespmem:s30+$0x106F0]  }
0x19c: {  	v1 =	vadd.f32 v2, v1;
	v2 =	vmul.f32 v62, v36;
	_ =	sdelay $0x1  }
0x19d: {  	s29 =	sadd.s32 $0x1, s29;
	v1 =	vadd.f32 v2, v1;
	v2 =	vmul.f32 v3, v38  }
0x19e: {  	p0 =	sne.s32 s29, $0x20  }
.Ltmp2:
0x19f: {  	v1 =	vadd.f32 v2, v1;
	v2 =	vmul.f32 v63, v40;
	(pc) =	sbr.rel @p0 .LBB2_4-.Ltmp2, $3  }
0x1a0: {  	_ = 	snop  }
0x1a1: {  	v1 =	vadd.f32 v2, v1;
	_ =	sdelay $0x1  }
0x1a2: {  	s28 =	sadd.s32 $0x800, s28;
	[tilespmem:s31+$0x184F0] =	vst v1  }
0x1a3: {  	s25 =	sadd.s32 $0x1, s25  }
0x1a4: {  	p0 =	sne.s32 s25, s8  }
.Ltmp3:
0x1a5: {  	_ = 	snop;
	(pc) =	sbr.rel @p0 .LBB2_1-.Ltmp3, $4  }
0x1a6: {  	[hbm4b:s7+s3] =	stream.linear.scatter [tilespmem:s24], [sflag:$0x2], $0x800, $0x38;
	[tilespmem:$0x18CC0] =	vst v63  }
0x1a7: {  	_ =	swait.ge [sflag:s10], $0x800  }
0x1a8: {  	[sflag:s10] =	ssyncset.done $0x0  }
0x1a9: {  	[sflag:s10] =	ssyncadd.s32 $0xFFFFF800  }
0x1aa: {  	_ =	sfence.sel $0x180000  }
0x1ab: {  	[bflag:$0x0] =	sbarrier.arrive $0xFFFF  }
0x1ac: {  	_ =	strace $0x9000004A  }
0x1ad: {  	s0 =	stileid.u32;
	[bflag:$0x2] =	sbarrier.arrive $0xFFFF  }
0x1ae: {  	p0 =	sne.s32 s0, $0x0;
	s0 =	rddreg [dreg:$0x3]  }
0x1af: {  	s0 =	sadd.s32 @!p0 $0x100000, s0  }
0x1b0: {  	[sflag:s0] =	ssyncadd.tile.s32 @!p0 $0x1;
	_ =	shalt  }
.Lfunc_end2:
_tile_overlayer_lowered:
.L_overlay_start_2:
0x1b1: {  	(tag) =	ssettag $0x2  }
0x1b2: {  	s0 =	rddreg [dreg:$0x0];
	s2 =	stileid.u32  }
0x1b3: {  	s1 =	rddreg [dreg:$0x1];
	p0 =	sne.s32 s2, $0x0  }
0x1b4: {  	s3 =	rddreg [dreg:$0x2];
	[bflag:$0x3] =	sbarrier.arrive $0xFFFF;
	s2 =	simm.s32 @!p0 $0x1C02  }
0x1b5: {  	[timem:s3], [sflag:s2] =	dma.local @!p0 [hbm:s0], s1  }
0x1b6: {  	s0 =	simm.s32 @!p0 $0x2  }
0x1b7: {  	_ =	swait.ge @!p0 [sflag:s0], s1  }
0x1b8: {  	s1 =	ssub.s32 @!p0 $0x0, s1;
	[sflag:s0] =	ssyncset.done @!p0 $0x0  }
0x1b9: {  	[sflag:s0] =	ssyncadd.s32 @!p0 s1  }
0x1ba: {  	[bflag:$0x3] =	sbarrier.arrive $0xFFFF  }
0x1bb: {  	_ =	shalt  }

// kernel: kernel.7.cloned.1.call-start
scs
__scs_entry_jumppad:
0x0: {  	(pc) =	sbr.rel $0x88, $3  }
0x1: {  	(tag) =	ssettag $0x0;
	lr =	simm.s32 $0x1  }
0x2: {  	[smem:$0x3F98] =	sst lr;
	_ =	strace $0xD0000000  }
0x3: {  	_ = 	snop  }
0x4: {  	_ = 	snop  }
0x5: {  	_ = 	snop  }
0x6: {  	_ = 	snop  }
0x7: {  	_ = 	snop  }
__scs_overlays_trampoline_lowered:
0x8: {  	[smem:$0x3FA7] =	sst s0  }
0x9: {  	[smem:$0x3FA8] =	sst s1  }
0xa: {  	[smem:$0x3FA9] =	sst s2  }
0xb: {  	[smem:$0x3FAA] =	sst s3  }
0xc: {  	[smem:$0x3FAB] =	sst s4  }
0xd: {  	[smem:$0x3FAC] =	sst s5  }
0xe: {  	[smem:$0x3FAD] =	sst s6  }
0xf: {  	[smem:$0x3FAE] =	sst s7  }
0x10: {  	[smem:$0x3FAF] =	sst s8  }
0x11: {  	[smem:$0x3FB0] =	sst s9;
	s0 =	simm.s32 @!p0 $0x0  }
0x12: {  	s1 =	sld [smem:$0x3F96];
	s0 =	simm.s32 @p0 $0x1  }
0x13: {  	[smem:$0x3FB1] =	sst s0;
	s0 =	simm.s32 @!p1 $0x0  }
0x14: {  	s2 =	sld [smem:$0x3F95];
	s0 =	simm.s32 @p1 $0x1  }
0x15: {  	[smem:$0x3FB2] =	sst s0;
	s0 =	simm.s32 @!p2 $0x0  }
0x16: {  	s3 =	sld [smem:$0x3FDB];
	s0 =	simm.s32 @p2 $0x1  }
0x17: {  	s4 =	simm.s32 $0x1BF5;
	[smem:$0x3FB4] =	sst s0  }
0x18: {  	s0 =	sld [smem:$0x3F97];
	_ =	swait.ge [sflag:s4], $0x0  }
0x19: {  	s7 =	sld [smem:$0x3F98]  }
0x1a: {  	s8 =	sadd.s32 $0xFFFFE003, lr  }
0x1b: {  	s9 =	sadd.s32 $0xFFFFFEF7, lr;
	s5 =	simm.s32 $0xFFFFFFFF;
	p2 =	slt.u32 s8, $0xFFFFF086  }
0x1c: {  	p1 =	slt.u32 s9, $0xF7A;
	s5 =	simm.s32 @!p2 $0x0  }
0x1d: {  	s5 =	simm.s32 @p1 $0x1;
	p0 =	seq.s32 s7, s2  }
0x1e: {  	s7 =	smul.u32 @!p0 $0xF7A, s2;
	p2 =	seq.s32 @!p0 s5, $0x0  }
0x1f: {  	s9 =	smul.u32 $0xF7A, s1;
	s8 =	simm.s32 @!p0 $0x1BF5;
	p2 =	por !p2, p0  }
0x20: {  	[sflag:s8] =	ssyncset.s32 @!p0 $0xFFFFF086;
	s6 =	sadd.s32 @!p0 s3, s7;
	s7 =	simm.s32 @!p0 $0x108  }
0x21: {  	s3 =	sadd.s32 s3, s9;
	s6 =	sadd.s32 @!p0 $0x88, s6;
	s7 =	simm.s32 @p2 $0x1082  }
0x22: {  	[simem:s7], [sflag:s8] =	dma.local @!p0 [hbm:s6], $0xF7A  }
0x23: {  	s9 =	sor.u32 $0xD0000000, s2;
	s6 =	simm.s32 $0x108;
	_ =	swait.ge @!p0 [sflag:s8], $0x0  }
0x24: {  	s3 =	sadd.s32 $0x88, s3;
	s6 =	simm.s32 @!p1 $0x1082;
	[sflag:s4] =	ssyncset.s32 $0xFFFFF086  }
0x25: {  	[simem:s6], [sflag:s4] =	dma.local [hbm:s3], $0xF7A  }
0x26: {  	[smem:$0x3F98] =	sst s1;
	(tag) =	ssettag s2;
	_ =	strace s9  }
0x27: {  	s1 =	sld [smem:$0x3FA8]  }
0x28: {  	s2 =	sld [smem:$0x3FA9]  }
0x29: {  	s4 =	sld [smem:$0x3FAB]  }
0x2a: {  	p0 =	seq.s32 s5, $0x0;
	s5 =	sld [smem:$0x3FAC]  }
0x2b: {  	s6 =	sld [smem:$0x3FAD]  }
0x2c: {  	s7 =	sld [smem:$0x3FAE]  }
0x2d: {  	s3 =	simm.s32 $0x108;
	s8 =	sld [smem:$0x3FAF]  }
0x2e: {  	s3 =	simm.s32 @!p0 $0x1082;
	s9 =	sld [smem:$0x3FB0]  }
0x2f: {  	lr =	sadd.s32 s0, s3;
	s0 =	sld [smem:$0x3FA7]  }
0x30: {  	s3 =	sld [smem:$0x3FAA]  }
0x31: {  	[smem:$0x3FB3] =	sst s10  }
0x32: {  	s10 =	sld [smem:$0x3FB1];
	_ =	sdelay $0x3  }
0x33: {  	p0 =	seq.s32 s10, $0x1;
	s10 =	sld [smem:$0x3FB3];
	_ =	sdelay $0x3  }
0x34: {  	[smem:$0x3FB3] =	sst s10  }
0x35: {  	s10 =	sld [smem:$0x3FB2];
	_ =	sdelay $0x3  }
0x36: {  	p1 =	seq.s32 s10, $0x1;
	s10 =	sld [smem:$0x3FB3];
	_ =	sdelay $0x3  }
0x37: {  	[smem:$0x3FB3] =	sst s10  }
0x38: {  	s10 =	sld [smem:$0x3FB4]  }
0x39: {  	_ = 	snop;
	(pc) =	sbr.ind lr, $3  }
0x3a: {  	_ = 	snop  }
0x3b: {  	_ = 	snop  }
0x3c: {  	p2 =	seq.s32 s10, $0x1;
	s10 =	sld [smem:$0x3FB3]  }
0x3d: {  	_ =	shalt  }
0x3e: {  	_ =	shalt  }
0x3f: {  	_ =	shalt  }
0x40: {  	_ =	shalt  }
0x41: {  	_ =	shalt  }
0x42: {  	_ =	shalt  }
0x43: {  	_ =	shalt  }
0x44: {  	_ =	shalt  }
0x45: {  	_ =	shalt  }
0x46: {  	_ =	shalt  }
0x47: {  	_ =	shalt  }
0x48: {  	_ =	shalt  }
0x49: {  	_ =	shalt  }
0x4a: {  	_ =	shalt  }
0x4b: {  	_ =	shalt  }
0x4c: {  	_ =	shalt  }
0x4d: {  	_ =	shalt  }
0x4e: {  	_ =	shalt  }
0x4f: {  	_ =	shalt  }
0x50: {  	_ =	shalt  }
0x51: {  	_ =	shalt  }
0x52: {  	_ =	shalt  }
0x53: {  	_ =	shalt  }
0x54: {  	_ =	shalt  }
0x55: {  	_ =	shalt  }
0x56: {  	_ =	shalt  }
0x57: {  	_ =	shalt  }
0x58: {  	_ =	shalt  }
0x59: {  	_ =	shalt  }
0x5a: {  	_ =	shalt  }
0x5b: {  	_ =	shalt  }
0x5c: {  	_ =	shalt  }
0x5d: {  	_ =	shalt  }
0x5e: {  	_ =	shalt  }
0x5f: {  	_ =	shalt  }
0x60: {  	_ =	shalt  }
0x61: {  	_ =	shalt  }
0x62: {  	_ =	shalt  }
0x63: {  	_ =	shalt  }
0x64: {  	_ =	shalt  }
0x65: {  	_ =	shalt  }
0x66: {  	_ =	shalt  }
0x67: {  	_ =	shalt  }
0x68: {  	_ =	shalt  }
0x69: {  	_ =	shalt  }
0x6a: {  	_ =	shalt  }
0x6b: {  	_ =	shalt  }
0x6c: {  	_ =	shalt  }
0x6d: {  	_ =	shalt  }
0x6e: {  	_ =	shalt  }
0x6f: {  	_ =	shalt  }
0x70: {  	_ =	shalt  }
0x71: {  	_ =	shalt  }
0x72: {  	_ =	shalt  }
0x73: {  	_ =	shalt  }
0x74: {  	_ =	shalt  }
0x75: {  	_ =	shalt  }
0x76: {  	_ =	shalt  }
0x77: {  	_ =	shalt  }
0x78: {  	_ =	shalt  }
0x79: {  	_ =	shalt  }
0x7a: {  	_ =	shalt  }
0x7b: {  	_ =	shalt  }
0x7c: {  	_ =	shalt  }
0x7d: {  	_ =	shalt  }
0x7e: {  	_ =	shalt  }
0x7f: {  	_ =	shalt  }
0x80: {  	_ =	shalt  }
0x81: {  	_ =	shalt  }
0x82: {  	_ =	shalt  }
0x83: {  	_ =	shalt  }
0x84: {  	_ =	shalt  }
0x85: {  	_ =	shalt  }
0x86: {  	_ =	shalt  }
0x87: {  	_ =	shalt  }
.Lfunc_end0:
.L_simem_size_0:
called_computation_lowered:
.L_overlay_start_0:
0x88: {  	s2 =	sld [smem:$0x3FD9]  }
0x89: {  	s3 =	sld [smem:$0x3FFE];
	_ =	sdelay $0x1  }
0x8a: {  	s1 =	srdreg.scid  }
0x8b: {  	s0 =	sand.u32 $0x1, s1  }
0x8c: {  	s16 =	sshll.u32 s0, $0xA;
	s2 =	sadd.s32 s3, s2  }
0x8d: {  	s2 =	sadd.s32 s2, s16  }
0x8e: {  	[smem:$0x3FBF] =	sst s2  }
0x8f: {  	_ = 	snop  }
0x90: {  	(tm) =	ssettm $0x1  }
0x91: {  	s17 =	sld [smem:$0x3FFB];
	_ =	sdelay $0x3  }
0x92: {  	_ =	strace s17  }
0x93: {  	s2 =	sld [smem:$0x3FFC];
	_ =	sdelay $0x3  }
0x94: {  	_ =	strace s2  }
0x95: {  	s2 =	sld [smem:$0x3FFD];
	_ =	sdelay $0x3  }
0x96: {  	_ =	strace s2  }
0x97: {  	_ =	strace $0x8FFFFFFF  }
0x98: {  	s18 =	sld [smem:$0x3FDB];
	_ =	sdelay $0x1  }
0x99: {  	s19 =	simm.s32 $_scs_section_size  }
0x9a: {  	s4 =	simm.s32 $_size__tile_overlayer_lowered;
	s5 =	simm.s32 $_tile_overlayer_lowered  }
0x9b: {  	s22 =	simm.s32 $0x1BFF;
	s21 =	sshll.u32 s5, $0x1;
	s2 =	sadd.s32 s19, s18  }
0x9c: {  	s6 =	simm.s32 $0x0;
	s20 =	sshll.u32 s4, $0x1;
	s4 =	sadd.s32 s21, s2  }
0x9d: {  	[timem:s6], [sflag:s22] =	dma.local [hbm:s4], s20  }
0x9e: {  	_ =	swait.ge [sflag:s22], s20  }
0x9f: {  	s3 =	ssub.s32 $0x0, s20;
	[sflag:s22] =	ssyncset.done $0x0  }
0xa0: {  	[sflag:s22] =	ssyncadd.s32 s3;
	_ =	sdelay $0x1  }
0xa1: {  	s23 =	simm.s32 $0x1B8B  }
0xa2: {  	_ =	swait.ge [sflag:s23], $0x1  }
0xa3: {  	[sflag:s23] =	ssyncset.done $0x0  }
0xa4: {  	s25 =	simm.s32 $0x1B8E;
	s24 =	sld [smem:$0x3FFE];
	[sflag:s23] =	ssyncadd.s32 $0xFFFFFFFF  }
0xa5: {  	s26 =	simm.s32 $execute0_lowered;
	[smem:$0x3FD2] =	sst s25  }
0xa6: {  	s4 =	sshll.u32 s26, $0x1;
	_ =	strace $0x80000046;
	[dreg:$0x1] =	wrdreg $0xFFFFFFFF  }
0xa7: {  	s28 =	simm.s32 $_size_execute0_lowered;
	s2 =	sadd.s32 s2, s4;
	[dreg:$0x0] =	wrdreg $0x0  }
0xa8: {  	s4 =	sshll.u32 s28, $0x1;
	[dreg:$0x2] =	wrdreg s2  }
0xa9: {  	[dreg:$0x3] =	wrdreg s4  }
0xaa: {  	[dreg:$0x4] =	wrdreg $0xC0  }
0xab: {  	_ =	task [dreg:s6], $0x5FFFF  }
0xac: {  	[dreg:$0x1] =	wrdreg $0xFFFFFFFF  }
0xad: {  	[dreg:$0x0] =	wrdreg $0x60  }
0xae: {  	[dreg:$0x2] =	wrdreg s24  }
0xaf: {  	[dreg:$0x3] =	wrdreg $0x9  }
0xb0: {  	_ =	task.clear_ibuf [dreg:s6], $0x4FFFF;
	_ =	strace $0x90000046  }
0xb1: {  	s29 =	simm.s32 $0x9;
	_ =	strace $0x80000048  }
0xb2: {  	_ =	swait.ge [sflag:s29], $0x1  }
0xb3: {  	[sflag:s29] =	ssyncadd.s32 $0xFFFFFFFF  }
0xb4: {  	_ =	strace $0x90000048  }
0xb5: {  	_ =	sfence  }
0xb6: {  	s30 =	sld [smem:$0x0];
	_ =	sdelay $0x2  }
0xb7: {  	s31 =	sshll.u32 s1, $0xD;
	s1 =	sshrl.u32 s1, $0x2  }
0xb8: {  	s3 =	sand.u32 $0x4000, s31;
	s1 =	sadd.s32 s1, s30  }
0xb9: {  	s0 =	sor.u32 s3, s0;
	s1 =	sshll.u32 s1, $0x11  }
0xba: {  	s0 =	sor.u32 s1, s0  }
0xbb: {  	s0 =	sadd.s32 $0x8F2B, s0  }
0xbc: {  	[sflag:s0] =	ssyncadd.remote.s32 $0x1  }
0xbd: {  	_ =	sfence.sel $0xFFFF  }
0xbe: {  	[dreg:$0x0] =	wrdreg $0xFFFFFFFF;
	(pc) =	sbr.abs _section_cstart, $3  }
0xbf: {  	[dreg:$0x1] =	wrdreg $0xFFFFFFFF  }
0xc0: {  	_ =	task.clear_ibuf [dreg:s6], $0x2FFFF;
	_ =	strace $0x9FFFFFFF  }
0xc1: {  	(tm) =	ssettm $0x7FFFFFFF  }
tec
execute0_lowered:
.L_overlay_start_1:
0x0: {  	(tag) =	ssettag $0x1  }
0x1: {  	s0 =	rddreg [dreg:$0x0]  }
0x2: {  	s1 =	srdreg.scid;
	s2 =	simm.s32 $0x0;
	s3 =	stileid.u32  }
0x3: {  	s7 =	simm.s32 $0x2;
	s11 =	simm.s32 $0x1;
	s12 =	simm.s32 $0x80  }
0x4: {  	s14 =	simm.s32 $0x1480;
	s16 =	simm.s32 $0x3480;
	s18 =	simm.s32 $0x5480  }
0x5: {  	s20 =	simm.s32 $0x7480;
	s22 =	simm.s32 $0x9480;
	s24 =	simm.s32 $0xB480  }
0x6: {  	s26 =	simm.s32 $0xD480;
	s29 =	simm.s32 $0xF480;
	s8 =	simm.s32 $0xE00  }
0x7: {  	s9 =	simm.s32 $0xE80;
	s10 =	simm.s32 $0xF00;
	s13 =	simm.s32 $0xF80  }
0x8: {  	s15 =	simm.s32 $0x11480;
	s17 =	simm.s32 $0x0;
	s1 =	sand.u32 $0x1, s1  }
0x9: {  	[smem:$0x7FF] =	sst s2;
	s3 =	sshll.u32 s3, $0x9;
	s4 =	sshll.u32 s1, $0x8  }
0xa: {  	_ =	strace $0x80000047;
	s1 =	ssub.s32 $0x2, s1;
	s4 =	sor.u32 s4, s3  }
0xb: {  	s3 =	sadd.s32 $0x3800, s0;
	s31 =	sshrl.u32 s1, $0x1;
	s0 =	sadd.s32 s4, s0  }
0xc: {  	s1 =	ssub.s32 s1, s31;
	s4 =	sadd.s32 $0x1800, s0;
	s5 =	sadd.s32 $0xC6E00, s0  }
0xd: {  	v0 =	vimm.s32 $0x0;
	v1 =	vimm.f32 $1.000000000e+00;
	s6 =	smax.u32 s1, $0x1;
	s0 =	simm.s32 $0xD00;
	s1 =	simm.s32 $0xD80  }
.LBB2_1:
0xe: {  	[tilespmem:s2], [sflag:$0x2] =	stream.linear.gather [hbm4b:s4+s2], $0x800, $0x38;
	[tilespmem:$0x11C80] =	vst v63  }
0xf: {  	_ =	swait.ge [sflag:s7], $0x800  }
0x10: {  	[sflag:s7] =	ssyncset.done $0x0  }
0x11: {  	s19 =	simm.s32 $0x10;
	[sflag:s7] =	ssyncadd.s32 $0xFFFFF800  }
0x12: {  	s21 =	simm.s32 $0x1000;
	s23 =	simm.s32 $0x1080;
	s31 =	simm.s32 $0x0;
	[tilespmem:$0x1000] =	vst v0  }
0x13: {  	[tilespmem:s23], [sflag:$0x1] =	stream.indirect.gather [hbm4b:s3+s19], $0x40, s21, s19, $0xb8;
	[tilespmem:$0x11C80] =	vst v63  }
0x14: {  	v2 =	vld [tilespmem:s31+$0x0];
	_ =	sdelay $0x3  }
0x15: {  	s23 =	sand.u32 $0x1E00, s2  }
0x16: {  	s25 =	simm.s32 $0x0;
	s21 =	sshrl.u32 s23, $0x2;
	v2 =	vadd.s32 $0xFFFFFFFF, v2  }
0x17: {  	s23 =	sand.u32 $0x40, s25;
	s21 =	sor.u32 $0x800, s21;
	vm0 =	vgt.s32 v2, $0x0  }
0x18: {  	s23 =	sor.u32 s23, s21;
	v2 =	vnsel vm0, $0x0, v2  }
0x19: {  	[tilespmem:s23+$0x0] =	vst v2  }
0x1a: {  	v2 =	vld [tilespmem:s31+$0x10];
	_ =	sdelay $0x4  }
0x1b: {  	s28 =	simm.s32 $0x10;
	v2 =	vadd.s32 $0xFFFFFFFF, v2  }
0x1c: {  	s23 =	sand.u32 $0x50, s28;
	vm13 =	vgt.s32 v2, $0x0  }
0x1d: {  	s23 =	sor.u32 s23, s21;
	v2 =	vnsel vm13, $0x0, v2  }
0x1e: {  	[tilespmem:s23+$0x0] =	vst v2  }
0x1f: {  	v2 =	vld [tilespmem:s31+$0x20];
	_ =	sdelay $0x4  }
0x20: {  	s30 =	simm.s32 $0x20;
	v2 =	vadd.s32 $0xFFFFFFFF, v2  }
0x21: {  	s23 =	sand.u32 $0x60, s30;
	vm14 =	vgt.s32 v2, $0x0  }
0x22: {  	s23 =	sor.u32 s23, s21;
	v2 =	vnsel vm14, $0x0, v2  }
0x23: {  	[tilespmem:s23+$0x0] =	vst v2  }
0x24: {  	v2 =	vld [tilespmem:s31+$0x30];
	_ =	sdelay $0x4  }
0x25: {  	s31 =	simm.s32 $0x30;
	v2 =	vadd.s32 $0xFFFFFFFF, v2  }
0x26: {  	s19 =	simm.s32 $0x70;
	s25 =	sand.u32 $0x70, s31;
	vm15 =	vgt.s32 v2, $0x0  }
0x27: {  	s23 =	simm.s32 $0xB0;
	s25 =	sor.u32 s25, s21;
	s21 =	simm.s32 $0x100;
	v2 =	vnsel vm15, $0x0, v2  }
.LBB2_2:
0x28: {  	p0 =	sne.s32 s23, $0x7F0  }
0x29: {  	s28 =	sshra.s32 s21, $0x2;
	[tilespmem:s25+$0x0] =	vst v2;
	s25 =	smov.u32 s23;
	s23 =	sadd.s32 $0x40, s23  }
0x2a: {  	v2 =	vld [tilespmem:s28+$0x0];
	_ =	sdelay $0x3  }
0x2b: {  	s30 =	sand.u32 $0x1E00, s21  }
0x2c: {  	s31 =	sadd.s32 $0xFFFFFFD0, s19;
	s30 =	sshrl.u32 s30, $0x2;
	v2 =	vadd.s32 $0xFFFFFFFF, v2  }
0x2d: {  	s31 =	sand.u32 $0x40, s31;
	s30 =	sor.u32 $0x800, s30;
	vm0 =	vgt.s32 v2, $0x0  }
0x2e: {  	s31 =	sor.u32 s31, s30;
	v2 =	vnsel vm0, $0x0, v2  }
0x2f: {  	[tilespmem:s31+$0x0] =	vst v2  }
0x30: {  	v2 =	vld [tilespmem:s28+$0x10];
	_ =	sdelay $0x4  }
0x31: {  	s31 =	sadd.s32 $0xFFFFFFE0, s19;
	v2 =	vadd.s32 $0xFFFFFFFF, v2  }
0x32: {  	s31 =	sand.u32 $0x50, s31;
	vm0 =	vgt.s32 v2, $0x0  }
0x33: {  	s31 =	sor.u32 s31, s30;
	v2 =	vnsel vm0, $0x0, v2  }
0x34: {  	[tilespmem:s31+$0x0] =	vst v2  }
0x35: {  	v2 =	vld [tilespmem:s28+$0x20];
	_ =	sdelay $0x4  }
0x36: {  	s31 =	sadd.s32 $0xFFFFFFF0, s19;
	v2 =	vadd.s32 $0xFFFFFFFF, v2  }
0x37: {  	s31 =	sand.u32 $0x60, s31;
	vm0 =	vgt.s32 v2, $0x0  }
0x38: {  	s31 =	sor.u32 s31, s30;
	v2 =	vnsel vm0, $0x0, v2  }
0x39: {  	[tilespmem:s31+$0x0] =	vst v2  }
0x3a: {  	v2 =	vld [tilespmem:s28+$0x30];
	_ =	sdelay $0x2  }
.Ltmp0:
0x3b: {  	(pc) =	sbr.rel @p0 .LBB2_2-.Ltmp0, $4  }
0x3c: {  	_ = 	snop  }
0x3d: {  	v2 =	vadd.s32 $0xFFFFFFFF, v2  }
0x3e: {  	s28 =	sand.u32 $0x70, s19;
	s19 =	smov.u32 s25;
	vm0 =	vgt.s32 v2, $0x0  }
0x3f: {  	s21 =	sadd.s32 $0x100, s21;
	s25 =	sor.u32 s28, s30;
	v2 =	vnsel vm0, $0x0, v2  }
0x40: {  	s23 =	sshra.s32 s21, $0x2;
	[tilespmem:s25+$0x0] =	vst v2  }
0x41: {  	v2 =	vld [tilespmem:s23+$0x0];
	_ =	sdelay $0x3  }
0x42: {  	s25 =	sand.u32 $0x1E00, s21  }
0x43: {  	s28 =	sadd.s32 $0xFFFFFFD0, s19;
	s21 =	sshrl.u32 s25, $0x2;
	v2 =	vadd.s32 $0xFFFFFFFF, v2  }
0x44: {  	s25 =	sand.u32 $0x40, s28;
	s21 =	sor.u32 $0x800, s21;
	vm0 =	vgt.s32 v2, $0x0  }
0x45: {  	s25 =	sor.u32 s25, s21;
	v2 =	vnsel vm0, $0x0, v2  }
0x46: {  	[tilespmem:s25+$0x0] =	vst v2  }
0x47: {  	v2 =	vld [tilespmem:s23+$0x10];
	_ =	sdelay $0x4  }
0x48: {  	s30 =	sadd.s32 $0xFFFFFFE0, s19;
	v2 =	vadd.s32 $0xFFFFFFFF, v2  }
0x49: {  	s25 =	sand.u32 $0x50, s30;
	vm13 =	vgt.s32 v2, $0x0  }
0x4a: {  	s25 =	sor.u32 s25, s21;
	v2 =	vnsel vm13, $0x0, v2  }
0x4b: {  	[tilespmem:s25+$0x0] =	vst v2  }
0x4c: {  	v2 =	vld [tilespmem:s23+$0x20];
	_ =	sdelay $0x4  }
0x4d: {  	s31 =	sadd.s32 $0xFFFFFFF0, s19;
	v2 =	vadd.s32 $0xFFFFFFFF, v2  }
0x4e: {  	s25 =	sand.u32 $0x60, s31;
	vm14 =	vgt.s32 v2, $0x0  }
0x4f: {  	s25 =	sor.u32 s25, s21;
	v2 =	vnsel vm14, $0x0, v2  }
0x50: {  	[tilespmem:s25+$0x0] =	vst v2  }
0x51: {  	v2 =	vld [tilespmem:s23+$0x30];
	_ =	sdelay $0x4  }
0x52: {  	v2 =	vadd.s32 $0xFFFFFFFF, v2  }
0x53: {  	s28 =	sand.u32 $0x70, s19;
	vm15 =	vgt.s32 v2, $0x0  }
0x54: {  	s19 =	sor.u32 s28, s21;
	v2 =	vnsel vm15, $0x0, v2  }
0x55: {  	[tilespmem:s19+$0x0] =	vst v2  }
0x56: {  	_ =	swait.ge [sflag:s11], $0x400  }
0x57: {  	[sflag:s11] =	ssyncset.done $0x0  }
0x58: {  	s30 =	simm.s32 $0x800;
	[sflag:s11] =	ssyncadd.s32 $0xFFFFFC00  }
0x59: {  	[tilespmem:s14], [sflag:$0x1] =	stream.indirect.gather [hbm4b:s3+s12], $0x40, s30, s12, $0xb8;
	[tilespmem:$0x11C80] =	vst v63  }
0x5a: {  	s31 =	simm.s32 $0x880  }
0x5b: {  	[tilespmem:s16], [sflag:$0x1] =	stream.indirect.gather [hbm4b:s3+s12], $0x40, s31, s12, $0xb8;
	[tilespmem:$0x11C80] =	vst v63  }
0x5c: {  	s21 =	simm.s32 $0x900  }
0x5d: {  	[tilespmem:s18], [sflag:$0x1] =	stream.indirect.gather [hbm4b:s3+s12], $0x40, s21, s12, $0xb8;
	[tilespmem:$0x11C80] =	vst v63  }
0x5e: {  	s23 =	simm.s32 $0x980  }
0x5f: {  	[tilespmem:s20], [sflag:$0x1] =	stream.indirect.gather [hbm4b:s3+s12], $0x40, s23, s12, $0xb8;
	[tilespmem:$0x11C80] =	vst v63  }
0x60: {  	s25 =	simm.s32 $0xA00  }
0x61: {  	[tilespmem:s22], [sflag:$0x1] =	stream.indirect.gather [hbm4b:s3+s12], $0x40, s25, s12, $0xb8;
	[tilespmem:$0x11C80] =	vst v63  }
0x62: {  	s28 =	simm.s32 $0xA80  }
0x63: {  	[tilespmem:s24], [sflag:$0x1] =	stream.indirect.gather [hbm4b:s3+s12], $0x40, s28, s12, $0xb8;
	[tilespmem:$0x11C80] =	vst v63  }
0x64: {  	s30 =	simm.s32 $0xB00  }
0x65: {  	[tilespmem:s26], [sflag:$0x1] =	stream.indirect.gather [hbm4b:s3+s12], $0x40, s30, s12, $0xb8;
	[tilespmem:$0x11C80] =	vst v63  }
0x66: {  	s31 =	simm.s32 $0xB80  }
0x67: {  	[tilespmem:s29], [sflag:$0x1] =	stream.indirect.gather [hbm4b:s3+s12], $0x40, s31, s12, $0xb8;
	[tilespmem:$0x11C80] =	vst v63  }
0x68: {  	_ =	swait.ge [sflag:s11], $0x2000  }
0x69: {  	[sflag:s11] =	ssyncset.done $0x0  }
0x6a: {  	[sflag:s11] =	ssyncadd.s32 $0xFFFFE000  }
0x6b: {  	_ =	swait.ge [sflag:s11], $0x2000  }
0x6c: {  	[sflag:s11] =	ssyncset.done $0x0  }
0x6d: {  	[sflag:s11] =	ssyncadd.s32 $0xFFFFE000  }
0x6e: {  	_ =	swait.ge [sflag:s11], $0x2000  }
0x6f: {  	[sflag:s11] =	ssyncset.done $0x0  }
0x70: {  	[sflag:s11] =	ssyncadd.s32 $0xFFFFE000  }
0x71: {  	_ =	swait.ge [sflag:s11], $0x2000  }
0x72: {  	[sflag:s11] =	ssyncset.done $0x0  }
0x73: {  	[sflag:s11] =	ssyncadd.s32 $0xFFFFE000  }
0x74: {  	_ =	swait.ge [sflag:s11], $0x2000  }
0x75: {  	[sflag:s11] =	ssyncset.done $0x0  }
0x76: {  	[sflag:s11] =	ssyncadd.s32 $0xFFFFE000  }
0x77: {  	_ =	swait.ge [sflag:s11], $0x2000  }
0x78: {  	[sflag:s11] =	ssyncset.done $0x0  }
0x79: {  	[sflag:s11] =	ssyncadd.s32 $0xFFFFE000  }
0x7a: {  	_ =	swait.ge [sflag:s11], $0x2000  }
0x7b: {  	[sflag:s11] =	ssyncset.done $0x0  }
0x7c: {  	[sflag:s11] =	ssyncadd.s32 $0xFFFFE000  }
0x7d: {  	_ =	swait.ge [sflag:s11], $0x2000  }
0x7e: {  	[sflag:s11] =	ssyncset.done $0x0  }
0x7f: {  	s19 =	simm.s32 $0x0;
	s21 =	simm.s32 $0x14A0;
	[sflag:s11] =	ssyncadd.s32 $0xFFFFE000  }
.LBB2_4:
0x80: {  	v10 =	vmov s21;
	_ =	sdelay $0x3  }
0x81: {  	s25 =	simm.s32 $0x0  }
0x82: {  	v2 =	vld.idx.msk [tilespmem:v10+s25+$0x10 ss:$0x1], $0xffff  }
0x83: {  	v8 =	vld.idx.msk [tilespmem:v10+s25+$0xFFFFFFE0 ss:$0x1], $0xffff  }
0x84: {  	v3 =	vimm.f32 $0.0e+00;
	v6 =	vld.idx.msk [tilespmem:v10+s25+$0xFFFFFFF0 ss:$0x1], $0xffff  }
0x85: {  	s23 =	simm.s32 $0x100;
	v9 =	vimm.f32 $0.0e+00;
	v7 =	vimm.f32 $0.0e+00;
	v5 =	vimm.f32 $0.0e+00;
	v4 =	vld.idx.msk [tilespmem:v10+s25+$0x0 ss:$0x1], $0xffff  }
.LBB2_5:
0x86: {  	p0 =	sne.s32 s23, $0x3F00  }
.Ltmp1:
0x87: {  	s25 =	sshra.s32 s23, $0x2;
	s23 =	sadd.s32 $0x100, s23;
	(pc) =	sbr.rel @p0 .LBB2_5-.Ltmp1, $4  }
0x88: {  	v3 =	vadd.f32 v2, v3;
	v2 =	vld.idx.msk [tilespmem:v10+s25+$0x10 ss:$0x1], $0xffff  }
0x89: {  	v9 =	vadd.f32 v8, v9;
	v8 =	vld.idx.msk [tilespmem:v10+s25+$0xFFFFFFE0 ss:$0x1], $0xffff  }
0x8a: {  	v7 =	vadd.f32 v6, v7;
	v6 =	vld.idx.msk [tilespmem:v10+s25+$0xFFFFFFF0 ss:$0x1], $0xffff  }
0x8b: {  	v5 =	vadd.f32 v4, v5;
	v4 =	vld.idx.msk [tilespmem:v10+s25+$0x0 ss:$0x1], $0xffff  }
0x8c: {  	s23 =	sshll.u32 s19, $0x6  }
0x8d: {  	v10 =	vld [tilespmem:s23+$0x0];
	_ =	sdelay $0x1  }
0x8e: {  	v11 =	vld [tilespmem:s23+$0x10];
	_ =	sdelay $0x1  }
0x8f: {  	v12 =	vld [tilespmem:s23+$0x20]  }
0x90: {  	vm0 =	veq.s32 v10, $0x0  }
0x91: {  	v13 =	vld [tilespmem:s23+$0x30];
	v10 =	vsel vm0, $0x0, v1  }
0x92: {  	vm13 =	veq.s32 v11, $0x0;
	(xrf2) =	vadd.scan.msk.f32 $0xffff, v10  }
0x93: {  	v50 =	vsel vm13, $0x0, v1  }
0x94: {  	vm14 =	veq.s32 v12, $0x0;
	(xrf2) =	vadd.scan.msk.f32 $0xffff, v50  }
0x95: {  	v51 =	vsel vm14, $0x0, v1  }
0x96: {  	vm15 =	veq.s32 v13, $0x0;
	(xrf2) =	vadd.scan.msk.f32 $0xffff, v51  }
0x97: {  	v52 =	vsel vm15, $0x0, v1  }
0x98: {  	(xrf2) =	vadd.scan.msk.f32 $0xffff, v52;
	_ =	sdelay $0x3  }
0x99: {  	v53, _, _ =	vpop (xrf2)  }
0x9a: {  	(v2sf) =	vpush v53, $0xF  }
0x9b: {  	v54, _, _ =	vpop (xrf2)  }
0x9c: {  	(v2sf) =	vpush v54, $0xF  }
0x9d: {  	v55, _, _ =	vpop (xrf2)  }
0x9e: {  	(v2sf) =	vpush v55, $0xF  }
0x9f: {  	v56, _, _ =	vpop (xrf2)  }
0xa0: {  	(v2sf) =	vpush v56, $0xF;
	_ =	sdelay $0x8  }
0xa1: {  	s25 =	spop (v2sf)  }
0xa2: {  	s25 =	sadd.f32 $0.0e+00, s25  }
0xa3: {  	s28 =	spop (v2sf)  }
0xa4: {  	s25 =	sadd.f32 s28, s25  }
0xa5: {  	s30 =	spop (v2sf)  }
0xa6: {  	s25 =	sadd.f32 s30, s25  }
0xa7: {  	s31 =	spop (v2sf)  }
0xa8: {  	s25 =	sadd.f32 s31, s25;
	_ =	sdelay $0x1  }
0xa9: {  	v57 =	vmov s25  }
0xaa: {  	v58 =	vmax.f32 v57, $1.000000000e+00  }
0xab: {  	(erf) = vrcp.f32 v58  }
0xac: {  	v59 =	vld [tilespmem:$0x1080];
	_ =	sdelay $0x2  }
0xad: {  	v10 =	vsub.f32 $6.400000000e+01, v57;
	_ =	sdelay $0x1  }
0xae: {  	v8 =	vadd.f32 v8, v9;
	v60 =	vmul.f32 v10, v59;
	_ =	sdelay $0x1  }
0xaf: {  	v8 =	vsub.f32 v8, v60  }
0xb0: {  	v61 =	vpop (erf)  }
0xb1: {  	v8 =	vmul.f32 v8, v61;
	_ =	sdelay $0x1  }
0xb2: {  	[tilespmem:s23+$0x11480] =	vst v8  }
0xb3: {  	v8 =	vld [tilespmem:$0x1090];
	_ =	sdelay $0x4  }
0xb4: {  	v6 =	vadd.f32 v6, v7;
	v62 =	vmul.f32 v10, v8;
	_ =	sdelay $0x1  }
0xb5: {  	v6 =	vsub.f32 v6, v62;
	_ =	sdelay $0x1  }
0xb6: {  	v6 =	vmul.f32 v6, v61;
	_ =	sdelay $0x1  }
0xb7: {  	[tilespmem:s23+$0x11490] =	vst v6  }
0xb8: {  	v6 =	vld [tilespmem:$0x10A0];
	_ =	sdelay $0x4  }
0xb9: {  	v4 =	vadd.f32 v4, v5;
	v63 =	vmul.f32 v10, v6;
	_ =	sdelay $0x1  }
0xba: {  	v4 =	vsub.f32 v4, v63;
	_ =	sdelay $0x1  }
0xbb: {  	v4 =	vmul.f32 v4, v61;
	_ =	sdelay $0x1  }
0xbc: {  	[tilespmem:s23+$0x114A0] =	vst v4  }
0xbd: {  	v4 =	vld [tilespmem:$0x10B0];
	_ =	sdelay $0x4  }
0xbe: {  	s19 =	sadd.s32 $0x1, s19;
	v2 =	vadd.f32 v2, v3;
	v3 =	vmul.f32 v10, v4  }
0xbf: {  	p0 =	sne.s32 s19, $0x10  }
.Ltmp2:
0xc0: {  	v2 =	vsub.f32 v2, v3;
	(pc) =	sbr.rel @p0 .LBB2_4-.Ltmp2, $3  }
0xc1: {  	_ = 	snop  }
0xc2: {  	v2 =	vmul.f32 v2, v61;
	_ =	sdelay $0x1  }
0xc3: {  	s21 =	sadd.s32 $0x1000, s21;
	[tilespmem:s23+$0x114B0] =	vst v2  }
0xc4: {  	s19 =	simm.s32 $0xC00  }
0xc5: {  	[tilespmem:s14], [sflag:$0x1] =	stream.indirect.gather [hbm4b:s3+s12], $0x40, s19, s12, $0xb8;
	[tilespmem:$0x11C80] =	vst v63  }
0xc6: {  	s31 =	simm.s32 $0xC80  }
0xc7: {  	[tilespmem:s16], [sflag:$0x1] =	stream.indirect.gather [hbm4b:s3+s12], $0x40, s31, s12, $0xb8;
	[tilespmem:$0x11C80] =	vst v63  }
0xc8: {  	_ = 	snop  }
0xc9: {  	[tilespmem:s18], [sflag:$0x1] =	stream.indirect.gather [hbm4b:s3+s12], $0x40, s0, s12, $0xb8;
	[tilespmem:$0x11C80] =	vst v63  }
0xca: {  	_ = 	snop  }
0xcb: {  	[tilespmem:s20], [sflag:$0x1] =	stream.indirect.gather [hbm4b:s3+s12], $0x40, s1, s12, $0xb8;
	[tilespmem:$0x11C80] =	vst v63  }
0xcc: {  	_ = 	snop  }
0xcd: {  	[tilespmem:s22], [sflag:$0x1] =	stream.indirect.gather [hbm4b:s3+s12], $0x40, s8, s12, $0xb8;
	[tilespmem:$0x11C80] =	vst v63  }
0xce: {  	_ = 	snop  }
0xcf: {  	[tilespmem:s24], [sflag:$0x1] =	stream.indirect.gather [hbm4b:s3+s12], $0x40, s9, s12, $0xb8;
	[tilespmem:$0x11C80] =	vst v63  }
0xd0: {  	_ = 	snop  }
0xd1: {  	[tilespmem:s26], [sflag:$0x1] =	stream.indirect.gather [hbm4b:s3+s12], $0x40, s10, s12, $0xb8;
	[tilespmem:$0x11C80] =	vst v63  }
0xd2: {  	_ = 	snop  }
0xd3: {  	[tilespmem:s29], [sflag:$0x1] =	stream.indirect.gather [hbm4b:s3+s12], $0x40, s13, s12, $0xb8;
	[tilespmem:$0x11C80] =	vst v63  }
0xd4: {  	_ =	swait.ge [sflag:s11], $0x2000  }
0xd5: {  	[sflag:s11] =	ssyncset.done $0x0  }
0xd6: {  	[sflag:s11] =	ssyncadd.s32 $0xFFFFE000  }
0xd7: {  	_ =	swait.ge [sflag:s11], $0x2000  }
0xd8: {  	[sflag:s11] =	ssyncset.done $0x0  }
0xd9: {  	[sflag:s11] =	ssyncadd.s32 $0xFFFFE000  }
0xda: {  	_ =	swait.ge [sflag:s11], $0x2000  }
0xdb: {  	[sflag:s11] =	ssyncset.done $0x0  }
0xdc: {  	[sflag:s11] =	ssyncadd.s32 $0xFFFFE000  }
0xdd: {  	_ =	swait.ge [sflag:s11], $0x2000  }
0xde: {  	[sflag:s11] =	ssyncset.done $0x0  }
0xdf: {  	[sflag:s11] =	ssyncadd.s32 $0xFFFFE000  }
0xe0: {  	_ =	swait.ge [sflag:s11], $0x2000  }
0xe1: {  	[sflag:s11] =	ssyncset.done $0x0  }
0xe2: {  	[sflag:s11] =	ssyncadd.s32 $0xFFFFE000  }
0xe3: {  	_ =	swait.ge [sflag:s11], $0x2000  }
0xe4: {  	[sflag:s11] =	ssyncset.done $0x0  }
0xe5: {  	[sflag:s11] =	ssyncadd.s32 $0xFFFFE000  }
0xe6: {  	_ =	swait.ge [sflag:s11], $0x2000  }
0xe7: {  	[sflag:s11] =	ssyncset.done $0x0  }
0xe8: {  	[sflag:s11] =	ssyncadd.s32 $0xFFFFE000  }
0xe9: {  	_ =	swait.ge [sflag:s11], $0x2000  }
0xea: {  	[sflag:s11] =	ssyncset.done $0x0  }
0xeb: {  	s21 =	simm.s32 $0x14A0;
	s19 =	simm.s32 $0x0;
	[sflag:s11] =	ssyncadd.s32 $0xFFFFE000  }
.LBB2_8:
0xec: {  	v10 =	vmov s21;
	_ =	sdelay $0x3  }
0xed: {  	s25 =	simm.s32 $0x0  }
0xee: {  	v2 =	vld.idx.msk [tilespmem:v10+s25+$0x10 ss:$0x1], $0xffff  }
0xef: {  	v8 =	vld.idx.msk [tilespmem:v10+s25+$0xFFFFFFE0 ss:$0x1], $0xffff  }
0xf0: {  	v3 =	vimm.f32 $0.0e+00;
	v6 =	vld.idx.msk [tilespmem:v10+s25+$0xFFFFFFF0 ss:$0x1], $0xffff  }
0xf1: {  	s23 =	simm.s32 $0x100;
	v9 =	vimm.f32 $0.0e+00;
	v7 =	vimm.f32 $0.0e+00;
	v5 =	vimm.f32 $0.0e+00;
	v4 =	vld.idx.msk [tilespmem:v10+s25+$0x0 ss:$0x1], $0xffff  }
.LBB2_9:
0xf2: {  	p0 =	sne.s32 s23, $0x3F00  }
.Ltmp3:
0xf3: {  	s25 =	sshra.s32 s23, $0x2;
	s23 =	sadd.s32 $0x100, s23;
	(pc) =	sbr.rel @p0 .LBB2_9-.Ltmp3, $4  }
0xf4: {  	v3 =	vadd.f32 v2, v3;
	v2 =	vld.idx.msk [tilespmem:v10+s25+$0x10 ss:$0x1], $0xffff  }
0xf5: {  	v9 =	vadd.f32 v8, v9;
	v8 =	vld.idx.msk [tilespmem:v10+s25+$0xFFFFFFE0 ss:$0x1], $0xffff  }
0xf6: {  	v7 =	vadd.f32 v6, v7;
	v6 =	vld.idx.msk [tilespmem:v10+s25+$0xFFFFFFF0 ss:$0x1], $0xffff  }
0xf7: {  	v5 =	vadd.f32 v4, v5;
	v4 =	vld.idx.msk [tilespmem:v10+s25+$0x0 ss:$0x1], $0xffff  }
0xf8: {  	s23 =	sshll.u32 s19, $0x6  }
0xf9: {  	s25 =	sor.u32 $0x400, s23  }
0xfa: {  	v10 =	vld [tilespmem:s25+$0x0]  }
0xfb: {  	s28 =	sor.u32 $0x410, s23  }
0xfc: {  	v11 =	vld [tilespmem:s28+$0x0]  }
0xfd: {  	s30 =	sor.u32 $0x420, s23  }
0xfe: {  	v12 =	vld [tilespmem:s30+$0x0]  }
0xff: {  	s31 =	sor.u32 $0x430, s23;
	vm0 =	veq.s32 v10, $0x0  }
0x100: {  	v13 =	vld [tilespmem:s31+$0x0];
	v10 =	vsel vm0, $0x0, v1  }
0x101: {  	vm13 =	veq.s32 v11, $0x0;
	(xrf2) =	vadd.scan.msk.f32 $0xffff, v10  }
0x102: {  	v50 =	vsel vm13, $0x0, v1  }
0x103: {  	vm14 =	veq.s32 v12, $0x0;
	(xrf2) =	vadd.scan.msk.f32 $0xffff, v50  }
0x104: {  	v51 =	vsel vm14, $0x0, v1  }
0x105: {  	vm15 =	veq.s32 v13, $0x0;
	(xrf2) =	vadd.scan.msk.f32 $0xffff, v51  }
0x106: {  	v52 =	vsel vm15, $0x0, v1  }
0x107: {  	(xrf2) =	vadd.scan.msk.f32 $0xffff, v52;
	_ =	sdelay $0x3  }
0x108: {  	v53, _, _ =	vpop (xrf2)  }
0x109: {  	(v2sf) =	vpush v53, $0xF  }
0x10a: {  	v54, _, _ =	vpop (xrf2)  }
0x10b: {  	(v2sf) =	vpush v54, $0xF  }
0x10c: {  	v55, _, _ =	vpop (xrf2)  }
0x10d: {  	(v2sf) =	vpush v55, $0xF  }
0x10e: {  	v56, _, _ =	vpop (xrf2)  }
0x10f: {  	(v2sf) =	vpush v56, $0xF;
	_ =	sdelay $0x8  }
0x110: {  	s28 =	spop (v2sf)  }
0x111: {  	s25 =	sadd.f32 $0.0e+00, s28  }
0x112: {  	s28 =	spop (v2sf)  }
0x113: {  	s25 =	sadd.f32 s28, s25  }
0x114: {  	s30 =	spop (v2sf)  }
0x115: {  	s25 =	sadd.f32 s30, s25  }
0x116: {  	s31 =	spop (v2sf)  }
0x117: {  	s25 =	sadd.f32 s31, s25;
	_ =	sdelay $0x1  }
0x118: {  	v57 =	vmov s25  }
0x119: {  	v58 =	vmax.f32 v57, $1.000000000e+00  }
0x11a: {  	(erf) = vrcp.f32 v58  }
0x11b: {  	v59 =	vld [tilespmem:$0x1080];
	_ =	sdelay $0x2  }
0x11c: {  	v10 =	vsub.f32 $6.400000000e+01, v57;
	_ =	sdelay $0x1  }
0x11d: {  	v8 =	vadd.f32 v8, v9;
	v60 =	vmul.f32 v10, v59;
	_ =	sdelay $0x1  }
0x11e: {  	v8 =	vsub.f32 v8, v60  }
0x11f: {  	v61 =	vpop (erf)  }
0x120: {  	v8 =	vmul.f32 v8, v61;
	_ =	sdelay $0x1  }
0x121: {  	[tilespmem:s23+$0x11880] =	vst v8  }
0x122: {  	v8 =	vld [tilespmem:$0x1090];
	_ =	sdelay $0x4  }
0x123: {  	v6 =	vadd.f32 v6, v7;
	v62 =	vmul.f32 v10, v8;
	_ =	sdelay $0x1  }
0x124: {  	v6 =	vsub.f32 v6, v62;
	_ =	sdelay $0x1  }
0x125: {  	v6 =	vmul.f32 v6, v61;
	_ =	sdelay $0x1  }
0x126: {  	[tilespmem:s23+$0x11890] =	vst v6  }
0x127: {  	v6 =	vld [tilespmem:$0x10A0];
	_ =	sdelay $0x4  }
0x128: {  	v4 =	vadd.f32 v4, v5;
	v63 =	vmul.f32 v10, v6;
	_ =	sdelay $0x1  }
0x129: {  	v4 =	vsub.f32 v4, v63;
	_ =	sdelay $0x1  }
0x12a: {  	v4 =	vmul.f32 v4, v61;
	_ =	sdelay $0x1  }
0x12b: {  	[tilespmem:s23+$0x118A0] =	vst v4  }
0x12c: {  	v4 =	vld [tilespmem:$0x10B0];
	_ =	sdelay $0x4  }
0x12d: {  	s19 =	sadd.s32 $0x1, s19;
	v2 =	vadd.f32 v2, v3;
	v3 =	vmul.f32 v10, v4  }
0x12e: {  	p0 =	sne.s32 s19, $0x10  }
.Ltmp4:
0x12f: {  	v2 =	vsub.f32 v2, v3;
	(pc) =	sbr.rel @p0 .LBB2_8-.Ltmp4, $3  }
0x130: {  	_ = 	snop  }
0x131: {  	v2 =	vmul.f32 v2, v61;
	_ =	sdelay $0x1  }
0x132: {  	s21 =	sadd.s32 $0x1000, s21;
	[tilespmem:s23+$0x118B0] =	vst v2  }
0x133: {  	s17 =	sadd.s32 $0x1, s17  }
0x134: {  	p0 =	sne.s32 s17, s6  }
.Ltmp5:
0x135: {  	_ = 	snop;
	(pc) =	sbr.rel @p0 .LBB2_1-.Ltmp5, $4  }
0x136: {  	[hbm4b:s5+s2] =	stream.linear.scatter [tilespmem:s15], [sflag:$0x2], $0x800, $0x38;
	[tilespmem:$0x11C80] =	vst v63  }
0x137: {  	_ =	swait.ge [sflag:s7], $0x800  }
0x138: {  	[sflag:s7] =	ssyncset.done $0x0  }
0x139: {  	[sflag:s7] =	ssyncadd.s32 $0xFFFFF800  }
0x13a: {  	_ =	sfence.sel $0x180000  }
0x13b: {  	[bflag:$0x0] =	sbarrier.arrive $0xFFFF  }
0x13c: {  	_ =	strace $0x90000047  }
0x13d: {  	s0 =	stileid.u32;
	[bflag:$0x2] =	sbarrier.arrive $0xFFFF  }
0x13e: {  	p0 =	sne.s32 s0, $0x0;
	s0 =	rddreg [dreg:$0x1]  }
0x13f: {  	s0 =	sadd.s32 @!p0 $0x100000, s0  }
0x140: {  	[sflag:s0] =	ssyncadd.tile.s32 @!p0 $0x1;
	_ =	shalt  }
.Lfunc_end2:
_tile_overlayer_lowered:
.L_overlay_start_2:
0x141: {  	(tag) =	ssettag $0x2  }
0x142: {  	s0 =	rddreg [dreg:$0x0];
	s2 =	stileid.u32  }
0x143: {  	s1 =	rddreg [dreg:$0x1];
	p0 =	sne.s32 s2, $0x0  }
0x144: {  	s3 =	rddreg [dreg:$0x2];
	[bflag:$0x3] =	sbarrier.arrive $0xFFFF;
	s2 =	simm.s32 @!p0 $0x1C02  }
0x145: {  	[timem:s3], [sflag:s2] =	dma.local @!p0 [hbm:s0], s1  }
0x146: {  	s0 =	simm.s32 @!p0 $0x2  }
0x147: {  	_ =	swait.ge @!p0 [sflag:s0], s1  }
0x148: {  	s1 =	ssub.s32 @!p0 $0x0, s1;
	[sflag:s0] =	ssyncset.done @!p0 $0x0  }
0x149: {  	[sflag:s0] =	ssyncadd.s32 @!p0 s1  }
0x14a: {  	[bflag:$0x3] =	sbarrier.arrive $0xFFFF  }
0x14b: {  	_ =	shalt  }

</sc_bundles>
